<compile_context>
chip_gen: v7x
topology: tpu7x:2x2x1
jax: 0.10.2.dev20260603
libtpu: 0.0.44.dev20260713+nightly
codegen_flags: <defaults>
</compile_context>

<pallas_src>
import functools

import jax
import jax.numpy as jnp
from jax import lax
from jax.experimental import pallas as pl
from jax.experimental.pallas import tpu as pltpu
from jax.experimental.pallas import tpu_sc as plsc

F32 = jnp.float32
I32 = jnp.int32

N = 10000
NP = 10240
E_IN = 320000
ETOT = E_IN + N
NC, NS = 2, 16
NW = NC * NS
B = 128
K = -(-ETOT // (NW * B))
KA = 96
KB = 2 * K - KA
KMAX = max(KA, KB)
EPAD = NW * B * K
RW1 = 80
RW2 = 48
NEG = 0.2
BLK = 512
RPT = NP // NS


def _tc1_body(x_ref, w1_ref, as_ref, ad_ref, t_ref, aldt_ref):
    h = jnp.dot(x_ref[...], w1_ref[...], preferred_element_type=F32)
    als = jnp.dot(h, as_ref[...], preferred_element_type=F32)
    ald = jnp.dot(h, ad_ref[...], preferred_element_type=F32)
    t_ref[...] = jnp.concatenate([h, als, als], axis=1)
    aldt_ref[...] = jnp.concatenate([ald, ald], axis=1)


def _tc2_body(p_ref, b1_ref, w2_ref, as2_ref, ad2_ref, r8_ref, t2_ref, ald2_ref):
    a = p_ref[0] + p_ref[1]
    den64 = jnp.dot(a[:, 64:72], r8_ref[...], preferred_element_type=F32)
    x2 = a[:, 0:64] / (den64 + 1e-16) + b1_ref[...]
    x2 = jnp.where(x2 > 0, x2, jnp.exp(x2) - 1.0)
    h2 = jnp.dot(x2, w2_ref[...], preferred_element_type=F32)
    als2 = jnp.dot(h2, as2_ref[...], preferred_element_type=F32)
    ald2 = jnp.dot(h2, ad2_ref[...], preferred_element_type=F32)
    t2_ref[...] = jnp.concatenate([h2, als2], axis=1)
    ald2_ref[...] = ald2


def _tc3_body(p_ref, b2_ref, rb_ref, o_ref):
    a = p_ref[0] + p_ref[1]
    den40 = jnp.dot(a[:, 40:48], rb_ref[...], preferred_element_type=F32)
    o_ref[...] = a[:, 0:40] / (den40 + 1e-16) + b2_ref[...] + 1e-6


def _sc_body(layer, sdidx, table, aldt, out, idx_all, r0, r1, r2, a0, a1, a2,
             acc_sh, g0, g1, g2, s0, s1, s2):
    rw = RW1 if layer == 1 else RW2
    rows = (r0, r1, r2)
    alds = (a0, a1, a2)
    gsem = (g0, g1, g2)
    ssem = (s0, s1, s2)
    c = lax.axis_index("c")
    s = lax.axis_index("s")
    w = c * NS + s
    rowbase = s * RPT

    pltpu.sync_copy(sdidx.at[w], idx_all)

    zero16 = jnp.zeros((16,), F32)

    def zrow(e, carry):
        for j in range(rw // 16):
            r0[e, pl.ds(16 * j, 16)] = zero16
        return carry

    lax.fori_loop(0, B, zrow, 0)
    for t in range(RPT // B):
        pltpu.sync_copy(r0, acc_sh.at[pl.ds(rowbase + t * B, B)])

    def start_gather(k, j):
        pltpu.async_copy(table.at[idx_all.at[k, 0]], rows[j], gsem[j])
        pltpu.async_copy(aldt.at[idx_all.at[k, 1]], alds[j], gsem[j])

    def wait_gather(j):
        pltpu.make_async_copy(table.at[pl.ds(0, B)], rows[j],
                              gsem[j]).wait()
        pltpu.make_async_copy(aldt.at[pl.ds(0, B)], alds[j], gsem[j]).wait()

    def start_scatter(k, j):
        pltpu.async_copy(rows[j], acc_sh.at[idx_all.at[k, 1]], ssem[j],
                         add=True)

    def wait_scatter(j):
        pltpu.make_async_copy(rows[j], acc_sh.at[pl.ds(0, B)], ssem[j]).wait()

    plsc.subcore_barrier()
    start_gather(0, 0)

    iota = lax.iota(I32, 16)
    base8 = lax.shift_right_logical(iota, 3)

    def compute(j):
        rv = rows[j]
        av = alds[j]
        if layer == 1:
            @plsc.parallel_loop(0, B, 1, unroll=4)
            def edge(e):
                ald16 = av[e, :]
                srcal = rv[e, pl.ds(64, 16)]
                am = srcal + ald16
                am = jnp.maximum(am, am * NEG)
                ex = jnp.exp(am)
                rv[e, pl.ds(64, 16)] = ex
                for jj in range(4):
                    mult = jnp.take(ex, base8 + 2 * jj)
                    hj = rv[e, pl.ds(16 * jj, 16)]
                    rv[e, pl.ds(16 * jj, 16)] = hj * mult
        else:
            c12 = jnp.full((16,), 12, I32)

            @plsc.parallel_loop(0, B, 1, unroll=4)
            def edge(e):
                ald16 = av[e, :]
                t16 = rv[e, pl.ds(32, 16)]
                am = t16 + ald16
                am = jnp.maximum(am, am * NEG)
                ex = jnp.exp(am)
                mult = jnp.take(ex, c12)
                h0 = rv[e, pl.ds(0, 16)]
                rv[e, pl.ds(0, 16)] = h0 * mult
                h1 = rv[e, pl.ds(16, 16)]
                rv[e, pl.ds(16, 16)] = h1 * mult
                rv[e, pl.ds(32, 16)] = jnp.where(iota < 8, t16 * mult, mult)

    kw = jnp.where(c == 0, KA, KB)

    def body_t(t, carry):
        for j in range(3):
            k = 3 * t + j
            nb = (j + 1) % 3

            @pl.when(k + 1 < kw)
            def _prefetch():
                @pl.when(k >= 2)
                def _drain():
                    wait_scatter(nb)

                start_gather(k + 1, nb)

            wait_gather(j)
            compute(j)
            start_scatter(k, j)
        return carry

    lax.fori_loop(0, kw // 3, body_t, 0)
    for j in range(3):
        wait_scatter(j)
    plsc.subcore_barrier()
    for t in range(RPT // B):
        pltpu.sync_copy(acc_sh.at[pl.ds(rowbase + t * B, B)], r0)
        pltpu.sync_copy(r0, out.at[c, pl.ds(rowbase + t * B, B)])


def _sc_edge(layer):
    rw = RW1 if layer == 1 else RW2
    mesh = plsc.VectorSubcoreMesh(core_axis_name="c", subcore_axis_name="s")
    return pl.kernel(
        functools.partial(_sc_body, layer),
        out_type=jax.ShapeDtypeStruct((NC, NP, rw), F32),
        mesh=mesh,
        scratch_types=[
            pltpu.VMEM((KMAX, 2, B), I32),
            pltpu.VMEM((B, rw), F32),
            pltpu.VMEM((B, rw), F32),
            pltpu.VMEM((B, rw), F32),
            pltpu.VMEM((B, 16), F32),
            pltpu.VMEM((B, 16), F32),
            pltpu.VMEM((B, 16), F32),
            pltpu.VMEM_SHARED((NP, rw), F32),
            pltpu.SemaphoreType.DMA,
            pltpu.SemaphoreType.DMA,
            pltpu.SemaphoreType.DMA,
            pltpu.SemaphoreType.DMA,
            pltpu.SemaphoreType.DMA,
            pltpu.SemaphoreType.DMA,
        ],
        compiler_params=pltpu.CompilerParams(
            needs_layout_passes=False, use_tc_tiling_on_sc=False),
    )


def kernel(x, edge_index, W1, att_src1, att_dst1, b1, W2, att_src2, att_dst2,
           b2):
    loop = jnp.arange(N, dtype=I32)
    padv = jnp.full((EPAD - ETOT,), N, I32)
    sidx = jnp.concatenate([edge_index[0].astype(I32), loop, padv])
    didx = jnp.concatenate([edge_index[1].astype(I32), loop, padv])

    def _split(v):
        ec0 = NS * KA * B
        v0 = v[:ec0].reshape(NS, KA, B)
        v0 = jnp.pad(v0, ((0, 0), (0, KMAX - KA), (0, 0)),
                     constant_values=N)
        v1 = v[ec0:].reshape(NS, KB, B)
        v1 = jnp.pad(v1, ((0, 0), (0, KMAX - KB), (0, 0)),
                     constant_values=N)
        return jnp.concatenate([v0, v1], axis=0)

    sdidx = jnp.stack([_split(sidx), _split(didx)], axis=2)
    xp = jnp.pad(x, ((0, NP - N), (0, 0)))

    eye8 = jnp.eye(8, dtype=F32)
    as64 = (att_src1[:, :, None] * eye8[:, None, :]).reshape(64, 8)
    ad64 = (att_dst1[:, :, None] * eye8[:, None, :]).reshape(64, 8)

    table1, aldt1 = pl.pallas_call(
        _tc1_body,
        grid=(NP // BLK,),
        in_specs=[
            pl.BlockSpec((BLK, 128), lambda i: (i, 0)),
            pl.BlockSpec((128, 64), lambda i: (0, 0)),
            pl.BlockSpec((64, 8), lambda i: (0, 0)),
            pl.BlockSpec((64, 8), lambda i: (0, 0)),
        ],
        out_specs=[
            pl.BlockSpec((BLK, RW1), lambda i: (i, 0)),
            pl.BlockSpec((BLK, 16), lambda i: (i, 0)),
        ],
        out_shape=[
            jax.ShapeDtypeStruct((NP, RW1), F32),
            jax.ShapeDtypeStruct((NP, 16), F32),
        ],
    )(xp, W1, as64, ad64)

    part1 = _sc_edge(1)(sdidx, table1, aldt1)

    r8 = jnp.repeat(jnp.eye(8, dtype=F32), 8, axis=1)
    as2t = jnp.tile(att_src2.T, (1, 8))
    ad2t = jnp.tile(att_dst2.T, (1, 16))

    table2, aldt2 = pl.pallas_call(
        _tc2_body,
        grid=(NP // BLK,),
        in_specs=[
            pl.BlockSpec((NC, BLK, RW1), lambda i: (0, i, 0)),
            pl.BlockSpec((1, 64), lambda i: (0, 0)),
            pl.BlockSpec((64, 40), lambda i: (0, 0)),
            pl.BlockSpec((40, 8), lambda i: (0, 0)),
            pl.BlockSpec((40, 16), lambda i: (0, 0)),
            pl.BlockSpec((8, 64), lambda i: (0, 0)),
        ],
        out_specs=[
            pl.BlockSpec((BLK, RW2), lambda i: (i, 0)),
            pl.BlockSpec((BLK, 16), lambda i: (i, 0)),
        ],
        out_shape=[
            jax.ShapeDtypeStruct((NP, RW2), F32),
            jax.ShapeDtypeStruct((NP, 16), F32),
        ],
    )(part1, b1.reshape(1, 64), W2, as2t, ad2t, r8)

    part2 = _sc_edge(2)(sdidx, table2, aldt2)

    rb = jnp.concatenate([jnp.ones((1, 40), F32), jnp.zeros((7, 40), F32)])
    out = pl.pallas_call(
        _tc3_body,
        grid=(25,),
        in_specs=[
            pl.BlockSpec((NC, 400, RW2), lambda i: (0, i, 0)),
            pl.BlockSpec((1, 40), lambda i: (0, 0)),
            pl.BlockSpec((8, 40), lambda i: (0, 0)),
        ],
        out_specs=pl.BlockSpec((400, 40), lambda i: (i, 0)),
        out_shape=jax.ShapeDtypeStruct((N, 40), F32),
    )(part2, b2.reshape(1, 40), rb)
    return out

# --- scband reference (transcript-rebuilt; emitter-appended) ---
"""Pipeline reference for scband-gatgeom-16303695856289 (READ-ONLY COPY).

The authoritative reference and input builder live on the scoring server;
editing this copy changes nothing except your own understanding.
"""

import jax, jax.numpy as jnp
import numpy as np

N = 10000
E = 320000
NFEAT = 128
NHID = 8
NHEADS = 8
NCLASS = 40
NEG = 0.2


def setup_inputs(seed: int = 0) -> dict:
    key = jax.random.key(seed)
    ks = [jax.random.fold_in(key, i) for i in range(12)]
    x = jax.random.normal(ks[0], (N, NFEAT), dtype=jnp.float32)
    edge_index = jax.random.randint(ks[1], (2, E), 0, N, dtype=jnp.int64)
    W1 = jax.random.normal(ks[2], (NFEAT, NHEADS * NHID), dtype=jnp.float32) * 0.1
    att_src1 = jax.random.normal(ks[3], (NHEADS, NHID), dtype=jnp.float32) * 0.1
    att_dst1 = jax.random.normal(ks[4], (NHEADS, NHID), dtype=jnp.float32) * 0.1
    b1 = jnp.zeros((NHEADS * NHID,), dtype=jnp.float32)
    W2 = jax.random.normal(ks[5], (NHEADS * NHID, NCLASS), dtype=jnp.float32) * 0.1
    att_src2 = jax.random.normal(ks[6], (1, NCLASS), dtype=jnp.float32) * 0.1
    att_dst2 = jax.random.normal(ks[7], (1, NCLASS), dtype=jnp.float32) * 0.1
    b2 = jnp.zeros((NCLASS,), dtype=jnp.float32)
    return {"x": x, "edge_index": edge_index, "W1": W1, "att_src1": att_src1,
            "att_dst1": att_dst1, "b1": b1, "W2": W2, "att_src2": att_src2,
            "att_dst2": att_dst2, "b2": b2}


def _gat_conv(x, src, dst, W, a_s, a_d, b, H, C, concat, neg_slope):
    n = x.shape[0]
    h = (x @ W).reshape(n, H, C)
    al_s = (h * a_s[None, :, :]).sum(-1)  # [n, H]
    al_d = (h * a_d[None, :, :]).sum(-1)  # [n, H]
    alpha = al_s[src] + al_d[dst]         # [e, H]
    alpha = jnp.where(alpha > 0, alpha, neg_slope * alpha)  # LeakyReLU
    amax = jax.ops.segment_max(alpha, dst, num_segments=n)
    amax = jnp.where(jnp.isfinite(amax), amax, 0.0)
    ex = jnp.exp(alpha - amax[dst])
    den = jax.ops.segment_sum(ex, dst, num_segments=n)
    coef = ex / (den[dst] + 1e-16)
    out = jax.ops.segment_sum(h[src] * coef[..., None], dst, num_segments=n)
    if concat:
        out = out.reshape(n, H * C)
    else:
        out = out.mean(axis=1)
    return out + b


def reference(x, edge_index, W1, att_src1, att_dst1, b1, W2, att_src2, att_dst2, b2):
    n = x.shape[0]
    # PyG GATConv adds self-loops by default
    loop = jnp.arange(n, dtype=edge_index.dtype)
    src = jnp.concatenate([edge_index[0], loop])
    dst = jnp.concatenate([edge_index[1], loop])
    # eval mode: dropouts are identity
    h = _gat_conv(x, src, dst, W1, att_src1, att_dst1, b1, NHEADS, NHID, True, NEG)
    h = jax.nn.elu(h)
    out = _gat_conv(h, src, dst, W2, att_src2, att_dst2, b2, 1, NCLASS, False, NEG)
    return out + 1e-06

if __name__ == "__main__":
    import jax
    _d = setup_inputs()
    print(jax.jit(kernel)(*tuple(_d.values())))

</pallas_src>

<mosaic_0001>
#map = affine_map<(d0, d1) -> (0, 0, 0, 0)>
#map1 = affine_map<(d0, d1) -> (0, 0)>
#map2 = affine_map<(d0, d1) -> (0, 0, 0)>
module attributes {stable_mosaic.version = 14 : i64} {
  func.func @_sc_body(%arg0: i32, %arg1: i32, %arg2: memref<32x96x2x128xi32, #tpu.memory_space<hbm>>, %arg3: memref<10240x80xf32, #tpu.memory_space<hbm>>, %arg4: memref<10240x16xf32, #tpu.memory_space<hbm>>, %arg5: memref<2x10240x80xf32, #tpu.memory_space<hbm>>, %arg6: memref<96x2x128xi32, #tpu.memory_space<vmem>>, %arg7: memref<128x80xf32, #tpu.memory_space<vmem>>, %arg8: memref<128x80xf32, #tpu.memory_space<vmem>>, %arg9: memref<128x80xf32, #tpu.memory_space<vmem>>, %arg10: memref<128x16xf32, #tpu.memory_space<vmem>>, %arg11: memref<128x16xf32, #tpu.memory_space<vmem>>, %arg12: memref<128x16xf32, #tpu.memory_space<vmem>>, %arg13: memref<10240x80xf32, #tpu.memory_space<vmem_shared>>, %arg14: memref<!tpu.dma_semaphore, #tpu.memory_space<semaphore_mem>>, %arg15: memref<!tpu.dma_semaphore, #tpu.memory_space<semaphore_mem>>, %arg16: memref<!tpu.dma_semaphore, #tpu.memory_space<semaphore_mem>>, %arg17: memref<!tpu.dma_semaphore, #tpu.memory_space<semaphore_mem>>, %arg18: memref<!tpu.dma_semaphore, #tpu.memory_space<semaphore_mem>>, %arg19: memref<!tpu.dma_semaphore, #tpu.memory_space<semaphore_mem>>) attributes {dimension_semantics = [#tpu.dimension_semantics<core_parallel>, #tpu.dimension_semantics<subcore_parallel>], iteration_bounds = array<i64: 2, 16>, scalar_prefetch = 0 : i64, scratch_operands = 14 : i64, tpu.core_type = #tpu.core_type<sc_vector_subcore>, window_params = [{transform_indices = #map}, {transform_indices = #map1}, {transform_indices = #map1}, {transform_indices = #map2}]} {
    %mul3A = arith.constant 16 : i32
    %mul3A_0 = arith.muli %arg0, %mul3A : i32
    %add3A = arith.addi %mul3A_0, %arg1 : i32
    %mul3A_1 = arith.constant 640 : i32
    %mul3A_2 = arith.muli %arg1, %mul3A_1 : i32
    "tpu.region"() ({
      %run_scoped3A = tpu.sem_alloc : memref<!tpu.dma_semaphore, #tpu.memory_space<semaphore_mem>>
      %dma_start3A_103 = arith.constant 0 : i32
      %dma_start3A_104 = arith.constant 0 : i32
      %dma_start3A_105 = arith.constant 0 : i32
      %dma_start3A_106 = tpu.memref_slice %arg2[%add3A, %dma_start3A_103, %dma_start3A_104, %dma_start3A_105] : memref<32x96x2x128xi32, #tpu.memory_space<hbm>> -> memref<1x96x2x128xi32, #tpu.memory_space<hbm>>
      %dma_start3A_107 = tpu.memref_squeeze %dma_start3A_106 : memref<1x96x2x128xi32, #tpu.memory_space<hbm>> -> memref<96x2x128xi32, #tpu.memory_space<hbm>>
      %dma_start3A_108 = arith.constant 0 : i32
      %dma_start3A_109 = arith.constant 0 : i32
      %dma_start3A_110 = arith.constant 0 : i32
      %dma_start3A_111 = tpu.memref_slice %arg2[%add3A, %dma_start3A_108, %dma_start3A_109, %dma_start3A_110] : memref<32x96x2x128xi32, #tpu.memory_space<hbm>> -> memref<1x96x2x128xi32, #tpu.memory_space<hbm>>
      %dma_start3A_112 = tpu.memref_squeeze %dma_start3A_111 : memref<1x96x2x128xi32, #tpu.memory_space<hbm>> -> memref<96x2x128xi32, #tpu.memory_space<hbm>>
      tpu.enqueue_dma source(%dma_start3A_112 : memref<96x2x128xi32, #tpu.memory_space<hbm>>) target(%arg6 : memref<96x2x128xi32, #tpu.memory_space<vmem>>) target_semaphore(%run_scoped3A : memref<!tpu.dma_semaphore, #tpu.memory_space<semaphore_mem>>)
      %dma_wait3A_113 = arith.constant 0 : i32
      %dma_wait3A_114 = arith.constant 0 : i32
      %dma_wait3A_115 = arith.constant 0 : i32
      %dma_wait3A_116 = tpu.memref_slice %arg2[%add3A, %dma_wait3A_113, %dma_wait3A_114, %dma_wait3A_115] : memref<32x96x2x128xi32, #tpu.memory_space<hbm>> -> memref<1x96x2x128xi32, #tpu.memory_space<hbm>>
      %dma_wait3A_117 = tpu.memref_squeeze %dma_wait3A_116 : memref<1x96x2x128xi32, #tpu.memory_space<hbm>> -> memref<96x2x128xi32, #tpu.memory_space<hbm>>
      %dma_wait3A_118 = arith.constant 0 : i32
      %dma_wait3A_119 = arith.constant 0 : i32
      %dma_wait3A_120 = arith.constant 0 : i32
      %dma_wait3A_121 = tpu.memref_slice %arg2[%add3A, %dma_wait3A_118, %dma_wait3A_119, %dma_wait3A_120] : memref<32x96x2x128xi32, #tpu.memory_space<hbm>> -> memref<1x96x2x128xi32, #tpu.memory_space<hbm>>
      %dma_wait3A_122 = tpu.memref_squeeze %dma_wait3A_121 : memref<1x96x2x128xi32, #tpu.memory_space<hbm>> -> memref<96x2x128xi32, #tpu.memory_space<hbm>>
      tpu.wait_dma2 semaphore(%run_scoped3A : memref<!tpu.dma_semaphore, #tpu.memory_space<semaphore_mem>>) src(%dma_wait3A_122 : memref<96x2x128xi32, #tpu.memory_space<hbm>>) dst(%arg6 : memref<96x2x128xi32, #tpu.memory_space<vmem>>)
      tpu.yield
    }) : () -> ()
    %broadcast_in_dim3A = arith.constant 0.000000e+00 : f32
    %broadcast_in_dim3A_3 = vector.broadcast %broadcast_in_dim3A : f32 to vector<16xf32>
    %scan3A = arith.constant 0 : i32
    %scan3A_4 = arith.constant 0 : i32
    %scan3A_5 = arith.constant 128 : i32
    %scan3A_6 = arith.addi %scan3A_4, %scan3A_5 : i32
    %scan3A_7 = arith.constant 1 : i32
    scf.for %scan3A_103 = %scan3A_4 to %scan3A_6 step %scan3A_7  : i32 {
      %swap3A = arith.index_cast %scan3A_103 : i32 to index
      %swap3A_104 = arith.constant 0 : index
      %swap3A_105 = tpu.vector_load %arg7[%swap3A, %swap3A_104] {strides = array<i32>} : memref<128x80xf32, #tpu.memory_space<vmem>>, vector<16xf32>,
      tpu.vector_store %arg7[%swap3A, %swap3A_104], %broadcast_in_dim3A_3 {strides = array<i32>} : memref<128x80xf32, #tpu.memory_space<vmem>>, vector<16xf32>,
      %swap3A_106 = arith.index_cast %scan3A_103 : i32 to index
      %swap3A_107 = arith.constant 16 : index
      %swap3A_108 = tpu.vector_load %arg7[%swap3A_106, %swap3A_107] {strides = array<i32>} : memref<128x80xf32, #tpu.memory_space<vmem>>, vector<16xf32>,
      tpu.vector_store %arg7[%swap3A_106, %swap3A_107], %broadcast_in_dim3A_3 {strides = array<i32>} : memref<128x80xf32, #tpu.memory_space<vmem>>, vector<16xf32>,
      %swap3A_109 = arith.index_cast %scan3A_103 : i32 to index
      %swap3A_110 = arith.constant 32 : index
      %swap3A_111 = tpu.vector_load %arg7[%swap3A_109, %swap3A_110] {strides = array<i32>} : memref<128x80xf32, #tpu.memory_space<vmem>>, vector<16xf32>,
      tpu.vector_store %arg7[%swap3A_109, %swap3A_110], %broadcast_in_dim3A_3 {strides = array<i32>} : memref<128x80xf32, #tpu.memory_space<vmem>>, vector<16xf32>,
      %swap3A_112 = arith.index_cast %scan3A_103 : i32 to index
      %swap3A_113 = arith.constant 48 : index
      %swap3A_114 = tpu.vector_load %arg7[%swap3A_112, %swap3A_113] {strides = array<i32>} : memref<128x80xf32, #tpu.memory_space<vmem>>, vector<16xf32>,
      tpu.vector_store %arg7[%swap3A_112, %swap3A_113], %broadcast_in_dim3A_3 {strides = array<i32>} : memref<128x80xf32, #tpu.memory_space<vmem>>, vector<16xf32>,
      %swap3A_115 = arith.index_cast %scan3A_103 : i32 to index
      %swap3A_116 = arith.constant 64 : index
      %swap3A_117 = tpu.vector_load %arg7[%swap3A_115, %swap3A_116] {strides = array<i32>} : memref<128x80xf32, #tpu.memory_space<vmem>>, vector<16xf32>,
      tpu.vector_store %arg7[%swap3A_115, %swap3A_116], %broadcast_in_dim3A_3 {strides = array<i32>} : memref<128x80xf32, #tpu.memory_space<vmem>>, vector<16xf32>,
    }
    %scan3A_8 = arith.constant 128 : i32
    %add3A_9 = arith.constant 0 : i32
    %add3A_10 = arith.addi %mul3A_2, %add3A_9 : i32
    "tpu.region"() ({
      %run_scoped3A = tpu.sem_alloc : memref<!tpu.dma_semaphore, #tpu.memory_space<semaphore_mem>>
      %dma_start3A_103 = arith.constant 0 : i32
      %dma_start3A_104 = tpu.memref_slice %arg13[%add3A_10, %dma_start3A_103] : memref<10240x80xf32, #tpu.memory_space<vmem_shared>> -> memref<128x80xf32, #tpu.memory_space<vmem_shared>>
      %dma_start3A_105 = arith.constant 0 : i32
      %dma_start3A_106 = tpu.memref_slice %arg13[%add3A_10, %dma_start3A_105] : memref<10240x80xf32, #tpu.memory_space<vmem_shared>> -> memref<128x80xf32, #tpu.memory_space<vmem_shared>>
      tpu.enqueue_dma source(%arg7 : memref<128x80xf32, #tpu.memory_space<vmem>>) target(%dma_start3A_106 : memref<128x80xf32, #tpu.memory_space<vmem_shared>>) target_semaphore(%run_scoped3A : memref<!tpu.dma_semaphore, #tpu.memory_space<semaphore_mem>>)
      %dma_wait3A_107 = arith.constant 0 : i32
      %dma_wait3A_108 = tpu.memref_slice %arg13[%add3A_10, %dma_wait3A_107] : memref<10240x80xf32, #tpu.memory_space<vmem_shared>> -> memref<128x80xf32, #tpu.memory_space<vmem_shared>>
      %dma_wait3A_109 = arith.constant 0 : i32
      %dma_wait3A_110 = tpu.memref_slice %arg13[%add3A_10, %dma_wait3A_109] : memref<10240x80xf32, #tpu.memory_space<vmem_shared>> -> memref<128x80xf32, #tpu.memory_space<vmem_shared>>
      tpu.wait_dma2 semaphore(%run_scoped3A : memref<!tpu.dma_semaphore, #tpu.memory_space<semaphore_mem>>) src(%arg7 : memref<128x80xf32, #tpu.memory_space<vmem>>) dst(%dma_wait3A_110 : memref<128x80xf32, #tpu.memory_space<vmem_shared>>)
      tpu.yield
    }) : () -> ()
    %add3A_11 = arith.constant 128 : i32
    %add3A_12 = arith.addi %mul3A_2, %add3A_11 : i32
    "tpu.region"() ({
      %run_scoped3A = tpu.sem_alloc : memref<!tpu.dma_semaphore, #tpu.memory_space<semaphore_mem>>
      %dma_start3A_103 = arith.constant 0 : i32
      %dma_start3A_104 = tpu.memref_slice %arg13[%add3A_12, %dma_start3A_103] : memref<10240x80xf32, #tpu.memory_space<vmem_shared>> -> memref<128x80xf32, #tpu.memory_space<vmem_shared>>
      %dma_start3A_105 = arith.constant 0 : i32
      %dma_start3A_106 = tpu.memref_slice %arg13[%add3A_12, %dma_start3A_105] : memref<10240x80xf32, #tpu.memory_space<vmem_shared>> -> memref<128x80xf32, #tpu.memory_space<vmem_shared>>
      tpu.enqueue_dma source(%arg7 : memref<128x80xf32, #tpu.memory_space<vmem>>) target(%dma_start3A_106 : memref<128x80xf32, #tpu.memory_space<vmem_shared>>) target_semaphore(%run_scoped3A : memref<!tpu.dma_semaphore, #tpu.memory_space<semaphore_mem>>)
      %dma_wait3A_107 = arith.constant 0 : i32
      %dma_wait3A_108 = tpu.memref_slice %arg13[%add3A_12, %dma_wait3A_107] : memref<10240x80xf32, #tpu.memory_space<vmem_shared>> -> memref<128x80xf32, #tpu.memory_space<vmem_shared>>
      %dma_wait3A_109 = arith.constant 0 : i32
      %dma_wait3A_110 = tpu.memref_slice %arg13[%add3A_12, %dma_wait3A_109] : memref<10240x80xf32, #tpu.memory_space<vmem_shared>> -> memref<128x80xf32, #tpu.memory_space<vmem_shared>>
      tpu.wait_dma2 semaphore(%run_scoped3A : memref<!tpu.dma_semaphore, #tpu.memory_space<semaphore_mem>>) src(%arg7 : memref<128x80xf32, #tpu.memory_space<vmem>>) dst(%dma_wait3A_110 : memref<128x80xf32, #tpu.memory_space<vmem_shared>>)
      tpu.yield
    }) : () -> ()
    %add3A_13 = arith.constant 256 : i32
    %add3A_14 = arith.addi %mul3A_2, %add3A_13 : i32
    "tpu.region"() ({
      %run_scoped3A = tpu.sem_alloc : memref<!tpu.dma_semaphore, #tpu.memory_space<semaphore_mem>>
      %dma_start3A_103 = arith.constant 0 : i32
      %dma_start3A_104 = tpu.memref_slice %arg13[%add3A_14, %dma_start3A_103] : memref<10240x80xf32, #tpu.memory_space<vmem_shared>> -> memref<128x80xf32, #tpu.memory_space<vmem_shared>>
      %dma_start3A_105 = arith.constant 0 : i32
      %dma_start3A_106 = tpu.memref_slice %arg13[%add3A_14, %dma_start3A_105] : memref<10240x80xf32, #tpu.memory_space<vmem_shared>> -> memref<128x80xf32, #tpu.memory_space<vmem_shared>>
      tpu.enqueue_dma source(%arg7 : memref<128x80xf32, #tpu.memory_space<vmem>>) target(%dma_start3A_106 : memref<128x80xf32, #tpu.memory_space<vmem_shared>>) target_semaphore(%run_scoped3A : memref<!tpu.dma_semaphore, #tpu.memory_space<semaphore_mem>>)
      %dma_wait3A_107 = arith.constant 0 : i32
      %dma_wait3A_108 = tpu.memref_slice %arg13[%add3A_14, %dma_wait3A_107] : memref<10240x80xf32, #tpu.memory_space<vmem_shared>> -> memref<128x80xf32, #tpu.memory_space<vmem_shared>>
      %dma_wait3A_109 = arith.constant 0 : i32
      %dma_wait3A_110 = tpu.memref_slice %arg13[%add3A_14, %dma_wait3A_109] : memref<10240x80xf32, #tpu.memory_space<vmem_shared>> -> memref<128x80xf32, #tpu.memory_space<vmem_shared>>
      tpu.wait_dma2 semaphore(%run_scoped3A : memref<!tpu.dma_semaphore, #tpu.memory_space<semaphore_mem>>) src(%arg7 : memref<128x80xf32, #tpu.memory_space<vmem>>) dst(%dma_wait3A_110 : memref<128x80xf32, #tpu.memory_space<vmem_shared>>)
      tpu.yield
    }) : () -> ()
    %add3A_15 = arith.constant 384 : i32
    %add3A_16 = arith.addi %mul3A_2, %add3A_15 : i32
    "tpu.region"() ({
      %run_scoped3A = tpu.sem_alloc : memref<!tpu.dma_semaphore, #tpu.memory_space<semaphore_mem>>
      %dma_start3A_103 = arith.constant 0 : i32
      %dma_start3A_104 = tpu.memref_slice %arg13[%add3A_16, %dma_start3A_103] : memref<10240x80xf32, #tpu.memory_space<vmem_shared>> -> memref<128x80xf32, #tpu.memory_space<vmem_shared>>
      %dma_start3A_105 = arith.constant 0 : i32
      %dma_start3A_106 = tpu.memref_slice %arg13[%add3A_16, %dma_start3A_105] : memref<10240x80xf32, #tpu.memory_space<vmem_shared>> -> memref<128x80xf32, #tpu.memory_space<vmem_shared>>
      tpu.enqueue_dma source(%arg7 : memref<128x80xf32, #tpu.memory_space<vmem>>) target(%dma_start3A_106 : memref<128x80xf32, #tpu.memory_space<vmem_shared>>) target_semaphore(%run_scoped3A : memref<!tpu.dma_semaphore, #tpu.memory_space<semaphore_mem>>)
      %dma_wait3A_107 = arith.constant 0 : i32
      %dma_wait3A_108 = tpu.memref_slice %arg13[%add3A_16, %dma_wait3A_107] : memref<10240x80xf32, #tpu.memory_space<vmem_shared>> -> memref<128x80xf32, #tpu.memory_space<vmem_shared>>
      %dma_wait3A_109 = arith.constant 0 : i32
      %dma_wait3A_110 = tpu.memref_slice %arg13[%add3A_16, %dma_wait3A_109] : memref<10240x80xf32, #tpu.memory_space<vmem_shared>> -> memref<128x80xf32, #tpu.memory_space<vmem_shared>>
      tpu.wait_dma2 semaphore(%run_scoped3A : memref<!tpu.dma_semaphore, #tpu.memory_space<semaphore_mem>>) src(%arg7 : memref<128x80xf32, #tpu.memory_space<vmem>>) dst(%dma_wait3A_110 : memref<128x80xf32, #tpu.memory_space<vmem_shared>>)
      tpu.yield
    }) : () -> ()
    %add3A_17 = arith.constant 512 : i32
    %add3A_18 = arith.addi %mul3A_2, %add3A_17 : i32
    "tpu.region"() ({
      %run_scoped3A = tpu.sem_alloc : memref<!tpu.dma_semaphore, #tpu.memory_space<semaphore_mem>>
      %dma_start3A_103 = arith.constant 0 : i32
      %dma_start3A_104 = tpu.memref_slice %arg13[%add3A_18, %dma_start3A_103] : memref<10240x80xf32, #tpu.memory_space<vmem_shared>> -> memref<128x80xf32, #tpu.memory_space<vmem_shared>>
      %dma_start3A_105 = arith.constant 0 : i32
      %dma_start3A_106 = tpu.memref_slice %arg13[%add3A_18, %dma_start3A_105] : memref<10240x80xf32, #tpu.memory_space<vmem_shared>> -> memref<128x80xf32, #tpu.memory_space<vmem_shared>>
      tpu.enqueue_dma source(%arg7 : memref<128x80xf32, #tpu.memory_space<vmem>>) target(%dma_start3A_106 : memref<128x80xf32, #tpu.memory_space<vmem_shared>>) target_semaphore(%run_scoped3A : memref<!tpu.dma_semaphore, #tpu.memory_space<semaphore_mem>>)
      %dma_wait3A_107 = arith.constant 0 : i32
      %dma_wait3A_108 = tpu.memref_slice %arg13[%add3A_18, %dma_wait3A_107] : memref<10240x80xf32, #tpu.memory_space<vmem_shared>> -> memref<128x80xf32, #tpu.memory_space<vmem_shared>>
      %dma_wait3A_109 = arith.constant 0 : i32
      %dma_wait3A_110 = tpu.memref_slice %arg13[%add3A_18, %dma_wait3A_109] : memref<10240x80xf32, #tpu.memory_space<vmem_shared>> -> memref<128x80xf32, #tpu.memory_space<vmem_shared>>
      tpu.wait_dma2 semaphore(%run_scoped3A : memref<!tpu.dma_semaphore, #tpu.memory_space<semaphore_mem>>) src(%arg7 : memref<128x80xf32, #tpu.memory_space<vmem>>) dst(%dma_wait3A_110 : memref<128x80xf32, #tpu.memory_space<vmem_shared>>)
      tpu.yield
    }) : () -> ()
    %barrier3A = arith.constant 0 : index
    tpu.barrier barrier_id(%barrier3A)
    %dma_start3A = arith.constant 0 : i32
    %dma_start3A_19 = arith.constant 0 : i32
    %dma_start3A_20 = arith.constant 0 : i32
    %dma_start3A_21 = tpu.memref_slice %arg6[%dma_start3A, %dma_start3A_19, %dma_start3A_20] : memref<96x2x128xi32, #tpu.memory_space<vmem>> -> memref<1x1x128xi32, #tpu.memory_space<vmem>>
    %dma_start3A_22 = tpu.memref_squeeze %dma_start3A_21 : memref<1x1x128xi32, #tpu.memory_space<vmem>> -> memref<128xi32, #tpu.memory_space<vmem>>
    %dma_start3A_23 = arith.constant 0 : i32
    %dma_start3A_24 = arith.constant 0 : i32
    %dma_start3A_25 = tpu.memref_slice %arg3[%dma_start3A_23, %dma_start3A_24] : memref<10240x80xf32, #tpu.memory_space<hbm>> -> memref<10240x80xf32, #tpu.memory_space<hbm>>
    tpu.enqueue_indirect_dma source(%dma_start3A_25 : memref<10240x80xf32, #tpu.memory_space<hbm>>) target(%arg7 : memref<128x80xf32, #tpu.memory_space<vmem>>) offsets(%dma_start3A_22 : memref<128xi32, #tpu.memory_space<vmem>>) semaphore(%arg14 : memref<!tpu.dma_semaphore, #tpu.memory_space<semaphore_mem>>)
    %dma_start3A_26 = arith.constant 0 : i32
    %dma_start3A_27 = arith.constant 1 : i32
    %dma_start3A_28 = arith.constant 0 : i32
    %dma_start3A_29 = tpu.memref_slice %arg6[%dma_start3A_26, %dma_start3A_27, %dma_start3A_28] : memref<96x2x128xi32, #tpu.memory_space<vmem>> -> memref<1x1x128xi32, #tpu.memory_space<vmem>>
    %dma_start3A_30 = tpu.memref_squeeze %dma_start3A_29 : memref<1x1x128xi32, #tpu.memory_space<vmem>> -> memref<128xi32, #tpu.memory_space<vmem>>
    %dma_start3A_31 = arith.constant 0 : i32
    %dma_start3A_32 = arith.constant 0 : i32
    %dma_start3A_33 = tpu.memref_slice %arg4[%dma_start3A_31, %dma_start3A_32] : memref<10240x16xf32, #tpu.memory_space<hbm>> -> memref<10240x16xf32, #tpu.memory_space<hbm>>
    tpu.enqueue_indirect_dma source(%dma_start3A_33 : memref<10240x16xf32, #tpu.memory_space<hbm>>) target(%arg10 : memref<128x16xf32, #tpu.memory_space<vmem>>) offsets(%dma_start3A_30 : memref<128xi32, #tpu.memory_space<vmem>>) semaphore(%arg14 : memref<!tpu.dma_semaphore, #tpu.memory_space<semaphore_mem>>)
    %iota3A = tpu.iota {dimensions = array<i32: 0>} : vector<16xi32>
    %shift_right_logical3A = arith.constant 3 : i32
    %shift_right_logical3A_34 = vector.broadcast %shift_right_logical3A : i32 to vector<16xi32>
    %shift_right_logical3A_35 = arith.shrui %iota3A, %shift_right_logical3A_34 : vector<16xi32>
    %eq3A = arith.constant 0 : i32
    %eq3A_36 = arith.cmpi eq, %arg0, %eq3A : i32
    %jit3A = arith.constant 96 : i32
    %jit3A_37 = arith.constant 66 : i32
    %select_n3A = arith.select %eq3A_36, %jit3A, %jit3A_37 : i32
    %jit3A_38 = arith.constant 3 : i32
    %div3A = arith.divsi %select_n3A, %jit3A_38 : i32
    %sign3A = arith.constant 0 : i32
    %sign3A_39 = arith.cmpi sgt, %select_n3A, %sign3A : i32
    %sign3A_40 = arith.extui %sign3A_39 : i1 to i32
    %sign3A_41 = arith.constant 0 : i32
    %sign3A_42 = arith.cmpi slt, %select_n3A, %sign3A_41 : i32
    %sign3A_43 = arith.extui %sign3A_42 : i1 to i32
    %sign3A_44 = arith.subi %sign3A_40, %sign3A_43 : i32
    %sign3A_45 = arith.constant 0 : i32
    %sign3A_46 = arith.cmpi sgt, %jit3A_38, %sign3A_45 : i32
    %sign3A_47 = arith.extui %sign3A_46 : i1 to i32
    %sign3A_48 = arith.constant 0 : i32
    %sign3A_49 = arith.cmpi slt, %jit3A_38, %sign3A_48 : i32
    %sign3A_50 = arith.extui %sign3A_49 : i1 to i32
    %sign3A_51 = arith.subi %sign3A_47, %sign3A_50 : i32
    %ne3A = arith.cmpi ne, %sign3A_44, %sign3A_51 : i32
    %rem3A = arith.remsi %select_n3A, %jit3A_38 : i32
    %ne3A_52 = arith.constant 0 : i32
    %ne3A_53 = arith.cmpi ne, %rem3A, %ne3A_52 : i32
    %and3A = arith.andi %ne3A, %ne3A_53 : i1
    %sub3A = arith.constant 1 : i32
    %sub3A_54 = arith.subi %div3A, %sub3A : i32
    %select_n3A_55 = arith.select %and3A, %sub3A_54, %div3A : i32
    %while3A = arith.constant 0 : i32
    %while3A_56 = arith.constant 0 : i32
    %while3A_57 = arith.subi %select_n3A_55, %while3A_56 : i32
    %while3A_58 = arith.addi %while3A_56, %while3A_57 : i32
    %while3A_59 = arith.constant 1 : i32
    %while3A_60 = arith.divsi %while3A_57, %while3A_59 : i32
    %while3A_61 = arith.muli %while3A_60, %while3A_59 : i32
    %while3A_62 = arith.addi %while3A_56, %while3A_61 : i32
    %while3A_63 = arith.constant 1 : i32
    scf.for %while3A_103 = %while3A_56 to %while3A_62 step %while3A_63  : i32 {
      %mul3A_104 = arith.constant 3 : i32
      %mul3A_105 = arith.muli %mul3A_104, %while3A_103 : i32
      %add3A_106 = arith.constant 0 : i32
      %add3A_107 = arith.addi %mul3A_105, %add3A_106 : i32
      %add3A_108 = arith.constant 1 : i32
      %add3A_109 = arith.addi %add3A_107, %add3A_108 : i32
      %lt3A = arith.cmpi slt, %add3A_109, %select_n3A : i32
      %convert_element_type3A = arith.extui %lt3A : i1 to i32
      %cond3A = arith.constant 0 : i32
      %cond3A_110 = arith.cmpi ne, %convert_element_type3A, %cond3A : i32
      scf.if %cond3A_110 {
        %ge3A = arith.constant 2 : i32
        %ge3A_196 = arith.cmpi sge, %add3A_107, %ge3A : i32
        %convert_element_type3A_197 = arith.extui %ge3A_196 : i1 to i32
        %cond3A_198 = arith.constant 0 : i32
        %cond3A_199 = arith.cmpi ne, %convert_element_type3A_197, %cond3A_198 : i32
        scf.if %cond3A_199 {
          %dma_wait3A_216 = arith.constant 0 : i32
          %dma_wait3A_217 = arith.constant 0 : i32
          %dma_wait3A_218 = tpu.memref_slice %arg13[%dma_wait3A_216, %dma_wait3A_217] : memref<10240x80xf32, #tpu.memory_space<vmem_shared>> -> memref<128x80xf32, #tpu.memory_space<vmem_shared>>
          %dma_wait3A_219 = arith.constant 0 : i32
          %dma_wait3A_220 = arith.constant 0 : i32
          %dma_wait3A_221 = tpu.memref_slice %arg13[%dma_wait3A_219, %dma_wait3A_220] : memref<10240x80xf32, #tpu.memory_space<vmem_shared>> -> memref<128x80xf32, #tpu.memory_space<vmem_shared>>
          tpu.wait_dma2 semaphore(%arg18 : memref<!tpu.dma_semaphore, #tpu.memory_space<semaphore_mem>>) src(%arg8 : memref<128x80xf32, #tpu.memory_space<vmem>>) dst(%dma_wait3A_221 : memref<128x80xf32, #tpu.memory_space<vmem_shared>>)
        } else {
        }
        %add3A_200 = arith.constant 1 : i32
        %add3A_201 = arith.addi %add3A_107, %add3A_200 : i32
        %dma_start3A_202 = arith.constant 0 : i32
        %dma_start3A_203 = arith.constant 0 : i32
        %dma_start3A_204 = tpu.memref_slice %arg6[%add3A_201, %dma_start3A_202, %dma_start3A_203] : memref<96x2x128xi32, #tpu.memory_space<vmem>> -> memref<1x1x128xi32, #tpu.memory_space<vmem>>
        %dma_start3A_205 = tpu.memref_squeeze %dma_start3A_204 : memref<1x1x128xi32, #tpu.memory_space<vmem>> -> memref<128xi32, #tpu.memory_space<vmem>>
        %dma_start3A_206 = arith.constant 0 : i32
        %dma_start3A_207 = arith.constant 0 : i32
        %dma_start3A_208 = tpu.memref_slice %arg3[%dma_start3A_206, %dma_start3A_207] : memref<10240x80xf32, #tpu.memory_space<hbm>> -> memref<10240x80xf32, #tpu.memory_space<hbm>>
        tpu.enqueue_indirect_dma source(%dma_start3A_208 : memref<10240x80xf32, #tpu.memory_space<hbm>>) target(%arg8 : memref<128x80xf32, #tpu.memory_space<vmem>>) offsets(%dma_start3A_205 : memref<128xi32, #tpu.memory_space<vmem>>) semaphore(%arg15 : memref<!tpu.dma_semaphore, #tpu.memory_space<semaphore_mem>>)
        %dma_start3A_209 = arith.constant 1 : i32
        %dma_start3A_210 = arith.constant 0 : i32
        %dma_start3A_211 = tpu.memref_slice %arg6[%add3A_201, %dma_start3A_209, %dma_start3A_210] : memref<96x2x128xi32, #tpu.memory_space<vmem>> -> memref<1x1x128xi32, #tpu.memory_space<vmem>>
        %dma_start3A_212 = tpu.memref_squeeze %dma_start3A_211 : memref<1x1x128xi32, #tpu.memory_space<vmem>> -> memref<128xi32, #tpu.memory_space<vmem>>
        %dma_start3A_213 = arith.constant 0 : i32
        %dma_start3A_214 = arith.constant 0 : i32
        %dma_start3A_215 = tpu.memref_slice %arg4[%dma_start3A_213, %dma_start3A_214] : memref<10240x16xf32, #tpu.memory_space<hbm>> -> memref<10240x16xf32, #tpu.memory_space<hbm>>
        tpu.enqueue_indirect_dma source(%dma_start3A_215 : memref<10240x16xf32, #tpu.memory_space<hbm>>) target(%arg11 : memref<128x16xf32, #tpu.memory_space<vmem>>) offsets(%dma_start3A_212 : memref<128xi32, #tpu.memory_space<vmem>>) semaphore(%arg15 : memref<!tpu.dma_semaphore, #tpu.memory_space<semaphore_mem>>)
      } else {
      }
      %dma_wait3A_111 = arith.constant 0 : i32
      %dma_wait3A_112 = arith.constant 0 : i32
      %dma_wait3A_113 = tpu.memref_slice %arg3[%dma_wait3A_111, %dma_wait3A_112] : memref<10240x80xf32, #tpu.memory_space<hbm>> -> memref<128x80xf32, #tpu.memory_space<hbm>>
      %dma_wait3A_114 = arith.constant 0 : i32
      %dma_wait3A_115 = arith.constant 0 : i32
      %dma_wait3A_116 = tpu.memref_slice %arg3[%dma_wait3A_114, %dma_wait3A_115] : memref<10240x80xf32, #tpu.memory_space<hbm>> -> memref<128x80xf32, #tpu.memory_space<hbm>>
      tpu.wait_dma2 semaphore(%arg14 : memref<!tpu.dma_semaphore, #tpu.memory_space<semaphore_mem>>) src(%dma_wait3A_116 : memref<128x80xf32, #tpu.memory_space<hbm>>) dst(%arg7 : memref<128x80xf32, #tpu.memory_space<vmem>>)
      %dma_wait3A_117 = arith.constant 0 : i32
      %dma_wait3A_118 = arith.constant 0 : i32
      %dma_wait3A_119 = tpu.memref_slice %arg4[%dma_wait3A_117, %dma_wait3A_118] : memref<10240x16xf32, #tpu.memory_space<hbm>> -> memref<128x16xf32, #tpu.memory_space<hbm>>
      %dma_wait3A_120 = arith.constant 0 : i32
      %dma_wait3A_121 = arith.constant 0 : i32
      %dma_wait3A_122 = tpu.memref_slice %arg4[%dma_wait3A_120, %dma_wait3A_121] : memref<10240x16xf32, #tpu.memory_space<hbm>> -> memref<128x16xf32, #tpu.memory_space<hbm>>
      tpu.wait_dma2 semaphore(%arg14 : memref<!tpu.dma_semaphore, #tpu.memory_space<semaphore_mem>>) src(%dma_wait3A_122 : memref<128x16xf32, #tpu.memory_space<hbm>>) dst(%arg10 : memref<128x16xf32, #tpu.memory_space<vmem>>)
      %parallel_loop3A = arith.constant 0 : i32
      %parallel_loop3A_123 = arith.constant 128 : i32
      %parallel_loop3A_124 = arith.constant 1 : i32
      scf.for %parallel_loop3A_196 = %parallel_loop3A to %parallel_loop3A_123 step %parallel_loop3A_124  : i32 {
        %parallel_loop3A_197 = arith.index_cast %parallel_loop3A_196 : i32 to index
        %parallel_loop3A_198 = arith.constant 0 : index
        %parallel_loop3A_199 = tpu.vector_load %arg10[%parallel_loop3A_197, %parallel_loop3A_198] {strides = array<i32>} : memref<128x16xf32, #tpu.memory_space<vmem>>, vector<16xf32>,
        %parallel_loop3A_200 = arith.index_cast %parallel_loop3A_196 : i32 to index
        %parallel_loop3A_201 = arith.constant 64 : index
        %parallel_loop3A_202 = tpu.vector_load %arg7[%parallel_loop3A_200, %parallel_loop3A_201] {strides = array<i32>} : memref<128x80xf32, #tpu.memory_space<vmem>>, vector<16xf32>,
        %parallel_loop3A_203 = arith.addf %parallel_loop3A_202, %parallel_loop3A_199 : vector<16xf32>
        %parallel_loop3A_204 = arith.constant 2.000000e-01 : f32
        %parallel_loop3A_205 = vector.broadcast %parallel_loop3A_204 : f32 to vector<16xf32>
        %parallel_loop3A_206 = arith.mulf %parallel_loop3A_203, %parallel_loop3A_205 : vector<16xf32>
        %parallel_loop3A_207 = arith.maximumf %parallel_loop3A_203, %parallel_loop3A_206 : vector<16xf32>
        %parallel_loop3A_208 = math.exp %parallel_loop3A_207 : vector<16xf32>
        %parallel_loop3A_209 = arith.index_cast %parallel_loop3A_196 : i32 to index
        %parallel_loop3A_210 = arith.constant 64 : index
        %parallel_loop3A_211 = tpu.vector_load %arg7[%parallel_loop3A_209, %parallel_loop3A_210] {strides = array<i32>} : memref<128x80xf32, #tpu.memory_space<vmem>>, vector<16xf32>,
        tpu.vector_store %arg7[%parallel_loop3A_209, %parallel_loop3A_210], %parallel_loop3A_208 {strides = array<i32>} : memref<128x80xf32, #tpu.memory_space<vmem>>, vector<16xf32>,
        %parallel_loop3A_212 = arith.constant 0 : i32
        %parallel_loop3A_213 = vector.broadcast %parallel_loop3A_212 : i32 to vector<16xi32>
        %parallel_loop3A_214 = arith.addi %shift_right_logical3A_35, %parallel_loop3A_213 : vector<16xi32>
        %parallel_loop3A_215 = arith.constant 0 : i32
        %parallel_loop3A_216 = vector.broadcast %parallel_loop3A_215 : i32 to vector<16xi32>
        %parallel_loop3A_217 = arith.cmpi slt, %parallel_loop3A_214, %parallel_loop3A_216 : vector<16xi32>
        %parallel_loop3A_218 = arith.constant 16 : i32
        %parallel_loop3A_219 = vector.broadcast %parallel_loop3A_218 : i32 to vector<16xi32>
        %parallel_loop3A_220 = arith.addi %parallel_loop3A_214, %parallel_loop3A_219 : vector<16xi32>
        %parallel_loop3A_221 = arith.select %parallel_loop3A_217, %parallel_loop3A_220, %parallel_loop3A_214 : vector<16xi1>, vector<16xi32>
        %parallel_loop3A_222 = vector.shape_cast %parallel_loop3A_221 : vector<16xi32> to vector<16x1xi32>
        %parallel_loop3A_223 = vector.shape_cast %parallel_loop3A_222 : vector<16x1xi32> to vector<16xi32>
        %parallel_loop3A_224 = tpu.dynamic_gather %parallel_loop3A_208[%parallel_loop3A_223] in [0] : vector<16xf32>, vector<16xi32> -> vector<16xf32>
        %parallel_loop3A_225 = arith.index_cast %parallel_loop3A_196 : i32 to index
        %parallel_loop3A_226 = arith.constant 0 : index
        %parallel_loop3A_227 = tpu.vector_load %arg7[%parallel_loop3A_225, %parallel_loop3A_226] {strides = array<i32>} : memref<128x80xf32, #tpu.memory_space<vmem>>, vector<16xf32>,
        %parallel_loop3A_228 = arith.mulf %parallel_loop3A_227, %parallel_loop3A_224 : vector<16xf32>
        %parallel_loop3A_229 = arith.index_cast %parallel_loop3A_196 : i32 to index
        %parallel_loop3A_230 = arith.constant 0 : index
        %parallel_loop3A_231 = tpu.vector_load %arg7[%parallel_loop3A_229, %parallel_loop3A_230] {strides = array<i32>} : memref<128x80xf32, #tpu.memory_space<vmem>>, vector<16xf32>,
        tpu.vector_store %arg7[%parallel_loop3A_229, %parallel_loop3A_230], %parallel_loop3A_228 {strides = array<i32>} : memref<128x80xf32, #tpu.memory_space<vmem>>, vector<16xf32>,
        %parallel_loop3A_232 = arith.constant 2 : i32
        %parallel_loop3A_233 = vector.broadcast %parallel_loop3A_232 : i32 to vector<16xi32>
        %parallel_loop3A_234 = arith.addi %shift_right_logical3A_35, %parallel_loop3A_233 : vector<16xi32>
        %parallel_loop3A_235 = arith.constant 0 : i32
        %parallel_loop3A_236 = vector.broadcast %parallel_loop3A_235 : i32 to vector<16xi32>
        %parallel_loop3A_237 = arith.cmpi slt, %parallel_loop3A_234, %parallel_loop3A_236 : vector<16xi32>
        %parallel_loop3A_238 = arith.constant 16 : i32
        %parallel_loop3A_239 = vector.broadcast %parallel_loop3A_238 : i32 to vector<16xi32>
        %parallel_loop3A_240 = arith.addi %parallel_loop3A_234, %parallel_loop3A_239 : vector<16xi32>
        %parallel_loop3A_241 = arith.select %parallel_loop3A_237, %parallel_loop3A_240, %parallel_loop3A_234 : vector<16xi1>, vector<16xi32>
        %parallel_loop3A_242 = vector.shape_cast %parallel_loop3A_241 : vector<16xi32> to vector<16x1xi32>
        %parallel_loop3A_243 = vector.shape_cast %parallel_loop3A_242 : vector<16x1xi32> to vector<16xi32>
        %parallel_loop3A_244 = tpu.dynamic_gather %parallel_loop3A_208[%parallel_loop3A_243] in [0] : vector<16xf32>, vector<16xi32> -> vector<16xf32>
        %parallel_loop3A_245 = arith.index_cast %parallel_loop3A_196 : i32 to index
        %parallel_loop3A_246 = arith.constant 16 : index
        %parallel_loop3A_247 = tpu.vector_load %arg7[%parallel_loop3A_245, %parallel_loop3A_246] {strides = array<i32>} : memref<128x80xf32, #tpu.memory_space<vmem>>, vector<16xf32>,
        %parallel_loop3A_248 = arith.mulf %parallel_loop3A_247, %parallel_loop3A_244 : vector<16xf32>
        %parallel_loop3A_249 = arith.index_cast %parallel_loop3A_196 : i32 to index
        %parallel_loop3A_250 = arith.constant 16 : index
        %parallel_loop3A_251 = tpu.vector_load %arg7[%parallel_loop3A_249, %parallel_loop3A_250] {strides = array<i32>} : memref<128x80xf32, #tpu.memory_space<vmem>>, vector<16xf32>,
        tpu.vector_store %arg7[%parallel_loop3A_249, %parallel_loop3A_250], %parallel_loop3A_248 {strides = array<i32>} : memref<128x80xf32, #tpu.memory_space<vmem>>, vector<16xf32>,
        %parallel_loop3A_252 = arith.constant 4 : i32
        %parallel_loop3A_253 = vector.broadcast %parallel_loop3A_252 : i32 to vector<16xi32>
        %parallel_loop3A_254 = arith.addi %shift_right_logical3A_35, %parallel_loop3A_253 : vector<16xi32>
        %parallel_loop3A_255 = arith.constant 0 : i32
        %parallel_loop3A_256 = vector.broadcast %parallel_loop3A_255 : i32 to vector<16xi32>
        %parallel_loop3A_257 = arith.cmpi slt, %parallel_loop3A_254, %parallel_loop3A_256 : vector<16xi32>
        %parallel_loop3A_258 = arith.constant 16 : i32
        %parallel_loop3A_259 = vector.broadcast %parallel_loop3A_258 : i32 to vector<16xi32>
        %parallel_loop3A_260 = arith.addi %parallel_loop3A_254, %parallel_loop3A_259 : vector<16xi32>
        %parallel_loop3A_261 = arith.select %parallel_loop3A_257, %parallel_loop3A_260, %parallel_loop3A_254 : vector<16xi1>, vector<16xi32>
        %parallel_loop3A_262 = vector.shape_cast %parallel_loop3A_261 : vector<16xi32> to vector<16x1xi32>
        %parallel_loop3A_263 = vector.shape_cast %parallel_loop3A_262 : vector<16x1xi32> to vector<16xi32>
        %parallel_loop3A_264 = tpu.dynamic_gather %parallel_loop3A_208[%parallel_loop3A_263] in [0] : vector<16xf32>, vector<16xi32> -> vector<16xf32>
        %parallel_loop3A_265 = arith.index_cast %parallel_loop3A_196 : i32 to index
        %parallel_loop3A_266 = arith.constant 32 : index
        %parallel_loop3A_267 = tpu.vector_load %arg7[%parallel_loop3A_265, %parallel_loop3A_266] {strides = array<i32>} : memref<128x80xf32, #tpu.memory_space<vmem>>, vector<16xf32>,
        %parallel_loop3A_268 = arith.mulf %parallel_loop3A_267, %parallel_loop3A_264 : vector<16xf32>
        %parallel_loop3A_269 = arith.index_cast %parallel_loop3A_196 : i32 to index
        %parallel_loop3A_270 = arith.constant 32 : index
        %parallel_loop3A_271 = tpu.vector_load %arg7[%parallel_loop3A_269, %parallel_loop3A_270] {strides = array<i32>} : memref<128x80xf32, #tpu.memory_space<vmem>>, vector<16xf32>,
        tpu.vector_store %arg7[%parallel_loop3A_269, %parallel_loop3A_270], %parallel_loop3A_268 {strides = array<i32>} : memref<128x80xf32, #tpu.memory_space<vmem>>, vector<16xf32>,
        %parallel_loop3A_272 = arith.constant 6 : i32
        %parallel_loop3A_273 = vector.broadcast %parallel_loop3A_272 : i32 to vector<16xi32>
        %parallel_loop3A_274 = arith.addi %shift_right_logical3A_35, %parallel_loop3A_273 : vector<16xi32>
        %parallel_loop3A_275 = arith.constant 0 : i32
        %parallel_loop3A_276 = vector.broadcast %parallel_loop3A_275 : i32 to vector<16xi32>
        %parallel_loop3A_277 = arith.cmpi slt, %parallel_loop3A_274, %parallel_loop3A_276 : vector<16xi32>
        %parallel_loop3A_278 = arith.constant 16 : i32
        %parallel_loop3A_279 = vector.broadcast %parallel_loop3A_278 : i32 to vector<16xi32>
        %parallel_loop3A_280 = arith.addi %parallel_loop3A_274, %parallel_loop3A_279 : vector<16xi32>
        %parallel_loop3A_281 = arith.select %parallel_loop3A_277, %parallel_loop3A_280, %parallel_loop3A_274 : vector<16xi1>, vector<16xi32>
        %parallel_loop3A_282 = vector.shape_cast %parallel_loop3A_281 : vector<16xi32> to vector<16x1xi32>
        %parallel_loop3A_283 = vector.shape_cast %parallel_loop3A_282 : vector<16x1xi32> to vector<16xi32>
        %parallel_loop3A_284 = tpu.dynamic_gather %parallel_loop3A_208[%parallel_loop3A_283] in [0] : vector<16xf32>, vector<16xi32> -> vector<16xf32>
        %parallel_loop3A_285 = arith.index_cast %parallel_loop3A_196 : i32 to index
        %parallel_loop3A_286 = arith.constant 48 : index
        %parallel_loop3A_287 = tpu.vector_load %arg7[%parallel_loop3A_285, %parallel_loop3A_286] {strides = array<i32>} : memref<128x80xf32, #tpu.memory_space<vmem>>, vector<16xf32>,
        %parallel_loop3A_288 = arith.mulf %parallel_loop3A_287, %parallel_loop3A_284 : vector<16xf32>
        %parallel_loop3A_289 = arith.index_cast %parallel_loop3A_196 : i32 to index
        %parallel_loop3A_290 = arith.constant 48 : index
        %parallel_loop3A_291 = tpu.vector_load %arg7[%parallel_loop3A_289, %parallel_loop3A_290] {strides = array<i32>} : memref<128x80xf32, #tpu.memory_space<vmem>>, vector<16xf32>,
        tpu.vector_store %arg7[%parallel_loop3A_289, %parallel_loop3A_290], %parallel_loop3A_288 {strides = array<i32>} : memref<128x80xf32, #tpu.memory_space<vmem>>, vector<16xf32>,
      } {sc.loop_unroll_factor = 4 : i64, sc.parallel_access}
      %dma_start3A_125 = arith.constant 1 : i32
      %dma_start3A_126 = arith.constant 0 : i32
      %dma_start3A_127 = tpu.memref_slice %arg6[%add3A_107, %dma_start3A_125, %dma_start3A_126] : memref<96x2x128xi32, #tpu.memory_space<vmem>> -> memref<1x1x128xi32, #tpu.memory_space<vmem>>
      %dma_start3A_128 = tpu.memref_squeeze %dma_start3A_127 : memref<1x1x128xi32, #tpu.memory_space<vmem>> -> memref<128xi32, #tpu.memory_space<vmem>>
      %dma_start3A_129 = arith.constant 0 : i32
      %dma_start3A_130 = arith.constant 0 : i32
      %dma_start3A_131 = tpu.memref_slice %arg13[%dma_start3A_129, %dma_start3A_130] : memref<10240x80xf32, #tpu.memory_space<vmem_shared>> -> memref<10240x80xf32, #tpu.memory_space<vmem_shared>>
      tpu.enqueue_indirect_dma source(%arg7 : memref<128x80xf32, #tpu.memory_space<vmem>>) target(%dma_start3A_131 : memref<10240x80xf32, #tpu.memory_space<vmem_shared>>) offsets(%dma_start3A_128 : memref<128xi32, #tpu.memory_space<vmem>>) semaphore(%arg17 : memref<!tpu.dma_semaphore, #tpu.memory_space<semaphore_mem>>) {add = true}
      %mul3A_132 = arith.constant 3 : i32
      %mul3A_133 = arith.muli %mul3A_132, %while3A_103 : i32
      %add3A_134 = arith.constant 1 : i32
      %add3A_135 = arith.addi %mul3A_133, %add3A_134 : i32
      %add3A_136 = arith.constant 1 : i32
      %add3A_137 = arith.addi %add3A_135, %add3A_136 : i32
      %lt3A_138 = arith.cmpi slt, %add3A_137, %select_n3A : i32
      %convert_element_type3A_139 = arith.extui %lt3A_138 : i1 to i32
      %cond3A_140 = arith.constant 0 : i32
      %cond3A_141 = arith.cmpi ne, %convert_element_type3A_139, %cond3A_140 : i32
      scf.if %cond3A_141 {
        %ge3A = arith.constant 2 : i32
        %ge3A_196 = arith.cmpi sge, %add3A_135, %ge3A : i32
        %convert_element_type3A_197 = arith.extui %ge3A_196 : i1 to i32
        %cond3A_198 = arith.constant 0 : i32
        %cond3A_199 = arith.cmpi ne, %convert_element_type3A_197, %cond3A_198 : i32
        scf.if %cond3A_199 {
          %dma_wait3A_216 = arith.constant 0 : i32
          %dma_wait3A_217 = arith.constant 0 : i32
          %dma_wait3A_218 = tpu.memref_slice %arg13[%dma_wait3A_216, %dma_wait3A_217] : memref<10240x80xf32, #tpu.memory_space<vmem_shared>> -> memref<128x80xf32, #tpu.memory_space<vmem_shared>>
          %dma_wait3A_219 = arith.constant 0 : i32
          %dma_wait3A_220 = arith.constant 0 : i32
          %dma_wait3A_221 = tpu.memref_slice %arg13[%dma_wait3A_219, %dma_wait3A_220] : memref<10240x80xf32, #tpu.memory_space<vmem_shared>> -> memref<128x80xf32, #tpu.memory_space<vmem_shared>>
          tpu.wait_dma2 semaphore(%arg19 : memref<!tpu.dma_semaphore, #tpu.memory_space<semaphore_mem>>) src(%arg9 : memref<128x80xf32, #tpu.memory_space<vmem>>) dst(%dma_wait3A_221 : memref<128x80xf32, #tpu.memory_space<vmem_shared>>)
        } else {
        }
        %add3A_200 = arith.constant 1 : i32
        %add3A_201 = arith.addi %add3A_135, %add3A_200 : i32
        %dma_start3A_202 = arith.constant 0 : i32
        %dma_start3A_203 = arith.constant 0 : i32
        %dma_start3A_204 = tpu.memref_slice %arg6[%add3A_201, %dma_start3A_202, %dma_start3A_203] : memref<96x2x128xi32, #tpu.memory_space<vmem>> -> memref<1x1x128xi32, #tpu.memory_space<vmem>>
        %dma_start3A_205 = tpu.memref_squeeze %dma_start3A_204 : memref<1x1x128xi32, #tpu.memory_space<vmem>> -> memref<128xi32, #tpu.memory_space<vmem>>
        %dma_start3A_206 = arith.constant 0 : i32
        %dma_start3A_207 = arith.constant 0 : i32
        %dma_start3A_208 = tpu.memref_slice %arg3[%dma_start3A_206, %dma_start3A_207] : memref<10240x80xf32, #tpu.memory_space<hbm>> -> memref<10240x80xf32, #tpu.memory_space<hbm>>
        tpu.enqueue_indirect_dma source(%dma_start3A_208 : memref<10240x80xf32, #tpu.memory_space<hbm>>) target(%arg9 : memref<128x80xf32, #tpu.memory_space<vmem>>) offsets(%dma_start3A_205 : memref<128xi32, #tpu.memory_space<vmem>>) semaphore(%arg16 : memref<!tpu.dma_semaphore, #tpu.memory_space<semaphore_mem>>)
        %dma_start3A_209 = arith.constant 1 : i32
        %dma_start3A_210 = arith.constant 0 : i32
        %dma_start3A_211 = tpu.memref_slice %arg6[%add3A_201, %dma_start3A_209, %dma_start3A_210] : memref<96x2x128xi32, #tpu.memory_space<vmem>> -> memref<1x1x128xi32, #tpu.memory_space<vmem>>
        %dma_start3A_212 = tpu.memref_squeeze %dma_start3A_211 : memref<1x1x128xi32, #tpu.memory_space<vmem>> -> memref<128xi32, #tpu.memory_space<vmem>>
        %dma_start3A_213 = arith.constant 0 : i32
        %dma_start3A_214 = arith.constant 0 : i32
        %dma_start3A_215 = tpu.memref_slice %arg4[%dma_start3A_213, %dma_start3A_214] : memref<10240x16xf32, #tpu.memory_space<hbm>> -> memref<10240x16xf32, #tpu.memory_space<hbm>>
        tpu.enqueue_indirect_dma source(%dma_start3A_215 : memref<10240x16xf32, #tpu.memory_space<hbm>>) target(%arg12 : memref<128x16xf32, #tpu.memory_space<vmem>>) offsets(%dma_start3A_212 : memref<128xi32, #tpu.memory_space<vmem>>) semaphore(%arg16 : memref<!tpu.dma_semaphore, #tpu.memory_space<semaphore_mem>>)
      } else {
      }
      %dma_wait3A_142 = arith.constant 0 : i32
      %dma_wait3A_143 = arith.constant 0 : i32
      %dma_wait3A_144 = tpu.memref_slice %arg3[%dma_wait3A_142, %dma_wait3A_143] : memref<10240x80xf32, #tpu.memory_space<hbm>> -> memref<128x80xf32, #tpu.memory_space<hbm>>
      %dma_wait3A_145 = arith.constant 0 : i32
      %dma_wait3A_146 = arith.constant 0 : i32
      %dma_wait3A_147 = tpu.memref_slice %arg3[%dma_wait3A_145, %dma_wait3A_146] : memref<10240x80xf32, #tpu.memory_space<hbm>> -> memref<128x80xf32, #tpu.memory_space<hbm>>
      tpu.wait_dma2 semaphore(%arg15 : memref<!tpu.dma_semaphore, #tpu.memory_space<semaphore_mem>>) src(%dma_wait3A_147 : memref<128x80xf32, #tpu.memory_space<hbm>>) dst(%arg8 : memref<128x80xf32, #tpu.memory_space<vmem>>)
      %dma_wait3A_148 = arith.constant 0 : i32
      %dma_wait3A_149 = arith.constant 0 : i32
      %dma_wait3A_150 = tpu.memref_slice %arg4[%dma_wait3A_148, %dma_wait3A_149] : memref<10240x16xf32, #tpu.memory_space<hbm>> -> memref<128x16xf32, #tpu.memory_space<hbm>>
      %dma_wait3A_151 = arith.constant 0 : i32
      %dma_wait3A_152 = arith.constant 0 : i32
      %dma_wait3A_153 = tpu.memref_slice %arg4[%dma_wait3A_151, %dma_wait3A_152] : memref<10240x16xf32, #tpu.memory_space<hbm>> -> memref<128x16xf32, #tpu.memory_space<hbm>>
      tpu.wait_dma2 semaphore(%arg15 : memref<!tpu.dma_semaphore, #tpu.memory_space<semaphore_mem>>) src(%dma_wait3A_153 : memref<128x16xf32, #tpu.memory_space<hbm>>) dst(%arg11 : memref<128x16xf32, #tpu.memory_space<vmem>>)
      %parallel_loop3A_154 = arith.constant 0 : i32
      %parallel_loop3A_155 = arith.constant 128 : i32
      %parallel_loop3A_156 = arith.constant 1 : i32
      scf.for %parallel_loop3A_196 = %parallel_loop3A_154 to %parallel_loop3A_155 step %parallel_loop3A_156  : i32 {
        %parallel_loop3A_197 = arith.index_cast %parallel_loop3A_196 : i32 to index
        %parallel_loop3A_198 = arith.constant 0 : index
        %parallel_loop3A_199 = tpu.vector_load %arg11[%parallel_loop3A_197, %parallel_loop3A_198] {strides = array<i32>} : memref<128x16xf32, #tpu.memory_space<vmem>>, vector<16xf32>,
        %parallel_loop3A_200 = arith.index_cast %parallel_loop3A_196 : i32 to index
        %parallel_loop3A_201 = arith.constant 64 : index
        %parallel_loop3A_202 = tpu.vector_load %arg8[%parallel_loop3A_200, %parallel_loop3A_201] {strides = array<i32>} : memref<128x80xf32, #tpu.memory_space<vmem>>, vector<16xf32>,
        %parallel_loop3A_203 = arith.addf %parallel_loop3A_202, %parallel_loop3A_199 : vector<16xf32>
        %parallel_loop3A_204 = arith.constant 2.000000e-01 : f32
        %parallel_loop3A_205 = vector.broadcast %parallel_loop3A_204 : f32 to vector<16xf32>
        %parallel_loop3A_206 = arith.mulf %parallel_loop3A_203, %parallel_loop3A_205 : vector<16xf32>
        %parallel_loop3A_207 = arith.maximumf %parallel_loop3A_203, %parallel_loop3A_206 : vector<16xf32>
        %parallel_loop3A_208 = math.exp %parallel_loop3A_207 : vector<16xf32>
        %parallel_loop3A_209 = arith.index_cast %parallel_loop3A_196 : i32 to index
        %parallel_loop3A_210 = arith.constant 64 : index
        %parallel_loop3A_211 = tpu.vector_load %arg8[%parallel_loop3A_209, %parallel_loop3A_210] {strides = array<i32>} : memref<128x80xf32, #tpu.memory_space<vmem>>, vector<16xf32>,
        tpu.vector_store %arg8[%parallel_loop3A_209, %parallel_loop3A_210], %parallel_loop3A_208 {strides = array<i32>} : memref<128x80xf32, #tpu.memory_space<vmem>>, vector<16xf32>,
        %parallel_loop3A_212 = arith.constant 0 : i32
        %parallel_loop3A_213 = vector.broadcast %parallel_loop3A_212 : i32 to vector<16xi32>
        %parallel_loop3A_214 = arith.addi %shift_right_logical3A_35, %parallel_loop3A_213 : vector<16xi32>
        %parallel_loop3A_215 = arith.constant 0 : i32
        %parallel_loop3A_216 = vector.broadcast %parallel_loop3A_215 : i32 to vector<16xi32>
        %parallel_loop3A_217 = arith.cmpi slt, %parallel_loop3A_214, %parallel_loop3A_216 : vector<16xi32>
        %parallel_loop3A_218 = arith.constant 16 : i32
        %parallel_loop3A_219 = vector.broadcast %parallel_loop3A_218 : i32 to vector<16xi32>
        %parallel_loop3A_220 = arith.addi %parallel_loop3A_214, %parallel_loop3A_219 : vector<16xi32>
        %parallel_loop3A_221 = arith.select %parallel_loop3A_217, %parallel_loop3A_220, %parallel_loop3A_214 : vector<16xi1>, vector<16xi32>
        %parallel_loop3A_222 = vector.shape_cast %parallel_loop3A_221 : vector<16xi32> to vector<16x1xi32>
        %parallel_loop3A_223 = vector.shape_cast %parallel_loop3A_222 : vector<16x1xi32> to vector<16xi32>
        %parallel_loop3A_224 = tpu.dynamic_gather %parallel_loop3A_208[%parallel_loop3A_223] in [0] : vector<16xf32>, vector<16xi32> -> vector<16xf32>
        %parallel_loop3A_225 = arith.index_cast %parallel_loop3A_196 : i32 to index
        %parallel_loop3A_226 = arith.constant 0 : index
        %parallel_loop3A_227 = tpu.vector_load %arg8[%parallel_loop3A_225, %parallel_loop3A_226] {strides = array<i32>} : memref<128x80xf32, #tpu.memory_space<vmem>>, vector<16xf32>,
        %parallel_loop3A_228 = arith.mulf %parallel_loop3A_227, %parallel_loop3A_224 : vector<16xf32>
        %parallel_loop3A_229 = arith.index_cast %parallel_loop3A_196 : i32 to index
        %parallel_loop3A_230 = arith.constant 0 : index
        %parallel_loop3A_231 = tpu.vector_load %arg8[%parallel_loop3A_229, %parallel_loop3A_230] {strides = array<i32>} : memref<128x80xf32, #tpu.memory_space<vmem>>, vector<16xf32>,
        tpu.vector_store %arg8[%parallel_loop3A_229, %parallel_loop3A_230], %parallel_loop3A_228 {strides = array<i32>} : memref<128x80xf32, #tpu.memory_space<vmem>>, vector<16xf32>,
        %parallel_loop3A_232 = arith.constant 2 : i32
        %parallel_loop3A_233 = vector.broadcast %parallel_loop3A_232 : i32 to vector<16xi32>
        %parallel_loop3A_234 = arith.addi %shift_right_logical3A_35, %parallel_loop3A_233 : vector<16xi32>
        %parallel_loop3A_235 = arith.constant 0 : i32
        %parallel_loop3A_236 = vector.broadcast %parallel_loop3A_235 : i32 to vector<16xi32>
        %parallel_loop3A_237 = arith.cmpi slt, %parallel_loop3A_234, %parallel_loop3A_236 : vector<16xi32>
        %parallel_loop3A_238 = arith.constant 16 : i32
        %parallel_loop3A_239 = vector.broadcast %parallel_loop3A_238 : i32 to vector<16xi32>
        %parallel_loop3A_240 = arith.addi %parallel_loop3A_234, %parallel_loop3A_239 : vector<16xi32>
        %parallel_loop3A_241 = arith.select %parallel_loop3A_237, %parallel_loop3A_240, %parallel_loop3A_234 : vector<16xi1>, vector<16xi32>
        %parallel_loop3A_242 = vector.shape_cast %parallel_loop3A_241 : vector<16xi32> to vector<16x1xi32>
        %parallel_loop3A_243 = vector.shape_cast %parallel_loop3A_242 : vector<16x1xi32> to vector<16xi32>
        %parallel_loop3A_244 = tpu.dynamic_gather %parallel_loop3A_208[%parallel_loop3A_243] in [0] : vector<16xf32>, vector<16xi32> -> vector<16xf32>
        %parallel_loop3A_245 = arith.index_cast %parallel_loop3A_196 : i32 to index
        %parallel_loop3A_246 = arith.constant 16 : index
        %parallel_loop3A_247 = tpu.vector_load %arg8[%parallel_loop3A_245, %parallel_loop3A_246] {strides = array<i32>} : memref<128x80xf32, #tpu.memory_space<vmem>>, vector<16xf32>,
        %parallel_loop3A_248 = arith.mulf %parallel_loop3A_247, %parallel_loop3A_244 : vector<16xf32>
        %parallel_loop3A_249 = arith.index_cast %parallel_loop3A_196 : i32 to index
        %parallel_loop3A_250 = arith.constant 16 : index
        %parallel_loop3A_251 = tpu.vector_load %arg8[%parallel_loop3A_249, %parallel_loop3A_250] {strides = array<i32>} : memref<128x80xf32, #tpu.memory_space<vmem>>, vector<16xf32>,
        tpu.vector_store %arg8[%parallel_loop3A_249, %parallel_loop3A_250], %parallel_loop3A_248 {strides = array<i32>} : memref<128x80xf32, #tpu.memory_space<vmem>>, vector<16xf32>,
        %parallel_loop3A_252 = arith.constant 4 : i32
        %parallel_loop3A_253 = vector.broadcast %parallel_loop3A_252 : i32 to vector<16xi32>
        %parallel_loop3A_254 = arith.addi %shift_right_logical3A_35, %parallel_loop3A_253 : vector<16xi32>
        %parallel_loop3A_255 = arith.constant 0 : i32
        %parallel_loop3A_256 = vector.broadcast %parallel_loop3A_255 : i32 to vector<16xi32>
        %parallel_loop3A_257 = arith.cmpi slt, %parallel_loop3A_254, %parallel_loop3A_256 : vector<16xi32>
        %parallel_loop3A_258 = arith.constant 16 : i32
        %parallel_loop3A_259 = vector.broadcast %parallel_loop3A_258 : i32 to vector<16xi32>
        %parallel_loop3A_260 = arith.addi %parallel_loop3A_254, %parallel_loop3A_259 : vector<16xi32>
        %parallel_loop3A_261 = arith.select %parallel_loop3A_257, %parallel_loop3A_260, %parallel_loop3A_254 : vector<16xi1>, vector<16xi32>
        %parallel_loop3A_262 = vector.shape_cast %parallel_loop3A_261 : vector<16xi32> to vector<16x1xi32>
        %parallel_loop3A_263 = vector.shape_cast %parallel_loop3A_262 : vector<16x1xi32> to vector<16xi32>
        %parallel_loop3A_264 = tpu.dynamic_gather %parallel_loop3A_208[%parallel_loop3A_263] in [0] : vector<16xf32>, vector<16xi32> -> vector<16xf32>
        %parallel_loop3A_265 = arith.index_cast %parallel_loop3A_196 : i32 to index
        %parallel_loop3A_266 = arith.constant 32 : index
        %parallel_loop3A_267 = tpu.vector_load %arg8[%parallel_loop3A_265, %parallel_loop3A_266] {strides = array<i32>} : memref<128x80xf32, #tpu.memory_space<vmem>>, vector<16xf32>,
        %parallel_loop3A_268 = arith.mulf %parallel_loop3A_267, %parallel_loop3A_264 : vector<16xf32>
        %parallel_loop3A_269 = arith.index_cast %parallel_loop3A_196 : i32 to index
        %parallel_loop3A_270 = arith.constant 32 : index
        %parallel_loop3A_271 = tpu.vector_load %arg8[%parallel_loop3A_269, %parallel_loop3A_270] {strides = array<i32>} : memref<128x80xf32, #tpu.memory_space<vmem>>, vector<16xf32>,
        tpu.vector_store %arg8[%parallel_loop3A_269, %parallel_loop3A_270], %parallel_loop3A_268 {strides = array<i32>} : memref<128x80xf32, #tpu.memory_space<vmem>>, vector<16xf32>,
        %parallel_loop3A_272 = arith.constant 6 : i32
        %parallel_loop3A_273 = vector.broadcast %parallel_loop3A_272 : i32 to vector<16xi32>
        %parallel_loop3A_274 = arith.addi %shift_right_logical3A_35, %parallel_loop3A_273 : vector<16xi32>
        %parallel_loop3A_275 = arith.constant 0 : i32
        %parallel_loop3A_276 = vector.broadcast %parallel_loop3A_275 : i32 to vector<16xi32>
        %parallel_loop3A_277 = arith.cmpi slt, %parallel_loop3A_274, %parallel_loop3A_276 : vector<16xi32>
        %parallel_loop3A_278 = arith.constant 16 : i32
        %parallel_loop3A_279 = vector.broadcast %parallel_loop3A_278 : i32 to vector<16xi32>
        %parallel_loop3A_280 = arith.addi %parallel_loop3A_274, %parallel_loop3A_279 : vector<16xi32>
        %parallel_loop3A_281 = arith.select %parallel_loop3A_277, %parallel_loop3A_280, %parallel_loop3A_274 : vector<16xi1>, vector<16xi32>
        %parallel_loop3A_282 = vector.shape_cast %parallel_loop3A_281 : vector<16xi32> to vector<16x1xi32>
        %parallel_loop3A_283 = vector.shape_cast %parallel_loop3A_282 : vector<16x1xi32> to vector<16xi32>
        %parallel_loop3A_284 = tpu.dynamic_gather %parallel_loop3A_208[%parallel_loop3A_283] in [0] : vector<16xf32>, vector<16xi32> -> vector<16xf32>
        %parallel_loop3A_285 = arith.index_cast %parallel_loop3A_196 : i32 to index
        %parallel_loop3A_286 = arith.constant 48 : index
        %parallel_loop3A_287 = tpu.vector_load %arg8[%parallel_loop3A_285, %parallel_loop3A_286] {strides = array<i32>} : memref<128x80xf32, #tpu.memory_space<vmem>>, vector<16xf32>,
        %parallel_loop3A_288 = arith.mulf %parallel_loop3A_287, %parallel_loop3A_284 : vector<16xf32>
        %parallel_loop3A_289 = arith.index_cast %parallel_loop3A_196 : i32 to index
        %parallel_loop3A_290 = arith.constant 48 : index
        %parallel_loop3A_291 = tpu.vector_load %arg8[%parallel_loop3A_289, %parallel_loop3A_290] {strides = array<i32>} : memref<128x80xf32, #tpu.memory_space<vmem>>, vector<16xf32>,
        tpu.vector_store %arg8[%parallel_loop3A_289, %parallel_loop3A_290], %parallel_loop3A_288 {strides = array<i32>} : memref<128x80xf32, #tpu.memory_space<vmem>>, vector<16xf32>,
      } {sc.loop_unroll_factor = 4 : i64, sc.parallel_access}
      %dma_start3A_157 = arith.constant 1 : i32
      %dma_start3A_158 = arith.constant 0 : i32
      %dma_start3A_159 = tpu.memref_slice %arg6[%add3A_135, %dma_start3A_157, %dma_start3A_158] : memref<96x2x128xi32, #tpu.memory_space<vmem>> -> memref<1x1x128xi32, #tpu.memory_space<vmem>>
      %dma_start3A_160 = tpu.memref_squeeze %dma_start3A_159 : memref<1x1x128xi32, #tpu.memory_space<vmem>> -> memref<128xi32, #tpu.memory_space<vmem>>
      %dma_start3A_161 = arith.constant 0 : i32
      %dma_start3A_162 = arith.constant 0 : i32
      %dma_start3A_163 = tpu.memref_slice %arg13[%dma_start3A_161, %dma_start3A_162] : memref<10240x80xf32, #tpu.memory_space<vmem_shared>> -> memref<10240x80xf32, #tpu.memory_space<vmem_shared>>
      tpu.enqueue_indirect_dma source(%arg8 : memref<128x80xf32, #tpu.memory_space<vmem>>) target(%dma_start3A_163 : memref<10240x80xf32, #tpu.memory_space<vmem_shared>>) offsets(%dma_start3A_160 : memref<128xi32, #tpu.memory_space<vmem>>) semaphore(%arg18 : memref<!tpu.dma_semaphore, #tpu.memory_space<semaphore_mem>>) {add = true}
      %mul3A_164 = arith.constant 3 : i32
      %mul3A_165 = arith.muli %mul3A_164, %while3A_103 : i32
      %add3A_166 = arith.constant 2 : i32
      %add3A_167 = arith.addi %mul3A_165, %add3A_166 : i32
      %add3A_168 = arith.constant 1 : i32
      %add3A_169 = arith.addi %add3A_167, %add3A_168 : i32
      %lt3A_170 = arith.cmpi slt, %add3A_169, %select_n3A : i32
      %convert_element_type3A_171 = arith.extui %lt3A_170 : i1 to i32
      %cond3A_172 = arith.constant 0 : i32
      %cond3A_173 = arith.cmpi ne, %convert_element_type3A_171, %cond3A_172 : i32
      scf.if %cond3A_173 {
        %ge3A = arith.constant 2 : i32
        %ge3A_196 = arith.cmpi sge, %add3A_167, %ge3A : i32
        %convert_element_type3A_197 = arith.extui %ge3A_196 : i1 to i32
        %cond3A_198 = arith.constant 0 : i32
        %cond3A_199 = arith.cmpi ne, %convert_element_type3A_197, %cond3A_198 : i32
        scf.if %cond3A_199 {
          %dma_wait3A_216 = arith.constant 0 : i32
          %dma_wait3A_217 = arith.constant 0 : i32
          %dma_wait3A_218 = tpu.memref_slice %arg13[%dma_wait3A_216, %dma_wait3A_217] : memref<10240x80xf32, #tpu.memory_space<vmem_shared>> -> memref<128x80xf32, #tpu.memory_space<vmem_shared>>
          %dma_wait3A_219 = arith.constant 0 : i32
          %dma_wait3A_220 = arith.constant 0 : i32
          %dma_wait3A_221 = tpu.memref_slice %arg13[%dma_wait3A_219, %dma_wait3A_220] : memref<10240x80xf32, #tpu.memory_space<vmem_shared>> -> memref<128x80xf32, #tpu.memory_space<vmem_shared>>
          tpu.wait_dma2 semaphore(%arg17 : memref<!tpu.dma_semaphore, #tpu.memory_space<semaphore_mem>>) src(%arg7 : memref<128x80xf32, #tpu.memory_space<vmem>>) dst(%dma_wait3A_221 : memref<128x80xf32, #tpu.memory_space<vmem_shared>>)
        } else {
        }
        %add3A_200 = arith.constant 1 : i32
        %add3A_201 = arith.addi %add3A_167, %add3A_200 : i32
        %dma_start3A_202 = arith.constant 0 : i32
        %dma_start3A_203 = arith.constant 0 : i32
        %dma_start3A_204 = tpu.memref_slice %arg6[%add3A_201, %dma_start3A_202, %dma_start3A_203] : memref<96x2x128xi32, #tpu.memory_space<vmem>> -> memref<1x1x128xi32, #tpu.memory_space<vmem>>
        %dma_start3A_205 = tpu.memref_squeeze %dma_start3A_204 : memref<1x1x128xi32, #tpu.memory_space<vmem>> -> memref<128xi32, #tpu.memory_space<vmem>>
        %dma_start3A_206 = arith.constant 0 : i32
        %dma_start3A_207 = arith.constant 0 : i32
        %dma_start3A_208 = tpu.memref_slice %arg3[%dma_start3A_206, %dma_start3A_207] : memref<10240x80xf32, #tpu.memory_space<hbm>> -> memref<10240x80xf32, #tpu.memory_space<hbm>>
        tpu.enqueue_indirect_dma source(%dma_start3A_208 : memref<10240x80xf32, #tpu.memory_space<hbm>>) target(%arg7 : memref<128x80xf32, #tpu.memory_space<vmem>>) offsets(%dma_start3A_205 : memref<128xi32, #tpu.memory_space<vmem>>) semaphore(%arg14 : memref<!tpu.dma_semaphore, #tpu.memory_space<semaphore_mem>>)
        %dma_start3A_209 = arith.constant 1 : i32
        %dma_start3A_210 = arith.constant 0 : i32
        %dma_start3A_211 = tpu.memref_slice %arg6[%add3A_201, %dma_start3A_209, %dma_start3A_210] : memref<96x2x128xi32, #tpu.memory_space<vmem>> -> memref<1x1x128xi32, #tpu.memory_space<vmem>>
        %dma_start3A_212 = tpu.memref_squeeze %dma_start3A_211 : memref<1x1x128xi32, #tpu.memory_space<vmem>> -> memref<128xi32, #tpu.memory_space<vmem>>
        %dma_start3A_213 = arith.constant 0 : i32
        %dma_start3A_214 = arith.constant 0 : i32
        %dma_start3A_215 = tpu.memref_slice %arg4[%dma_start3A_213, %dma_start3A_214] : memref<10240x16xf32, #tpu.memory_space<hbm>> -> memref<10240x16xf32, #tpu.memory_space<hbm>>
        tpu.enqueue_indirect_dma source(%dma_start3A_215 : memref<10240x16xf32, #tpu.memory_space<hbm>>) target(%arg10 : memref<128x16xf32, #tpu.memory_space<vmem>>) offsets(%dma_start3A_212 : memref<128xi32, #tpu.memory_space<vmem>>) semaphore(%arg14 : memref<!tpu.dma_semaphore, #tpu.memory_space<semaphore_mem>>)
      } else {
      }
      %dma_wait3A_174 = arith.constant 0 : i32
      %dma_wait3A_175 = arith.constant 0 : i32
      %dma_wait3A_176 = tpu.memref_slice %arg3[%dma_wait3A_174, %dma_wait3A_175] : memref<10240x80xf32, #tpu.memory_space<hbm>> -> memref<128x80xf32, #tpu.memory_space<hbm>>
      %dma_wait3A_177 = arith.constant 0 : i32
      %dma_wait3A_178 = arith.constant 0 : i32
      %dma_wait3A_179 = tpu.memref_slice %arg3[%dma_wait3A_177, %dma_wait3A_178] : memref<10240x80xf32, #tpu.memory_space<hbm>> -> memref<128x80xf32, #tpu.memory_space<hbm>>
      tpu.wait_dma2 semaphore(%arg16 : memref<!tpu.dma_semaphore, #tpu.memory_space<semaphore_mem>>) src(%dma_wait3A_179 : memref<128x80xf32, #tpu.memory_space<hbm>>) dst(%arg9 : memref<128x80xf32, #tpu.memory_space<vmem>>)
      %dma_wait3A_180 = arith.constant 0 : i32
      %dma_wait3A_181 = arith.constant 0 : i32
      %dma_wait3A_182 = tpu.memref_slice %arg4[%dma_wait3A_180, %dma_wait3A_181] : memref<10240x16xf32, #tpu.memory_space<hbm>> -> memref<128x16xf32, #tpu.memory_space<hbm>>
      %dma_wait3A_183 = arith.constant 0 : i32
      %dma_wait3A_184 = arith.constant 0 : i32
      %dma_wait3A_185 = tpu.memref_slice %arg4[%dma_wait3A_183, %dma_wait3A_184] : memref<10240x16xf32, #tpu.memory_space<hbm>> -> memref<128x16xf32, #tpu.memory_space<hbm>>
      tpu.wait_dma2 semaphore(%arg16 : memref<!tpu.dma_semaphore, #tpu.memory_space<semaphore_mem>>) src(%dma_wait3A_185 : memref<128x16xf32, #tpu.memory_space<hbm>>) dst(%arg12 : memref<128x16xf32, #tpu.memory_space<vmem>>)
      %parallel_loop3A_186 = arith.constant 0 : i32
      %parallel_loop3A_187 = arith.constant 128 : i32
      %parallel_loop3A_188 = arith.constant 1 : i32
      scf.for %parallel_loop3A_196 = %parallel_loop3A_186 to %parallel_loop3A_187 step %parallel_loop3A_188  : i32 {
        %parallel_loop3A_197 = arith.index_cast %parallel_loop3A_196 : i32 to index
        %parallel_loop3A_198 = arith.constant 0 : index
        %parallel_loop3A_199 = tpu.vector_load %arg12[%parallel_loop3A_197, %parallel_loop3A_198] {strides = array<i32>} : memref<128x16xf32, #tpu.memory_space<vmem>>, vector<16xf32>,
        %parallel_loop3A_200 = arith.index_cast %parallel_loop3A_196 : i32 to index
        %parallel_loop3A_201 = arith.constant 64 : index
        %parallel_loop3A_202 = tpu.vector_load %arg9[%parallel_loop3A_200, %parallel_loop3A_201] {strides = array<i32>} : memref<128x80xf32, #tpu.memory_space<vmem>>, vector<16xf32>,
        %parallel_loop3A_203 = arith.addf %parallel_loop3A_202, %parallel_loop3A_199 : vector<16xf32>
        %parallel_loop3A_204 = arith.constant 2.000000e-01 : f32
        %parallel_loop3A_205 = vector.broadcast %parallel_loop3A_204 : f32 to vector<16xf32>
        %parallel_loop3A_206 = arith.mulf %parallel_loop3A_203, %parallel_loop3A_205 : vector<16xf32>
        %parallel_loop3A_207 = arith.maximumf %parallel_loop3A_203, %parallel_loop3A_206 : vector<16xf32>
        %parallel_loop3A_208 = math.exp %parallel_loop3A_207 : vector<16xf32>
        %parallel_loop3A_209 = arith.index_cast %parallel_loop3A_196 : i32 to index
        %parallel_loop3A_210 = arith.constant 64 : index
        %parallel_loop3A_211 = tpu.vector_load %arg9[%parallel_loop3A_209, %parallel_loop3A_210] {strides = array<i32>} : memref<128x80xf32, #tpu.memory_space<vmem>>, vector<16xf32>,
        tpu.vector_store %arg9[%parallel_loop3A_209, %parallel_loop3A_210], %parallel_loop3A_208 {strides = array<i32>} : memref<128x80xf32, #tpu.memory_space<vmem>>, vector<16xf32>,
        %parallel_loop3A_212 = arith.constant 0 : i32
        %parallel_loop3A_213 = vector.broadcast %parallel_loop3A_212 : i32 to vector<16xi32>
        %parallel_loop3A_214 = arith.addi %shift_right_logical3A_35, %parallel_loop3A_213 : vector<16xi32>
        %parallel_loop3A_215 = arith.constant 0 : i32
        %parallel_loop3A_216 = vector.broadcast %parallel_loop3A_215 : i32 to vector<16xi32>
        %parallel_loop3A_217 = arith.cmpi slt, %parallel_loop3A_214, %parallel_loop3A_216 : vector<16xi32>
        %parallel_loop3A_218 = arith.constant 16 : i32
        %parallel_loop3A_219 = vector.broadcast %parallel_loop3A_218 : i32 to vector<16xi32>
        %parallel_loop3A_220 = arith.addi %parallel_loop3A_214, %parallel_loop3A_219 : vector<16xi32>
        %parallel_loop3A_221 = arith.select %parallel_loop3A_217, %parallel_loop3A_220, %parallel_loop3A_214 : vector<16xi1>, vector<16xi32>
        %parallel_loop3A_222 = vector.shape_cast %parallel_loop3A_221 : vector<16xi32> to vector<16x1xi32>
        %parallel_loop3A_223 = vector.shape_cast %parallel_loop3A_222 : vector<16x1xi32> to vector<16xi32>
        %parallel_loop3A_224 = tpu.dynamic_gather %parallel_loop3A_208[%parallel_loop3A_223] in [0] : vector<16xf32>, vector<16xi32> -> vector<16xf32>
        %parallel_loop3A_225 = arith.index_cast %parallel_loop3A_196 : i32 to index
        %parallel_loop3A_226 = arith.constant 0 : index
        %parallel_loop3A_227 = tpu.vector_load %arg9[%parallel_loop3A_225, %parallel_loop3A_226] {strides = array<i32>} : memref<128x80xf32, #tpu.memory_space<vmem>>, vector<16xf32>,
        %parallel_loop3A_228 = arith.mulf %parallel_loop3A_227, %parallel_loop3A_224 : vector<16xf32>
        %parallel_loop3A_229 = arith.index_cast %parallel_loop3A_196 : i32 to index
        %parallel_loop3A_230 = arith.constant 0 : index
        %parallel_loop3A_231 = tpu.vector_load %arg9[%parallel_loop3A_229, %parallel_loop3A_230] {strides = array<i32>} : memref<128x80xf32, #tpu.memory_space<vmem>>, vector<16xf32>,
        tpu.vector_store %arg9[%parallel_loop3A_229, %parallel_loop3A_230], %parallel_loop3A_228 {strides = array<i32>} : memref<128x80xf32, #tpu.memory_space<vmem>>, vector<16xf32>,
        %parallel_loop3A_232 = arith.constant 2 : i32
        %parallel_loop3A_233 = vector.broadcast %parallel_loop3A_232 : i32 to vector<16xi32>
        %parallel_loop3A_234 = arith.addi %shift_right_logical3A_35, %parallel_loop3A_233 : vector<16xi32>
        %parallel_loop3A_235 = arith.constant 0 : i32
        %parallel_loop3A_236 = vector.broadcast %parallel_loop3A_235 : i32 to vector<16xi32>
        %parallel_loop3A_237 = arith.cmpi slt, %parallel_loop3A_234, %parallel_loop3A_236 : vector<16xi32>
        %parallel_loop3A_238 = arith.constant 16 : i32
        %parallel_loop3A_239 = vector.broadcast %parallel_loop3A_238 : i32 to vector<16xi32>
        %parallel_loop3A_240 = arith.addi %parallel_loop3A_234, %parallel_loop3A_239 : vector<16xi32>
        %parallel_loop3A_241 = arith.select %parallel_loop3A_237, %parallel_loop3A_240, %parallel_loop3A_234 : vector<16xi1>, vector<16xi32>
        %parallel_loop3A_242 = vector.shape_cast %parallel_loop3A_241 : vector<16xi32> to vector<16x1xi32>
        %parallel_loop3A_243 = vector.shape_cast %parallel_loop3A_242 : vector<16x1xi32> to vector<16xi32>
        %parallel_loop3A_244 = tpu.dynamic_gather %parallel_loop3A_208[%parallel_loop3A_243] in [0] : vector<16xf32>, vector<16xi32> -> vector<16xf32>
        %parallel_loop3A_245 = arith.index_cast %parallel_loop3A_196 : i32 to index
        %parallel_loop3A_246 = arith.constant 16 : index
        %parallel_loop3A_247 = tpu.vector_load %arg9[%parallel_loop3A_245, %parallel_loop3A_246] {strides = array<i32>} : memref<128x80xf32, #tpu.memory_space<vmem>>, vector<16xf32>,
        %parallel_loop3A_248 = arith.mulf %parallel_loop3A_247, %parallel_loop3A_244 : vector<16xf32>
        %parallel_loop3A_249 = arith.index_cast %parallel_loop3A_196 : i32 to index
        %parallel_loop3A_250 = arith.constant 16 : index
        %parallel_loop3A_251 = tpu.vector_load %arg9[%parallel_loop3A_249, %parallel_loop3A_250] {strides = array<i32>} : memref<128x80xf32, #tpu.memory_space<vmem>>, vector<16xf32>,
        tpu.vector_store %arg9[%parallel_loop3A_249, %parallel_loop3A_250], %parallel_loop3A_248 {strides = array<i32>} : memref<128x80xf32, #tpu.memory_space<vmem>>, vector<16xf32>,
        %parallel_loop3A_252 = arith.constant 4 : i32
        %parallel_loop3A_253 = vector.broadcast %parallel_loop3A_252 : i32 to vector<16xi32>
        %parallel_loop3A_254 = arith.addi %shift_right_logical3A_35, %parallel_loop3A_253 : vector<16xi32>
        %parallel_loop3A_255 = arith.constant 0 : i32
        %parallel_loop3A_256 = vector.broadcast %parallel_loop3A_255 : i32 to vector<16xi32>
        %parallel_loop3A_257 = arith.cmpi slt, %parallel_loop3A_254, %parallel_loop3A_256 : vector<16xi32>
        %parallel_loop3A_258 = arith.constant 16 : i32
        %parallel_loop3A_259 = vector.broadcast %parallel_loop3A_258 : i32 to vector<16xi32>
        %parallel_loop3A_260 = arith.addi %parallel_loop3A_254, %parallel_loop3A_259 : vector<16xi32>
        %parallel_loop3A_261 = arith.select %parallel_loop3A_257, %parallel_loop3A_260, %parallel_loop3A_254 : vector<16xi1>, vector<16xi32>
        %parallel_loop3A_262 = vector.shape_cast %parallel_loop3A_261 : vector<16xi32> to vector<16x1xi32>
        %parallel_loop3A_263 = vector.shape_cast %parallel_loop3A_262 : vector<16x1xi32> to vector<16xi32>
        %parallel_loop3A_264 = tpu.dynamic_gather %parallel_loop3A_208[%parallel_loop3A_263] in [0] : vector<16xf32>, vector<16xi32> -> vector<16xf32>
        %parallel_loop3A_265 = arith.index_cast %parallel_loop3A_196 : i32 to index
        %parallel_loop3A_266 = arith.constant 32 : index
        %parallel_loop3A_267 = tpu.vector_load %arg9[%parallel_loop3A_265, %parallel_loop3A_266] {strides = array<i32>} : memref<128x80xf32, #tpu.memory_space<vmem>>, vector<16xf32>,
        %parallel_loop3A_268 = arith.mulf %parallel_loop3A_267, %parallel_loop3A_264 : vector<16xf32>
        %parallel_loop3A_269 = arith.index_cast %parallel_loop3A_196 : i32 to index
        %parallel_loop3A_270 = arith.constant 32 : index
        %parallel_loop3A_271 = tpu.vector_load %arg9[%parallel_loop3A_269, %parallel_loop3A_270] {strides = array<i32>} : memref<128x80xf32, #tpu.memory_space<vmem>>, vector<16xf32>,
        tpu.vector_store %arg9[%parallel_loop3A_269, %parallel_loop3A_270], %parallel_loop3A_268 {strides = array<i32>} : memref<128x80xf32, #tpu.memory_space<vmem>>, vector<16xf32>,
        %parallel_loop3A_272 = arith.constant 6 : i32
        %parallel_loop3A_273 = vector.broadcast %parallel_loop3A_272 : i32 to vector<16xi32>
        %parallel_loop3A_274 = arith.addi %shift_right_logical3A_35, %parallel_loop3A_273 : vector<16xi32>
        %parallel_loop3A_275 = arith.constant 0 : i32
        %parallel_loop3A_276 = vector.broadcast %parallel_loop3A_275 : i32 to vector<16xi32>
        %parallel_loop3A_277 = arith.cmpi slt, %parallel_loop3A_274, %parallel_loop3A_276 : vector<16xi32>
        %parallel_loop3A_278 = arith.constant 16 : i32
        %parallel_loop3A_279 = vector.broadcast %parallel_loop3A_278 : i32 to vector<16xi32>
        %parallel_loop3A_280 = arith.addi %parallel_loop3A_274, %parallel_loop3A_279 : vector<16xi32>
        %parallel_loop3A_281 = arith.select %parallel_loop3A_277, %parallel_loop3A_280, %parallel_loop3A_274 : vector<16xi1>, vector<16xi32>
        %parallel_loop3A_282 = vector.shape_cast %parallel_loop3A_281 : vector<16xi32> to vector<16x1xi32>
        %parallel_loop3A_283 = vector.shape_cast %parallel_loop3A_282 : vector<16x1xi32> to vector<16xi32>
        %parallel_loop3A_284 = tpu.dynamic_gather %parallel_loop3A_208[%parallel_loop3A_283] in [0] : vector<16xf32>, vector<16xi32> -> vector<16xf32>
        %parallel_loop3A_285 = arith.index_cast %parallel_loop3A_196 : i32 to index
        %parallel_loop3A_286 = arith.constant 48 : index
        %parallel_loop3A_287 = tpu.vector_load %arg9[%parallel_loop3A_285, %parallel_loop3A_286] {strides = array<i32>} : memref<128x80xf32, #tpu.memory_space<vmem>>, vector<16xf32>,
        %parallel_loop3A_288 = arith.mulf %parallel_loop3A_287, %parallel_loop3A_284 : vector<16xf32>
        %parallel_loop3A_289 = arith.index_cast %parallel_loop3A_196 : i32 to index
        %parallel_loop3A_290 = arith.constant 48 : index
        %parallel_loop3A_291 = tpu.vector_load %arg9[%parallel_loop3A_289, %parallel_loop3A_290] {strides = array<i32>} : memref<128x80xf32, #tpu.memory_space<vmem>>, vector<16xf32>,
        tpu.vector_store %arg9[%parallel_loop3A_289, %parallel_loop3A_290], %parallel_loop3A_288 {strides = array<i32>} : memref<128x80xf32, #tpu.memory_space<vmem>>, vector<16xf32>,
      } {sc.loop_unroll_factor = 4 : i64, sc.parallel_access}
      %dma_start3A_189 = arith.constant 1 : i32
      %dma_start3A_190 = arith.constant 0 : i32
      %dma_start3A_191 = tpu.memref_slice %arg6[%add3A_167, %dma_start3A_189, %dma_start3A_190] : memref<96x2x128xi32, #tpu.memory_space<vmem>> -> memref<1x1x128xi32, #tpu.memory_space<vmem>>
      %dma_start3A_192 = tpu.memref_squeeze %dma_start3A_191 : memref<1x1x128xi32, #tpu.memory_space<vmem>> -> memref<128xi32, #tpu.memory_space<vmem>>
      %dma_start3A_193 = arith.constant 0 : i32
      %dma_start3A_194 = arith.constant 0 : i32
      %dma_start3A_195 = tpu.memref_slice %arg13[%dma_start3A_193, %dma_start3A_194] : memref<10240x80xf32, #tpu.memory_space<vmem_shared>> -> memref<10240x80xf32, #tpu.memory_space<vmem_shared>>
      tpu.enqueue_indirect_dma source(%arg9 : memref<128x80xf32, #tpu.memory_space<vmem>>) target(%dma_start3A_195 : memref<10240x80xf32, #tpu.memory_space<vmem_shared>>) offsets(%dma_start3A_192 : memref<128xi32, #tpu.memory_space<vmem>>) semaphore(%arg19 : memref<!tpu.dma_semaphore, #tpu.memory_space<semaphore_mem>>) {add = true}
    }
    %while3A_64 = arith.constant 1 : i32
    scf.for %while3A_103 = %while3A_62 to %while3A_58 step %while3A_64  : i32 {
      %mul3A_104 = arith.constant 3 : i32
      %mul3A_105 = arith.muli %mul3A_104, %while3A_103 : i32
      %add3A_106 = arith.constant 0 : i32
      %add3A_107 = arith.addi %mul3A_105, %add3A_106 : i32
      %add3A_108 = arith.constant 1 : i32
      %add3A_109 = arith.addi %add3A_107, %add3A_108 : i32
      %lt3A = arith.cmpi slt, %add3A_109, %select_n3A : i32
      %convert_element_type3A = arith.extui %lt3A : i1 to i32
      %cond3A = arith.constant 0 : i32
      %cond3A_110 = arith.cmpi ne, %convert_element_type3A, %cond3A : i32
      scf.if %cond3A_110 {
        %ge3A = arith.constant 2 : i32
        %ge3A_196 = arith.cmpi sge, %add3A_107, %ge3A : i32
        %convert_element_type3A_197 = arith.extui %ge3A_196 : i1 to i32
        %cond3A_198 = arith.constant 0 : i32
        %cond3A_199 = arith.cmpi ne, %convert_element_type3A_197, %cond3A_198 : i32
        scf.if %cond3A_199 {
          %dma_wait3A_216 = arith.constant 0 : i32
          %dma_wait3A_217 = arith.constant 0 : i32
          %dma_wait3A_218 = tpu.memref_slice %arg13[%dma_wait3A_216, %dma_wait3A_217] : memref<10240x80xf32, #tpu.memory_space<vmem_shared>> -> memref<128x80xf32, #tpu.memory_space<vmem_shared>>
          %dma_wait3A_219 = arith.constant 0 : i32
          %dma_wait3A_220 = arith.constant 0 : i32
          %dma_wait3A_221 = tpu.memref_slice %arg13[%dma_wait3A_219, %dma_wait3A_220] : memref<10240x80xf32, #tpu.memory_space<vmem_shared>> -> memref<128x80xf32, #tpu.memory_space<vmem_shared>>
          tpu.wait_dma2 semaphore(%arg18 : memref<!tpu.dma_semaphore, #tpu.memory_space<semaphore_mem>>) src(%arg8 : memref<128x80xf32, #tpu.memory_space<vmem>>) dst(%dma_wait3A_221 : memref<128x80xf32, #tpu.memory_space<vmem_shared>>)
        } else {
        }
        %add3A_200 = arith.constant 1 : i32
        %add3A_201 = arith.addi %add3A_107, %add3A_200 : i32
        %dma_start3A_202 = arith.constant 0 : i32
        %dma_start3A_203 = arith.constant 0 : i32
        %dma_start3A_204 = tpu.memref_slice %arg6[%add3A_201, %dma_start3A_202, %dma_start3A_203] : memref<96x2x128xi32, #tpu.memory_space<vmem>> -> memref<1x1x128xi32, #tpu.memory_space<vmem>>
        %dma_start3A_205 = tpu.memref_squeeze %dma_start3A_204 : memref<1x1x128xi32, #tpu.memory_space<vmem>> -> memref<128xi32, #tpu.memory_space<vmem>>
        %dma_start3A_206 = arith.constant 0 : i32
        %dma_start3A_207 = arith.constant 0 : i32
        %dma_start3A_208 = tpu.memref_slice %arg3[%dma_start3A_206, %dma_start3A_207] : memref<10240x80xf32, #tpu.memory_space<hbm>> -> memref<10240x80xf32, #tpu.memory_space<hbm>>
        tpu.enqueue_indirect_dma source(%dma_start3A_208 : memref<10240x80xf32, #tpu.memory_space<hbm>>) target(%arg8 : memref<128x80xf32, #tpu.memory_space<vmem>>) offsets(%dma_start3A_205 : memref<128xi32, #tpu.memory_space<vmem>>) semaphore(%arg15 : memref<!tpu.dma_semaphore, #tpu.memory_space<semaphore_mem>>)
        %dma_start3A_209 = arith.constant 1 : i32
        %dma_start3A_210 = arith.constant 0 : i32
        %dma_start3A_211 = tpu.memref_slice %arg6[%add3A_201, %dma_start3A_209, %dma_start3A_210] : memref<96x2x128xi32, #tpu.memory_space<vmem>> -> memref<1x1x128xi32, #tpu.memory_space<vmem>>
        %dma_start3A_212 = tpu.memref_squeeze %dma_start3A_211 : memref<1x1x128xi32, #tpu.memory_space<vmem>> -> memref<128xi32, #tpu.memory_space<vmem>>
        %dma_start3A_213 = arith.constant 0 : i32
        %dma_start3A_214 = arith.constant 0 : i32
        %dma_start3A_215 = tpu.memref_slice %arg4[%dma_start3A_213, %dma_start3A_214] : memref<10240x16xf32, #tpu.memory_space<hbm>> -> memref<10240x16xf32, #tpu.memory_space<hbm>>
        tpu.enqueue_indirect_dma source(%dma_start3A_215 : memref<10240x16xf32, #tpu.memory_space<hbm>>) target(%arg11 : memref<128x16xf32, #tpu.memory_space<vmem>>) offsets(%dma_start3A_212 : memref<128xi32, #tpu.memory_space<vmem>>) semaphore(%arg15 : memref<!tpu.dma_semaphore, #tpu.memory_space<semaphore_mem>>)
      } else {
      }
      %dma_wait3A_111 = arith.constant 0 : i32
      %dma_wait3A_112 = arith.constant 0 : i32
      %dma_wait3A_113 = tpu.memref_slice %arg3[%dma_wait3A_111, %dma_wait3A_112] : memref<10240x80xf32, #tpu.memory_space<hbm>> -> memref<128x80xf32, #tpu.memory_space<hbm>>
      %dma_wait3A_114 = arith.constant 0 : i32
      %dma_wait3A_115 = arith.constant 0 : i32
      %dma_wait3A_116 = tpu.memref_slice %arg3[%dma_wait3A_114, %dma_wait3A_115] : memref<10240x80xf32, #tpu.memory_space<hbm>> -> memref<128x80xf32, #tpu.memory_space<hbm>>
      tpu.wait_dma2 semaphore(%arg14 : memref<!tpu.dma_semaphore, #tpu.memory_space<semaphore_mem>>) src(%dma_wait3A_116 : memref<128x80xf32, #tpu.memory_space<hbm>>) dst(%arg7 : memref<128x80xf32, #tpu.memory_space<vmem>>)
      %dma_wait3A_117 = arith.constant 0 : i32
      %dma_wait3A_118 = arith.constant 0 : i32
      %dma_wait3A_119 = tpu.memref_slice %arg4[%dma_wait3A_117, %dma_wait3A_118] : memref<10240x16xf32, #tpu.memory_space<hbm>> -> memref<128x16xf32, #tpu.memory_space<hbm>>
      %dma_wait3A_120 = arith.constant 0 : i32
      %dma_wait3A_121 = arith.constant 0 : i32
      %dma_wait3A_122 = tpu.memref_slice %arg4[%dma_wait3A_120, %dma_wait3A_121] : memref<10240x16xf32, #tpu.memory_space<hbm>> -> memref<128x16xf32, #tpu.memory_space<hbm>>
      tpu.wait_dma2 semaphore(%arg14 : memref<!tpu.dma_semaphore, #tpu.memory_space<semaphore_mem>>) src(%dma_wait3A_122 : memref<128x16xf32, #tpu.memory_space<hbm>>) dst(%arg10 : memref<128x16xf32, #tpu.memory_space<vmem>>)
      %parallel_loop3A = arith.constant 0 : i32
      %parallel_loop3A_123 = arith.constant 128 : i32
      %parallel_loop3A_124 = arith.constant 1 : i32
      scf.for %parallel_loop3A_196 = %parallel_loop3A to %parallel_loop3A_123 step %parallel_loop3A_124  : i32 {
        %parallel_loop3A_197 = arith.index_cast %parallel_loop3A_196 : i32 to index
        %parallel_loop3A_198 = arith.constant 0 : index
        %parallel_loop3A_199 = tpu.vector_load %arg10[%parallel_loop3A_197, %parallel_loop3A_198] {strides = array<i32>} : memref<128x16xf32, #tpu.memory_space<vmem>>, vector<16xf32>,
        %parallel_loop3A_200 = arith.index_cast %parallel_loop3A_196 : i32 to index
        %parallel_loop3A_201 = arith.constant 64 : index
        %parallel_loop3A_202 = tpu.vector_load %arg7[%parallel_loop3A_200, %parallel_loop3A_201] {strides = array<i32>} : memref<128x80xf32, #tpu.memory_space<vmem>>, vector<16xf32>,
        %parallel_loop3A_203 = arith.addf %parallel_loop3A_202, %parallel_loop3A_199 : vector<16xf32>
        %parallel_loop3A_204 = arith.constant 2.000000e-01 : f32
        %parallel_loop3A_205 = vector.broadcast %parallel_loop3A_204 : f32 to vector<16xf32>
        %parallel_loop3A_206 = arith.mulf %parallel_loop3A_203, %parallel_loop3A_205 : vector<16xf32>
        %parallel_loop3A_207 = arith.maximumf %parallel_loop3A_203, %parallel_loop3A_206 : vector<16xf32>
        %parallel_loop3A_208 = math.exp %parallel_loop3A_207 : vector<16xf32>
        %parallel_loop3A_209 = arith.index_cast %parallel_loop3A_196 : i32 to index
        %parallel_loop3A_210 = arith.constant 64 : index
        %parallel_loop3A_211 = tpu.vector_load %arg7[%parallel_loop3A_209, %parallel_loop3A_210] {strides = array<i32>} : memref<128x80xf32, #tpu.memory_space<vmem>>, vector<16xf32>,
        tpu.vector_store %arg7[%parallel_loop3A_209, %parallel_loop3A_210], %parallel_loop3A_208 {strides = array<i32>} : memref<128x80xf32, #tpu.memory_space<vmem>>, vector<16xf32>,
        %parallel_loop3A_212 = arith.constant 0 : i32
        %parallel_loop3A_213 = vector.broadcast %parallel_loop3A_212 : i32 to vector<16xi32>
        %parallel_loop3A_214 = arith.addi %shift_right_logical3A_35, %parallel_loop3A_213 : vector<16xi32>
        %parallel_loop3A_215 = arith.constant 0 : i32
        %parallel_loop3A_216 = vector.broadcast %parallel_loop3A_215 : i32 to vector<16xi32>
        %parallel_loop3A_217 = arith.cmpi slt, %parallel_loop3A_214, %parallel_loop3A_216 : vector<16xi32>
        %parallel_loop3A_218 = arith.constant 16 : i32
        %parallel_loop3A_219 = vector.broadcast %parallel_loop3A_218 : i32 to vector<16xi32>
        %parallel_loop3A_220 = arith.addi %parallel_loop3A_214, %parallel_loop3A_219 : vector<16xi32>
        %parallel_loop3A_221 = arith.select %parallel_loop3A_217, %parallel_loop3A_220, %parallel_loop3A_214 : vector<16xi1>, vector<16xi32>
        %parallel_loop3A_222 = vector.shape_cast %parallel_loop3A_221 : vector<16xi32> to vector<16x1xi32>
        %parallel_loop3A_223 = vector.shape_cast %parallel_loop3A_222 : vector<16x1xi32> to vector<16xi32>
        %parallel_loop3A_224 = tpu.dynamic_gather %parallel_loop3A_208[%parallel_loop3A_223] in [0] : vector<16xf32>, vector<16xi32> -> vector<16xf32>
        %parallel_loop3A_225 = arith.index_cast %parallel_loop3A_196 : i32 to index
        %parallel_loop3A_226 = arith.constant 0 : index
        %parallel_loop3A_227 = tpu.vector_load %arg7[%parallel_loop3A_225, %parallel_loop3A_226] {strides = array<i32>} : memref<128x80xf32, #tpu.memory_space<vmem>>, vector<16xf32>,
        %parallel_loop3A_228 = arith.mulf %parallel_loop3A_227, %parallel_loop3A_224 : vector<16xf32>
        %parallel_loop3A_229 = arith.index_cast %parallel_loop3A_196 : i32 to index
        %parallel_loop3A_230 = arith.constant 0 : index
        %parallel_loop3A_231 = tpu.vector_load %arg7[%parallel_loop3A_229, %parallel_loop3A_230] {strides = array<i32>} : memref<128x80xf32, #tpu.memory_space<vmem>>, vector<16xf32>,
        tpu.vector_store %arg7[%parallel_loop3A_229, %parallel_loop3A_230], %parallel_loop3A_228 {strides = array<i32>} : memref<128x80xf32, #tpu.memory_space<vmem>>, vector<16xf32>,
        %parallel_loop3A_232 = arith.constant 2 : i32
        %parallel_loop3A_233 = vector.broadcast %parallel_loop3A_232 : i32 to vector<16xi32>
        %parallel_loop3A_234 = arith.addi %shift_right_logical3A_35, %parallel_loop3A_233 : vector<16xi32>
        %parallel_loop3A_235 = arith.constant 0 : i32
        %parallel_loop3A_236 = vector.broadcast %parallel_loop3A_235 : i32 to vector<16xi32>
        %parallel_loop3A_237 = arith.cmpi slt, %parallel_loop3A_234, %parallel_loop3A_236 : vector<16xi32>
        %parallel_loop3A_238 = arith.constant 16 : i32
        %parallel_loop3A_239 = vector.broadcast %parallel_loop3A_238 : i32 to vector<16xi32>
        %parallel_loop3A_240 = arith.addi %parallel_loop3A_234, %parallel_loop3A_239 : vector<16xi32>
        %parallel_loop3A_241 = arith.select %parallel_loop3A_237, %parallel_loop3A_240, %parallel_loop3A_234 : vector<16xi1>, vector<16xi32>
        %parallel_loop3A_242 = vector.shape_cast %parallel_loop3A_241 : vector<16xi32> to vector<16x1xi32>
        %parallel_loop3A_243 = vector.shape_cast %parallel_loop3A_242 : vector<16x1xi32> to vector<16xi32>
        %parallel_loop3A_244 = tpu.dynamic_gather %parallel_loop3A_208[%parallel_loop3A_243] in [0] : vector<16xf32>, vector<16xi32> -> vector<16xf32>
        %parallel_loop3A_245 = arith.index_cast %parallel_loop3A_196 : i32 to index
        %parallel_loop3A_246 = arith.constant 16 : index
        %parallel_loop3A_247 = tpu.vector_load %arg7[%parallel_loop3A_245, %parallel_loop3A_246] {strides = array<i32>} : memref<128x80xf32, #tpu.memory_space<vmem>>, vector<16xf32>,
        %parallel_loop3A_248 = arith.mulf %parallel_loop3A_247, %parallel_loop3A_244 : vector<16xf32>
        %parallel_loop3A_249 = arith.index_cast %parallel_loop3A_196 : i32 to index
        %parallel_loop3A_250 = arith.constant 16 : index
        %parallel_loop3A_251 = tpu.vector_load %arg7[%parallel_loop3A_249, %parallel_loop3A_250] {strides = array<i32>} : memref<128x80xf32, #tpu.memory_space<vmem>>, vector<16xf32>,
        tpu.vector_store %arg7[%parallel_loop3A_249, %parallel_loop3A_250], %parallel_loop3A_248 {strides = array<i32>} : memref<128x80xf32, #tpu.memory_space<vmem>>, vector<16xf32>,
        %parallel_loop3A_252 = arith.constant 4 : i32
        %parallel_loop3A_253 = vector.broadcast %parallel_loop3A_252 : i32 to vector<16xi32>
        %parallel_loop3A_254 = arith.addi %shift_right_logical3A_35, %parallel_loop3A_253 : vector<16xi32>
        %parallel_loop3A_255 = arith.constant 0 : i32
        %parallel_loop3A_256 = vector.broadcast %parallel_loop3A_255 : i32 to vector<16xi32>
        %parallel_loop3A_257 = arith.cmpi slt, %parallel_loop3A_254, %parallel_loop3A_256 : vector<16xi32>
        %parallel_loop3A_258 = arith.constant 16 : i32
        %parallel_loop3A_259 = vector.broadcast %parallel_loop3A_258 : i32 to vector<16xi32>
        %parallel_loop3A_260 = arith.addi %parallel_loop3A_254, %parallel_loop3A_259 : vector<16xi32>
        %parallel_loop3A_261 = arith.select %parallel_loop3A_257, %parallel_loop3A_260, %parallel_loop3A_254 : vector<16xi1>, vector<16xi32>
        %parallel_loop3A_262 = vector.shape_cast %parallel_loop3A_261 : vector<16xi32> to vector<16x1xi32>
        %parallel_loop3A_263 = vector.shape_cast %parallel_loop3A_262 : vector<16x1xi32> to vector<16xi32>
        %parallel_loop3A_264 = tpu.dynamic_gather %parallel_loop3A_208[%parallel_loop3A_263] in [0] : vector<16xf32>, vector<16xi32> -> vector<16xf32>
        %parallel_loop3A_265 = arith.index_cast %parallel_loop3A_196 : i32 to index
        %parallel_loop3A_266 = arith.constant 32 : index
        %parallel_loop3A_267 = tpu.vector_load %arg7[%parallel_loop3A_265, %parallel_loop3A_266] {strides = array<i32>} : memref<128x80xf32, #tpu.memory_space<vmem>>, vector<16xf32>,
        %parallel_loop3A_268 = arith.mulf %parallel_loop3A_267, %parallel_loop3A_264 : vector<16xf32>
        %parallel_loop3A_269 = arith.index_cast %parallel_loop3A_196 : i32 to index
        %parallel_loop3A_270 = arith.constant 32 : index
        %parallel_loop3A_271 = tpu.vector_load %arg7[%parallel_loop3A_269, %parallel_loop3A_270] {strides = array<i32>} : memref<128x80xf32, #tpu.memory_space<vmem>>, vector<16xf32>,
        tpu.vector_store %arg7[%parallel_loop3A_269, %parallel_loop3A_270], %parallel_loop3A_268 {strides = array<i32>} : memref<128x80xf32, #tpu.memory_space<vmem>>, vector<16xf32>,
        %parallel_loop3A_272 = arith.constant 6 : i32
        %parallel_loop3A_273 = vector.broadcast %parallel_loop3A_272 : i32 to vector<16xi32>
        %parallel_loop3A_274 = arith.addi %shift_right_logical3A_35, %parallel_loop3A_273 : vector<16xi32>
        %parallel_loop3A_275 = arith.constant 0 : i32
        %parallel_loop3A_276 = vector.broadcast %parallel_loop3A_275 : i32 to vector<16xi32>
        %parallel_loop3A_277 = arith.cmpi slt, %parallel_loop3A_274, %parallel_loop3A_276 : vector<16xi32>
        %parallel_loop3A_278 = arith.constant 16 : i32
        %parallel_loop3A_279 = vector.broadcast %parallel_loop3A_278 : i32 to vector<16xi32>
        %parallel_loop3A_280 = arith.addi %parallel_loop3A_274, %parallel_loop3A_279 : vector<16xi32>
        %parallel_loop3A_281 = arith.select %parallel_loop3A_277, %parallel_loop3A_280, %parallel_loop3A_274 : vector<16xi1>, vector<16xi32>
        %parallel_loop3A_282 = vector.shape_cast %parallel_loop3A_281 : vector<16xi32> to vector<16x1xi32>
        %parallel_loop3A_283 = vector.shape_cast %parallel_loop3A_282 : vector<16x1xi32> to vector<16xi32>
        %parallel_loop3A_284 = tpu.dynamic_gather %parallel_loop3A_208[%parallel_loop3A_283] in [0] : vector<16xf32>, vector<16xi32> -> vector<16xf32>
        %parallel_loop3A_285 = arith.index_cast %parallel_loop3A_196 : i32 to index
        %parallel_loop3A_286 = arith.constant 48 : index
        %parallel_loop3A_287 = tpu.vector_load %arg7[%parallel_loop3A_285, %parallel_loop3A_286] {strides = array<i32>} : memref<128x80xf32, #tpu.memory_space<vmem>>, vector<16xf32>,
        %parallel_loop3A_288 = arith.mulf %parallel_loop3A_287, %parallel_loop3A_284 : vector<16xf32>
        %parallel_loop3A_289 = arith.index_cast %parallel_loop3A_196 : i32 to index
        %parallel_loop3A_290 = arith.constant 48 : index
        %parallel_loop3A_291 = tpu.vector_load %arg7[%parallel_loop3A_289, %parallel_loop3A_290] {strides = array<i32>} : memref<128x80xf32, #tpu.memory_space<vmem>>, vector<16xf32>,
        tpu.vector_store %arg7[%parallel_loop3A_289, %parallel_loop3A_290], %parallel_loop3A_288 {strides = array<i32>} : memref<128x80xf32, #tpu.memory_space<vmem>>, vector<16xf32>,
      } {sc.loop_unroll_factor = 4 : i64, sc.parallel_access}
      %dma_start3A_125 = arith.constant 1 : i32
      %dma_start3A_126 = arith.constant 0 : i32
      %dma_start3A_127 = tpu.memref_slice %arg6[%add3A_107, %dma_start3A_125, %dma_start3A_126] : memref<96x2x128xi32, #tpu.memory_space<vmem>> -> memref<1x1x128xi32, #tpu.memory_space<vmem>>
      %dma_start3A_128 = tpu.memref_squeeze %dma_start3A_127 : memref<1x1x128xi32, #tpu.memory_space<vmem>> -> memref<128xi32, #tpu.memory_space<vmem>>
      %dma_start3A_129 = arith.constant 0 : i32
      %dma_start3A_130 = arith.constant 0 : i32
      %dma_start3A_131 = tpu.memref_slice %arg13[%dma_start3A_129, %dma_start3A_130] : memref<10240x80xf32, #tpu.memory_space<vmem_shared>> -> memref<10240x80xf32, #tpu.memory_space<vmem_shared>>
      tpu.enqueue_indirect_dma source(%arg7 : memref<128x80xf32, #tpu.memory_space<vmem>>) target(%dma_start3A_131 : memref<10240x80xf32, #tpu.memory_space<vmem_shared>>) offsets(%dma_start3A_128 : memref<128xi32, #tpu.memory_space<vmem>>) semaphore(%arg17 : memref<!tpu.dma_semaphore, #tpu.memory_space<semaphore_mem>>) {add = true}
      %mul3A_132 = arith.constant 3 : i32
      %mul3A_133 = arith.muli %mul3A_132, %while3A_103 : i32
      %add3A_134 = arith.constant 1 : i32
      %add3A_135 = arith.addi %mul3A_133, %add3A_134 : i32
      %add3A_136 = arith.constant 1 : i32
      %add3A_137 = arith.addi %add3A_135, %add3A_136 : i32
      %lt3A_138 = arith.cmpi slt, %add3A_137, %select_n3A : i32
      %convert_element_type3A_139 = arith.extui %lt3A_138 : i1 to i32
      %cond3A_140 = arith.constant 0 : i32
      %cond3A_141 = arith.cmpi ne, %convert_element_type3A_139, %cond3A_140 : i32
      scf.if %cond3A_141 {
        %ge3A = arith.constant 2 : i32
        %ge3A_196 = arith.cmpi sge, %add3A_135, %ge3A : i32
        %convert_element_type3A_197 = arith.extui %ge3A_196 : i1 to i32
        %cond3A_198 = arith.constant 0 : i32
        %cond3A_199 = arith.cmpi ne, %convert_element_type3A_197, %cond3A_198 : i32
        scf.if %cond3A_199 {
          %dma_wait3A_216 = arith.constant 0 : i32
          %dma_wait3A_217 = arith.constant 0 : i32
          %dma_wait3A_218 = tpu.memref_slice %arg13[%dma_wait3A_216, %dma_wait3A_217] : memref<10240x80xf32, #tpu.memory_space<vmem_shared>> -> memref<128x80xf32, #tpu.memory_space<vmem_shared>>
          %dma_wait3A_219 = arith.constant 0 : i32
          %dma_wait3A_220 = arith.constant 0 : i32
          %dma_wait3A_221 = tpu.memref_slice %arg13[%dma_wait3A_219, %dma_wait3A_220] : memref<10240x80xf32, #tpu.memory_space<vmem_shared>> -> memref<128x80xf32, #tpu.memory_space<vmem_shared>>
          tpu.wait_dma2 semaphore(%arg19 : memref<!tpu.dma_semaphore, #tpu.memory_space<semaphore_mem>>) src(%arg9 : memref<128x80xf32, #tpu.memory_space<vmem>>) dst(%dma_wait3A_221 : memref<128x80xf32, #tpu.memory_space<vmem_shared>>)
        } else {
        }
        %add3A_200 = arith.constant 1 : i32
        %add3A_201 = arith.addi %add3A_135, %add3A_200 : i32
        %dma_start3A_202 = arith.constant 0 : i32
        %dma_start3A_203 = arith.constant 0 : i32
        %dma_start3A_204 = tpu.memref_slice %arg6[%add3A_201, %dma_start3A_202, %dma_start3A_203] : memref<96x2x128xi32, #tpu.memory_space<vmem>> -> memref<1x1x128xi32, #tpu.memory_space<vmem>>
        %dma_start3A_205 = tpu.memref_squeeze %dma_start3A_204 : memref<1x1x128xi32, #tpu.memory_space<vmem>> -> memref<128xi32, #tpu.memory_space<vmem>>
        %dma_start3A_206 = arith.constant 0 : i32
        %dma_start3A_207 = arith.constant 0 : i32
        %dma_start3A_208 = tpu.memref_slice %arg3[%dma_start3A_206, %dma_start3A_207] : memref<10240x80xf32, #tpu.memory_space<hbm>> -> memref<10240x80xf32, #tpu.memory_space<hbm>>
        tpu.enqueue_indirect_dma source(%dma_start3A_208 : memref<10240x80xf32, #tpu.memory_space<hbm>>) target(%arg9 : memref<128x80xf32, #tpu.memory_space<vmem>>) offsets(%dma_start3A_205 : memref<128xi32, #tpu.memory_space<vmem>>) semaphore(%arg16 : memref<!tpu.dma_semaphore, #tpu.memory_space<semaphore_mem>>)
        %dma_start3A_209 = arith.constant 1 : i32
        %dma_start3A_210 = arith.constant 0 : i32
        %dma_start3A_211 = tpu.memref_slice %arg6[%add3A_201, %dma_start3A_209, %dma_start3A_210] : memref<96x2x128xi32, #tpu.memory_space<vmem>> -> memref<1x1x128xi32, #tpu.memory_space<vmem>>
        %dma_start3A_212 = tpu.memref_squeeze %dma_start3A_211 : memref<1x1x128xi32, #tpu.memory_space<vmem>> -> memref<128xi32, #tpu.memory_space<vmem>>
        %dma_start3A_213 = arith.constant 0 : i32
        %dma_start3A_214 = arith.constant 0 : i32
        %dma_start3A_215 = tpu.memref_slice %arg4[%dma_start3A_213, %dma_start3A_214] : memref<10240x16xf32, #tpu.memory_space<hbm>> -> memref<10240x16xf32, #tpu.memory_space<hbm>>
        tpu.enqueue_indirect_dma source(%dma_start3A_215 : memref<10240x16xf32, #tpu.memory_space<hbm>>) target(%arg12 : memref<128x16xf32, #tpu.memory_space<vmem>>) offsets(%dma_start3A_212 : memref<128xi32, #tpu.memory_space<vmem>>) semaphore(%arg16 : memref<!tpu.dma_semaphore, #tpu.memory_space<semaphore_mem>>)
      } else {
      }
      %dma_wait3A_142 = arith.constant 0 : i32
      %dma_wait3A_143 = arith.constant 0 : i32
      %dma_wait3A_144 = tpu.memref_slice %arg3[%dma_wait3A_142, %dma_wait3A_143] : memref<10240x80xf32, #tpu.memory_space<hbm>> -> memref<128x80xf32, #tpu.memory_space<hbm>>
      %dma_wait3A_145 = arith.constant 0 : i32
      %dma_wait3A_146 = arith.constant 0 : i32
      %dma_wait3A_147 = tpu.memref_slice %arg3[%dma_wait3A_145, %dma_wait3A_146] : memref<10240x80xf32, #tpu.memory_space<hbm>> -> memref<128x80xf32, #tpu.memory_space<hbm>>
      tpu.wait_dma2 semaphore(%arg15 : memref<!tpu.dma_semaphore, #tpu.memory_space<semaphore_mem>>) src(%dma_wait3A_147 : memref<128x80xf32, #tpu.memory_space<hbm>>) dst(%arg8 : memref<128x80xf32, #tpu.memory_space<vmem>>)
      %dma_wait3A_148 = arith.constant 0 : i32
      %dma_wait3A_149 = arith.constant 0 : i32
      %dma_wait3A_150 = tpu.memref_slice %arg4[%dma_wait3A_148, %dma_wait3A_149] : memref<10240x16xf32, #tpu.memory_space<hbm>> -> memref<128x16xf32, #tpu.memory_space<hbm>>
      %dma_wait3A_151 = arith.constant 0 : i32
      %dma_wait3A_152 = arith.constant 0 : i32
      %dma_wait3A_153 = tpu.memref_slice %arg4[%dma_wait3A_151, %dma_wait3A_152] : memref<10240x16xf32, #tpu.memory_space<hbm>> -> memref<128x16xf32, #tpu.memory_space<hbm>>
      tpu.wait_dma2 semaphore(%arg15 : memref<!tpu.dma_semaphore, #tpu.memory_space<semaphore_mem>>) src(%dma_wait3A_153 : memref<128x16xf32, #tpu.memory_space<hbm>>) dst(%arg11 : memref<128x16xf32, #tpu.memory_space<vmem>>)
      %parallel_loop3A_154 = arith.constant 0 : i32
      %parallel_loop3A_155 = arith.constant 128 : i32
      %parallel_loop3A_156 = arith.constant 1 : i32
      scf.for %parallel_loop3A_196 = %parallel_loop3A_154 to %parallel_loop3A_155 step %parallel_loop3A_156  : i32 {
        %parallel_loop3A_197 = arith.index_cast %parallel_loop3A_196 : i32 to index
        %parallel_loop3A_198 = arith.constant 0 : index
        %parallel_loop3A_199 = tpu.vector_load %arg11[%parallel_loop3A_197, %parallel_loop3A_198] {strides = array<i32>} : memref<128x16xf32, #tpu.memory_space<vmem>>, vector<16xf32>,
        %parallel_loop3A_200 = arith.index_cast %parallel_loop3A_196 : i32 to index
        %parallel_loop3A_201 = arith.constant 64 : index
        %parallel_loop3A_202 = tpu.vector_load %arg8[%parallel_loop3A_200, %parallel_loop3A_201] {strides = array<i32>} : memref<128x80xf32, #tpu.memory_space<vmem>>, vector<16xf32>,
        %parallel_loop3A_203 = arith.addf %parallel_loop3A_202, %parallel_loop3A_199 : vector<16xf32>
        %parallel_loop3A_204 = arith.constant 2.000000e-01 : f32
        %parallel_loop3A_205 = vector.broadcast %parallel_loop3A_204 : f32 to vector<16xf32>
        %parallel_loop3A_206 = arith.mulf %parallel_loop3A_203, %parallel_loop3A_205 : vector<16xf32>
        %parallel_loop3A_207 = arith.maximumf %parallel_loop3A_203, %parallel_loop3A_206 : vector<16xf32>
        %parallel_loop3A_208 = math.exp %parallel_loop3A_207 : vector<16xf32>
        %parallel_loop3A_209 = arith.index_cast %parallel_loop3A_196 : i32 to index
        %parallel_loop3A_210 = arith.constant 64 : index
        %parallel_loop3A_211 = tpu.vector_load %arg8[%parallel_loop3A_209, %parallel_loop3A_210] {strides = array<i32>} : memref<128x80xf32, #tpu.memory_space<vmem>>, vector<16xf32>,
        tpu.vector_store %arg8[%parallel_loop3A_209, %parallel_loop3A_210], %parallel_loop3A_208 {strides = array<i32>} : memref<128x80xf32, #tpu.memory_space<vmem>>, vector<16xf32>,
        %parallel_loop3A_212 = arith.constant 0 : i32
        %parallel_loop3A_213 = vector.broadcast %parallel_loop3A_212 : i32 to vector<16xi32>
        %parallel_loop3A_214 = arith.addi %shift_right_logical3A_35, %parallel_loop3A_213 : vector<16xi32>
        %parallel_loop3A_215 = arith.constant 0 : i32
        %parallel_loop3A_216 = vector.broadcast %parallel_loop3A_215 : i32 to vector<16xi32>
        %parallel_loop3A_217 = arith.cmpi slt, %parallel_loop3A_214, %parallel_loop3A_216 : vector<16xi32>
        %parallel_loop3A_218 = arith.constant 16 : i32
        %parallel_loop3A_219 = vector.broadcast %parallel_loop3A_218 : i32 to vector<16xi32>
        %parallel_loop3A_220 = arith.addi %parallel_loop3A_214, %parallel_loop3A_219 : vector<16xi32>
        %parallel_loop3A_221 = arith.select %parallel_loop3A_217, %parallel_loop3A_220, %parallel_loop3A_214 : vector<16xi1>, vector<16xi32>
        %parallel_loop3A_222 = vector.shape_cast %parallel_loop3A_221 : vector<16xi32> to vector<16x1xi32>
        %parallel_loop3A_223 = vector.shape_cast %parallel_loop3A_222 : vector<16x1xi32> to vector<16xi32>
        %parallel_loop3A_224 = tpu.dynamic_gather %parallel_loop3A_208[%parallel_loop3A_223] in [0] : vector<16xf32>, vector<16xi32> -> vector<16xf32>
        %parallel_loop3A_225 = arith.index_cast %parallel_loop3A_196 : i32 to index
        %parallel_loop3A_226 = arith.constant 0 : index
        %parallel_loop3A_227 = tpu.vector_load %arg8[%parallel_loop3A_225, %parallel_loop3A_226] {strides = array<i32>} : memref<128x80xf32, #tpu.memory_space<vmem>>, vector<16xf32>,
        %parallel_loop3A_228 = arith.mulf %parallel_loop3A_227, %parallel_loop3A_224 : vector<16xf32>
        %parallel_loop3A_229 = arith.index_cast %parallel_loop3A_196 : i32 to index
        %parallel_loop3A_230 = arith.constant 0 : index
        %parallel_loop3A_231 = tpu.vector_load %arg8[%parallel_loop3A_229, %parallel_loop3A_230] {strides = array<i32>} : memref<128x80xf32, #tpu.memory_space<vmem>>, vector<16xf32>,
        tpu.vector_store %arg8[%parallel_loop3A_229, %parallel_loop3A_230], %parallel_loop3A_228 {strides = array<i32>} : memref<128x80xf32, #tpu.memory_space<vmem>>, vector<16xf32>,
        %parallel_loop3A_232 = arith.constant 2 : i32
        %parallel_loop3A_233 = vector.broadcast %parallel_loop3A_232 : i32 to vector<16xi32>
        %parallel_loop3A_234 = arith.addi %shift_right_logical3A_35, %parallel_loop3A_233 : vector<16xi32>
        %parallel_loop3A_235 = arith.constant 0 : i32
        %parallel_loop3A_236 = vector.broadcast %parallel_loop3A_235 : i32 to vector<16xi32>
        %parallel_loop3A_237 = arith.cmpi slt, %parallel_loop3A_234, %parallel_loop3A_236 : vector<16xi32>
        %parallel_loop3A_238 = arith.constant 16 : i32
        %parallel_loop3A_239 = vector.broadcast %parallel_loop3A_238 : i32 to vector<16xi32>
        %parallel_loop3A_240 = arith.addi %parallel_loop3A_234, %parallel_loop3A_239 : vector<16xi32>
        %parallel_loop3A_241 = arith.select %parallel_loop3A_237, %parallel_loop3A_240, %parallel_loop3A_234 : vector<16xi1>, vector<16xi32>
        %parallel_loop3A_242 = vector.shape_cast %parallel_loop3A_241 : vector<16xi32> to vector<16x1xi32>
        %parallel_loop3A_243 = vector.shape_cast %parallel_loop3A_242 : vector<16x1xi32> to vector<16xi32>
        %parallel_loop3A_244 = tpu.dynamic_gather %parallel_loop3A_208[%parallel_loop3A_243] in [0] : vector<16xf32>, vector<16xi32> -> vector<16xf32>
        %parallel_loop3A_245 = arith.index_cast %parallel_loop3A_196 : i32 to index
        %parallel_loop3A_246 = arith.constant 16 : index
        %parallel_loop3A_247 = tpu.vector_load %arg8[%parallel_loop3A_245, %parallel_loop3A_246] {strides = array<i32>} : memref<128x80xf32, #tpu.memory_space<vmem>>, vector<16xf32>,
        %parallel_loop3A_248 = arith.mulf %parallel_loop3A_247, %parallel_loop3A_244 : vector<16xf32>
        %parallel_loop3A_249 = arith.index_cast %parallel_loop3A_196 : i32 to index
        %parallel_loop3A_250 = arith.constant 16 : index
        %parallel_loop3A_251 = tpu.vector_load %arg8[%parallel_loop3A_249, %parallel_loop3A_250] {strides = array<i32>} : memref<128x80xf32, #tpu.memory_space<vmem>>, vector<16xf32>,
        tpu.vector_store %arg8[%parallel_loop3A_249, %parallel_loop3A_250], %parallel_loop3A_248 {strides = array<i32>} : memref<128x80xf32, #tpu.memory_space<vmem>>, vector<16xf32>,
        %parallel_loop3A_252 = arith.constant 4 : i32
        %parallel_loop3A_253 = vector.broadcast %parallel_loop3A_252 : i32 to vector<16xi32>
        %parallel_loop3A_254 = arith.addi %shift_right_logical3A_35, %parallel_loop3A_253 : vector<16xi32>
        %parallel_loop3A_255 = arith.constant 0 : i32
        %parallel_loop3A_256 = vector.broadcast %parallel_loop3A_255 : i32 to vector<16xi32>
        %parallel_loop3A_257 = arith.cmpi slt, %parallel_loop3A_254, %parallel_loop3A_256 : vector<16xi32>
        %parallel_loop3A_258 = arith.constant 16 : i32
        %parallel_loop3A_259 = vector.broadcast %parallel_loop3A_258 : i32 to vector<16xi32>
        %parallel_loop3A_260 = arith.addi %parallel_loop3A_254, %parallel_loop3A_259 : vector<16xi32>
        %parallel_loop3A_261 = arith.select %parallel_loop3A_257, %parallel_loop3A_260, %parallel_loop3A_254 : vector<16xi1>, vector<16xi32>
        %parallel_loop3A_262 = vector.shape_cast %parallel_loop3A_261 : vector<16xi32> to vector<16x1xi32>
        %parallel_loop3A_263 = vector.shape_cast %parallel_loop3A_262 : vector<16x1xi32> to vector<16xi32>
        %parallel_loop3A_264 = tpu.dynamic_gather %parallel_loop3A_208[%parallel_loop3A_263] in [0] : vector<16xf32>, vector<16xi32> -> vector<16xf32>
        %parallel_loop3A_265 = arith.index_cast %parallel_loop3A_196 : i32 to index
        %parallel_loop3A_266 = arith.constant 32 : index
        %parallel_loop3A_267 = tpu.vector_load %arg8[%parallel_loop3A_265, %parallel_loop3A_266] {strides = array<i32>} : memref<128x80xf32, #tpu.memory_space<vmem>>, vector<16xf32>,
        %parallel_loop3A_268 = arith.mulf %parallel_loop3A_267, %parallel_loop3A_264 : vector<16xf32>
        %parallel_loop3A_269 = arith.index_cast %parallel_loop3A_196 : i32 to index
        %parallel_loop3A_270 = arith.constant 32 : index
        %parallel_loop3A_271 = tpu.vector_load %arg8[%parallel_loop3A_269, %parallel_loop3A_270] {strides = array<i32>} : memref<128x80xf32, #tpu.memory_space<vmem>>, vector<16xf32>,
        tpu.vector_store %arg8[%parallel_loop3A_269, %parallel_loop3A_270], %parallel_loop3A_268 {strides = array<i32>} : memref<128x80xf32, #tpu.memory_space<vmem>>, vector<16xf32>,
        %parallel_loop3A_272 = arith.constant 6 : i32
        %parallel_loop3A_273 = vector.broadcast %parallel_loop3A_272 : i32 to vector<16xi32>
        %parallel_loop3A_274 = arith.addi %shift_right_logical3A_35, %parallel_loop3A_273 : vector<16xi32>
        %parallel_loop3A_275 = arith.constant 0 : i32
        %parallel_loop3A_276 = vector.broadcast %parallel_loop3A_275 : i32 to vector<16xi32>
        %parallel_loop3A_277 = arith.cmpi slt, %parallel_loop3A_274, %parallel_loop3A_276 : vector<16xi32>
        %parallel_loop3A_278 = arith.constant 16 : i32
        %parallel_loop3A_279 = vector.broadcast %parallel_loop3A_278 : i32 to vector<16xi32>
        %parallel_loop3A_280 = arith.addi %parallel_loop3A_274, %parallel_loop3A_279 : vector<16xi32>
        %parallel_loop3A_281 = arith.select %parallel_loop3A_277, %parallel_loop3A_280, %parallel_loop3A_274 : vector<16xi1>, vector<16xi32>
        %parallel_loop3A_282 = vector.shape_cast %parallel_loop3A_281 : vector<16xi32> to vector<16x1xi32>
        %parallel_loop3A_283 = vector.shape_cast %parallel_loop3A_282 : vector<16x1xi32> to vector<16xi32>
        %parallel_loop3A_284 = tpu.dynamic_gather %parallel_loop3A_208[%parallel_loop3A_283] in [0] : vector<16xf32>, vector<16xi32> -> vector<16xf32>
        %parallel_loop3A_285 = arith.index_cast %parallel_loop3A_196 : i32 to index
        %parallel_loop3A_286 = arith.constant 48 : index
        %parallel_loop3A_287 = tpu.vector_load %arg8[%parallel_loop3A_285, %parallel_loop3A_286] {strides = array<i32>} : memref<128x80xf32, #tpu.memory_space<vmem>>, vector<16xf32>,
        %parallel_loop3A_288 = arith.mulf %parallel_loop3A_287, %parallel_loop3A_284 : vector<16xf32>
        %parallel_loop3A_289 = arith.index_cast %parallel_loop3A_196 : i32 to index
        %parallel_loop3A_290 = arith.constant 48 : index
        %parallel_loop3A_291 = tpu.vector_load %arg8[%parallel_loop3A_289, %parallel_loop3A_290] {strides = array<i32>} : memref<128x80xf32, #tpu.memory_space<vmem>>, vector<16xf32>,
        tpu.vector_store %arg8[%parallel_loop3A_289, %parallel_loop3A_290], %parallel_loop3A_288 {strides = array<i32>} : memref<128x80xf32, #tpu.memory_space<vmem>>, vector<16xf32>,
      } {sc.loop_unroll_factor = 4 : i64, sc.parallel_access}
      %dma_start3A_157 = arith.constant 1 : i32
      %dma_start3A_158 = arith.constant 0 : i32
      %dma_start3A_159 = tpu.memref_slice %arg6[%add3A_135, %dma_start3A_157, %dma_start3A_158] : memref<96x2x128xi32, #tpu.memory_space<vmem>> -> memref<1x1x128xi32, #tpu.memory_space<vmem>>
      %dma_start3A_160 = tpu.memref_squeeze %dma_start3A_159 : memref<1x1x128xi32, #tpu.memory_space<vmem>> -> memref<128xi32, #tpu.memory_space<vmem>>
      %dma_start3A_161 = arith.constant 0 : i32
      %dma_start3A_162 = arith.constant 0 : i32
      %dma_start3A_163 = tpu.memref_slice %arg13[%dma_start3A_161, %dma_start3A_162] : memref<10240x80xf32, #tpu.memory_space<vmem_shared>> -> memref<10240x80xf32, #tpu.memory_space<vmem_shared>>
      tpu.enqueue_indirect_dma source(%arg8 : memref<128x80xf32, #tpu.memory_space<vmem>>) target(%dma_start3A_163 : memref<10240x80xf32, #tpu.memory_space<vmem_shared>>) offsets(%dma_start3A_160 : memref<128xi32, #tpu.memory_space<vmem>>) semaphore(%arg18 : memref<!tpu.dma_semaphore, #tpu.memory_space<semaphore_mem>>) {add = true}
      %mul3A_164 = arith.constant 3 : i32
      %mul3A_165 = arith.muli %mul3A_164, %while3A_103 : i32
      %add3A_166 = arith.constant 2 : i32
      %add3A_167 = arith.addi %mul3A_165, %add3A_166 : i32
      %add3A_168 = arith.constant 1 : i32
      %add3A_169 = arith.addi %add3A_167, %add3A_168 : i32
      %lt3A_170 = arith.cmpi slt, %add3A_169, %select_n3A : i32
      %convert_element_type3A_171 = arith.extui %lt3A_170 : i1 to i32
      %cond3A_172 = arith.constant 0 : i32
      %cond3A_173 = arith.cmpi ne, %convert_element_type3A_171, %cond3A_172 : i32
      scf.if %cond3A_173 {
        %ge3A = arith.constant 2 : i32
        %ge3A_196 = arith.cmpi sge, %add3A_167, %ge3A : i32
        %convert_element_type3A_197 = arith.extui %ge3A_196 : i1 to i32
        %cond3A_198 = arith.constant 0 : i32
        %cond3A_199 = arith.cmpi ne, %convert_element_type3A_197, %cond3A_198 : i32
        scf.if %cond3A_199 {
          %dma_wait3A_216 = arith.constant 0 : i32
          %dma_wait3A_217 = arith.constant 0 : i32
          %dma_wait3A_218 = tpu.memref_slice %arg13[%dma_wait3A_216, %dma_wait3A_217] : memref<10240x80xf32, #tpu.memory_space<vmem_shared>> -> memref<128x80xf32, #tpu.memory_space<vmem_shared>>
          %dma_wait3A_219 = arith.constant 0 : i32
          %dma_wait3A_220 = arith.constant 0 : i32
          %dma_wait3A_221 = tpu.memref_slice %arg13[%dma_wait3A_219, %dma_wait3A_220] : memref<10240x80xf32, #tpu.memory_space<vmem_shared>> -> memref<128x80xf32, #tpu.memory_space<vmem_shared>>
          tpu.wait_dma2 semaphore(%arg17 : memref<!tpu.dma_semaphore, #tpu.memory_space<semaphore_mem>>) src(%arg7 : memref<128x80xf32, #tpu.memory_space<vmem>>) dst(%dma_wait3A_221 : memref<128x80xf32, #tpu.memory_space<vmem_shared>>)
        } else {
        }
        %add3A_200 = arith.constant 1 : i32
        %add3A_201 = arith.addi %add3A_167, %add3A_200 : i32
        %dma_start3A_202 = arith.constant 0 : i32
        %dma_start3A_203 = arith.constant 0 : i32
        %dma_start3A_204 = tpu.memref_slice %arg6[%add3A_201, %dma_start3A_202, %dma_start3A_203] : memref<96x2x128xi32, #tpu.memory_space<vmem>> -> memref<1x1x128xi32, #tpu.memory_space<vmem>>
        %dma_start3A_205 = tpu.memref_squeeze %dma_start3A_204 : memref<1x1x128xi32, #tpu.memory_space<vmem>> -> memref<128xi32, #tpu.memory_space<vmem>>
        %dma_start3A_206 = arith.constant 0 : i32
        %dma_start3A_207 = arith.constant 0 : i32
        %dma_start3A_208 = tpu.memref_slice %arg3[%dma_start3A_206, %dma_start3A_207] : memref<10240x80xf32, #tpu.memory_space<hbm>> -> memref<10240x80xf32, #tpu.memory_space<hbm>>
        tpu.enqueue_indirect_dma source(%dma_start3A_208 : memref<10240x80xf32, #tpu.memory_space<hbm>>) target(%arg7 : memref<128x80xf32, #tpu.memory_space<vmem>>) offsets(%dma_start3A_205 : memref<128xi32, #tpu.memory_space<vmem>>) semaphore(%arg14 : memref<!tpu.dma_semaphore, #tpu.memory_space<semaphore_mem>>)
        %dma_start3A_209 = arith.constant 1 : i32
        %dma_start3A_210 = arith.constant 0 : i32
        %dma_start3A_211 = tpu.memref_slice %arg6[%add3A_201, %dma_start3A_209, %dma_start3A_210] : memref<96x2x128xi32, #tpu.memory_space<vmem>> -> memref<1x1x128xi32, #tpu.memory_space<vmem>>
        %dma_start3A_212 = tpu.memref_squeeze %dma_start3A_211 : memref<1x1x128xi32, #tpu.memory_space<vmem>> -> memref<128xi32, #tpu.memory_space<vmem>>
        %dma_start3A_213 = arith.constant 0 : i32
        %dma_start3A_214 = arith.constant 0 : i32
        %dma_start3A_215 = tpu.memref_slice %arg4[%dma_start3A_213, %dma_start3A_214] : memref<10240x16xf32, #tpu.memory_space<hbm>> -> memref<10240x16xf32, #tpu.memory_space<hbm>>
        tpu.enqueue_indirect_dma source(%dma_start3A_215 : memref<10240x16xf32, #tpu.memory_space<hbm>>) target(%arg10 : memref<128x16xf32, #tpu.memory_space<vmem>>) offsets(%dma_start3A_212 : memref<128xi32, #tpu.memory_space<vmem>>) semaphore(%arg14 : memref<!tpu.dma_semaphore, #tpu.memory_space<semaphore_mem>>)
      } else {
      }
      %dma_wait3A_174 = arith.constant 0 : i32
      %dma_wait3A_175 = arith.constant 0 : i32
      %dma_wait3A_176 = tpu.memref_slice %arg3[%dma_wait3A_174, %dma_wait3A_175] : memref<10240x80xf32, #tpu.memory_space<hbm>> -> memref<128x80xf32, #tpu.memory_space<hbm>>
      %dma_wait3A_177 = arith.constant 0 : i32
      %dma_wait3A_178 = arith.constant 0 : i32
      %dma_wait3A_179 = tpu.memref_slice %arg3[%dma_wait3A_177, %dma_wait3A_178] : memref<10240x80xf32, #tpu.memory_space<hbm>> -> memref<128x80xf32, #tpu.memory_space<hbm>>
      tpu.wait_dma2 semaphore(%arg16 : memref<!tpu.dma_semaphore, #tpu.memory_space<semaphore_mem>>) src(%dma_wait3A_179 : memref<128x80xf32, #tpu.memory_space<hbm>>) dst(%arg9 : memref<128x80xf32, #tpu.memory_space<vmem>>)
      %dma_wait3A_180 = arith.constant 0 : i32
      %dma_wait3A_181 = arith.constant 0 : i32
      %dma_wait3A_182 = tpu.memref_slice %arg4[%dma_wait3A_180, %dma_wait3A_181] : memref<10240x16xf32, #tpu.memory_space<hbm>> -> memref<128x16xf32, #tpu.memory_space<hbm>>
      %dma_wait3A_183 = arith.constant 0 : i32
      %dma_wait3A_184 = arith.constant 0 : i32
      %dma_wait3A_185 = tpu.memref_slice %arg4[%dma_wait3A_183, %dma_wait3A_184] : memref<10240x16xf32, #tpu.memory_space<hbm>> -> memref<128x16xf32, #tpu.memory_space<hbm>>
      tpu.wait_dma2 semaphore(%arg16 : memref<!tpu.dma_semaphore, #tpu.memory_space<semaphore_mem>>) src(%dma_wait3A_185 : memref<128x16xf32, #tpu.memory_space<hbm>>) dst(%arg12 : memref<128x16xf32, #tpu.memory_space<vmem>>)
      %parallel_loop3A_186 = arith.constant 0 : i32
      %parallel_loop3A_187 = arith.constant 128 : i32
      %parallel_loop3A_188 = arith.constant 1 : i32
      scf.for %parallel_loop3A_196 = %parallel_loop3A_186 to %parallel_loop3A_187 step %parallel_loop3A_188  : i32 {
        %parallel_loop3A_197 = arith.index_cast %parallel_loop3A_196 : i32 to index
        %parallel_loop3A_198 = arith.constant 0 : index
        %parallel_loop3A_199 = tpu.vector_load %arg12[%parallel_loop3A_197, %parallel_loop3A_198] {strides = array<i32>} : memref<128x16xf32, #tpu.memory_space<vmem>>, vector<16xf32>,
        %parallel_loop3A_200 = arith.index_cast %parallel_loop3A_196 : i32 to index
        %parallel_loop3A_201 = arith.constant 64 : index
        %parallel_loop3A_202 = tpu.vector_load %arg9[%parallel_loop3A_200, %parallel_loop3A_201] {strides = array<i32>} : memref<128x80xf32, #tpu.memory_space<vmem>>, vector<16xf32>,
        %parallel_loop3A_203 = arith.addf %parallel_loop3A_202, %parallel_loop3A_199 : vector<16xf32>
        %parallel_loop3A_204 = arith.constant 2.000000e-01 : f32
        %parallel_loop3A_205 = vector.broadcast %parallel_loop3A_204 : f32 to vector<16xf32>
        %parallel_loop3A_206 = arith.mulf %parallel_loop3A_203, %parallel_loop3A_205 : vector<16xf32>
        %parallel_loop3A_207 = arith.maximumf %parallel_loop3A_203, %parallel_loop3A_206 : vector<16xf32>
        %parallel_loop3A_208 = math.exp %parallel_loop3A_207 : vector<16xf32>
        %parallel_loop3A_209 = arith.index_cast %parallel_loop3A_196 : i32 to index
        %parallel_loop3A_210 = arith.constant 64 : index
        %parallel_loop3A_211 = tpu.vector_load %arg9[%parallel_loop3A_209, %parallel_loop3A_210] {strides = array<i32>} : memref<128x80xf32, #tpu.memory_space<vmem>>, vector<16xf32>,
        tpu.vector_store %arg9[%parallel_loop3A_209, %parallel_loop3A_210], %parallel_loop3A_208 {strides = array<i32>} : memref<128x80xf32, #tpu.memory_space<vmem>>, vector<16xf32>,
        %parallel_loop3A_212 = arith.constant 0 : i32
        %parallel_loop3A_213 = vector.broadcast %parallel_loop3A_212 : i32 to vector<16xi32>
        %parallel_loop3A_214 = arith.addi %shift_right_logical3A_35, %parallel_loop3A_213 : vector<16xi32>
        %parallel_loop3A_215 = arith.constant 0 : i32
        %parallel_loop3A_216 = vector.broadcast %parallel_loop3A_215 : i32 to vector<16xi32>
        %parallel_loop3A_217 = arith.cmpi slt, %parallel_loop3A_214, %parallel_loop3A_216 : vector<16xi32>
        %parallel_loop3A_218 = arith.constant 16 : i32
        %parallel_loop3A_219 = vector.broadcast %parallel_loop3A_218 : i32 to vector<16xi32>
        %parallel_loop3A_220 = arith.addi %parallel_loop3A_214, %parallel_loop3A_219 : vector<16xi32>
        %parallel_loop3A_221 = arith.select %parallel_loop3A_217, %parallel_loop3A_220, %parallel_loop3A_214 : vector<16xi1>, vector<16xi32>
        %parallel_loop3A_222 = vector.shape_cast %parallel_loop3A_221 : vector<16xi32> to vector<16x1xi32>
        %parallel_loop3A_223 = vector.shape_cast %parallel_loop3A_222 : vector<16x1xi32> to vector<16xi32>
        %parallel_loop3A_224 = tpu.dynamic_gather %parallel_loop3A_208[%parallel_loop3A_223] in [0] : vector<16xf32>, vector<16xi32> -> vector<16xf32>
        %parallel_loop3A_225 = arith.index_cast %parallel_loop3A_196 : i32 to index
        %parallel_loop3A_226 = arith.constant 0 : index
        %parallel_loop3A_227 = tpu.vector_load %arg9[%parallel_loop3A_225, %parallel_loop3A_226] {strides = array<i32>} : memref<128x80xf32, #tpu.memory_space<vmem>>, vector<16xf32>,
        %parallel_loop3A_228 = arith.mulf %parallel_loop3A_227, %parallel_loop3A_224 : vector<16xf32>
        %parallel_loop3A_229 = arith.index_cast %parallel_loop3A_196 : i32 to index
        %parallel_loop3A_230 = arith.constant 0 : index
        %parallel_loop3A_231 = tpu.vector_load %arg9[%parallel_loop3A_229, %parallel_loop3A_230] {strides = array<i32>} : memref<128x80xf32, #tpu.memory_space<vmem>>, vector<16xf32>,
        tpu.vector_store %arg9[%parallel_loop3A_229, %parallel_loop3A_230], %parallel_loop3A_228 {strides = array<i32>} : memref<128x80xf32, #tpu.memory_space<vmem>>, vector<16xf32>,
        %parallel_loop3A_232 = arith.constant 2 : i32
        %parallel_loop3A_233 = vector.broadcast %parallel_loop3A_232 : i32 to vector<16xi32>
        %parallel_loop3A_234 = arith.addi %shift_right_logical3A_35, %parallel_loop3A_233 : vector<16xi32>
        %parallel_loop3A_235 = arith.constant 0 : i32
        %parallel_loop3A_236 = vector.broadcast %parallel_loop3A_235 : i32 to vector<16xi32>
        %parallel_loop3A_237 = arith.cmpi slt, %parallel_loop3A_234, %parallel_loop3A_236 : vector<16xi32>
        %parallel_loop3A_238 = arith.constant 16 : i32
        %parallel_loop3A_239 = vector.broadcast %parallel_loop3A_238 : i32 to vector<16xi32>
        %parallel_loop3A_240 = arith.addi %parallel_loop3A_234, %parallel_loop3A_239 : vector<16xi32>
        %parallel_loop3A_241 = arith.select %parallel_loop3A_237, %parallel_loop3A_240, %parallel_loop3A_234 : vector<16xi1>, vector<16xi32>
        %parallel_loop3A_242 = vector.shape_cast %parallel_loop3A_241 : vector<16xi32> to vector<16x1xi32>
        %parallel_loop3A_243 = vector.shape_cast %parallel_loop3A_242 : vector<16x1xi32> to vector<16xi32>
        %parallel_loop3A_244 = tpu.dynamic_gather %parallel_loop3A_208[%parallel_loop3A_243] in [0] : vector<16xf32>, vector<16xi32> -> vector<16xf32>
        %parallel_loop3A_245 = arith.index_cast %parallel_loop3A_196 : i32 to index
        %parallel_loop3A_246 = arith.constant 16 : index
        %parallel_loop3A_247 = tpu.vector_load %arg9[%parallel_loop3A_245, %parallel_loop3A_246] {strides = array<i32>} : memref<128x80xf32, #tpu.memory_space<vmem>>, vector<16xf32>,
        %parallel_loop3A_248 = arith.mulf %parallel_loop3A_247, %parallel_loop3A_244 : vector<16xf32>
        %parallel_loop3A_249 = arith.index_cast %parallel_loop3A_196 : i32 to index
        %parallel_loop3A_250 = arith.constant 16 : index
        %parallel_loop3A_251 = tpu.vector_load %arg9[%parallel_loop3A_249, %parallel_loop3A_250] {strides = array<i32>} : memref<128x80xf32, #tpu.memory_space<vmem>>, vector<16xf32>,
        tpu.vector_store %arg9[%parallel_loop3A_249, %parallel_loop3A_250], %parallel_loop3A_248 {strides = array<i32>} : memref<128x80xf32, #tpu.memory_space<vmem>>, vector<16xf32>,
        %parallel_loop3A_252 = arith.constant 4 : i32
        %parallel_loop3A_253 = vector.broadcast %parallel_loop3A_252 : i32 to vector<16xi32>
        %parallel_loop3A_254 = arith.addi %shift_right_logical3A_35, %parallel_loop3A_253 : vector<16xi32>
        %parallel_loop3A_255 = arith.constant 0 : i32
        %parallel_loop3A_256 = vector.broadcast %parallel_loop3A_255 : i32 to vector<16xi32>
        %parallel_loop3A_257 = arith.cmpi slt, %parallel_loop3A_254, %parallel_loop3A_256 : vector<16xi32>
        %parallel_loop3A_258 = arith.constant 16 : i32
        %parallel_loop3A_259 = vector.broadcast %parallel_loop3A_258 : i32 to vector<16xi32>
        %parallel_loop3A_260 = arith.addi %parallel_loop3A_254, %parallel_loop3A_259 : vector<16xi32>
        %parallel_loop3A_261 = arith.select %parallel_loop3A_257, %parallel_loop3A_260, %parallel_loop3A_254 : vector<16xi1>, vector<16xi32>
        %parallel_loop3A_262 = vector.shape_cast %parallel_loop3A_261 : vector<16xi32> to vector<16x1xi32>
        %parallel_loop3A_263 = vector.shape_cast %parallel_loop3A_262 : vector<16x1xi32> to vector<16xi32>
        %parallel_loop3A_264 = tpu.dynamic_gather %parallel_loop3A_208[%parallel_loop3A_263] in [0] : vector<16xf32>, vector<16xi32> -> vector<16xf32>
        %parallel_loop3A_265 = arith.index_cast %parallel_loop3A_196 : i32 to index
        %parallel_loop3A_266 = arith.constant 32 : index
        %parallel_loop3A_267 = tpu.vector_load %arg9[%parallel_loop3A_265, %parallel_loop3A_266] {strides = array<i32>} : memref<128x80xf32, #tpu.memory_space<vmem>>, vector<16xf32>,
        %parallel_loop3A_268 = arith.mulf %parallel_loop3A_267, %parallel_loop3A_264 : vector<16xf32>
        %parallel_loop3A_269 = arith.index_cast %parallel_loop3A_196 : i32 to index
        %parallel_loop3A_270 = arith.constant 32 : index
        %parallel_loop3A_271 = tpu.vector_load %arg9[%parallel_loop3A_269, %parallel_loop3A_270] {strides = array<i32>} : memref<128x80xf32, #tpu.memory_space<vmem>>, vector<16xf32>,
        tpu.vector_store %arg9[%parallel_loop3A_269, %parallel_loop3A_270], %parallel_loop3A_268 {strides = array<i32>} : memref<128x80xf32, #tpu.memory_space<vmem>>, vector<16xf32>,
        %parallel_loop3A_272 = arith.constant 6 : i32
        %parallel_loop3A_273 = vector.broadcast %parallel_loop3A_272 : i32 to vector<16xi32>
        %parallel_loop3A_274 = arith.addi %shift_right_logical3A_35, %parallel_loop3A_273 : vector<16xi32>
        %parallel_loop3A_275 = arith.constant 0 : i32
        %parallel_loop3A_276 = vector.broadcast %parallel_loop3A_275 : i32 to vector<16xi32>
        %parallel_loop3A_277 = arith.cmpi slt, %parallel_loop3A_274, %parallel_loop3A_276 : vector<16xi32>
        %parallel_loop3A_278 = arith.constant 16 : i32
        %parallel_loop3A_279 = vector.broadcast %parallel_loop3A_278 : i32 to vector<16xi32>
        %parallel_loop3A_280 = arith.addi %parallel_loop3A_274, %parallel_loop3A_279 : vector<16xi32>
        %parallel_loop3A_281 = arith.select %parallel_loop3A_277, %parallel_loop3A_280, %parallel_loop3A_274 : vector<16xi1>, vector<16xi32>
        %parallel_loop3A_282 = vector.shape_cast %parallel_loop3A_281 : vector<16xi32> to vector<16x1xi32>
        %parallel_loop3A_283 = vector.shape_cast %parallel_loop3A_282 : vector<16x1xi32> to vector<16xi32>
        %parallel_loop3A_284 = tpu.dynamic_gather %parallel_loop3A_208[%parallel_loop3A_283] in [0] : vector<16xf32>, vector<16xi32> -> vector<16xf32>
        %parallel_loop3A_285 = arith.index_cast %parallel_loop3A_196 : i32 to index
        %parallel_loop3A_286 = arith.constant 48 : index
        %parallel_loop3A_287 = tpu.vector_load %arg9[%parallel_loop3A_285, %parallel_loop3A_286] {strides = array<i32>} : memref<128x80xf32, #tpu.memory_space<vmem>>, vector<16xf32>,
        %parallel_loop3A_288 = arith.mulf %parallel_loop3A_287, %parallel_loop3A_284 : vector<16xf32>
        %parallel_loop3A_289 = arith.index_cast %parallel_loop3A_196 : i32 to index
        %parallel_loop3A_290 = arith.constant 48 : index
        %parallel_loop3A_291 = tpu.vector_load %arg9[%parallel_loop3A_289, %parallel_loop3A_290] {strides = array<i32>} : memref<128x80xf32, #tpu.memory_space<vmem>>, vector<16xf32>,
        tpu.vector_store %arg9[%parallel_loop3A_289, %parallel_loop3A_290], %parallel_loop3A_288 {strides = array<i32>} : memref<128x80xf32, #tpu.memory_space<vmem>>, vector<16xf32>,
      } {sc.loop_unroll_factor = 4 : i64, sc.parallel_access}
      %dma_start3A_189 = arith.constant 1 : i32
      %dma_start3A_190 = arith.constant 0 : i32
      %dma_start3A_191 = tpu.memref_slice %arg6[%add3A_167, %dma_start3A_189, %dma_start3A_190] : memref<96x2x128xi32, #tpu.memory_space<vmem>> -> memref<1x1x128xi32, #tpu.memory_space<vmem>>
      %dma_start3A_192 = tpu.memref_squeeze %dma_start3A_191 : memref<1x1x128xi32, #tpu.memory_space<vmem>> -> memref<128xi32, #tpu.memory_space<vmem>>
      %dma_start3A_193 = arith.constant 0 : i32
      %dma_start3A_194 = arith.constant 0 : i32
      %dma_start3A_195 = tpu.memref_slice %arg13[%dma_start3A_193, %dma_start3A_194] : memref<10240x80xf32, #tpu.memory_space<vmem_shared>> -> memref<10240x80xf32, #tpu.memory_space<vmem_shared>>
      tpu.enqueue_indirect_dma source(%arg9 : memref<128x80xf32, #tpu.memory_space<vmem>>) target(%dma_start3A_195 : memref<10240x80xf32, #tpu.memory_space<vmem_shared>>) offsets(%dma_start3A_192 : memref<128xi32, #tpu.memory_space<vmem>>) semaphore(%arg19 : memref<!tpu.dma_semaphore, #tpu.memory_space<semaphore_mem>>) {add = true}
    }
    %dma_wait3A = arith.constant 0 : i32
    %dma_wait3A_65 = arith.constant 0 : i32
    %dma_wait3A_66 = tpu.memref_slice %arg13[%dma_wait3A, %dma_wait3A_65] : memref<10240x80xf32, #tpu.memory_space<vmem_shared>> -> memref<128x80xf32, #tpu.memory_space<vmem_shared>>
    %dma_wait3A_67 = arith.constant 0 : i32
    %dma_wait3A_68 = arith.constant 0 : i32
    %dma_wait3A_69 = tpu.memref_slice %arg13[%dma_wait3A_67, %dma_wait3A_68] : memref<10240x80xf32, #tpu.memory_space<vmem_shared>> -> memref<128x80xf32, #tpu.memory_space<vmem_shared>>
    tpu.wait_dma2 semaphore(%arg17 : memref<!tpu.dma_semaphore, #tpu.memory_space<semaphore_mem>>) src(%arg7 : memref<128x80xf32, #tpu.memory_space<vmem>>) dst(%dma_wait3A_69 : memref<128x80xf32, #tpu.memory_space<vmem_shared>>)
    %dma_wait3A_70 = arith.constant 0 : i32
    %dma_wait3A_71 = arith.constant 0 : i32
    %dma_wait3A_72 = tpu.memref_slice %arg13[%dma_wait3A_70, %dma_wait3A_71] : memref<10240x80xf32, #tpu.memory_space<vmem_shared>> -> memref<128x80xf32, #tpu.memory_space<vmem_shared>>
    %dma_wait3A_73 = arith.constant 0 : i32
    %dma_wait3A_74 = arith.constant 0 : i32
    %dma_wait3A_75 = tpu.memref_slice %arg13[%dma_wait3A_73, %dma_wait3A_74] : memref<10240x80xf32, #tpu.memory_space<vmem_shared>> -> memref<128x80xf32, #tpu.memory_space<vmem_shared>>
    tpu.wait_dma2 semaphore(%arg18 : memref<!tpu.dma_semaphore, #tpu.memory_space<semaphore_mem>>) src(%arg8 : memref<128x80xf32, #tpu.memory_space<vmem>>) dst(%dma_wait3A_75 : memref<128x80xf32, #tpu.memory_space<vmem_shared>>)
    %dma_wait3A_76 = arith.constant 0 : i32
    %dma_wait3A_77 = arith.constant 0 : i32
    %dma_wait3A_78 = tpu.memref_slice %arg13[%dma_wait3A_76, %dma_wait3A_77] : memref<10240x80xf32, #tpu.memory_space<vmem_shared>> -> memref<128x80xf32, #tpu.memory_space<vmem_shared>>
    %dma_wait3A_79 = arith.constant 0 : i32
    %dma_wait3A_80 = arith.constant 0 : i32
    %dma_wait3A_81 = tpu.memref_slice %arg13[%dma_wait3A_79, %dma_wait3A_80] : memref<10240x80xf32, #tpu.memory_space<vmem_shared>> -> memref<128x80xf32, #tpu.memory_space<vmem_shared>>
    tpu.wait_dma2 semaphore(%arg19 : memref<!tpu.dma_semaphore, #tpu.memory_space<semaphore_mem>>) src(%arg9 : memref<128x80xf32, #tpu.memory_space<vmem>>) dst(%dma_wait3A_81 : memref<128x80xf32, #tpu.memory_space<vmem_shared>>)
    %barrier3A_82 = arith.constant 0 : index
    tpu.barrier barrier_id(%barrier3A_82)
    %add3A_83 = arith.constant 0 : i32
    %add3A_84 = arith.addi %mul3A_2, %add3A_83 : i32
    "tpu.region"() ({
      %run_scoped3A = tpu.sem_alloc : memref<!tpu.dma_semaphore, #tpu.memory_space<semaphore_mem>>
      %dma_start3A_103 = arith.constant 0 : i32
      %dma_start3A_104 = tpu.memref_slice %arg13[%add3A_84, %dma_start3A_103] : memref<10240x80xf32, #tpu.memory_space<vmem_shared>> -> memref<128x80xf32, #tpu.memory_space<vmem_shared>>
      %dma_start3A_105 = arith.constant 0 : i32
      %dma_start3A_106 = tpu.memref_slice %arg13[%add3A_84, %dma_start3A_105] : memref<10240x80xf32, #tpu.memory_space<vmem_shared>> -> memref<128x80xf32, #tpu.memory_space<vmem_shared>>
      tpu.enqueue_dma source(%dma_start3A_106 : memref<128x80xf32, #tpu.memory_space<vmem_shared>>) target(%arg7 : memref<128x80xf32, #tpu.memory_space<vmem>>) target_semaphore(%run_scoped3A : memref<!tpu.dma_semaphore, #tpu.memory_space<semaphore_mem>>)
      %dma_wait3A_107 = arith.constant 0 : i32
      %dma_wait3A_108 = tpu.memref_slice %arg13[%add3A_84, %dma_wait3A_107] : memref<10240x80xf32, #tpu.memory_space<vmem_shared>> -> memref<128x80xf32, #tpu.memory_space<vmem_shared>>
      %dma_wait3A_109 = arith.constant 0 : i32
      %dma_wait3A_110 = tpu.memref_slice %arg13[%add3A_84, %dma_wait3A_109] : memref<10240x80xf32, #tpu.memory_space<vmem_shared>> -> memref<128x80xf32, #tpu.memory_space<vmem_shared>>
      tpu.wait_dma2 semaphore(%run_scoped3A : memref<!tpu.dma_semaphore, #tpu.memory_space<semaphore_mem>>) src(%dma_wait3A_110 : memref<128x80xf32, #tpu.memory_space<vmem_shared>>) dst(%arg7 : memref<128x80xf32, #tpu.memory_space<vmem>>)
      tpu.yield
    }) : () -> ()
    %add3A_85 = arith.constant 0 : i32
    %add3A_86 = arith.addi %mul3A_2, %add3A_85 : i32
    "tpu.region"() ({
      %run_scoped3A = tpu.sem_alloc : memref<!tpu.dma_semaphore, #tpu.memory_space<semaphore_mem>>
      %dma_start3A_103 = arith.constant 0 : i32
      %dma_start3A_104 = tpu.memref_slice %arg5[%arg0, %add3A_86, %dma_start3A_103] : memref<2x10240x80xf32, #tpu.memory_space<hbm>> -> memref<1x128x80xf32, #tpu.memory_space<hbm>>
      %dma_start3A_105 = tpu.memref_squeeze %dma_start3A_104 : memref<1x128x80xf32, #tpu.memory_space<hbm>> -> memref<128x80xf32, #tpu.memory_space<hbm>>
      %dma_start3A_106 = arith.constant 0 : i32
      %dma_start3A_107 = tpu.memref_slice %arg5[%arg0, %add3A_86, %dma_start3A_106] : memref<2x10240x80xf32, #tpu.memory_space<hbm>> -> memref<1x128x80xf32, #tpu.memory_space<hbm>>
      %dma_start3A_108 = tpu.memref_squeeze %dma_start3A_107 : memref<1x128x80xf32, #tpu.memory_space<hbm>> -> memref<128x80xf32, #tpu.memory_space<hbm>>
      tpu.enqueue_dma source(%arg7 : memref<128x80xf32, #tpu.memory_space<vmem>>) target(%dma_start3A_108 : memref<128x80xf32, #tpu.memory_space<hbm>>) target_semaphore(%run_scoped3A : memref<!tpu.dma_semaphore, #tpu.memory_space<semaphore_mem>>)
      %dma_wait3A_109 = arith.constant 0 : i32
      %dma_wait3A_110 = tpu.memref_slice %arg5[%arg0, %add3A_86, %dma_wait3A_109] : memref<2x10240x80xf32, #tpu.memory_space<hbm>> -> memref<1x128x80xf32, #tpu.memory_space<hbm>>
      %dma_wait3A_111 = tpu.memref_squeeze %dma_wait3A_110 : memref<1x128x80xf32, #tpu.memory_space<hbm>> -> memref<128x80xf32, #tpu.memory_space<hbm>>
      %dma_wait3A_112 = arith.constant 0 : i32
      %dma_wait3A_113 = tpu.memref_slice %arg5[%arg0, %add3A_86, %dma_wait3A_112] : memref<2x10240x80xf32, #tpu.memory_space<hbm>> -> memref<1x128x80xf32, #tpu.memory_space<hbm>>
      %dma_wait3A_114 = tpu.memref_squeeze %dma_wait3A_113 : memref<1x128x80xf32, #tpu.memory_space<hbm>> -> memref<128x80xf32, #tpu.memory_space<hbm>>
      tpu.wait_dma2 semaphore(%run_scoped3A : memref<!tpu.dma_semaphore, #tpu.memory_space<semaphore_mem>>) src(%arg7 : memref<128x80xf32, #tpu.memory_space<vmem>>) dst(%dma_wait3A_114 : memref<128x80xf32, #tpu.memory_space<hbm>>)
      tpu.yield
    }) : () -> ()
    %add3A_87 = arith.constant 128 : i32
    %add3A_88 = arith.addi %mul3A_2, %add3A_87 : i32
    "tpu.region"() ({
      %run_scoped3A = tpu.sem_alloc : memref<!tpu.dma_semaphore, #tpu.memory_space<semaphore_mem>>
      %dma_start3A_103 = arith.constant 0 : i32
      %dma_start3A_104 = tpu.memref_slice %arg13[%add3A_88, %dma_start3A_103] : memref<10240x80xf32, #tpu.memory_space<vmem_shared>> -> memref<128x80xf32, #tpu.memory_space<vmem_shared>>
      %dma_start3A_105 = arith.constant 0 : i32
      %dma_start3A_106 = tpu.memref_slice %arg13[%add3A_88, %dma_start3A_105] : memref<10240x80xf32, #tpu.memory_space<vmem_shared>> -> memref<128x80xf32, #tpu.memory_space<vmem_shared>>
      tpu.enqueue_dma source(%dma_start3A_106 : memref<128x80xf32, #tpu.memory_space<vmem_shared>>) target(%arg7 : memref<128x80xf32, #tpu.memory_space<vmem>>) target_semaphore(%run_scoped3A : memref<!tpu.dma_semaphore, #tpu.memory_space<semaphore_mem>>)
      %dma_wait3A_107 = arith.constant 0 : i32
      %dma_wait3A_108 = tpu.memref_slice %arg13[%add3A_88, %dma_wait3A_107] : memref<10240x80xf32, #tpu.memory_space<vmem_shared>> -> memref<128x80xf32, #tpu.memory_space<vmem_shared>>
      %dma_wait3A_109 = arith.constant 0 : i32
      %dma_wait3A_110 = tpu.memref_slice %arg13[%add3A_88, %dma_wait3A_109] : memref<10240x80xf32, #tpu.memory_space<vmem_shared>> -> memref<128x80xf32, #tpu.memory_space<vmem_shared>>
      tpu.wait_dma2 semaphore(%run_scoped3A : memref<!tpu.dma_semaphore, #tpu.memory_space<semaphore_mem>>) src(%dma_wait3A_110 : memref<128x80xf32, #tpu.memory_space<vmem_shared>>) dst(%arg7 : memref<128x80xf32, #tpu.memory_space<vmem>>)
      tpu.yield
    }) : () -> ()
    %add3A_89 = arith.constant 128 : i32
    %add3A_90 = arith.addi %mul3A_2, %add3A_89 : i32
    "tpu.region"() ({
      %run_scoped3A = tpu.sem_alloc : memref<!tpu.dma_semaphore, #tpu.memory_space<semaphore_mem>>
      %dma_start3A_103 = arith.constant 0 : i32
      %dma_start3A_104 = tpu.memref_slice %arg5[%arg0, %add3A_90, %dma_start3A_103] : memref<2x10240x80xf32, #tpu.memory_space<hbm>> -> memref<1x128x80xf32, #tpu.memory_space<hbm>>
      %dma_start3A_105 = tpu.memref_squeeze %dma_start3A_104 : memref<1x128x80xf32, #tpu.memory_space<hbm>> -> memref<128x80xf32, #tpu.memory_space<hbm>>
      %dma_start3A_106 = arith.constant 0 : i32
      %dma_start3A_107 = tpu.memref_slice %arg5[%arg0, %add3A_90, %dma_start3A_106] : memref<2x10240x80xf32, #tpu.memory_space<hbm>> -> memref<1x128x80xf32, #tpu.memory_space<hbm>>
      %dma_start3A_108 = tpu.memref_squeeze %dma_start3A_107 : memref<1x128x80xf32, #tpu.memory_space<hbm>> -> memref<128x80xf32, #tpu.memory_space<hbm>>
      tpu.enqueue_dma source(%arg7 : memref<128x80xf32, #tpu.memory_space<vmem>>) target(%dma_start3A_108 : memref<128x80xf32, #tpu.memory_space<hbm>>) target_semaphore(%run_scoped3A : memref<!tpu.dma_semaphore, #tpu.memory_space<semaphore_mem>>)
      %dma_wait3A_109 = arith.constant 0 : i32
      %dma_wait3A_110 = tpu.memref_slice %arg5[%arg0, %add3A_90, %dma_wait3A_109] : memref<2x10240x80xf32, #tpu.memory_space<hbm>> -> memref<1x128x80xf32, #tpu.memory_space<hbm>>
      %dma_wait3A_111 = tpu.memref_squeeze %dma_wait3A_110 : memref<1x128x80xf32, #tpu.memory_space<hbm>> -> memref<128x80xf32, #tpu.memory_space<hbm>>
      %dma_wait3A_112 = arith.constant 0 : i32
      %dma_wait3A_113 = tpu.memref_slice %arg5[%arg0, %add3A_90, %dma_wait3A_112] : memref<2x10240x80xf32, #tpu.memory_space<hbm>> -> memref<1x128x80xf32, #tpu.memory_space<hbm>>
      %dma_wait3A_114 = tpu.memref_squeeze %dma_wait3A_113 : memref<1x128x80xf32, #tpu.memory_space<hbm>> -> memref<128x80xf32, #tpu.memory_space<hbm>>
      tpu.wait_dma2 semaphore(%run_scoped3A : memref<!tpu.dma_semaphore, #tpu.memory_space<semaphore_mem>>) src(%arg7 : memref<128x80xf32, #tpu.memory_space<vmem>>) dst(%dma_wait3A_114 : memref<128x80xf32, #tpu.memory_space<hbm>>)
      tpu.yield
    }) : () -> ()
    %add3A_91 = arith.constant 256 : i32
    %add3A_92 = arith.addi %mul3A_2, %add3A_91 : i32
    "tpu.region"() ({
      %run_scoped3A = tpu.sem_alloc : memref<!tpu.dma_semaphore, #tpu.memory_space<semaphore_mem>>
      %dma_start3A_103 = arith.constant 0 : i32
      %dma_start3A_104 = tpu.memref_slice %arg13[%add3A_92, %dma_start3A_103] : memref<10240x80xf32, #tpu.memory_space<vmem_shared>> -> memref<128x80xf32, #tpu.memory_space<vmem_shared>>
      %dma_start3A_105 = arith.constant 0 : i32
      %dma_start3A_106 = tpu.memref_slice %arg13[%add3A_92, %dma_start3A_105] : memref<10240x80xf32, #tpu.memory_space<vmem_shared>> -> memref<128x80xf32, #tpu.memory_space<vmem_shared>>
      tpu.enqueue_dma source(%dma_start3A_106 : memref<128x80xf32, #tpu.memory_space<vmem_shared>>) target(%arg7 : memref<128x80xf32, #tpu.memory_space<vmem>>) target_semaphore(%run_scoped3A : memref<!tpu.dma_semaphore, #tpu.memory_space<semaphore_mem>>)
      %dma_wait3A_107 = arith.constant 0 : i32
      %dma_wait3A_108 = tpu.memref_slice %arg13[%add3A_92, %dma_wait3A_107] : memref<10240x80xf32, #tpu.memory_space<vmem_shared>> -> memref<128x80xf32, #tpu.memory_space<vmem_shared>>
      %dma_wait3A_109 = arith.constant 0 : i32
      %dma_wait3A_110 = tpu.memref_slice %arg13[%add3A_92, %dma_wait3A_109] : memref<10240x80xf32, #tpu.memory_space<vmem_shared>> -> memref<128x80xf32, #tpu.memory_space<vmem_shared>>
      tpu.wait_dma2 semaphore(%run_scoped3A : memref<!tpu.dma_semaphore, #tpu.memory_space<semaphore_mem>>) src(%dma_wait3A_110 : memref<128x80xf32, #tpu.memory_space<vmem_shared>>) dst(%arg7 : memref<128x80xf32, #tpu.memory_space<vmem>>)
      tpu.yield
    }) : () -> ()
    %add3A_93 = arith.constant 256 : i32
    %add3A_94 = arith.addi %mul3A_2, %add3A_93 : i32
    "tpu.region"() ({
      %run_scoped3A = tpu.sem_alloc : memref<!tpu.dma_semaphore, #tpu.memory_space<semaphore_mem>>
      %dma_start3A_103 = arith.constant 0 : i32
      %dma_start3A_104 = tpu.memref_slice %arg5[%arg0, %add3A_94, %dma_start3A_103] : memref<2x10240x80xf32, #tpu.memory_space<hbm>> -> memref<1x128x80xf32, #tpu.memory_space<hbm>>
      %dma_start3A_105 = tpu.memref_squeeze %dma_start3A_104 : memref<1x128x80xf32, #tpu.memory_space<hbm>> -> memref<128x80xf32, #tpu.memory_space<hbm>>
      %dma_start3A_106 = arith.constant 0 : i32
      %dma_start3A_107 = tpu.memref_slice %arg5[%arg0, %add3A_94, %dma_start3A_106] : memref<2x10240x80xf32, #tpu.memory_space<hbm>> -> memref<1x128x80xf32, #tpu.memory_space<hbm>>
      %dma_start3A_108 = tpu.memref_squeeze %dma_start3A_107 : memref<1x128x80xf32, #tpu.memory_space<hbm>> -> memref<128x80xf32, #tpu.memory_space<hbm>>
      tpu.enqueue_dma source(%arg7 : memref<128x80xf32, #tpu.memory_space<vmem>>) target(%dma_start3A_108 : memref<128x80xf32, #tpu.memory_space<hbm>>) target_semaphore(%run_scoped3A : memref<!tpu.dma_semaphore, #tpu.memory_space<semaphore_mem>>)
      %dma_wait3A_109 = arith.constant 0 : i32
      %dma_wait3A_110 = tpu.memref_slice %arg5[%arg0, %add3A_94, %dma_wait3A_109] : memref<2x10240x80xf32, #tpu.memory_space<hbm>> -> memref<1x128x80xf32, #tpu.memory_space<hbm>>
      %dma_wait3A_111 = tpu.memref_squeeze %dma_wait3A_110 : memref<1x128x80xf32, #tpu.memory_space<hbm>> -> memref<128x80xf32, #tpu.memory_space<hbm>>
      %dma_wait3A_112 = arith.constant 0 : i32
      %dma_wait3A_113 = tpu.memref_slice %arg5[%arg0, %add3A_94, %dma_wait3A_112] : memref<2x10240x80xf32, #tpu.memory_space<hbm>> -> memref<1x128x80xf32, #tpu.memory_space<hbm>>
      %dma_wait3A_114 = tpu.memref_squeeze %dma_wait3A_113 : memref<1x128x80xf32, #tpu.memory_space<hbm>> -> memref<128x80xf32, #tpu.memory_space<hbm>>
      tpu.wait_dma2 semaphore(%run_scoped3A : memref<!tpu.dma_semaphore, #tpu.memory_space<semaphore_mem>>) src(%arg7 : memref<128x80xf32, #tpu.memory_space<vmem>>) dst(%dma_wait3A_114 : memref<128x80xf32, #tpu.memory_space<hbm>>)
      tpu.yield
    }) : () -> ()
    %add3A_95 = arith.constant 384 : i32
    %add3A_96 = arith.addi %mul3A_2, %add3A_95 : i32
    "tpu.region"() ({
      %run_scoped3A = tpu.sem_alloc : memref<!tpu.dma_semaphore, #tpu.memory_space<semaphore_mem>>
      %dma_start3A_103 = arith.constant 0 : i32
      %dma_start3A_104 = tpu.memref_slice %arg13[%add3A_96, %dma_start3A_103] : memref<10240x80xf32, #tpu.memory_space<vmem_shared>> -> memref<128x80xf32, #tpu.memory_space<vmem_shared>>
      %dma_start3A_105 = arith.constant 0 : i32
      %dma_start3A_106 = tpu.memref_slice %arg13[%add3A_96, %dma_start3A_105] : memref<10240x80xf32, #tpu.memory_space<vmem_shared>> -> memref<128x80xf32, #tpu.memory_space<vmem_shared>>
      tpu.enqueue_dma source(%dma_start3A_106 : memref<128x80xf32, #tpu.memory_space<vmem_shared>>) target(%arg7 : memref<128x80xf32, #tpu.memory_space<vmem>>) target_semaphore(%run_scoped3A : memref<!tpu.dma_semaphore, #tpu.memory_space<semaphore_mem>>)
      %dma_wait3A_107 = arith.constant 0 : i32
      %dma_wait3A_108 = tpu.memref_slice %arg13[%add3A_96, %dma_wait3A_107] : memref<10240x80xf32, #tpu.memory_space<vmem_shared>> -> memref<128x80xf32, #tpu.memory_space<vmem_shared>>
      %dma_wait3A_109 = arith.constant 0 : i32
      %dma_wait3A_110 = tpu.memref_slice %arg13[%add3A_96, %dma_wait3A_109] : memref<10240x80xf32, #tpu.memory_space<vmem_shared>> -> memref<128x80xf32, #tpu.memory_space<vmem_shared>>
      tpu.wait_dma2 semaphore(%run_scoped3A : memref<!tpu.dma_semaphore, #tpu.memory_space<semaphore_mem>>) src(%dma_wait3A_110 : memref<128x80xf32, #tpu.memory_space<vmem_shared>>) dst(%arg7 : memref<128x80xf32, #tpu.memory_space<vmem>>)
      tpu.yield
    }) : () -> ()
    %add3A_97 = arith.constant 384 : i32
    %add3A_98 = arith.addi %mul3A_2, %add3A_97 : i32
    "tpu.region"() ({
      %run_scoped3A = tpu.sem_alloc : memref<!tpu.dma_semaphore, #tpu.memory_space<semaphore_mem>>
      %dma_start3A_103 = arith.constant 0 : i32
      %dma_start3A_104 = tpu.memref_slice %arg5[%arg0, %add3A_98, %dma_start3A_103] : memref<2x10240x80xf32, #tpu.memory_space<hbm>> -> memref<1x128x80xf32, #tpu.memory_space<hbm>>
      %dma_start3A_105 = tpu.memref_squeeze %dma_start3A_104 : memref<1x128x80xf32, #tpu.memory_space<hbm>> -> memref<128x80xf32, #tpu.memory_space<hbm>>
      %dma_start3A_106 = arith.constant 0 : i32
      %dma_start3A_107 = tpu.memref_slice %arg5[%arg0, %add3A_98, %dma_start3A_106] : memref<2x10240x80xf32, #tpu.memory_space<hbm>> -> memref<1x128x80xf32, #tpu.memory_space<hbm>>
      %dma_start3A_108 = tpu.memref_squeeze %dma_start3A_107 : memref<1x128x80xf32, #tpu.memory_space<hbm>> -> memref<128x80xf32, #tpu.memory_space<hbm>>
      tpu.enqueue_dma source(%arg7 : memref<128x80xf32, #tpu.memory_space<vmem>>) target(%dma_start3A_108 : memref<128x80xf32, #tpu.memory_space<hbm>>) target_semaphore(%run_scoped3A : memref<!tpu.dma_semaphore, #tpu.memory_space<semaphore_mem>>)
      %dma_wait3A_109 = arith.constant 0 : i32
      %dma_wait3A_110 = tpu.memref_slice %arg5[%arg0, %add3A_98, %dma_wait3A_109] : memref<2x10240x80xf32, #tpu.memory_space<hbm>> -> memref<1x128x80xf32, #tpu.memory_space<hbm>>
      %dma_wait3A_111 = tpu.memref_squeeze %dma_wait3A_110 : memref<1x128x80xf32, #tpu.memory_space<hbm>> -> memref<128x80xf32, #tpu.memory_space<hbm>>
      %dma_wait3A_112 = arith.constant 0 : i32
      %dma_wait3A_113 = tpu.memref_slice %arg5[%arg0, %add3A_98, %dma_wait3A_112] : memref<2x10240x80xf32, #tpu.memory_space<hbm>> -> memref<1x128x80xf32, #tpu.memory_space<hbm>>
      %dma_wait3A_114 = tpu.memref_squeeze %dma_wait3A_113 : memref<1x128x80xf32, #tpu.memory_space<hbm>> -> memref<128x80xf32, #tpu.memory_space<hbm>>
      tpu.wait_dma2 semaphore(%run_scoped3A : memref<!tpu.dma_semaphore, #tpu.memory_space<semaphore_mem>>) src(%arg7 : memref<128x80xf32, #tpu.memory_space<vmem>>) dst(%dma_wait3A_114 : memref<128x80xf32, #tpu.memory_space<hbm>>)
      tpu.yield
    }) : () -> ()
    %add3A_99 = arith.constant 512 : i32
    %add3A_100 = arith.addi %mul3A_2, %add3A_99 : i32
    "tpu.region"() ({
      %run_scoped3A = tpu.sem_alloc : memref<!tpu.dma_semaphore, #tpu.memory_space<semaphore_mem>>
      %dma_start3A_103 = arith.constant 0 : i32
      %dma_start3A_104 = tpu.memref_slice %arg13[%add3A_100, %dma_start3A_103] : memref<10240x80xf32, #tpu.memory_space<vmem_shared>> -> memref<128x80xf32, #tpu.memory_space<vmem_shared>>
      %dma_start3A_105 = arith.constant 0 : i32
      %dma_start3A_106 = tpu.memref_slice %arg13[%add3A_100, %dma_start3A_105] : memref<10240x80xf32, #tpu.memory_space<vmem_shared>> -> memref<128x80xf32, #tpu.memory_space<vmem_shared>>
      tpu.enqueue_dma source(%dma_start3A_106 : memref<128x80xf32, #tpu.memory_space<vmem_shared>>) target(%arg7 : memref<128x80xf32, #tpu.memory_space<vmem>>) target_semaphore(%run_scoped3A : memref<!tpu.dma_semaphore, #tpu.memory_space<semaphore_mem>>)
      %dma_wait3A_107 = arith.constant 0 : i32
      %dma_wait3A_108 = tpu.memref_slice %arg13[%add3A_100, %dma_wait3A_107] : memref<10240x80xf32, #tpu.memory_space<vmem_shared>> -> memref<128x80xf32, #tpu.memory_space<vmem_shared>>
      %dma_wait3A_109 = arith.constant 0 : i32
      %dma_wait3A_110 = tpu.memref_slice %arg13[%add3A_100, %dma_wait3A_109] : memref<10240x80xf32, #tpu.memory_space<vmem_shared>> -> memref<128x80xf32, #tpu.memory_space<vmem_shared>>
      tpu.wait_dma2 semaphore(%run_scoped3A : memref<!tpu.dma_semaphore, #tpu.memory_space<semaphore_mem>>) src(%dma_wait3A_110 : memref<128x80xf32, #tpu.memory_space<vmem_shared>>) dst(%arg7 : memref<128x80xf32, #tpu.memory_space<vmem>>)
      tpu.yield
    }) : () -> ()
    %add3A_101 = arith.constant 512 : i32
    %add3A_102 = arith.addi %mul3A_2, %add3A_101 : i32
    "tpu.region"() ({
      %run_scoped3A = tpu.sem_alloc : memref<!tpu.dma_semaphore, #tpu.memory_space<semaphore_mem>>
      %dma_start3A_103 = arith.constant 0 : i32
      %dma_start3A_104 = tpu.memref_slice %arg5[%arg0, %add3A_102, %dma_start3A_103] : memref<2x10240x80xf32, #tpu.memory_space<hbm>> -> memref<1x128x80xf32, #tpu.memory_space<hbm>>
      %dma_start3A_105 = tpu.memref_squeeze %dma_start3A_104 : memref<1x128x80xf32, #tpu.memory_space<hbm>> -> memref<128x80xf32, #tpu.memory_space<hbm>>
      %dma_start3A_106 = arith.constant 0 : i32
      %dma_start3A_107 = tpu.memref_slice %arg5[%arg0, %add3A_102, %dma_start3A_106] : memref<2x10240x80xf32, #tpu.memory_space<hbm>> -> memref<1x128x80xf32, #tpu.memory_space<hbm>>
      %dma_start3A_108 = tpu.memref_squeeze %dma_start3A_107 : memref<1x128x80xf32, #tpu.memory_space<hbm>> -> memref<128x80xf32, #tpu.memory_space<hbm>>
      tpu.enqueue_dma source(%arg7 : memref<128x80xf32, #tpu.memory_space<vmem>>) target(%dma_start3A_108 : memref<128x80xf32, #tpu.memory_space<hbm>>) target_semaphore(%run_scoped3A : memref<!tpu.dma_semaphore, #tpu.memory_space<semaphore_mem>>)
      %dma_wait3A_109 = arith.constant 0 : i32
      %dma_wait3A_110 = tpu.memref_slice %arg5[%arg0, %add3A_102, %dma_wait3A_109] : memref<2x10240x80xf32, #tpu.memory_space<hbm>> -> memref<1x128x80xf32, #tpu.memory_space<hbm>>
      %dma_wait3A_111 = tpu.memref_squeeze %dma_wait3A_110 : memref<1x128x80xf32, #tpu.memory_space<hbm>> -> memref<128x80xf32, #tpu.memory_space<hbm>>
      %dma_wait3A_112 = arith.constant 0 : i32
      %dma_wait3A_113 = tpu.memref_slice %arg5[%arg0, %add3A_102, %dma_wait3A_112] : memref<2x10240x80xf32, #tpu.memory_space<hbm>> -> memref<1x128x80xf32, #tpu.memory_space<hbm>>
      %dma_wait3A_114 = tpu.memref_squeeze %dma_wait3A_113 : memref<1x128x80xf32, #tpu.memory_space<hbm>> -> memref<128x80xf32, #tpu.memory_space<hbm>>
      tpu.wait_dma2 semaphore(%run_scoped3A : memref<!tpu.dma_semaphore, #tpu.memory_space<semaphore_mem>>) src(%arg7 : memref<128x80xf32, #tpu.memory_space<vmem>>) dst(%dma_wait3A_114 : memref<128x80xf32, #tpu.memory_space<hbm>>)
      tpu.yield
    }) : () -> ()
    return
  }
}

#map = affine_map<(d0, d1) -> (0, 0, 0, 0)>
#map1 = affine_map<(d0, d1) -> (0, 0)>
#map2 = affine_map<(d0, d1) -> (0, 0, 0)>
module attributes {stable_mosaic.version = 14 : i64} {
  func.func @_sc_body(%arg0: i32, %arg1: i32, %arg2: memref<32x96x2x128xi32, #tpu.memory_space<hbm>>, %arg3: memref<10240x48xf32, #tpu.memory_space<hbm>>, %arg4: memref<10240x16xf32, #tpu.memory_space<hbm>>, %arg5: memref<2x10240x48xf32, #tpu.memory_space<hbm>>, %arg6: memref<96x2x128xi32, #tpu.memory_space<vmem>>, %arg7: memref<128x48xf32, #tpu.memory_space<vmem>>, %arg8: memref<128x48xf32, #tpu.memory_space<vmem>>, %arg9: memref<128x48xf32, #tpu.memory_space<vmem>>, %arg10: memref<128x16xf32, #tpu.memory_space<vmem>>, %arg11: memref<128x16xf32, #tpu.memory_space<vmem>>, %arg12: memref<128x16xf32, #tpu.memory_space<vmem>>, %arg13: memref<10240x48xf32, #tpu.memory_space<vmem_shared>>, %arg14: memref<!tpu.dma_semaphore, #tpu.memory_space<semaphore_mem>>, %arg15: memref<!tpu.dma_semaphore, #tpu.memory_space<semaphore_mem>>, %arg16: memref<!tpu.dma_semaphore, #tpu.memory_space<semaphore_mem>>, %arg17: memref<!tpu.dma_semaphore, #tpu.memory_space<semaphore_mem>>, %arg18: memref<!tpu.dma_semaphore, #tpu.memory_space<semaphore_mem>>, %arg19: memref<!tpu.dma_semaphore, #tpu.memory_space<semaphore_mem>>) attributes {dimension_semantics = [#tpu.dimension_semantics<core_parallel>, #tpu.dimension_semantics<subcore_parallel>], iteration_bounds = array<i64: 2, 16>, scalar_prefetch = 0 : i64, scratch_operands = 14 : i64, tpu.core_type = #tpu.core_type<sc_vector_subcore>, window_params = [{transform_indices = #map}, {transform_indices = #map1}, {transform_indices = #map1}, {transform_indices = #map2}]} {
    %mul3A = arith.constant 16 : i32
    %mul3A_0 = arith.muli %arg0, %mul3A : i32
    %add3A = arith.addi %mul3A_0, %arg1 : i32
    %mul3A_1 = arith.constant 640 : i32
    %mul3A_2 = arith.muli %arg1, %mul3A_1 : i32
    "tpu.region"() ({
      %run_scoped3A = tpu.sem_alloc : memref<!tpu.dma_semaphore, #tpu.memory_space<semaphore_mem>>
      %dma_start3A_103 = arith.constant 0 : i32
      %dma_start3A_104 = arith.constant 0 : i32
      %dma_start3A_105 = arith.constant 0 : i32
      %dma_start3A_106 = tpu.memref_slice %arg2[%add3A, %dma_start3A_103, %dma_start3A_104, %dma_start3A_105] : memref<32x96x2x128xi32, #tpu.memory_space<hbm>> -> memref<1x96x2x128xi32, #tpu.memory_space<hbm>>
      %dma_start3A_107 = tpu.memref_squeeze %dma_start3A_106 : memref<1x96x2x128xi32, #tpu.memory_space<hbm>> -> memref<96x2x128xi32, #tpu.memory_space<hbm>>
      %dma_start3A_108 = arith.constant 0 : i32
      %dma_start3A_109 = arith.constant 0 : i32
      %dma_start3A_110 = arith.constant 0 : i32
      %dma_start3A_111 = tpu.memref_slice %arg2[%add3A, %dma_start3A_108, %dma_start3A_109, %dma_start3A_110] : memref<32x96x2x128xi32, #tpu.memory_space<hbm>> -> memref<1x96x2x128xi32, #tpu.memory_space<hbm>>
      %dma_start3A_112 = tpu.memref_squeeze %dma_start3A_111 : memref<1x96x2x128xi32, #tpu.memory_space<hbm>> -> memref<96x2x128xi32, #tpu.memory_space<hbm>>
      tpu.enqueue_dma source(%dma_start3A_112 : memref<96x2x128xi32, #tpu.memory_space<hbm>>) target(%arg6 : memref<96x2x128xi32, #tpu.memory_space<vmem>>) target_semaphore(%run_scoped3A : memref<!tpu.dma_semaphore, #tpu.memory_space<semaphore_mem>>)
      %dma_wait3A_113 = arith.constant 0 : i32
      %dma_wait3A_114 = arith.constant 0 : i32
      %dma_wait3A_115 = arith.constant 0 : i32
      %dma_wait3A_116 = tpu.memref_slice %arg2[%add3A, %dma_wait3A_113, %dma_wait3A_114, %dma_wait3A_115] : memref<32x96x2x128xi32, #tpu.memory_space<hbm>> -> memref<1x96x2x128xi32, #tpu.memory_space<hbm>>
      %dma_wait3A_117 = tpu.memref_squeeze %dma_wait3A_116 : memref<1x96x2x128xi32, #tpu.memory_space<hbm>> -> memref<96x2x128xi32, #tpu.memory_space<hbm>>
      %dma_wait3A_118 = arith.constant 0 : i32
      %dma_wait3A_119 = arith.constant 0 : i32
      %dma_wait3A_120 = arith.constant 0 : i32
      %dma_wait3A_121 = tpu.memref_slice %arg2[%add3A, %dma_wait3A_118, %dma_wait3A_119, %dma_wait3A_120] : memref<32x96x2x128xi32, #tpu.memory_space<hbm>> -> memref<1x96x2x128xi32, #tpu.memory_space<hbm>>
      %dma_wait3A_122 = tpu.memref_squeeze %dma_wait3A_121 : memref<1x96x2x128xi32, #tpu.memory_space<hbm>> -> memref<96x2x128xi32, #tpu.memory_space<hbm>>
      tpu.wait_dma2 semaphore(%run_scoped3A : memref<!tpu.dma_semaphore, #tpu.memory_space<semaphore_mem>>) src(%dma_wait3A_122 : memref<96x2x128xi32, #tpu.memory_space<hbm>>) dst(%arg6 : memref<96x2x128xi32, #tpu.memory_space<vmem>>)
      tpu.yield
    }) : () -> ()
    %broadcast_in_dim3A = arith.constant 0.000000e+00 : f32
    %broadcast_in_dim3A_3 = vector.broadcast %broadcast_in_dim3A : f32 to vector<16xf32>
    %scan3A = arith.constant 0 : i32
    %scan3A_4 = arith.constant 0 : i32
    %scan3A_5 = arith.constant 128 : i32
    %scan3A_6 = arith.addi %scan3A_4, %scan3A_5 : i32
    %scan3A_7 = arith.constant 1 : i32
    scf.for %scan3A_103 = %scan3A_4 to %scan3A_6 step %scan3A_7  : i32 {
      %swap3A = arith.index_cast %scan3A_103 : i32 to index
      %swap3A_104 = arith.constant 0 : index
      %swap3A_105 = tpu.vector_load %arg7[%swap3A, %swap3A_104] {strides = array<i32>} : memref<128x48xf32, #tpu.memory_space<vmem>>, vector<16xf32>,
      tpu.vector_store %arg7[%swap3A, %swap3A_104], %broadcast_in_dim3A_3 {strides = array<i32>} : memref<128x48xf32, #tpu.memory_space<vmem>>, vector<16xf32>,
      %swap3A_106 = arith.index_cast %scan3A_103 : i32 to index
      %swap3A_107 = arith.constant 16 : index
      %swap3A_108 = tpu.vector_load %arg7[%swap3A_106, %swap3A_107] {strides = array<i32>} : memref<128x48xf32, #tpu.memory_space<vmem>>, vector<16xf32>,
      tpu.vector_store %arg7[%swap3A_106, %swap3A_107], %broadcast_in_dim3A_3 {strides = array<i32>} : memref<128x48xf32, #tpu.memory_space<vmem>>, vector<16xf32>,
      %swap3A_109 = arith.index_cast %scan3A_103 : i32 to index
      %swap3A_110 = arith.constant 32 : index
      %swap3A_111 = tpu.vector_load %arg7[%swap3A_109, %swap3A_110] {strides = array<i32>} : memref<128x48xf32, #tpu.memory_space<vmem>>, vector<16xf32>,
      tpu.vector_store %arg7[%swap3A_109, %swap3A_110], %broadcast_in_dim3A_3 {strides = array<i32>} : memref<128x48xf32, #tpu.memory_space<vmem>>, vector<16xf32>,
    }
    %scan3A_8 = arith.constant 128 : i32
    %add3A_9 = arith.constant 0 : i32
    %add3A_10 = arith.addi %mul3A_2, %add3A_9 : i32
    "tpu.region"() ({
      %run_scoped3A = tpu.sem_alloc : memref<!tpu.dma_semaphore, #tpu.memory_space<semaphore_mem>>
      %dma_start3A_103 = arith.constant 0 : i32
      %dma_start3A_104 = tpu.memref_slice %arg13[%add3A_10, %dma_start3A_103] : memref<10240x48xf32, #tpu.memory_space<vmem_shared>> -> memref<128x48xf32, #tpu.memory_space<vmem_shared>>
      %dma_start3A_105 = arith.constant 0 : i32
      %dma_start3A_106 = tpu.memref_slice %arg13[%add3A_10, %dma_start3A_105] : memref<10240x48xf32, #tpu.memory_space<vmem_shared>> -> memref<128x48xf32, #tpu.memory_space<vmem_shared>>
      tpu.enqueue_dma source(%arg7 : memref<128x48xf32, #tpu.memory_space<vmem>>) target(%dma_start3A_106 : memref<128x48xf32, #tpu.memory_space<vmem_shared>>) target_semaphore(%run_scoped3A : memref<!tpu.dma_semaphore, #tpu.memory_space<semaphore_mem>>)
      %dma_wait3A_107 = arith.constant 0 : i32
      %dma_wait3A_108 = tpu.memref_slice %arg13[%add3A_10, %dma_wait3A_107] : memref<10240x48xf32, #tpu.memory_space<vmem_shared>> -> memref<128x48xf32, #tpu.memory_space<vmem_shared>>
      %dma_wait3A_109 = arith.constant 0 : i32
      %dma_wait3A_110 = tpu.memref_slice %arg13[%add3A_10, %dma_wait3A_109] : memref<10240x48xf32, #tpu.memory_space<vmem_shared>> -> memref<128x48xf32, #tpu.memory_space<vmem_shared>>
      tpu.wait_dma2 semaphore(%run_scoped3A : memref<!tpu.dma_semaphore, #tpu.memory_space<semaphore_mem>>) src(%arg7 : memref<128x48xf32, #tpu.memory_space<vmem>>) dst(%dma_wait3A_110 : memref<128x48xf32, #tpu.memory_space<vmem_shared>>)
      tpu.yield
    }) : () -> ()
    %add3A_11 = arith.constant 128 : i32
    %add3A_12 = arith.addi %mul3A_2, %add3A_11 : i32
    "tpu.region"() ({
      %run_scoped3A = tpu.sem_alloc : memref<!tpu.dma_semaphore, #tpu.memory_space<semaphore_mem>>
      %dma_start3A_103 = arith.constant 0 : i32
      %dma_start3A_104 = tpu.memref_slice %arg13[%add3A_12, %dma_start3A_103] : memref<10240x48xf32, #tpu.memory_space<vmem_shared>> -> memref<128x48xf32, #tpu.memory_space<vmem_shared>>
      %dma_start3A_105 = arith.constant 0 : i32
      %dma_start3A_106 = tpu.memref_slice %arg13[%add3A_12, %dma_start3A_105] : memref<10240x48xf32, #tpu.memory_space<vmem_shared>> -> memref<128x48xf32, #tpu.memory_space<vmem_shared>>
      tpu.enqueue_dma source(%arg7 : memref<128x48xf32, #tpu.memory_space<vmem>>) target(%dma_start3A_106 : memref<128x48xf32, #tpu.memory_space<vmem_shared>>) target_semaphore(%run_scoped3A : memref<!tpu.dma_semaphore, #tpu.memory_space<semaphore_mem>>)
      %dma_wait3A_107 = arith.constant 0 : i32
      %dma_wait3A_108 = tpu.memref_slice %arg13[%add3A_12, %dma_wait3A_107] : memref<10240x48xf32, #tpu.memory_space<vmem_shared>> -> memref<128x48xf32, #tpu.memory_space<vmem_shared>>
      %dma_wait3A_109 = arith.constant 0 : i32
      %dma_wait3A_110 = tpu.memref_slice %arg13[%add3A_12, %dma_wait3A_109] : memref<10240x48xf32, #tpu.memory_space<vmem_shared>> -> memref<128x48xf32, #tpu.memory_space<vmem_shared>>
      tpu.wait_dma2 semaphore(%run_scoped3A : memref<!tpu.dma_semaphore, #tpu.memory_space<semaphore_mem>>) src(%arg7 : memref<128x48xf32, #tpu.memory_space<vmem>>) dst(%dma_wait3A_110 : memref<128x48xf32, #tpu.memory_space<vmem_shared>>)
      tpu.yield
    }) : () -> ()
    %add3A_13 = arith.constant 256 : i32
    %add3A_14 = arith.addi %mul3A_2, %add3A_13 : i32
    "tpu.region"() ({
      %run_scoped3A = tpu.sem_alloc : memref<!tpu.dma_semaphore, #tpu.memory_space<semaphore_mem>>
      %dma_start3A_103 = arith.constant 0 : i32
      %dma_start3A_104 = tpu.memref_slice %arg13[%add3A_14, %dma_start3A_103] : memref<10240x48xf32, #tpu.memory_space<vmem_shared>> -> memref<128x48xf32, #tpu.memory_space<vmem_shared>>
      %dma_start3A_105 = arith.constant 0 : i32
      %dma_start3A_106 = tpu.memref_slice %arg13[%add3A_14, %dma_start3A_105] : memref<10240x48xf32, #tpu.memory_space<vmem_shared>> -> memref<128x48xf32, #tpu.memory_space<vmem_shared>>
      tpu.enqueue_dma source(%arg7 : memref<128x48xf32, #tpu.memory_space<vmem>>) target(%dma_start3A_106 : memref<128x48xf32, #tpu.memory_space<vmem_shared>>) target_semaphore(%run_scoped3A : memref<!tpu.dma_semaphore, #tpu.memory_space<semaphore_mem>>)
      %dma_wait3A_107 = arith.constant 0 : i32
      %dma_wait3A_108 = tpu.memref_slice %arg13[%add3A_14, %dma_wait3A_107] : memref<10240x48xf32, #tpu.memory_space<vmem_shared>> -> memref<128x48xf32, #tpu.memory_space<vmem_shared>>
      %dma_wait3A_109 = arith.constant 0 : i32
      %dma_wait3A_110 = tpu.memref_slice %arg13[%add3A_14, %dma_wait3A_109] : memref<10240x48xf32, #tpu.memory_space<vmem_shared>> -> memref<128x48xf32, #tpu.memory_space<vmem_shared>>
      tpu.wait_dma2 semaphore(%run_scoped3A : memref<!tpu.dma_semaphore, #tpu.memory_space<semaphore_mem>>) src(%arg7 : memref<128x48xf32, #tpu.memory_space<vmem>>) dst(%dma_wait3A_110 : memref<128x48xf32, #tpu.memory_space<vmem_shared>>)
      tpu.yield
    }) : () -> ()
    %add3A_15 = arith.constant 384 : i32
    %add3A_16 = arith.addi %mul3A_2, %add3A_15 : i32
    "tpu.region"() ({
      %run_scoped3A = tpu.sem_alloc : memref<!tpu.dma_semaphore, #tpu.memory_space<semaphore_mem>>
      %dma_start3A_103 = arith.constant 0 : i32
      %dma_start3A_104 = tpu.memref_slice %arg13[%add3A_16, %dma_start3A_103] : memref<10240x48xf32, #tpu.memory_space<vmem_shared>> -> memref<128x48xf32, #tpu.memory_space<vmem_shared>>
      %dma_start3A_105 = arith.constant 0 : i32
      %dma_start3A_106 = tpu.memref_slice %arg13[%add3A_16, %dma_start3A_105] : memref<10240x48xf32, #tpu.memory_space<vmem_shared>> -> memref<128x48xf32, #tpu.memory_space<vmem_shared>>
      tpu.enqueue_dma source(%arg7 : memref<128x48xf32, #tpu.memory_space<vmem>>) target(%dma_start3A_106 : memref<128x48xf32, #tpu.memory_space<vmem_shared>>) target_semaphore(%run_scoped3A : memref<!tpu.dma_semaphore, #tpu.memory_space<semaphore_mem>>)
      %dma_wait3A_107 = arith.constant 0 : i32
      %dma_wait3A_108 = tpu.memref_slice %arg13[%add3A_16, %dma_wait3A_107] : memref<10240x48xf32, #tpu.memory_space<vmem_shared>> -> memref<128x48xf32, #tpu.memory_space<vmem_shared>>
      %dma_wait3A_109 = arith.constant 0 : i32
      %dma_wait3A_110 = tpu.memref_slice %arg13[%add3A_16, %dma_wait3A_109] : memref<10240x48xf32, #tpu.memory_space<vmem_shared>> -> memref<128x48xf32, #tpu.memory_space<vmem_shared>>
      tpu.wait_dma2 semaphore(%run_scoped3A : memref<!tpu.dma_semaphore, #tpu.memory_space<semaphore_mem>>) src(%arg7 : memref<128x48xf32, #tpu.memory_space<vmem>>) dst(%dma_wait3A_110 : memref<128x48xf32, #tpu.memory_space<vmem_shared>>)
      tpu.yield
    }) : () -> ()
    %add3A_17 = arith.constant 512 : i32
    %add3A_18 = arith.addi %mul3A_2, %add3A_17 : i32
    "tpu.region"() ({
      %run_scoped3A = tpu.sem_alloc : memref<!tpu.dma_semaphore, #tpu.memory_space<semaphore_mem>>
      %dma_start3A_103 = arith.constant 0 : i32
      %dma_start3A_104 = tpu.memref_slice %arg13[%add3A_18, %dma_start3A_103] : memref<10240x48xf32, #tpu.memory_space<vmem_shared>> -> memref<128x48xf32, #tpu.memory_space<vmem_shared>>
      %dma_start3A_105 = arith.constant 0 : i32
      %dma_start3A_106 = tpu.memref_slice %arg13[%add3A_18, %dma_start3A_105] : memref<10240x48xf32, #tpu.memory_space<vmem_shared>> -> memref<128x48xf32, #tpu.memory_space<vmem_shared>>
      tpu.enqueue_dma source(%arg7 : memref<128x48xf32, #tpu.memory_space<vmem>>) target(%dma_start3A_106 : memref<128x48xf32, #tpu.memory_space<vmem_shared>>) target_semaphore(%run_scoped3A : memref<!tpu.dma_semaphore, #tpu.memory_space<semaphore_mem>>)
      %dma_wait3A_107 = arith.constant 0 : i32
      %dma_wait3A_108 = tpu.memref_slice %arg13[%add3A_18, %dma_wait3A_107] : memref<10240x48xf32, #tpu.memory_space<vmem_shared>> -> memref<128x48xf32, #tpu.memory_space<vmem_shared>>
      %dma_wait3A_109 = arith.constant 0 : i32
      %dma_wait3A_110 = tpu.memref_slice %arg13[%add3A_18, %dma_wait3A_109] : memref<10240x48xf32, #tpu.memory_space<vmem_shared>> -> memref<128x48xf32, #tpu.memory_space<vmem_shared>>
      tpu.wait_dma2 semaphore(%run_scoped3A : memref<!tpu.dma_semaphore, #tpu.memory_space<semaphore_mem>>) src(%arg7 : memref<128x48xf32, #tpu.memory_space<vmem>>) dst(%dma_wait3A_110 : memref<128x48xf32, #tpu.memory_space<vmem_shared>>)
      tpu.yield
    }) : () -> ()
    %barrier3A = arith.constant 0 : index
    tpu.barrier barrier_id(%barrier3A)
    %dma_start3A = arith.constant 0 : i32
    %dma_start3A_19 = arith.constant 0 : i32
    %dma_start3A_20 = arith.constant 0 : i32
    %dma_start3A_21 = tpu.memref_slice %arg6[%dma_start3A, %dma_start3A_19, %dma_start3A_20] : memref<96x2x128xi32, #tpu.memory_space<vmem>> -> memref<1x1x128xi32, #tpu.memory_space<vmem>>
    %dma_start3A_22 = tpu.memref_squeeze %dma_start3A_21 : memref<1x1x128xi32, #tpu.memory_space<vmem>> -> memref<128xi32, #tpu.memory_space<vmem>>
    %dma_start3A_23 = arith.constant 0 : i32
    %dma_start3A_24 = arith.constant 0 : i32
    %dma_start3A_25 = tpu.memref_slice %arg3[%dma_start3A_23, %dma_start3A_24] : memref<10240x48xf32, #tpu.memory_space<hbm>> -> memref<10240x48xf32, #tpu.memory_space<hbm>>
    tpu.enqueue_indirect_dma source(%dma_start3A_25 : memref<10240x48xf32, #tpu.memory_space<hbm>>) target(%arg7 : memref<128x48xf32, #tpu.memory_space<vmem>>) offsets(%dma_start3A_22 : memref<128xi32, #tpu.memory_space<vmem>>) semaphore(%arg14 : memref<!tpu.dma_semaphore, #tpu.memory_space<semaphore_mem>>)
    %dma_start3A_26 = arith.constant 0 : i32
    %dma_start3A_27 = arith.constant 1 : i32
    %dma_start3A_28 = arith.constant 0 : i32
    %dma_start3A_29 = tpu.memref_slice %arg6[%dma_start3A_26, %dma_start3A_27, %dma_start3A_28] : memref<96x2x128xi32, #tpu.memory_space<vmem>> -> memref<1x1x128xi32, #tpu.memory_space<vmem>>
    %dma_start3A_30 = tpu.memref_squeeze %dma_start3A_29 : memref<1x1x128xi32, #tpu.memory_space<vmem>> -> memref<128xi32, #tpu.memory_space<vmem>>
    %dma_start3A_31 = arith.constant 0 : i32
    %dma_start3A_32 = arith.constant 0 : i32
    %dma_start3A_33 = tpu.memref_slice %arg4[%dma_start3A_31, %dma_start3A_32] : memref<10240x16xf32, #tpu.memory_space<hbm>> -> memref<10240x16xf32, #tpu.memory_space<hbm>>
    tpu.enqueue_indirect_dma source(%dma_start3A_33 : memref<10240x16xf32, #tpu.memory_space<hbm>>) target(%arg10 : memref<128x16xf32, #tpu.memory_space<vmem>>) offsets(%dma_start3A_30 : memref<128xi32, #tpu.memory_space<vmem>>) semaphore(%arg14 : memref<!tpu.dma_semaphore, #tpu.memory_space<semaphore_mem>>)
    %iota3A = tpu.iota {dimensions = array<i32: 0>} : vector<16xi32>
    %shift_right_logical3A = arith.constant 3 : i32
    %shift_right_logical3A_34 = vector.broadcast %shift_right_logical3A : i32 to vector<16xi32>
    %shift_right_logical3A_35 = arith.shrui %iota3A, %shift_right_logical3A_34 : vector<16xi32>
    %eq3A = arith.constant 0 : i32
    %eq3A_36 = arith.cmpi eq, %arg0, %eq3A : i32
    %jit3A = arith.constant 96 : i32
    %jit3A_37 = arith.constant 66 : i32
    %select_n3A = arith.select %eq3A_36, %jit3A, %jit3A_37 : i32
    %jit3A_38 = arith.constant 3 : i32
    %div3A = arith.divsi %select_n3A, %jit3A_38 : i32
    %sign3A = arith.constant 0 : i32
    %sign3A_39 = arith.cmpi sgt, %select_n3A, %sign3A : i32
    %sign3A_40 = arith.extui %sign3A_39 : i1 to i32
    %sign3A_41 = arith.constant 0 : i32
    %sign3A_42 = arith.cmpi slt, %select_n3A, %sign3A_41 : i32
    %sign3A_43 = arith.extui %sign3A_42 : i1 to i32
    %sign3A_44 = arith.subi %sign3A_40, %sign3A_43 : i32
    %sign3A_45 = arith.constant 0 : i32
    %sign3A_46 = arith.cmpi sgt, %jit3A_38, %sign3A_45 : i32
    %sign3A_47 = arith.extui %sign3A_46 : i1 to i32
    %sign3A_48 = arith.constant 0 : i32
    %sign3A_49 = arith.cmpi slt, %jit3A_38, %sign3A_48 : i32
    %sign3A_50 = arith.extui %sign3A_49 : i1 to i32
    %sign3A_51 = arith.subi %sign3A_47, %sign3A_50 : i32
    %ne3A = arith.cmpi ne, %sign3A_44, %sign3A_51 : i32
    %rem3A = arith.remsi %select_n3A, %jit3A_38 : i32
    %ne3A_52 = arith.constant 0 : i32
    %ne3A_53 = arith.cmpi ne, %rem3A, %ne3A_52 : i32
    %and3A = arith.andi %ne3A, %ne3A_53 : i1
    %sub3A = arith.constant 1 : i32
    %sub3A_54 = arith.subi %div3A, %sub3A : i32
    %select_n3A_55 = arith.select %and3A, %sub3A_54, %div3A : i32
    %while3A = arith.constant 0 : i32
    %while3A_56 = arith.constant 0 : i32
    %while3A_57 = arith.subi %select_n3A_55, %while3A_56 : i32
    %while3A_58 = arith.addi %while3A_56, %while3A_57 : i32
    %while3A_59 = arith.constant 1 : i32
    %while3A_60 = arith.divsi %while3A_57, %while3A_59 : i32
    %while3A_61 = arith.muli %while3A_60, %while3A_59 : i32
    %while3A_62 = arith.addi %while3A_56, %while3A_61 : i32
    %while3A_63 = arith.constant 1 : i32
    scf.for %while3A_103 = %while3A_56 to %while3A_62 step %while3A_63  : i32 {
      %mul3A_104 = arith.constant 3 : i32
      %mul3A_105 = arith.muli %mul3A_104, %while3A_103 : i32
      %add3A_106 = arith.constant 0 : i32
      %add3A_107 = arith.addi %mul3A_105, %add3A_106 : i32
      %add3A_108 = arith.constant 1 : i32
      %add3A_109 = arith.addi %add3A_107, %add3A_108 : i32
      %lt3A = arith.cmpi slt, %add3A_109, %select_n3A : i32
      %convert_element_type3A = arith.extui %lt3A : i1 to i32
      %cond3A = arith.constant 0 : i32
      %cond3A_110 = arith.cmpi ne, %convert_element_type3A, %cond3A : i32
      scf.if %cond3A_110 {
        %ge3A = arith.constant 2 : i32
        %ge3A_202 = arith.cmpi sge, %add3A_107, %ge3A : i32
        %convert_element_type3A_203 = arith.extui %ge3A_202 : i1 to i32
        %cond3A_204 = arith.constant 0 : i32
        %cond3A_205 = arith.cmpi ne, %convert_element_type3A_203, %cond3A_204 : i32
        scf.if %cond3A_205 {
          %dma_wait3A_222 = arith.constant 0 : i32
          %dma_wait3A_223 = arith.constant 0 : i32
          %dma_wait3A_224 = tpu.memref_slice %arg13[%dma_wait3A_222, %dma_wait3A_223] : memref<10240x48xf32, #tpu.memory_space<vmem_shared>> -> memref<128x48xf32, #tpu.memory_space<vmem_shared>>
          %dma_wait3A_225 = arith.constant 0 : i32
          %dma_wait3A_226 = arith.constant 0 : i32
          %dma_wait3A_227 = tpu.memref_slice %arg13[%dma_wait3A_225, %dma_wait3A_226] : memref<10240x48xf32, #tpu.memory_space<vmem_shared>> -> memref<128x48xf32, #tpu.memory_space<vmem_shared>>
          tpu.wait_dma2 semaphore(%arg18 : memref<!tpu.dma_semaphore, #tpu.memory_space<semaphore_mem>>) src(%arg8 : memref<128x48xf32, #tpu.memory_space<vmem>>) dst(%dma_wait3A_227 : memref<128x48xf32, #tpu.memory_space<vmem_shared>>)
        } else {
        }
        %add3A_206 = arith.constant 1 : i32
        %add3A_207 = arith.addi %add3A_107, %add3A_206 : i32
        %dma_start3A_208 = arith.constant 0 : i32
        %dma_start3A_209 = arith.constant 0 : i32
        %dma_start3A_210 = tpu.memref_slice %arg6[%add3A_207, %dma_start3A_208, %dma_start3A_209] : memref<96x2x128xi32, #tpu.memory_space<vmem>> -> memref<1x1x128xi32, #tpu.memory_space<vmem>>
        %dma_start3A_211 = tpu.memref_squeeze %dma_start3A_210 : memref<1x1x128xi32, #tpu.memory_space<vmem>> -> memref<128xi32, #tpu.memory_space<vmem>>
        %dma_start3A_212 = arith.constant 0 : i32
        %dma_start3A_213 = arith.constant 0 : i32
        %dma_start3A_214 = tpu.memref_slice %arg3[%dma_start3A_212, %dma_start3A_213] : memref<10240x48xf32, #tpu.memory_space<hbm>> -> memref<10240x48xf32, #tpu.memory_space<hbm>>
        tpu.enqueue_indirect_dma source(%dma_start3A_214 : memref<10240x48xf32, #tpu.memory_space<hbm>>) target(%arg8 : memref<128x48xf32, #tpu.memory_space<vmem>>) offsets(%dma_start3A_211 : memref<128xi32, #tpu.memory_space<vmem>>) semaphore(%arg15 : memref<!tpu.dma_semaphore, #tpu.memory_space<semaphore_mem>>)
        %dma_start3A_215 = arith.constant 1 : i32
        %dma_start3A_216 = arith.constant 0 : i32
        %dma_start3A_217 = tpu.memref_slice %arg6[%add3A_207, %dma_start3A_215, %dma_start3A_216] : memref<96x2x128xi32, #tpu.memory_space<vmem>> -> memref<1x1x128xi32, #tpu.memory_space<vmem>>
        %dma_start3A_218 = tpu.memref_squeeze %dma_start3A_217 : memref<1x1x128xi32, #tpu.memory_space<vmem>> -> memref<128xi32, #tpu.memory_space<vmem>>
        %dma_start3A_219 = arith.constant 0 : i32
        %dma_start3A_220 = arith.constant 0 : i32
        %dma_start3A_221 = tpu.memref_slice %arg4[%dma_start3A_219, %dma_start3A_220] : memref<10240x16xf32, #tpu.memory_space<hbm>> -> memref<10240x16xf32, #tpu.memory_space<hbm>>
        tpu.enqueue_indirect_dma source(%dma_start3A_221 : memref<10240x16xf32, #tpu.memory_space<hbm>>) target(%arg11 : memref<128x16xf32, #tpu.memory_space<vmem>>) offsets(%dma_start3A_218 : memref<128xi32, #tpu.memory_space<vmem>>) semaphore(%arg15 : memref<!tpu.dma_semaphore, #tpu.memory_space<semaphore_mem>>)
      } else {
      }
      %dma_wait3A_111 = arith.constant 0 : i32
      %dma_wait3A_112 = arith.constant 0 : i32
      %dma_wait3A_113 = tpu.memref_slice %arg3[%dma_wait3A_111, %dma_wait3A_112] : memref<10240x48xf32, #tpu.memory_space<hbm>> -> memref<128x48xf32, #tpu.memory_space<hbm>>
      %dma_wait3A_114 = arith.constant 0 : i32
      %dma_wait3A_115 = arith.constant 0 : i32
      %dma_wait3A_116 = tpu.memref_slice %arg3[%dma_wait3A_114, %dma_wait3A_115] : memref<10240x48xf32, #tpu.memory_space<hbm>> -> memref<128x48xf32, #tpu.memory_space<hbm>>
      tpu.wait_dma2 semaphore(%arg14 : memref<!tpu.dma_semaphore, #tpu.memory_space<semaphore_mem>>) src(%dma_wait3A_116 : memref<128x48xf32, #tpu.memory_space<hbm>>) dst(%arg7 : memref<128x48xf32, #tpu.memory_space<vmem>>)
      %dma_wait3A_117 = arith.constant 0 : i32
      %dma_wait3A_118 = arith.constant 0 : i32
      %dma_wait3A_119 = tpu.memref_slice %arg4[%dma_wait3A_117, %dma_wait3A_118] : memref<10240x16xf32, #tpu.memory_space<hbm>> -> memref<128x16xf32, #tpu.memory_space<hbm>>
      %dma_wait3A_120 = arith.constant 0 : i32
      %dma_wait3A_121 = arith.constant 0 : i32
      %dma_wait3A_122 = tpu.memref_slice %arg4[%dma_wait3A_120, %dma_wait3A_121] : memref<10240x16xf32, #tpu.memory_space<hbm>> -> memref<128x16xf32, #tpu.memory_space<hbm>>
      tpu.wait_dma2 semaphore(%arg14 : memref<!tpu.dma_semaphore, #tpu.memory_space<semaphore_mem>>) src(%dma_wait3A_122 : memref<128x16xf32, #tpu.memory_space<hbm>>) dst(%arg10 : memref<128x16xf32, #tpu.memory_space<vmem>>)
      %broadcast_in_dim3A_123 = arith.constant 12 : i32
      %broadcast_in_dim3A_124 = vector.broadcast %broadcast_in_dim3A_123 : i32 to vector<16xi32>
      %parallel_loop3A = arith.constant 0 : i32
      %parallel_loop3A_125 = arith.constant 128 : i32
      %parallel_loop3A_126 = arith.constant 1 : i32
      scf.for %parallel_loop3A_202 = %parallel_loop3A to %parallel_loop3A_125 step %parallel_loop3A_126  : i32 {
        %parallel_loop3A_203 = arith.index_cast %parallel_loop3A_202 : i32 to index
        %parallel_loop3A_204 = arith.constant 0 : index
        %parallel_loop3A_205 = tpu.vector_load %arg10[%parallel_loop3A_203, %parallel_loop3A_204] {strides = array<i32>} : memref<128x16xf32, #tpu.memory_space<vmem>>, vector<16xf32>,
        %parallel_loop3A_206 = arith.index_cast %parallel_loop3A_202 : i32 to index
        %parallel_loop3A_207 = arith.constant 32 : index
        %parallel_loop3A_208 = tpu.vector_load %arg7[%parallel_loop3A_206, %parallel_loop3A_207] {strides = array<i32>} : memref<128x48xf32, #tpu.memory_space<vmem>>, vector<16xf32>,
        %parallel_loop3A_209 = arith.addf %parallel_loop3A_208, %parallel_loop3A_205 : vector<16xf32>
        %parallel_loop3A_210 = arith.constant 2.000000e-01 : f32
        %parallel_loop3A_211 = vector.broadcast %parallel_loop3A_210 : f32 to vector<16xf32>
        %parallel_loop3A_212 = arith.mulf %parallel_loop3A_209, %parallel_loop3A_211 : vector<16xf32>
        %parallel_loop3A_213 = arith.maximumf %parallel_loop3A_209, %parallel_loop3A_212 : vector<16xf32>
        %parallel_loop3A_214 = math.exp %parallel_loop3A_213 : vector<16xf32>
        %parallel_loop3A_215 = arith.constant 0 : i32
        %parallel_loop3A_216 = vector.broadcast %parallel_loop3A_215 : i32 to vector<16xi32>
        %parallel_loop3A_217 = arith.cmpi slt, %broadcast_in_dim3A_124, %parallel_loop3A_216 : vector<16xi32>
        %parallel_loop3A_218 = arith.constant 16 : i32
        %parallel_loop3A_219 = vector.broadcast %parallel_loop3A_218 : i32 to vector<16xi32>
        %parallel_loop3A_220 = arith.addi %broadcast_in_dim3A_124, %parallel_loop3A_219 : vector<16xi32>
        %parallel_loop3A_221 = arith.select %parallel_loop3A_217, %parallel_loop3A_220, %broadcast_in_dim3A_124 : vector<16xi1>, vector<16xi32>
        %parallel_loop3A_222 = vector.shape_cast %parallel_loop3A_221 : vector<16xi32> to vector<16x1xi32>
        %parallel_loop3A_223 = vector.shape_cast %parallel_loop3A_222 : vector<16x1xi32> to vector<16xi32>
        %parallel_loop3A_224 = tpu.dynamic_gather %parallel_loop3A_214[%parallel_loop3A_223] in [0] : vector<16xf32>, vector<16xi32> -> vector<16xf32>
        %parallel_loop3A_225 = arith.index_cast %parallel_loop3A_202 : i32 to index
        %parallel_loop3A_226 = arith.constant 0 : index
        %parallel_loop3A_227 = tpu.vector_load %arg7[%parallel_loop3A_225, %parallel_loop3A_226] {strides = array<i32>} : memref<128x48xf32, #tpu.memory_space<vmem>>, vector<16xf32>,
        %parallel_loop3A_228 = arith.mulf %parallel_loop3A_227, %parallel_loop3A_224 : vector<16xf32>
        %parallel_loop3A_229 = arith.index_cast %parallel_loop3A_202 : i32 to index
        %parallel_loop3A_230 = arith.constant 0 : index
        %parallel_loop3A_231 = tpu.vector_load %arg7[%parallel_loop3A_229, %parallel_loop3A_230] {strides = array<i32>} : memref<128x48xf32, #tpu.memory_space<vmem>>, vector<16xf32>,
        tpu.vector_store %arg7[%parallel_loop3A_229, %parallel_loop3A_230], %parallel_loop3A_228 {strides = array<i32>} : memref<128x48xf32, #tpu.memory_space<vmem>>, vector<16xf32>,
        %parallel_loop3A_232 = arith.index_cast %parallel_loop3A_202 : i32 to index
        %parallel_loop3A_233 = arith.constant 16 : index
        %parallel_loop3A_234 = tpu.vector_load %arg7[%parallel_loop3A_232, %parallel_loop3A_233] {strides = array<i32>} : memref<128x48xf32, #tpu.memory_space<vmem>>, vector<16xf32>,
        %parallel_loop3A_235 = arith.mulf %parallel_loop3A_234, %parallel_loop3A_224 : vector<16xf32>
        %parallel_loop3A_236 = arith.index_cast %parallel_loop3A_202 : i32 to index
        %parallel_loop3A_237 = arith.constant 16 : index
        %parallel_loop3A_238 = tpu.vector_load %arg7[%parallel_loop3A_236, %parallel_loop3A_237] {strides = array<i32>} : memref<128x48xf32, #tpu.memory_space<vmem>>, vector<16xf32>,
        tpu.vector_store %arg7[%parallel_loop3A_236, %parallel_loop3A_237], %parallel_loop3A_235 {strides = array<i32>} : memref<128x48xf32, #tpu.memory_space<vmem>>, vector<16xf32>,
        %parallel_loop3A_239 = arith.constant 8 : i32
        %parallel_loop3A_240 = vector.broadcast %parallel_loop3A_239 : i32 to vector<16xi32>
        %parallel_loop3A_241 = arith.cmpi slt, %iota3A, %parallel_loop3A_240 : vector<16xi32>
        %parallel_loop3A_242 = arith.mulf %parallel_loop3A_208, %parallel_loop3A_224 : vector<16xf32>
        %parallel_loop3A_243 = arith.select %parallel_loop3A_241, %parallel_loop3A_242, %parallel_loop3A_224 : vector<16xi1>, vector<16xf32>
        %parallel_loop3A_244 = arith.index_cast %parallel_loop3A_202 : i32 to index
        %parallel_loop3A_245 = arith.constant 32 : index
        %parallel_loop3A_246 = tpu.vector_load %arg7[%parallel_loop3A_244, %parallel_loop3A_245] {strides = array<i32>} : memref<128x48xf32, #tpu.memory_space<vmem>>, vector<16xf32>,
        tpu.vector_store %arg7[%parallel_loop3A_244, %parallel_loop3A_245], %parallel_loop3A_243 {strides = array<i32>} : memref<128x48xf32, #tpu.memory_space<vmem>>, vector<16xf32>,
      } {sc.loop_unroll_factor = 4 : i64, sc.parallel_access}
      %dma_start3A_127 = arith.constant 1 : i32
      %dma_start3A_128 = arith.constant 0 : i32
      %dma_start3A_129 = tpu.memref_slice %arg6[%add3A_107, %dma_start3A_127, %dma_start3A_128] : memref<96x2x128xi32, #tpu.memory_space<vmem>> -> memref<1x1x128xi32, #tpu.memory_space<vmem>>
      %dma_start3A_130 = tpu.memref_squeeze %dma_start3A_129 : memref<1x1x128xi32, #tpu.memory_space<vmem>> -> memref<128xi32, #tpu.memory_space<vmem>>
      %dma_start3A_131 = arith.constant 0 : i32
      %dma_start3A_132 = arith.constant 0 : i32
      %dma_start3A_133 = tpu.memref_slice %arg13[%dma_start3A_131, %dma_start3A_132] : memref<10240x48xf32, #tpu.memory_space<vmem_shared>> -> memref<10240x48xf32, #tpu.memory_space<vmem_shared>>
      tpu.enqueue_indirect_dma source(%arg7 : memref<128x48xf32, #tpu.memory_space<vmem>>) target(%dma_start3A_133 : memref<10240x48xf32, #tpu.memory_space<vmem_shared>>) offsets(%dma_start3A_130 : memref<128xi32, #tpu.memory_space<vmem>>) semaphore(%arg17 : memref<!tpu.dma_semaphore, #tpu.memory_space<semaphore_mem>>) {add = true}
      %mul3A_134 = arith.constant 3 : i32
      %mul3A_135 = arith.muli %mul3A_134, %while3A_103 : i32
      %add3A_136 = arith.constant 1 : i32
      %add3A_137 = arith.addi %mul3A_135, %add3A_136 : i32
      %add3A_138 = arith.constant 1 : i32
      %add3A_139 = arith.addi %add3A_137, %add3A_138 : i32
      %lt3A_140 = arith.cmpi slt, %add3A_139, %select_n3A : i32
      %convert_element_type3A_141 = arith.extui %lt3A_140 : i1 to i32
      %cond3A_142 = arith.constant 0 : i32
      %cond3A_143 = arith.cmpi ne, %convert_element_type3A_141, %cond3A_142 : i32
      scf.if %cond3A_143 {
        %ge3A = arith.constant 2 : i32
        %ge3A_202 = arith.cmpi sge, %add3A_137, %ge3A : i32
        %convert_element_type3A_203 = arith.extui %ge3A_202 : i1 to i32
        %cond3A_204 = arith.constant 0 : i32
        %cond3A_205 = arith.cmpi ne, %convert_element_type3A_203, %cond3A_204 : i32
        scf.if %cond3A_205 {
          %dma_wait3A_222 = arith.constant 0 : i32
          %dma_wait3A_223 = arith.constant 0 : i32
          %dma_wait3A_224 = tpu.memref_slice %arg13[%dma_wait3A_222, %dma_wait3A_223] : memref<10240x48xf32, #tpu.memory_space<vmem_shared>> -> memref<128x48xf32, #tpu.memory_space<vmem_shared>>
          %dma_wait3A_225 = arith.constant 0 : i32
          %dma_wait3A_226 = arith.constant 0 : i32
          %dma_wait3A_227 = tpu.memref_slice %arg13[%dma_wait3A_225, %dma_wait3A_226] : memref<10240x48xf32, #tpu.memory_space<vmem_shared>> -> memref<128x48xf32, #tpu.memory_space<vmem_shared>>
          tpu.wait_dma2 semaphore(%arg19 : memref<!tpu.dma_semaphore, #tpu.memory_space<semaphore_mem>>) src(%arg9 : memref<128x48xf32, #tpu.memory_space<vmem>>) dst(%dma_wait3A_227 : memref<128x48xf32, #tpu.memory_space<vmem_shared>>)
        } else {
        }
        %add3A_206 = arith.constant 1 : i32
        %add3A_207 = arith.addi %add3A_137, %add3A_206 : i32
        %dma_start3A_208 = arith.constant 0 : i32
        %dma_start3A_209 = arith.constant 0 : i32
        %dma_start3A_210 = tpu.memref_slice %arg6[%add3A_207, %dma_start3A_208, %dma_start3A_209] : memref<96x2x128xi32, #tpu.memory_space<vmem>> -> memref<1x1x128xi32, #tpu.memory_space<vmem>>
        %dma_start3A_211 = tpu.memref_squeeze %dma_start3A_210 : memref<1x1x128xi32, #tpu.memory_space<vmem>> -> memref<128xi32, #tpu.memory_space<vmem>>
        %dma_start3A_212 = arith.constant 0 : i32
        %dma_start3A_213 = arith.constant 0 : i32
        %dma_start3A_214 = tpu.memref_slice %arg3[%dma_start3A_212, %dma_start3A_213] : memref<10240x48xf32, #tpu.memory_space<hbm>> -> memref<10240x48xf32, #tpu.memory_space<hbm>>
        tpu.enqueue_indirect_dma source(%dma_start3A_214 : memref<10240x48xf32, #tpu.memory_space<hbm>>) target(%arg9 : memref<128x48xf32, #tpu.memory_space<vmem>>) offsets(%dma_start3A_211 : memref<128xi32, #tpu.memory_space<vmem>>) semaphore(%arg16 : memref<!tpu.dma_semaphore, #tpu.memory_space<semaphore_mem>>)
        %dma_start3A_215 = arith.constant 1 : i32
        %dma_start3A_216 = arith.constant 0 : i32
        %dma_start3A_217 = tpu.memref_slice %arg6[%add3A_207, %dma_start3A_215, %dma_start3A_216] : memref<96x2x128xi32, #tpu.memory_space<vmem>> -> memref<1x1x128xi32, #tpu.memory_space<vmem>>
        %dma_start3A_218 = tpu.memref_squeeze %dma_start3A_217 : memref<1x1x128xi32, #tpu.memory_space<vmem>> -> memref<128xi32, #tpu.memory_space<vmem>>
        %dma_start3A_219 = arith.constant 0 : i32
        %dma_start3A_220 = arith.constant 0 : i32
        %dma_start3A_221 = tpu.memref_slice %arg4[%dma_start3A_219, %dma_start3A_220] : memref<10240x16xf32, #tpu.memory_space<hbm>> -> memref<10240x16xf32, #tpu.memory_space<hbm>>
        tpu.enqueue_indirect_dma source(%dma_start3A_221 : memref<10240x16xf32, #tpu.memory_space<hbm>>) target(%arg12 : memref<128x16xf32, #tpu.memory_space<vmem>>) offsets(%dma_start3A_218 : memref<128xi32, #tpu.memory_space<vmem>>) semaphore(%arg16 : memref<!tpu.dma_semaphore, #tpu.memory_space<semaphore_mem>>)
      } else {
      }
      %dma_wait3A_144 = arith.constant 0 : i32
      %dma_wait3A_145 = arith.constant 0 : i32
      %dma_wait3A_146 = tpu.memref_slice %arg3[%dma_wait3A_144, %dma_wait3A_145] : memref<10240x48xf32, #tpu.memory_space<hbm>> -> memref<128x48xf32, #tpu.memory_space<hbm>>
      %dma_wait3A_147 = arith.constant 0 : i32
      %dma_wait3A_148 = arith.constant 0 : i32
      %dma_wait3A_149 = tpu.memref_slice %arg3[%dma_wait3A_147, %dma_wait3A_148] : memref<10240x48xf32, #tpu.memory_space<hbm>> -> memref<128x48xf32, #tpu.memory_space<hbm>>
      tpu.wait_dma2 semaphore(%arg15 : memref<!tpu.dma_semaphore, #tpu.memory_space<semaphore_mem>>) src(%dma_wait3A_149 : memref<128x48xf32, #tpu.memory_space<hbm>>) dst(%arg8 : memref<128x48xf32, #tpu.memory_space<vmem>>)
      %dma_wait3A_150 = arith.constant 0 : i32
      %dma_wait3A_151 = arith.constant 0 : i32
      %dma_wait3A_152 = tpu.memref_slice %arg4[%dma_wait3A_150, %dma_wait3A_151] : memref<10240x16xf32, #tpu.memory_space<hbm>> -> memref<128x16xf32, #tpu.memory_space<hbm>>
      %dma_wait3A_153 = arith.constant 0 : i32
      %dma_wait3A_154 = arith.constant 0 : i32
      %dma_wait3A_155 = tpu.memref_slice %arg4[%dma_wait3A_153, %dma_wait3A_154] : memref<10240x16xf32, #tpu.memory_space<hbm>> -> memref<128x16xf32, #tpu.memory_space<hbm>>
      tpu.wait_dma2 semaphore(%arg15 : memref<!tpu.dma_semaphore, #tpu.memory_space<semaphore_mem>>) src(%dma_wait3A_155 : memref<128x16xf32, #tpu.memory_space<hbm>>) dst(%arg11 : memref<128x16xf32, #tpu.memory_space<vmem>>)
      %broadcast_in_dim3A_156 = arith.constant 12 : i32
      %broadcast_in_dim3A_157 = vector.broadcast %broadcast_in_dim3A_156 : i32 to vector<16xi32>
      %parallel_loop3A_158 = arith.constant 0 : i32
      %parallel_loop3A_159 = arith.constant 128 : i32
      %parallel_loop3A_160 = arith.constant 1 : i32
      scf.for %parallel_loop3A_202 = %parallel_loop3A_158 to %parallel_loop3A_159 step %parallel_loop3A_160  : i32 {
        %parallel_loop3A_203 = arith.index_cast %parallel_loop3A_202 : i32 to index
        %parallel_loop3A_204 = arith.constant 0 : index
        %parallel_loop3A_205 = tpu.vector_load %arg11[%parallel_loop3A_203, %parallel_loop3A_204] {strides = array<i32>} : memref<128x16xf32, #tpu.memory_space<vmem>>, vector<16xf32>,
        %parallel_loop3A_206 = arith.index_cast %parallel_loop3A_202 : i32 to index
        %parallel_loop3A_207 = arith.constant 32 : index
        %parallel_loop3A_208 = tpu.vector_load %arg8[%parallel_loop3A_206, %parallel_loop3A_207] {strides = array<i32>} : memref<128x48xf32, #tpu.memory_space<vmem>>, vector<16xf32>,
        %parallel_loop3A_209 = arith.addf %parallel_loop3A_208, %parallel_loop3A_205 : vector<16xf32>
        %parallel_loop3A_210 = arith.constant 2.000000e-01 : f32
        %parallel_loop3A_211 = vector.broadcast %parallel_loop3A_210 : f32 to vector<16xf32>
        %parallel_loop3A_212 = arith.mulf %parallel_loop3A_209, %parallel_loop3A_211 : vector<16xf32>
        %parallel_loop3A_213 = arith.maximumf %parallel_loop3A_209, %parallel_loop3A_212 : vector<16xf32>
        %parallel_loop3A_214 = math.exp %parallel_loop3A_213 : vector<16xf32>
        %parallel_loop3A_215 = arith.constant 0 : i32
        %parallel_loop3A_216 = vector.broadcast %parallel_loop3A_215 : i32 to vector<16xi32>
        %parallel_loop3A_217 = arith.cmpi slt, %broadcast_in_dim3A_157, %parallel_loop3A_216 : vector<16xi32>
        %parallel_loop3A_218 = arith.constant 16 : i32
        %parallel_loop3A_219 = vector.broadcast %parallel_loop3A_218 : i32 to vector<16xi32>
        %parallel_loop3A_220 = arith.addi %broadcast_in_dim3A_157, %parallel_loop3A_219 : vector<16xi32>
        %parallel_loop3A_221 = arith.select %parallel_loop3A_217, %parallel_loop3A_220, %broadcast_in_dim3A_157 : vector<16xi1>, vector<16xi32>
        %parallel_loop3A_222 = vector.shape_cast %parallel_loop3A_221 : vector<16xi32> to vector<16x1xi32>
        %parallel_loop3A_223 = vector.shape_cast %parallel_loop3A_222 : vector<16x1xi32> to vector<16xi32>
        %parallel_loop3A_224 = tpu.dynamic_gather %parallel_loop3A_214[%parallel_loop3A_223] in [0] : vector<16xf32>, vector<16xi32> -> vector<16xf32>
        %parallel_loop3A_225 = arith.index_cast %parallel_loop3A_202 : i32 to index
        %parallel_loop3A_226 = arith.constant 0 : index
        %parallel_loop3A_227 = tpu.vector_load %arg8[%parallel_loop3A_225, %parallel_loop3A_226] {strides = array<i32>} : memref<128x48xf32, #tpu.memory_space<vmem>>, vector<16xf32>,
        %parallel_loop3A_228 = arith.mulf %parallel_loop3A_227, %parallel_loop3A_224 : vector<16xf32>
        %parallel_loop3A_229 = arith.index_cast %parallel_loop3A_202 : i32 to index
        %parallel_loop3A_230 = arith.constant 0 : index
        %parallel_loop3A_231 = tpu.vector_load %arg8[%parallel_loop3A_229, %parallel_loop3A_230] {strides = array<i32>} : memref<128x48xf32, #tpu.memory_space<vmem>>, vector<16xf32>,
        tpu.vector_store %arg8[%parallel_loop3A_229, %parallel_loop3A_230], %parallel_loop3A_228 {strides = array<i32>} : memref<128x48xf32, #tpu.memory_space<vmem>>, vector<16xf32>,
        %parallel_loop3A_232 = arith.index_cast %parallel_loop3A_202 : i32 to index
        %parallel_loop3A_233 = arith.constant 16 : index
        %parallel_loop3A_234 = tpu.vector_load %arg8[%parallel_loop3A_232, %parallel_loop3A_233] {strides = array<i32>} : memref<128x48xf32, #tpu.memory_space<vmem>>, vector<16xf32>,
        %parallel_loop3A_235 = arith.mulf %parallel_loop3A_234, %parallel_loop3A_224 : vector<16xf32>
        %parallel_loop3A_236 = arith.index_cast %parallel_loop3A_202 : i32 to index
        %parallel_loop3A_237 = arith.constant 16 : index
        %parallel_loop3A_238 = tpu.vector_load %arg8[%parallel_loop3A_236, %parallel_loop3A_237] {strides = array<i32>} : memref<128x48xf32, #tpu.memory_space<vmem>>, vector<16xf32>,
        tpu.vector_store %arg8[%parallel_loop3A_236, %parallel_loop3A_237], %parallel_loop3A_235 {strides = array<i32>} : memref<128x48xf32, #tpu.memory_space<vmem>>, vector<16xf32>,
        %parallel_loop3A_239 = arith.constant 8 : i32
        %parallel_loop3A_240 = vector.broadcast %parallel_loop3A_239 : i32 to vector<16xi32>
        %parallel_loop3A_241 = arith.cmpi slt, %iota3A, %parallel_loop3A_240 : vector<16xi32>
        %parallel_loop3A_242 = arith.mulf %parallel_loop3A_208, %parallel_loop3A_224 : vector<16xf32>
        %parallel_loop3A_243 = arith.select %parallel_loop3A_241, %parallel_loop3A_242, %parallel_loop3A_224 : vector<16xi1>, vector<16xf32>
        %parallel_loop3A_244 = arith.index_cast %parallel_loop3A_202 : i32 to index
        %parallel_loop3A_245 = arith.constant 32 : index
        %parallel_loop3A_246 = tpu.vector_load %arg8[%parallel_loop3A_244, %parallel_loop3A_245] {strides = array<i32>} : memref<128x48xf32, #tpu.memory_space<vmem>>, vector<16xf32>,
        tpu.vector_store %arg8[%parallel_loop3A_244, %parallel_loop3A_245], %parallel_loop3A_243 {strides = array<i32>} : memref<128x48xf32, #tpu.memory_space<vmem>>, vector<16xf32>,
      } {sc.loop_unroll_factor = 4 : i64, sc.parallel_access}
      %dma_start3A_161 = arith.constant 1 : i32
      %dma_start3A_162 = arith.constant 0 : i32
      %dma_start3A_163 = tpu.memref_slice %arg6[%add3A_137, %dma_start3A_161, %dma_start3A_162] : memref<96x2x128xi32, #tpu.memory_space<vmem>> -> memref<1x1x128xi32, #tpu.memory_space<vmem>>
      %dma_start3A_164 = tpu.memref_squeeze %dma_start3A_163 : memref<1x1x128xi32, #tpu.memory_space<vmem>> -> memref<128xi32, #tpu.memory_space<vmem>>
      %dma_start3A_165 = arith.constant 0 : i32
      %dma_start3A_166 = arith.constant 0 : i32
      %dma_start3A_167 = tpu.memref_slice %arg13[%dma_start3A_165, %dma_start3A_166] : memref<10240x48xf32, #tpu.memory_space<vmem_shared>> -> memref<10240x48xf32, #tpu.memory_space<vmem_shared>>
      tpu.enqueue_indirect_dma source(%arg8 : memref<128x48xf32, #tpu.memory_space<vmem>>) target(%dma_start3A_167 : memref<10240x48xf32, #tpu.memory_space<vmem_shared>>) offsets(%dma_start3A_164 : memref<128xi32, #tpu.memory_space<vmem>>) semaphore(%arg18 : memref<!tpu.dma_semaphore, #tpu.memory_space<semaphore_mem>>) {add = true}
      %mul3A_168 = arith.constant 3 : i32
      %mul3A_169 = arith.muli %mul3A_168, %while3A_103 : i32
      %add3A_170 = arith.constant 2 : i32
      %add3A_171 = arith.addi %mul3A_169, %add3A_170 : i32
      %add3A_172 = arith.constant 1 : i32
      %add3A_173 = arith.addi %add3A_171, %add3A_172 : i32
      %lt3A_174 = arith.cmpi slt, %add3A_173, %select_n3A : i32
      %convert_element_type3A_175 = arith.extui %lt3A_174 : i1 to i32
      %cond3A_176 = arith.constant 0 : i32
      %cond3A_177 = arith.cmpi ne, %convert_element_type3A_175, %cond3A_176 : i32
      scf.if %cond3A_177 {
        %ge3A = arith.constant 2 : i32
        %ge3A_202 = arith.cmpi sge, %add3A_171, %ge3A : i32
        %convert_element_type3A_203 = arith.extui %ge3A_202 : i1 to i32
        %cond3A_204 = arith.constant 0 : i32
        %cond3A_205 = arith.cmpi ne, %convert_element_type3A_203, %cond3A_204 : i32
        scf.if %cond3A_205 {
          %dma_wait3A_222 = arith.constant 0 : i32
          %dma_wait3A_223 = arith.constant 0 : i32
          %dma_wait3A_224 = tpu.memref_slice %arg13[%dma_wait3A_222, %dma_wait3A_223] : memref<10240x48xf32, #tpu.memory_space<vmem_shared>> -> memref<128x48xf32, #tpu.memory_space<vmem_shared>>
          %dma_wait3A_225 = arith.constant 0 : i32
          %dma_wait3A_226 = arith.constant 0 : i32
          %dma_wait3A_227 = tpu.memref_slice %arg13[%dma_wait3A_225, %dma_wait3A_226] : memref<10240x48xf32, #tpu.memory_space<vmem_shared>> -> memref<128x48xf32, #tpu.memory_space<vmem_shared>>
          tpu.wait_dma2 semaphore(%arg17 : memref<!tpu.dma_semaphore, #tpu.memory_space<semaphore_mem>>) src(%arg7 : memref<128x48xf32, #tpu.memory_space<vmem>>) dst(%dma_wait3A_227 : memref<128x48xf32, #tpu.memory_space<vmem_shared>>)
        } else {
        }
        %add3A_206 = arith.constant 1 : i32
        %add3A_207 = arith.addi %add3A_171, %add3A_206 : i32
        %dma_start3A_208 = arith.constant 0 : i32
        %dma_start3A_209 = arith.constant 0 : i32
        %dma_start3A_210 = tpu.memref_slice %arg6[%add3A_207, %dma_start3A_208, %dma_start3A_209] : memref<96x2x128xi32, #tpu.memory_space<vmem>> -> memref<1x1x128xi32, #tpu.memory_space<vmem>>
        %dma_start3A_211 = tpu.memref_squeeze %dma_start3A_210 : memref<1x1x128xi32, #tpu.memory_space<vmem>> -> memref<128xi32, #tpu.memory_space<vmem>>
        %dma_start3A_212 = arith.constant 0 : i32
        %dma_start3A_213 = arith.constant 0 : i32
        %dma_start3A_214 = tpu.memref_slice %arg3[%dma_start3A_212, %dma_start3A_213] : memref<10240x48xf32, #tpu.memory_space<hbm>> -> memref<10240x48xf32, #tpu.memory_space<hbm>>
        tpu.enqueue_indirect_dma source(%dma_start3A_214 : memref<10240x48xf32, #tpu.memory_space<hbm>>) target(%arg7 : memref<128x48xf32, #tpu.memory_space<vmem>>) offsets(%dma_start3A_211 : memref<128xi32, #tpu.memory_space<vmem>>) semaphore(%arg14 : memref<!tpu.dma_semaphore, #tpu.memory_space<semaphore_mem>>)
        %dma_start3A_215 = arith.constant 1 : i32
        %dma_start3A_216 = arith.constant 0 : i32
        %dma_start3A_217 = tpu.memref_slice %arg6[%add3A_207, %dma_start3A_215, %dma_start3A_216] : memref<96x2x128xi32, #tpu.memory_space<vmem>> -> memref<1x1x128xi32, #tpu.memory_space<vmem>>
        %dma_start3A_218 = tpu.memref_squeeze %dma_start3A_217 : memref<1x1x128xi32, #tpu.memory_space<vmem>> -> memref<128xi32, #tpu.memory_space<vmem>>
        %dma_start3A_219 = arith.constant 0 : i32
        %dma_start3A_220 = arith.constant 0 : i32
        %dma_start3A_221 = tpu.memref_slice %arg4[%dma_start3A_219, %dma_start3A_220] : memref<10240x16xf32, #tpu.memory_space<hbm>> -> memref<10240x16xf32, #tpu.memory_space<hbm>>
        tpu.enqueue_indirect_dma source(%dma_start3A_221 : memref<10240x16xf32, #tpu.memory_space<hbm>>) target(%arg10 : memref<128x16xf32, #tpu.memory_space<vmem>>) offsets(%dma_start3A_218 : memref<128xi32, #tpu.memory_space<vmem>>) semaphore(%arg14 : memref<!tpu.dma_semaphore, #tpu.memory_space<semaphore_mem>>)
      } else {
      }
      %dma_wait3A_178 = arith.constant 0 : i32
      %dma_wait3A_179 = arith.constant 0 : i32
      %dma_wait3A_180 = tpu.memref_slice %arg3[%dma_wait3A_178, %dma_wait3A_179] : memref<10240x48xf32, #tpu.memory_space<hbm>> -> memref<128x48xf32, #tpu.memory_space<hbm>>
      %dma_wait3A_181 = arith.constant 0 : i32
      %dma_wait3A_182 = arith.constant 0 : i32
      %dma_wait3A_183 = tpu.memref_slice %arg3[%dma_wait3A_181, %dma_wait3A_182] : memref<10240x48xf32, #tpu.memory_space<hbm>> -> memref<128x48xf32, #tpu.memory_space<hbm>>
      tpu.wait_dma2 semaphore(%arg16 : memref<!tpu.dma_semaphore, #tpu.memory_space<semaphore_mem>>) src(%dma_wait3A_183 : memref<128x48xf32, #tpu.memory_space<hbm>>) dst(%arg9 : memref<128x48xf32, #tpu.memory_space<vmem>>)
      %dma_wait3A_184 = arith.constant 0 : i32
      %dma_wait3A_185 = arith.constant 0 : i32
      %dma_wait3A_186 = tpu.memref_slice %arg4[%dma_wait3A_184, %dma_wait3A_185] : memref<10240x16xf32, #tpu.memory_space<hbm>> -> memref<128x16xf32, #tpu.memory_space<hbm>>
      %dma_wait3A_187 = arith.constant 0 : i32
      %dma_wait3A_188 = arith.constant 0 : i32
      %dma_wait3A_189 = tpu.memref_slice %arg4[%dma_wait3A_187, %dma_wait3A_188] : memref<10240x16xf32, #tpu.memory_space<hbm>> -> memref<128x16xf32, #tpu.memory_space<hbm>>
      tpu.wait_dma2 semaphore(%arg16 : memref<!tpu.dma_semaphore, #tpu.memory_space<semaphore_mem>>) src(%dma_wait3A_189 : memref<128x16xf32, #tpu.memory_space<hbm>>) dst(%arg12 : memref<128x16xf32, #tpu.memory_space<vmem>>)
      %broadcast_in_dim3A_190 = arith.constant 12 : i32
      %broadcast_in_dim3A_191 = vector.broadcast %broadcast_in_dim3A_190 : i32 to vector<16xi32>
      %parallel_loop3A_192 = arith.constant 0 : i32
      %parallel_loop3A_193 = arith.constant 128 : i32
      %parallel_loop3A_194 = arith.constant 1 : i32
      scf.for %parallel_loop3A_202 = %parallel_loop3A_192 to %parallel_loop3A_193 step %parallel_loop3A_194  : i32 {
        %parallel_loop3A_203 = arith.index_cast %parallel_loop3A_202 : i32 to index
        %parallel_loop3A_204 = arith.constant 0 : index
        %parallel_loop3A_205 = tpu.vector_load %arg12[%parallel_loop3A_203, %parallel_loop3A_204] {strides = array<i32>} : memref<128x16xf32, #tpu.memory_space<vmem>>, vector<16xf32>,
        %parallel_loop3A_206 = arith.index_cast %parallel_loop3A_202 : i32 to index
        %parallel_loop3A_207 = arith.constant 32 : index
        %parallel_loop3A_208 = tpu.vector_load %arg9[%parallel_loop3A_206, %parallel_loop3A_207] {strides = array<i32>} : memref<128x48xf32, #tpu.memory_space<vmem>>, vector<16xf32>,
        %parallel_loop3A_209 = arith.addf %parallel_loop3A_208, %parallel_loop3A_205 : vector<16xf32>
        %parallel_loop3A_210 = arith.constant 2.000000e-01 : f32
        %parallel_loop3A_211 = vector.broadcast %parallel_loop3A_210 : f32 to vector<16xf32>
        %parallel_loop3A_212 = arith.mulf %parallel_loop3A_209, %parallel_loop3A_211 : vector<16xf32>
        %parallel_loop3A_213 = arith.maximumf %parallel_loop3A_209, %parallel_loop3A_212 : vector<16xf32>
        %parallel_loop3A_214 = math.exp %parallel_loop3A_213 : vector<16xf32>
        %parallel_loop3A_215 = arith.constant 0 : i32
        %parallel_loop3A_216 = vector.broadcast %parallel_loop3A_215 : i32 to vector<16xi32>
        %parallel_loop3A_217 = arith.cmpi slt, %broadcast_in_dim3A_191, %parallel_loop3A_216 : vector<16xi32>
        %parallel_loop3A_218 = arith.constant 16 : i32
        %parallel_loop3A_219 = vector.broadcast %parallel_loop3A_218 : i32 to vector<16xi32>
        %parallel_loop3A_220 = arith.addi %broadcast_in_dim3A_191, %parallel_loop3A_219 : vector<16xi32>
        %parallel_loop3A_221 = arith.select %parallel_loop3A_217, %parallel_loop3A_220, %broadcast_in_dim3A_191 : vector<16xi1>, vector<16xi32>
        %parallel_loop3A_222 = vector.shape_cast %parallel_loop3A_221 : vector<16xi32> to vector<16x1xi32>
        %parallel_loop3A_223 = vector.shape_cast %parallel_loop3A_222 : vector<16x1xi32> to vector<16xi32>
        %parallel_loop3A_224 = tpu.dynamic_gather %parallel_loop3A_214[%parallel_loop3A_223] in [0] : vector<16xf32>, vector<16xi32> -> vector<16xf32>
        %parallel_loop3A_225 = arith.index_cast %parallel_loop3A_202 : i32 to index
        %parallel_loop3A_226 = arith.constant 0 : index
        %parallel_loop3A_227 = tpu.vector_load %arg9[%parallel_loop3A_225, %parallel_loop3A_226] {strides = array<i32>} : memref<128x48xf32, #tpu.memory_space<vmem>>, vector<16xf32>,
        %parallel_loop3A_228 = arith.mulf %parallel_loop3A_227, %parallel_loop3A_224 : vector<16xf32>
        %parallel_loop3A_229 = arith.index_cast %parallel_loop3A_202 : i32 to index
        %parallel_loop3A_230 = arith.constant 0 : index
        %parallel_loop3A_231 = tpu.vector_load %arg9[%parallel_loop3A_229, %parallel_loop3A_230] {strides = array<i32>} : memref<128x48xf32, #tpu.memory_space<vmem>>, vector<16xf32>,
        tpu.vector_store %arg9[%parallel_loop3A_229, %parallel_loop3A_230], %parallel_loop3A_228 {strides = array<i32>} : memref<128x48xf32, #tpu.memory_space<vmem>>, vector<16xf32>,
        %parallel_loop3A_232 = arith.index_cast %parallel_loop3A_202 : i32 to index
        %parallel_loop3A_233 = arith.constant 16 : index
        %parallel_loop3A_234 = tpu.vector_load %arg9[%parallel_loop3A_232, %parallel_loop3A_233] {strides = array<i32>} : memref<128x48xf32, #tpu.memory_space<vmem>>, vector<16xf32>,
        %parallel_loop3A_235 = arith.mulf %parallel_loop3A_234, %parallel_loop3A_224 : vector<16xf32>
        %parallel_loop3A_236 = arith.index_cast %parallel_loop3A_202 : i32 to index
        %parallel_loop3A_237 = arith.constant 16 : index
        %parallel_loop3A_238 = tpu.vector_load %arg9[%parallel_loop3A_236, %parallel_loop3A_237] {strides = array<i32>} : memref<128x48xf32, #tpu.memory_space<vmem>>, vector<16xf32>,
        tpu.vector_store %arg9[%parallel_loop3A_236, %parallel_loop3A_237], %parallel_loop3A_235 {strides = array<i32>} : memref<128x48xf32, #tpu.memory_space<vmem>>, vector<16xf32>,
        %parallel_loop3A_239 = arith.constant 8 : i32
        %parallel_loop3A_240 = vector.broadcast %parallel_loop3A_239 : i32 to vector<16xi32>
        %parallel_loop3A_241 = arith.cmpi slt, %iota3A, %parallel_loop3A_240 : vector<16xi32>
        %parallel_loop3A_242 = arith.mulf %parallel_loop3A_208, %parallel_loop3A_224 : vector<16xf32>
        %parallel_loop3A_243 = arith.select %parallel_loop3A_241, %parallel_loop3A_242, %parallel_loop3A_224 : vector<16xi1>, vector<16xf32>
        %parallel_loop3A_244 = arith.index_cast %parallel_loop3A_202 : i32 to index
        %parallel_loop3A_245 = arith.constant 32 : index
        %parallel_loop3A_246 = tpu.vector_load %arg9[%parallel_loop3A_244, %parallel_loop3A_245] {strides = array<i32>} : memref<128x48xf32, #tpu.memory_space<vmem>>, vector<16xf32>,
        tpu.vector_store %arg9[%parallel_loop3A_244, %parallel_loop3A_245], %parallel_loop3A_243 {strides = array<i32>} : memref<128x48xf32, #tpu.memory_space<vmem>>, vector<16xf32>,
      } {sc.loop_unroll_factor = 4 : i64, sc.parallel_access}
      %dma_start3A_195 = arith.constant 1 : i32
      %dma_start3A_196 = arith.constant 0 : i32
      %dma_start3A_197 = tpu.memref_slice %arg6[%add3A_171, %dma_start3A_195, %dma_start3A_196] : memref<96x2x128xi32, #tpu.memory_space<vmem>> -> memref<1x1x128xi32, #tpu.memory_space<vmem>>
      %dma_start3A_198 = tpu.memref_squeeze %dma_start3A_197 : memref<1x1x128xi32, #tpu.memory_space<vmem>> -> memref<128xi32, #tpu.memory_space<vmem>>
      %dma_start3A_199 = arith.constant 0 : i32
      %dma_start3A_200 = arith.constant 0 : i32
      %dma_start3A_201 = tpu.memref_slice %arg13[%dma_start3A_199, %dma_start3A_200] : memref<10240x48xf32, #tpu.memory_space<vmem_shared>> -> memref<10240x48xf32, #tpu.memory_space<vmem_shared>>
      tpu.enqueue_indirect_dma source(%arg9 : memref<128x48xf32, #tpu.memory_space<vmem>>) target(%dma_start3A_201 : memref<10240x48xf32, #tpu.memory_space<vmem_shared>>) offsets(%dma_start3A_198 : memref<128xi32, #tpu.memory_space<vmem>>) semaphore(%arg19 : memref<!tpu.dma_semaphore, #tpu.memory_space<semaphore_mem>>) {add = true}
    }
    %while3A_64 = arith.constant 1 : i32
    scf.for %while3A_103 = %while3A_62 to %while3A_58 step %while3A_64  : i32 {
      %mul3A_104 = arith.constant 3 : i32
      %mul3A_105 = arith.muli %mul3A_104, %while3A_103 : i32
      %add3A_106 = arith.constant 0 : i32
      %add3A_107 = arith.addi %mul3A_105, %add3A_106 : i32
      %add3A_108 = arith.constant 1 : i32
      %add3A_109 = arith.addi %add3A_107, %add3A_108 : i32
      %lt3A = arith.cmpi slt, %add3A_109, %select_n3A : i32
      %convert_element_type3A = arith.extui %lt3A : i1 to i32
      %cond3A = arith.constant 0 : i32
      %cond3A_110 = arith.cmpi ne, %convert_element_type3A, %cond3A : i32
      scf.if %cond3A_110 {
        %ge3A = arith.constant 2 : i32
        %ge3A_202 = arith.cmpi sge, %add3A_107, %ge3A : i32
        %convert_element_type3A_203 = arith.extui %ge3A_202 : i1 to i32
        %cond3A_204 = arith.constant 0 : i32
        %cond3A_205 = arith.cmpi ne, %convert_element_type3A_203, %cond3A_204 : i32
        scf.if %cond3A_205 {
          %dma_wait3A_222 = arith.constant 0 : i32
          %dma_wait3A_223 = arith.constant 0 : i32
          %dma_wait3A_224 = tpu.memref_slice %arg13[%dma_wait3A_222, %dma_wait3A_223] : memref<10240x48xf32, #tpu.memory_space<vmem_shared>> -> memref<128x48xf32, #tpu.memory_space<vmem_shared>>
          %dma_wait3A_225 = arith.constant 0 : i32
          %dma_wait3A_226 = arith.constant 0 : i32
          %dma_wait3A_227 = tpu.memref_slice %arg13[%dma_wait3A_225, %dma_wait3A_226] : memref<10240x48xf32, #tpu.memory_space<vmem_shared>> -> memref<128x48xf32, #tpu.memory_space<vmem_shared>>
          tpu.wait_dma2 semaphore(%arg18 : memref<!tpu.dma_semaphore, #tpu.memory_space<semaphore_mem>>) src(%arg8 : memref<128x48xf32, #tpu.memory_space<vmem>>) dst(%dma_wait3A_227 : memref<128x48xf32, #tpu.memory_space<vmem_shared>>)
        } else {
        }
        %add3A_206 = arith.constant 1 : i32
        %add3A_207 = arith.addi %add3A_107, %add3A_206 : i32
        %dma_start3A_208 = arith.constant 0 : i32
        %dma_start3A_209 = arith.constant 0 : i32
        %dma_start3A_210 = tpu.memref_slice %arg6[%add3A_207, %dma_start3A_208, %dma_start3A_209] : memref<96x2x128xi32, #tpu.memory_space<vmem>> -> memref<1x1x128xi32, #tpu.memory_space<vmem>>
        %dma_start3A_211 = tpu.memref_squeeze %dma_start3A_210 : memref<1x1x128xi32, #tpu.memory_space<vmem>> -> memref<128xi32, #tpu.memory_space<vmem>>
        %dma_start3A_212 = arith.constant 0 : i32
        %dma_start3A_213 = arith.constant 0 : i32
        %dma_start3A_214 = tpu.memref_slice %arg3[%dma_start3A_212, %dma_start3A_213] : memref<10240x48xf32, #tpu.memory_space<hbm>> -> memref<10240x48xf32, #tpu.memory_space<hbm>>
        tpu.enqueue_indirect_dma source(%dma_start3A_214 : memref<10240x48xf32, #tpu.memory_space<hbm>>) target(%arg8 : memref<128x48xf32, #tpu.memory_space<vmem>>) offsets(%dma_start3A_211 : memref<128xi32, #tpu.memory_space<vmem>>) semaphore(%arg15 : memref<!tpu.dma_semaphore, #tpu.memory_space<semaphore_mem>>)
        %dma_start3A_215 = arith.constant 1 : i32
        %dma_start3A_216 = arith.constant 0 : i32
        %dma_start3A_217 = tpu.memref_slice %arg6[%add3A_207, %dma_start3A_215, %dma_start3A_216] : memref<96x2x128xi32, #tpu.memory_space<vmem>> -> memref<1x1x128xi32, #tpu.memory_space<vmem>>
        %dma_start3A_218 = tpu.memref_squeeze %dma_start3A_217 : memref<1x1x128xi32, #tpu.memory_space<vmem>> -> memref<128xi32, #tpu.memory_space<vmem>>
        %dma_start3A_219 = arith.constant 0 : i32
        %dma_start3A_220 = arith.constant 0 : i32
        %dma_start3A_221 = tpu.memref_slice %arg4[%dma_start3A_219, %dma_start3A_220] : memref<10240x16xf32, #tpu.memory_space<hbm>> -> memref<10240x16xf32, #tpu.memory_space<hbm>>
        tpu.enqueue_indirect_dma source(%dma_start3A_221 : memref<10240x16xf32, #tpu.memory_space<hbm>>) target(%arg11 : memref<128x16xf32, #tpu.memory_space<vmem>>) offsets(%dma_start3A_218 : memref<128xi32, #tpu.memory_space<vmem>>) semaphore(%arg15 : memref<!tpu.dma_semaphore, #tpu.memory_space<semaphore_mem>>)
      } else {
      }
      %dma_wait3A_111 = arith.constant 0 : i32
      %dma_wait3A_112 = arith.constant 0 : i32
      %dma_wait3A_113 = tpu.memref_slice %arg3[%dma_wait3A_111, %dma_wait3A_112] : memref<10240x48xf32, #tpu.memory_space<hbm>> -> memref<128x48xf32, #tpu.memory_space<hbm>>
      %dma_wait3A_114 = arith.constant 0 : i32
      %dma_wait3A_115 = arith.constant 0 : i32
      %dma_wait3A_116 = tpu.memref_slice %arg3[%dma_wait3A_114, %dma_wait3A_115] : memref<10240x48xf32, #tpu.memory_space<hbm>> -> memref<128x48xf32, #tpu.memory_space<hbm>>
      tpu.wait_dma2 semaphore(%arg14 : memref<!tpu.dma_semaphore, #tpu.memory_space<semaphore_mem>>) src(%dma_wait3A_116 : memref<128x48xf32, #tpu.memory_space<hbm>>) dst(%arg7 : memref<128x48xf32, #tpu.memory_space<vmem>>)
      %dma_wait3A_117 = arith.constant 0 : i32
      %dma_wait3A_118 = arith.constant 0 : i32
      %dma_wait3A_119 = tpu.memref_slice %arg4[%dma_wait3A_117, %dma_wait3A_118] : memref<10240x16xf32, #tpu.memory_space<hbm>> -> memref<128x16xf32, #tpu.memory_space<hbm>>
      %dma_wait3A_120 = arith.constant 0 : i32
      %dma_wait3A_121 = arith.constant 0 : i32
      %dma_wait3A_122 = tpu.memref_slice %arg4[%dma_wait3A_120, %dma_wait3A_121] : memref<10240x16xf32, #tpu.memory_space<hbm>> -> memref<128x16xf32, #tpu.memory_space<hbm>>
      tpu.wait_dma2 semaphore(%arg14 : memref<!tpu.dma_semaphore, #tpu.memory_space<semaphore_mem>>) src(%dma_wait3A_122 : memref<128x16xf32, #tpu.memory_space<hbm>>) dst(%arg10 : memref<128x16xf32, #tpu.memory_space<vmem>>)
      %broadcast_in_dim3A_123 = arith.constant 12 : i32
      %broadcast_in_dim3A_124 = vector.broadcast %broadcast_in_dim3A_123 : i32 to vector<16xi32>
      %parallel_loop3A = arith.constant 0 : i32
      %parallel_loop3A_125 = arith.constant 128 : i32
      %parallel_loop3A_126 = arith.constant 1 : i32
      scf.for %parallel_loop3A_202 = %parallel_loop3A to %parallel_loop3A_125 step %parallel_loop3A_126  : i32 {
        %parallel_loop3A_203 = arith.index_cast %parallel_loop3A_202 : i32 to index
        %parallel_loop3A_204 = arith.constant 0 : index
        %parallel_loop3A_205 = tpu.vector_load %arg10[%parallel_loop3A_203, %parallel_loop3A_204] {strides = array<i32>} : memref<128x16xf32, #tpu.memory_space<vmem>>, vector<16xf32>,
        %parallel_loop3A_206 = arith.index_cast %parallel_loop3A_202 : i32 to index
        %parallel_loop3A_207 = arith.constant 32 : index
        %parallel_loop3A_208 = tpu.vector_load %arg7[%parallel_loop3A_206, %parallel_loop3A_207] {strides = array<i32>} : memref<128x48xf32, #tpu.memory_space<vmem>>, vector<16xf32>,
        %parallel_loop3A_209 = arith.addf %parallel_loop3A_208, %parallel_loop3A_205 : vector<16xf32>
        %parallel_loop3A_210 = arith.constant 2.000000e-01 : f32
        %parallel_loop3A_211 = vector.broadcast %parallel_loop3A_210 : f32 to vector<16xf32>
        %parallel_loop3A_212 = arith.mulf %parallel_loop3A_209, %parallel_loop3A_211 : vector<16xf32>
        %parallel_loop3A_213 = arith.maximumf %parallel_loop3A_209, %parallel_loop3A_212 : vector<16xf32>
        %parallel_loop3A_214 = math.exp %parallel_loop3A_213 : vector<16xf32>
        %parallel_loop3A_215 = arith.constant 0 : i32
        %parallel_loop3A_216 = vector.broadcast %parallel_loop3A_215 : i32 to vector<16xi32>
        %parallel_loop3A_217 = arith.cmpi slt, %broadcast_in_dim3A_124, %parallel_loop3A_216 : vector<16xi32>
        %parallel_loop3A_218 = arith.constant 16 : i32
        %parallel_loop3A_219 = vector.broadcast %parallel_loop3A_218 : i32 to vector<16xi32>
        %parallel_loop3A_220 = arith.addi %broadcast_in_dim3A_124, %parallel_loop3A_219 : vector<16xi32>
        %parallel_loop3A_221 = arith.select %parallel_loop3A_217, %parallel_loop3A_220, %broadcast_in_dim3A_124 : vector<16xi1>, vector<16xi32>
        %parallel_loop3A_222 = vector.shape_cast %parallel_loop3A_221 : vector<16xi32> to vector<16x1xi32>
        %parallel_loop3A_223 = vector.shape_cast %parallel_loop3A_222 : vector<16x1xi32> to vector<16xi32>
        %parallel_loop3A_224 = tpu.dynamic_gather %parallel_loop3A_214[%parallel_loop3A_223] in [0] : vector<16xf32>, vector<16xi32> -> vector<16xf32>
        %parallel_loop3A_225 = arith.index_cast %parallel_loop3A_202 : i32 to index
        %parallel_loop3A_226 = arith.constant 0 : index
        %parallel_loop3A_227 = tpu.vector_load %arg7[%parallel_loop3A_225, %parallel_loop3A_226] {strides = array<i32>} : memref<128x48xf32, #tpu.memory_space<vmem>>, vector<16xf32>,
        %parallel_loop3A_228 = arith.mulf %parallel_loop3A_227, %parallel_loop3A_224 : vector<16xf32>
        %parallel_loop3A_229 = arith.index_cast %parallel_loop3A_202 : i32 to index
        %parallel_loop3A_230 = arith.constant 0 : index
        %parallel_loop3A_231 = tpu.vector_load %arg7[%parallel_loop3A_229, %parallel_loop3A_230] {strides = array<i32>} : memref<128x48xf32, #tpu.memory_space<vmem>>, vector<16xf32>,
        tpu.vector_store %arg7[%parallel_loop3A_229, %parallel_loop3A_230], %parallel_loop3A_228 {strides = array<i32>} : memref<128x48xf32, #tpu.memory_space<vmem>>, vector<16xf32>,
        %parallel_loop3A_232 = arith.index_cast %parallel_loop3A_202 : i32 to index
        %parallel_loop3A_233 = arith.constant 16 : index
        %parallel_loop3A_234 = tpu.vector_load %arg7[%parallel_loop3A_232, %parallel_loop3A_233] {strides = array<i32>} : memref<128x48xf32, #tpu.memory_space<vmem>>, vector<16xf32>,
        %parallel_loop3A_235 = arith.mulf %parallel_loop3A_234, %parallel_loop3A_224 : vector<16xf32>
        %parallel_loop3A_236 = arith.index_cast %parallel_loop3A_202 : i32 to index
        %parallel_loop3A_237 = arith.constant 16 : index
        %parallel_loop3A_238 = tpu.vector_load %arg7[%parallel_loop3A_236, %parallel_loop3A_237] {strides = array<i32>} : memref<128x48xf32, #tpu.memory_space<vmem>>, vector<16xf32>,
        tpu.vector_store %arg7[%parallel_loop3A_236, %parallel_loop3A_237], %parallel_loop3A_235 {strides = array<i32>} : memref<128x48xf32, #tpu.memory_space<vmem>>, vector<16xf32>,
        %parallel_loop3A_239 = arith.constant 8 : i32
        %parallel_loop3A_240 = vector.broadcast %parallel_loop3A_239 : i32 to vector<16xi32>
        %parallel_loop3A_241 = arith.cmpi slt, %iota3A, %parallel_loop3A_240 : vector<16xi32>
        %parallel_loop3A_242 = arith.mulf %parallel_loop3A_208, %parallel_loop3A_224 : vector<16xf32>
        %parallel_loop3A_243 = arith.select %parallel_loop3A_241, %parallel_loop3A_242, %parallel_loop3A_224 : vector<16xi1>, vector<16xf32>
        %parallel_loop3A_244 = arith.index_cast %parallel_loop3A_202 : i32 to index
        %parallel_loop3A_245 = arith.constant 32 : index
        %parallel_loop3A_246 = tpu.vector_load %arg7[%parallel_loop3A_244, %parallel_loop3A_245] {strides = array<i32>} : memref<128x48xf32, #tpu.memory_space<vmem>>, vector<16xf32>,
        tpu.vector_store %arg7[%parallel_loop3A_244, %parallel_loop3A_245], %parallel_loop3A_243 {strides = array<i32>} : memref<128x48xf32, #tpu.memory_space<vmem>>, vector<16xf32>,
      } {sc.loop_unroll_factor = 4 : i64, sc.parallel_access}
      %dma_start3A_127 = arith.constant 1 : i32
      %dma_start3A_128 = arith.constant 0 : i32
      %dma_start3A_129 = tpu.memref_slice %arg6[%add3A_107, %dma_start3A_127, %dma_start3A_128] : memref<96x2x128xi32, #tpu.memory_space<vmem>> -> memref<1x1x128xi32, #tpu.memory_space<vmem>>
      %dma_start3A_130 = tpu.memref_squeeze %dma_start3A_129 : memref<1x1x128xi32, #tpu.memory_space<vmem>> -> memref<128xi32, #tpu.memory_space<vmem>>
      %dma_start3A_131 = arith.constant 0 : i32
      %dma_start3A_132 = arith.constant 0 : i32
      %dma_start3A_133 = tpu.memref_slice %arg13[%dma_start3A_131, %dma_start3A_132] : memref<10240x48xf32, #tpu.memory_space<vmem_shared>> -> memref<10240x48xf32, #tpu.memory_space<vmem_shared>>
      tpu.enqueue_indirect_dma source(%arg7 : memref<128x48xf32, #tpu.memory_space<vmem>>) target(%dma_start3A_133 : memref<10240x48xf32, #tpu.memory_space<vmem_shared>>) offsets(%dma_start3A_130 : memref<128xi32, #tpu.memory_space<vmem>>) semaphore(%arg17 : memref<!tpu.dma_semaphore, #tpu.memory_space<semaphore_mem>>) {add = true}
      %mul3A_134 = arith.constant 3 : i32
      %mul3A_135 = arith.muli %mul3A_134, %while3A_103 : i32
      %add3A_136 = arith.constant 1 : i32
      %add3A_137 = arith.addi %mul3A_135, %add3A_136 : i32
      %add3A_138 = arith.constant 1 : i32
      %add3A_139 = arith.addi %add3A_137, %add3A_138 : i32
      %lt3A_140 = arith.cmpi slt, %add3A_139, %select_n3A : i32
      %convert_element_type3A_141 = arith.extui %lt3A_140 : i1 to i32
      %cond3A_142 = arith.constant 0 : i32
      %cond3A_143 = arith.cmpi ne, %convert_element_type3A_141, %cond3A_142 : i32
      scf.if %cond3A_143 {
        %ge3A = arith.constant 2 : i32
        %ge3A_202 = arith.cmpi sge, %add3A_137, %ge3A : i32
        %convert_element_type3A_203 = arith.extui %ge3A_202 : i1 to i32
        %cond3A_204 = arith.constant 0 : i32
        %cond3A_205 = arith.cmpi ne, %convert_element_type3A_203, %cond3A_204 : i32
        scf.if %cond3A_205 {
          %dma_wait3A_222 = arith.constant 0 : i32
          %dma_wait3A_223 = arith.constant 0 : i32
          %dma_wait3A_224 = tpu.memref_slice %arg13[%dma_wait3A_222, %dma_wait3A_223] : memref<10240x48xf32, #tpu.memory_space<vmem_shared>> -> memref<128x48xf32, #tpu.memory_space<vmem_shared>>
          %dma_wait3A_225 = arith.constant 0 : i32
          %dma_wait3A_226 = arith.constant 0 : i32
          %dma_wait3A_227 = tpu.memref_slice %arg13[%dma_wait3A_225, %dma_wait3A_226] : memref<10240x48xf32, #tpu.memory_space<vmem_shared>> -> memref<128x48xf32, #tpu.memory_space<vmem_shared>>
          tpu.wait_dma2 semaphore(%arg19 : memref<!tpu.dma_semaphore, #tpu.memory_space<semaphore_mem>>) src(%arg9 : memref<128x48xf32, #tpu.memory_space<vmem>>) dst(%dma_wait3A_227 : memref<128x48xf32, #tpu.memory_space<vmem_shared>>)
        } else {
        }
        %add3A_206 = arith.constant 1 : i32
        %add3A_207 = arith.addi %add3A_137, %add3A_206 : i32
        %dma_start3A_208 = arith.constant 0 : i32
        %dma_start3A_209 = arith.constant 0 : i32
        %dma_start3A_210 = tpu.memref_slice %arg6[%add3A_207, %dma_start3A_208, %dma_start3A_209] : memref<96x2x128xi32, #tpu.memory_space<vmem>> -> memref<1x1x128xi32, #tpu.memory_space<vmem>>
        %dma_start3A_211 = tpu.memref_squeeze %dma_start3A_210 : memref<1x1x128xi32, #tpu.memory_space<vmem>> -> memref<128xi32, #tpu.memory_space<vmem>>
        %dma_start3A_212 = arith.constant 0 : i32
        %dma_start3A_213 = arith.constant 0 : i32
        %dma_start3A_214 = tpu.memref_slice %arg3[%dma_start3A_212, %dma_start3A_213] : memref<10240x48xf32, #tpu.memory_space<hbm>> -> memref<10240x48xf32, #tpu.memory_space<hbm>>
        tpu.enqueue_indirect_dma source(%dma_start3A_214 : memref<10240x48xf32, #tpu.memory_space<hbm>>) target(%arg9 : memref<128x48xf32, #tpu.memory_space<vmem>>) offsets(%dma_start3A_211 : memref<128xi32, #tpu.memory_space<vmem>>) semaphore(%arg16 : memref<!tpu.dma_semaphore, #tpu.memory_space<semaphore_mem>>)
        %dma_start3A_215 = arith.constant 1 : i32
        %dma_start3A_216 = arith.constant 0 : i32
        %dma_start3A_217 = tpu.memref_slice %arg6[%add3A_207, %dma_start3A_215, %dma_start3A_216] : memref<96x2x128xi32, #tpu.memory_space<vmem>> -> memref<1x1x128xi32, #tpu.memory_space<vmem>>
        %dma_start3A_218 = tpu.memref_squeeze %dma_start3A_217 : memref<1x1x128xi32, #tpu.memory_space<vmem>> -> memref<128xi32, #tpu.memory_space<vmem>>
        %dma_start3A_219 = arith.constant 0 : i32
        %dma_start3A_220 = arith.constant 0 : i32
        %dma_start3A_221 = tpu.memref_slice %arg4[%dma_start3A_219, %dma_start3A_220] : memref<10240x16xf32, #tpu.memory_space<hbm>> -> memref<10240x16xf32, #tpu.memory_space<hbm>>
        tpu.enqueue_indirect_dma source(%dma_start3A_221 : memref<10240x16xf32, #tpu.memory_space<hbm>>) target(%arg12 : memref<128x16xf32, #tpu.memory_space<vmem>>) offsets(%dma_start3A_218 : memref<128xi32, #tpu.memory_space<vmem>>) semaphore(%arg16 : memref<!tpu.dma_semaphore, #tpu.memory_space<semaphore_mem>>)
      } else {
      }
      %dma_wait3A_144 = arith.constant 0 : i32
      %dma_wait3A_145 = arith.constant 0 : i32
      %dma_wait3A_146 = tpu.memref_slice %arg3[%dma_wait3A_144, %dma_wait3A_145] : memref<10240x48xf32, #tpu.memory_space<hbm>> -> memref<128x48xf32, #tpu.memory_space<hbm>>
      %dma_wait3A_147 = arith.constant 0 : i32
      %dma_wait3A_148 = arith.constant 0 : i32
      %dma_wait3A_149 = tpu.memref_slice %arg3[%dma_wait3A_147, %dma_wait3A_148] : memref<10240x48xf32, #tpu.memory_space<hbm>> -> memref<128x48xf32, #tpu.memory_space<hbm>>
      tpu.wait_dma2 semaphore(%arg15 : memref<!tpu.dma_semaphore, #tpu.memory_space<semaphore_mem>>) src(%dma_wait3A_149 : memref<128x48xf32, #tpu.memory_space<hbm>>) dst(%arg8 : memref<128x48xf32, #tpu.memory_space<vmem>>)
      %dma_wait3A_150 = arith.constant 0 : i32
      %dma_wait3A_151 = arith.constant 0 : i32
      %dma_wait3A_152 = tpu.memref_slice %arg4[%dma_wait3A_150, %dma_wait3A_151] : memref<10240x16xf32, #tpu.memory_space<hbm>> -> memref<128x16xf32, #tpu.memory_space<hbm>>
      %dma_wait3A_153 = arith.constant 0 : i32
      %dma_wait3A_154 = arith.constant 0 : i32
      %dma_wait3A_155 = tpu.memref_slice %arg4[%dma_wait3A_153, %dma_wait3A_154] : memref<10240x16xf32, #tpu.memory_space<hbm>> -> memref<128x16xf32, #tpu.memory_space<hbm>>
      tpu.wait_dma2 semaphore(%arg15 : memref<!tpu.dma_semaphore, #tpu.memory_space<semaphore_mem>>) src(%dma_wait3A_155 : memref<128x16xf32, #tpu.memory_space<hbm>>) dst(%arg11 : memref<128x16xf32, #tpu.memory_space<vmem>>)
      %broadcast_in_dim3A_156 = arith.constant 12 : i32
      %broadcast_in_dim3A_157 = vector.broadcast %broadcast_in_dim3A_156 : i32 to vector<16xi32>
      %parallel_loop3A_158 = arith.constant 0 : i32
      %parallel_loop3A_159 = arith.constant 128 : i32
      %parallel_loop3A_160 = arith.constant 1 : i32
      scf.for %parallel_loop3A_202 = %parallel_loop3A_158 to %parallel_loop3A_159 step %parallel_loop3A_160  : i32 {
        %parallel_loop3A_203 = arith.index_cast %parallel_loop3A_202 : i32 to index
        %parallel_loop3A_204 = arith.constant 0 : index
        %parallel_loop3A_205 = tpu.vector_load %arg11[%parallel_loop3A_203, %parallel_loop3A_204] {strides = array<i32>} : memref<128x16xf32, #tpu.memory_space<vmem>>, vector<16xf32>,
        %parallel_loop3A_206 = arith.index_cast %parallel_loop3A_202 : i32 to index
        %parallel_loop3A_207 = arith.constant 32 : index
        %parallel_loop3A_208 = tpu.vector_load %arg8[%parallel_loop3A_206, %parallel_loop3A_207] {strides = array<i32>} : memref<128x48xf32, #tpu.memory_space<vmem>>, vector<16xf32>,
        %parallel_loop3A_209 = arith.addf %parallel_loop3A_208, %parallel_loop3A_205 : vector<16xf32>
        %parallel_loop3A_210 = arith.constant 2.000000e-01 : f32
        %parallel_loop3A_211 = vector.broadcast %parallel_loop3A_210 : f32 to vector<16xf32>
        %parallel_loop3A_212 = arith.mulf %parallel_loop3A_209, %parallel_loop3A_211 : vector<16xf32>
        %parallel_loop3A_213 = arith.maximumf %parallel_loop3A_209, %parallel_loop3A_212 : vector<16xf32>
        %parallel_loop3A_214 = math.exp %parallel_loop3A_213 : vector<16xf32>
        %parallel_loop3A_215 = arith.constant 0 : i32
        %parallel_loop3A_216 = vector.broadcast %parallel_loop3A_215 : i32 to vector<16xi32>
        %parallel_loop3A_217 = arith.cmpi slt, %broadcast_in_dim3A_157, %parallel_loop3A_216 : vector<16xi32>
        %parallel_loop3A_218 = arith.constant 16 : i32
        %parallel_loop3A_219 = vector.broadcast %parallel_loop3A_218 : i32 to vector<16xi32>
        %parallel_loop3A_220 = arith.addi %broadcast_in_dim3A_157, %parallel_loop3A_219 : vector<16xi32>
        %parallel_loop3A_221 = arith.select %parallel_loop3A_217, %parallel_loop3A_220, %broadcast_in_dim3A_157 : vector<16xi1>, vector<16xi32>
        %parallel_loop3A_222 = vector.shape_cast %parallel_loop3A_221 : vector<16xi32> to vector<16x1xi32>
        %parallel_loop3A_223 = vector.shape_cast %parallel_loop3A_222 : vector<16x1xi32> to vector<16xi32>
        %parallel_loop3A_224 = tpu.dynamic_gather %parallel_loop3A_214[%parallel_loop3A_223] in [0] : vector<16xf32>, vector<16xi32> -> vector<16xf32>
        %parallel_loop3A_225 = arith.index_cast %parallel_loop3A_202 : i32 to index
        %parallel_loop3A_226 = arith.constant 0 : index
        %parallel_loop3A_227 = tpu.vector_load %arg8[%parallel_loop3A_225, %parallel_loop3A_226] {strides = array<i32>} : memref<128x48xf32, #tpu.memory_space<vmem>>, vector<16xf32>,
        %parallel_loop3A_228 = arith.mulf %parallel_loop3A_227, %parallel_loop3A_224 : vector<16xf32>
        %parallel_loop3A_229 = arith.index_cast %parallel_loop3A_202 : i32 to index
        %parallel_loop3A_230 = arith.constant 0 : index
        %parallel_loop3A_231 = tpu.vector_load %arg8[%parallel_loop3A_229, %parallel_loop3A_230] {strides = array<i32>} : memref<128x48xf32, #tpu.memory_space<vmem>>, vector<16xf32>,
        tpu.vector_store %arg8[%parallel_loop3A_229, %parallel_loop3A_230], %parallel_loop3A_228 {strides = array<i32>} : memref<128x48xf32, #tpu.memory_space<vmem>>, vector<16xf32>,
        %parallel_loop3A_232 = arith.index_cast %parallel_loop3A_202 : i32 to index
        %parallel_loop3A_233 = arith.constant 16 : index
        %parallel_loop3A_234 = tpu.vector_load %arg8[%parallel_loop3A_232, %parallel_loop3A_233] {strides = array<i32>} : memref<128x48xf32, #tpu.memory_space<vmem>>, vector<16xf32>,
        %parallel_loop3A_235 = arith.mulf %parallel_loop3A_234, %parallel_loop3A_224 : vector<16xf32>
        %parallel_loop3A_236 = arith.index_cast %parallel_loop3A_202 : i32 to index
        %parallel_loop3A_237 = arith.constant 16 : index
        %parallel_loop3A_238 = tpu.vector_load %arg8[%parallel_loop3A_236, %parallel_loop3A_237] {strides = array<i32>} : memref<128x48xf32, #tpu.memory_space<vmem>>, vector<16xf32>,
        tpu.vector_store %arg8[%parallel_loop3A_236, %parallel_loop3A_237], %parallel_loop3A_235 {strides = array<i32>} : memref<128x48xf32, #tpu.memory_space<vmem>>, vector<16xf32>,
        %parallel_loop3A_239 = arith.constant 8 : i32
        %parallel_loop3A_240 = vector.broadcast %parallel_loop3A_239 : i32 to vector<16xi32>
        %parallel_loop3A_241 = arith.cmpi slt, %iota3A, %parallel_loop3A_240 : vector<16xi32>
        %parallel_loop3A_242 = arith.mulf %parallel_loop3A_208, %parallel_loop3A_224 : vector<16xf32>
        %parallel_loop3A_243 = arith.select %parallel_loop3A_241, %parallel_loop3A_242, %parallel_loop3A_224 : vector<16xi1>, vector<16xf32>
        %parallel_loop3A_244 = arith.index_cast %parallel_loop3A_202 : i32 to index
        %parallel_loop3A_245 = arith.constant 32 : index
        %parallel_loop3A_246 = tpu.vector_load %arg8[%parallel_loop3A_244, %parallel_loop3A_245] {strides = array<i32>} : memref<128x48xf32, #tpu.memory_space<vmem>>, vector<16xf32>,
        tpu.vector_store %arg8[%parallel_loop3A_244, %parallel_loop3A_245], %parallel_loop3A_243 {strides = array<i32>} : memref<128x48xf32, #tpu.memory_space<vmem>>, vector<16xf32>,
      } {sc.loop_unroll_factor = 4 : i64, sc.parallel_access}
      %dma_start3A_161 = arith.constant 1 : i32
      %dma_start3A_162 = arith.constant 0 : i32
      %dma_start3A_163 = tpu.memref_slice %arg6[%add3A_137, %dma_start3A_161, %dma_start3A_162] : memref<96x2x128xi32, #tpu.memory_space<vmem>> -> memref<1x1x128xi32, #tpu.memory_space<vmem>>
      %dma_start3A_164 = tpu.memref_squeeze %dma_start3A_163 : memref<1x1x128xi32, #tpu.memory_space<vmem>> -> memref<128xi32, #tpu.memory_space<vmem>>
      %dma_start3A_165 = arith.constant 0 : i32
      %dma_start3A_166 = arith.constant 0 : i32
      %dma_start3A_167 = tpu.memref_slice %arg13[%dma_start3A_165, %dma_start3A_166] : memref<10240x48xf32, #tpu.memory_space<vmem_shared>> -> memref<10240x48xf32, #tpu.memory_space<vmem_shared>>
      tpu.enqueue_indirect_dma source(%arg8 : memref<128x48xf32, #tpu.memory_space<vmem>>) target(%dma_start3A_167 : memref<10240x48xf32, #tpu.memory_space<vmem_shared>>) offsets(%dma_start3A_164 : memref<128xi32, #tpu.memory_space<vmem>>) semaphore(%arg18 : memref<!tpu.dma_semaphore, #tpu.memory_space<semaphore_mem>>) {add = true}
      %mul3A_168 = arith.constant 3 : i32
      %mul3A_169 = arith.muli %mul3A_168, %while3A_103 : i32
      %add3A_170 = arith.constant 2 : i32
      %add3A_171 = arith.addi %mul3A_169, %add3A_170 : i32
      %add3A_172 = arith.constant 1 : i32
      %add3A_173 = arith.addi %add3A_171, %add3A_172 : i32
      %lt3A_174 = arith.cmpi slt, %add3A_173, %select_n3A : i32
      %convert_element_type3A_175 = arith.extui %lt3A_174 : i1 to i32
      %cond3A_176 = arith.constant 0 : i32
      %cond3A_177 = arith.cmpi ne, %convert_element_type3A_175, %cond3A_176 : i32
      scf.if %cond3A_177 {
        %ge3A = arith.constant 2 : i32
        %ge3A_202 = arith.cmpi sge, %add3A_171, %ge3A : i32
        %convert_element_type3A_203 = arith.extui %ge3A_202 : i1 to i32
        %cond3A_204 = arith.constant 0 : i32
        %cond3A_205 = arith.cmpi ne, %convert_element_type3A_203, %cond3A_204 : i32
        scf.if %cond3A_205 {
          %dma_wait3A_222 = arith.constant 0 : i32
          %dma_wait3A_223 = arith.constant 0 : i32
          %dma_wait3A_224 = tpu.memref_slice %arg13[%dma_wait3A_222, %dma_wait3A_223] : memref<10240x48xf32, #tpu.memory_space<vmem_shared>> -> memref<128x48xf32, #tpu.memory_space<vmem_shared>>
          %dma_wait3A_225 = arith.constant 0 : i32
          %dma_wait3A_226 = arith.constant 0 : i32
          %dma_wait3A_227 = tpu.memref_slice %arg13[%dma_wait3A_225, %dma_wait3A_226] : memref<10240x48xf32, #tpu.memory_space<vmem_shared>> -> memref<128x48xf32, #tpu.memory_space<vmem_shared>>
          tpu.wait_dma2 semaphore(%arg17 : memref<!tpu.dma_semaphore, #tpu.memory_space<semaphore_mem>>) src(%arg7 : memref<128x48xf32, #tpu.memory_space<vmem>>) dst(%dma_wait3A_227 : memref<128x48xf32, #tpu.memory_space<vmem_shared>>)
        } else {
        }
        %add3A_206 = arith.constant 1 : i32
        %add3A_207 = arith.addi %add3A_171, %add3A_206 : i32
        %dma_start3A_208 = arith.constant 0 : i32
        %dma_start3A_209 = arith.constant 0 : i32
        %dma_start3A_210 = tpu.memref_slice %arg6[%add3A_207, %dma_start3A_208, %dma_start3A_209] : memref<96x2x128xi32, #tpu.memory_space<vmem>> -> memref<1x1x128xi32, #tpu.memory_space<vmem>>
        %dma_start3A_211 = tpu.memref_squeeze %dma_start3A_210 : memref<1x1x128xi32, #tpu.memory_space<vmem>> -> memref<128xi32, #tpu.memory_space<vmem>>
        %dma_start3A_212 = arith.constant 0 : i32
        %dma_start3A_213 = arith.constant 0 : i32
        %dma_start3A_214 = tpu.memref_slice %arg3[%dma_start3A_212, %dma_start3A_213] : memref<10240x48xf32, #tpu.memory_space<hbm>> -> memref<10240x48xf32, #tpu.memory_space<hbm>>
        tpu.enqueue_indirect_dma source(%dma_start3A_214 : memref<10240x48xf32, #tpu.memory_space<hbm>>) target(%arg7 : memref<128x48xf32, #tpu.memory_space<vmem>>) offsets(%dma_start3A_211 : memref<128xi32, #tpu.memory_space<vmem>>) semaphore(%arg14 : memref<!tpu.dma_semaphore, #tpu.memory_space<semaphore_mem>>)
        %dma_start3A_215 = arith.constant 1 : i32
        %dma_start3A_216 = arith.constant 0 : i32
        %dma_start3A_217 = tpu.memref_slice %arg6[%add3A_207, %dma_start3A_215, %dma_start3A_216] : memref<96x2x128xi32, #tpu.memory_space<vmem>> -> memref<1x1x128xi32, #tpu.memory_space<vmem>>
        %dma_start3A_218 = tpu.memref_squeeze %dma_start3A_217 : memref<1x1x128xi32, #tpu.memory_space<vmem>> -> memref<128xi32, #tpu.memory_space<vmem>>
        %dma_start3A_219 = arith.constant 0 : i32
        %dma_start3A_220 = arith.constant 0 : i32
        %dma_start3A_221 = tpu.memref_slice %arg4[%dma_start3A_219, %dma_start3A_220] : memref<10240x16xf32, #tpu.memory_space<hbm>> -> memref<10240x16xf32, #tpu.memory_space<hbm>>
        tpu.enqueue_indirect_dma source(%dma_start3A_221 : memref<10240x16xf32, #tpu.memory_space<hbm>>) target(%arg10 : memref<128x16xf32, #tpu.memory_space<vmem>>) offsets(%dma_start3A_218 : memref<128xi32, #tpu.memory_space<vmem>>) semaphore(%arg14 : memref<!tpu.dma_semaphore, #tpu.memory_space<semaphore_mem>>)
      } else {
      }
      %dma_wait3A_178 = arith.constant 0 : i32
      %dma_wait3A_179 = arith.constant 0 : i32
      %dma_wait3A_180 = tpu.memref_slice %arg3[%dma_wait3A_178, %dma_wait3A_179] : memref<10240x48xf32, #tpu.memory_space<hbm>> -> memref<128x48xf32, #tpu.memory_space<hbm>>
      %dma_wait3A_181 = arith.constant 0 : i32
      %dma_wait3A_182 = arith.constant 0 : i32
      %dma_wait3A_183 = tpu.memref_slice %arg3[%dma_wait3A_181, %dma_wait3A_182] : memref<10240x48xf32, #tpu.memory_space<hbm>> -> memref<128x48xf32, #tpu.memory_space<hbm>>
      tpu.wait_dma2 semaphore(%arg16 : memref<!tpu.dma_semaphore, #tpu.memory_space<semaphore_mem>>) src(%dma_wait3A_183 : memref<128x48xf32, #tpu.memory_space<hbm>>) dst(%arg9 : memref<128x48xf32, #tpu.memory_space<vmem>>)
      %dma_wait3A_184 = arith.constant 0 : i32
      %dma_wait3A_185 = arith.constant 0 : i32
      %dma_wait3A_186 = tpu.memref_slice %arg4[%dma_wait3A_184, %dma_wait3A_185] : memref<10240x16xf32, #tpu.memory_space<hbm>> -> memref<128x16xf32, #tpu.memory_space<hbm>>
      %dma_wait3A_187 = arith.constant 0 : i32
      %dma_wait3A_188 = arith.constant 0 : i32
      %dma_wait3A_189 = tpu.memref_slice %arg4[%dma_wait3A_187, %dma_wait3A_188] : memref<10240x16xf32, #tpu.memory_space<hbm>> -> memref<128x16xf32, #tpu.memory_space<hbm>>
      tpu.wait_dma2 semaphore(%arg16 : memref<!tpu.dma_semaphore, #tpu.memory_space<semaphore_mem>>) src(%dma_wait3A_189 : memref<128x16xf32, #tpu.memory_space<hbm>>) dst(%arg12 : memref<128x16xf32, #tpu.memory_space<vmem>>)
      %broadcast_in_dim3A_190 = arith.constant 12 : i32
      %broadcast_in_dim3A_191 = vector.broadcast %broadcast_in_dim3A_190 : i32 to vector<16xi32>
      %parallel_loop3A_192 = arith.constant 0 : i32
      %parallel_loop3A_193 = arith.constant 128 : i32
      %parallel_loop3A_194 = arith.constant 1 : i32
      scf.for %parallel_loop3A_202 = %parallel_loop3A_192 to %parallel_loop3A_193 step %parallel_loop3A_194  : i32 {
        %parallel_loop3A_203 = arith.index_cast %parallel_loop3A_202 : i32 to index
        %parallel_loop3A_204 = arith.constant 0 : index
        %parallel_loop3A_205 = tpu.vector_load %arg12[%parallel_loop3A_203, %parallel_loop3A_204] {strides = array<i32>} : memref<128x16xf32, #tpu.memory_space<vmem>>, vector<16xf32>,
        %parallel_loop3A_206 = arith.index_cast %parallel_loop3A_202 : i32 to index
        %parallel_loop3A_207 = arith.constant 32 : index
        %parallel_loop3A_208 = tpu.vector_load %arg9[%parallel_loop3A_206, %parallel_loop3A_207] {strides = array<i32>} : memref<128x48xf32, #tpu.memory_space<vmem>>, vector<16xf32>,
        %parallel_loop3A_209 = arith.addf %parallel_loop3A_208, %parallel_loop3A_205 : vector<16xf32>
        %parallel_loop3A_210 = arith.constant 2.000000e-01 : f32
        %parallel_loop3A_211 = vector.broadcast %parallel_loop3A_210 : f32 to vector<16xf32>
        %parallel_loop3A_212 = arith.mulf %parallel_loop3A_209, %parallel_loop3A_211 : vector<16xf32>
        %parallel_loop3A_213 = arith.maximumf %parallel_loop3A_209, %parallel_loop3A_212 : vector<16xf32>
        %parallel_loop3A_214 = math.exp %parallel_loop3A_213 : vector<16xf32>
        %parallel_loop3A_215 = arith.constant 0 : i32
        %parallel_loop3A_216 = vector.broadcast %parallel_loop3A_215 : i32 to vector<16xi32>
        %parallel_loop3A_217 = arith.cmpi slt, %broadcast_in_dim3A_191, %parallel_loop3A_216 : vector<16xi32>
        %parallel_loop3A_218 = arith.constant 16 : i32
        %parallel_loop3A_219 = vector.broadcast %parallel_loop3A_218 : i32 to vector<16xi32>
        %parallel_loop3A_220 = arith.addi %broadcast_in_dim3A_191, %parallel_loop3A_219 : vector<16xi32>
        %parallel_loop3A_221 = arith.select %parallel_loop3A_217, %parallel_loop3A_220, %broadcast_in_dim3A_191 : vector<16xi1>, vector<16xi32>
        %parallel_loop3A_222 = vector.shape_cast %parallel_loop3A_221 : vector<16xi32> to vector<16x1xi32>
        %parallel_loop3A_223 = vector.shape_cast %parallel_loop3A_222 : vector<16x1xi32> to vector<16xi32>
        %parallel_loop3A_224 = tpu.dynamic_gather %parallel_loop3A_214[%parallel_loop3A_223] in [0] : vector<16xf32>, vector<16xi32> -> vector<16xf32>
        %parallel_loop3A_225 = arith.index_cast %parallel_loop3A_202 : i32 to index
        %parallel_loop3A_226 = arith.constant 0 : index
        %parallel_loop3A_227 = tpu.vector_load %arg9[%parallel_loop3A_225, %parallel_loop3A_226] {strides = array<i32>} : memref<128x48xf32, #tpu.memory_space<vmem>>, vector<16xf32>,
        %parallel_loop3A_228 = arith.mulf %parallel_loop3A_227, %parallel_loop3A_224 : vector<16xf32>
        %parallel_loop3A_229 = arith.index_cast %parallel_loop3A_202 : i32 to index
        %parallel_loop3A_230 = arith.constant 0 : index
        %parallel_loop3A_231 = tpu.vector_load %arg9[%parallel_loop3A_229, %parallel_loop3A_230] {strides = array<i32>} : memref<128x48xf32, #tpu.memory_space<vmem>>, vector<16xf32>,
        tpu.vector_store %arg9[%parallel_loop3A_229, %parallel_loop3A_230], %parallel_loop3A_228 {strides = array<i32>} : memref<128x48xf32, #tpu.memory_space<vmem>>, vector<16xf32>,
        %parallel_loop3A_232 = arith.index_cast %parallel_loop3A_202 : i32 to index
        %parallel_loop3A_233 = arith.constant 16 : index
        %parallel_loop3A_234 = tpu.vector_load %arg9[%parallel_loop3A_232, %parallel_loop3A_233] {strides = array<i32>} : memref<128x48xf32, #tpu.memory_space<vmem>>, vector<16xf32>,
        %parallel_loop3A_235 = arith.mulf %parallel_loop3A_234, %parallel_loop3A_224 : vector<16xf32>
        %parallel_loop3A_236 = arith.index_cast %parallel_loop3A_202 : i32 to index
        %parallel_loop3A_237 = arith.constant 16 : index
        %parallel_loop3A_238 = tpu.vector_load %arg9[%parallel_loop3A_236, %parallel_loop3A_237] {strides = array<i32>} : memref<128x48xf32, #tpu.memory_space<vmem>>, vector<16xf32>,
        tpu.vector_store %arg9[%parallel_loop3A_236, %parallel_loop3A_237], %parallel_loop3A_235 {strides = array<i32>} : memref<128x48xf32, #tpu.memory_space<vmem>>, vector<16xf32>,
        %parallel_loop3A_239 = arith.constant 8 : i32
        %parallel_loop3A_240 = vector.broadcast %parallel_loop3A_239 : i32 to vector<16xi32>
        %parallel_loop3A_241 = arith.cmpi slt, %iota3A, %parallel_loop3A_240 : vector<16xi32>
        %parallel_loop3A_242 = arith.mulf %parallel_loop3A_208, %parallel_loop3A_224 : vector<16xf32>
        %parallel_loop3A_243 = arith.select %parallel_loop3A_241, %parallel_loop3A_242, %parallel_loop3A_224 : vector<16xi1>, vector<16xf32>
        %parallel_loop3A_244 = arith.index_cast %parallel_loop3A_202 : i32 to index
        %parallel_loop3A_245 = arith.constant 32 : index
        %parallel_loop3A_246 = tpu.vector_load %arg9[%parallel_loop3A_244, %parallel_loop3A_245] {strides = array<i32>} : memref<128x48xf32, #tpu.memory_space<vmem>>, vector<16xf32>,
        tpu.vector_store %arg9[%parallel_loop3A_244, %parallel_loop3A_245], %parallel_loop3A_243 {strides = array<i32>} : memref<128x48xf32, #tpu.memory_space<vmem>>, vector<16xf32>,
      } {sc.loop_unroll_factor = 4 : i64, sc.parallel_access}
      %dma_start3A_195 = arith.constant 1 : i32
      %dma_start3A_196 = arith.constant 0 : i32
      %dma_start3A_197 = tpu.memref_slice %arg6[%add3A_171, %dma_start3A_195, %dma_start3A_196] : memref<96x2x128xi32, #tpu.memory_space<vmem>> -> memref<1x1x128xi32, #tpu.memory_space<vmem>>
      %dma_start3A_198 = tpu.memref_squeeze %dma_start3A_197 : memref<1x1x128xi32, #tpu.memory_space<vmem>> -> memref<128xi32, #tpu.memory_space<vmem>>
      %dma_start3A_199 = arith.constant 0 : i32
      %dma_start3A_200 = arith.constant 0 : i32
      %dma_start3A_201 = tpu.memref_slice %arg13[%dma_start3A_199, %dma_start3A_200] : memref<10240x48xf32, #tpu.memory_space<vmem_shared>> -> memref<10240x48xf32, #tpu.memory_space<vmem_shared>>
      tpu.enqueue_indirect_dma source(%arg9 : memref<128x48xf32, #tpu.memory_space<vmem>>) target(%dma_start3A_201 : memref<10240x48xf32, #tpu.memory_space<vmem_shared>>) offsets(%dma_start3A_198 : memref<128xi32, #tpu.memory_space<vmem>>) semaphore(%arg19 : memref<!tpu.dma_semaphore, #tpu.memory_space<semaphore_mem>>) {add = true}
    }
    %dma_wait3A = arith.constant 0 : i32
    %dma_wait3A_65 = arith.constant 0 : i32
    %dma_wait3A_66 = tpu.memref_slice %arg13[%dma_wait3A, %dma_wait3A_65] : memref<10240x48xf32, #tpu.memory_space<vmem_shared>> -> memref<128x48xf32, #tpu.memory_space<vmem_shared>>
    %dma_wait3A_67 = arith.constant 0 : i32
    %dma_wait3A_68 = arith.constant 0 : i32
    %dma_wait3A_69 = tpu.memref_slice %arg13[%dma_wait3A_67, %dma_wait3A_68] : memref<10240x48xf32, #tpu.memory_space<vmem_shared>> -> memref<128x48xf32, #tpu.memory_space<vmem_shared>>
    tpu.wait_dma2 semaphore(%arg17 : memref<!tpu.dma_semaphore, #tpu.memory_space<semaphore_mem>>) src(%arg7 : memref<128x48xf32, #tpu.memory_space<vmem>>) dst(%dma_wait3A_69 : memref<128x48xf32, #tpu.memory_space<vmem_shared>>)
    %dma_wait3A_70 = arith.constant 0 : i32
    %dma_wait3A_71 = arith.constant 0 : i32
    %dma_wait3A_72 = tpu.memref_slice %arg13[%dma_wait3A_70, %dma_wait3A_71] : memref<10240x48xf32, #tpu.memory_space<vmem_shared>> -> memref<128x48xf32, #tpu.memory_space<vmem_shared>>
    %dma_wait3A_73 = arith.constant 0 : i32
    %dma_wait3A_74 = arith.constant 0 : i32
    %dma_wait3A_75 = tpu.memref_slice %arg13[%dma_wait3A_73, %dma_wait3A_74] : memref<10240x48xf32, #tpu.memory_space<vmem_shared>> -> memref<128x48xf32, #tpu.memory_space<vmem_shared>>
    tpu.wait_dma2 semaphore(%arg18 : memref<!tpu.dma_semaphore, #tpu.memory_space<semaphore_mem>>) src(%arg8 : memref<128x48xf32, #tpu.memory_space<vmem>>) dst(%dma_wait3A_75 : memref<128x48xf32, #tpu.memory_space<vmem_shared>>)
    %dma_wait3A_76 = arith.constant 0 : i32
    %dma_wait3A_77 = arith.constant 0 : i32
    %dma_wait3A_78 = tpu.memref_slice %arg13[%dma_wait3A_76, %dma_wait3A_77] : memref<10240x48xf32, #tpu.memory_space<vmem_shared>> -> memref<128x48xf32, #tpu.memory_space<vmem_shared>>
    %dma_wait3A_79 = arith.constant 0 : i32
    %dma_wait3A_80 = arith.constant 0 : i32
    %dma_wait3A_81 = tpu.memref_slice %arg13[%dma_wait3A_79, %dma_wait3A_80] : memref<10240x48xf32, #tpu.memory_space<vmem_shared>> -> memref<128x48xf32, #tpu.memory_space<vmem_shared>>
    tpu.wait_dma2 semaphore(%arg19 : memref<!tpu.dma_semaphore, #tpu.memory_space<semaphore_mem>>) src(%arg9 : memref<128x48xf32, #tpu.memory_space<vmem>>) dst(%dma_wait3A_81 : memref<128x48xf32, #tpu.memory_space<vmem_shared>>)
    %barrier3A_82 = arith.constant 0 : index
    tpu.barrier barrier_id(%barrier3A_82)
    %add3A_83 = arith.constant 0 : i32
    %add3A_84 = arith.addi %mul3A_2, %add3A_83 : i32
    "tpu.region"() ({
      %run_scoped3A = tpu.sem_alloc : memref<!tpu.dma_semaphore, #tpu.memory_space<semaphore_mem>>
      %dma_start3A_103 = arith.constant 0 : i32
      %dma_start3A_104 = tpu.memref_slice %arg13[%add3A_84, %dma_start3A_103] : memref<10240x48xf32, #tpu.memory_space<vmem_shared>> -> memref<128x48xf32, #tpu.memory_space<vmem_shared>>
      %dma_start3A_105 = arith.constant 0 : i32
      %dma_start3A_106 = tpu.memref_slice %arg13[%add3A_84, %dma_start3A_105] : memref<10240x48xf32, #tpu.memory_space<vmem_shared>> -> memref<128x48xf32, #tpu.memory_space<vmem_shared>>
      tpu.enqueue_dma source(%dma_start3A_106 : memref<128x48xf32, #tpu.memory_space<vmem_shared>>) target(%arg7 : memref<128x48xf32, #tpu.memory_space<vmem>>) target_semaphore(%run_scoped3A : memref<!tpu.dma_semaphore, #tpu.memory_space<semaphore_mem>>)
      %dma_wait3A_107 = arith.constant 0 : i32
      %dma_wait3A_108 = tpu.memref_slice %arg13[%add3A_84, %dma_wait3A_107] : memref<10240x48xf32, #tpu.memory_space<vmem_shared>> -> memref<128x48xf32, #tpu.memory_space<vmem_shared>>
      %dma_wait3A_109 = arith.constant 0 : i32
      %dma_wait3A_110 = tpu.memref_slice %arg13[%add3A_84, %dma_wait3A_109] : memref<10240x48xf32, #tpu.memory_space<vmem_shared>> -> memref<128x48xf32, #tpu.memory_space<vmem_shared>>
      tpu.wait_dma2 semaphore(%run_scoped3A : memref<!tpu.dma_semaphore, #tpu.memory_space<semaphore_mem>>) src(%dma_wait3A_110 : memref<128x48xf32, #tpu.memory_space<vmem_shared>>) dst(%arg7 : memref<128x48xf32, #tpu.memory_space<vmem>>)
      tpu.yield
    }) : () -> ()
    %add3A_85 = arith.constant 0 : i32
    %add3A_86 = arith.addi %mul3A_2, %add3A_85 : i32
    "tpu.region"() ({
      %run_scoped3A = tpu.sem_alloc : memref<!tpu.dma_semaphore, #tpu.memory_space<semaphore_mem>>
      %dma_start3A_103 = arith.constant 0 : i32
      %dma_start3A_104 = tpu.memref_slice %arg5[%arg0, %add3A_86, %dma_start3A_103] : memref<2x10240x48xf32, #tpu.memory_space<hbm>> -> memref<1x128x48xf32, #tpu.memory_space<hbm>>
      %dma_start3A_105 = tpu.memref_squeeze %dma_start3A_104 : memref<1x128x48xf32, #tpu.memory_space<hbm>> -> memref<128x48xf32, #tpu.memory_space<hbm>>
      %dma_start3A_106 = arith.constant 0 : i32
      %dma_start3A_107 = tpu.memref_slice %arg5[%arg0, %add3A_86, %dma_start3A_106] : memref<2x10240x48xf32, #tpu.memory_space<hbm>> -> memref<1x128x48xf32, #tpu.memory_space<hbm>>
      %dma_start3A_108 = tpu.memref_squeeze %dma_start3A_107 : memref<1x128x48xf32, #tpu.memory_space<hbm>> -> memref<128x48xf32, #tpu.memory_space<hbm>>
      tpu.enqueue_dma source(%arg7 : memref<128x48xf32, #tpu.memory_space<vmem>>) target(%dma_start3A_108 : memref<128x48xf32, #tpu.memory_space<hbm>>) target_semaphore(%run_scoped3A : memref<!tpu.dma_semaphore, #tpu.memory_space<semaphore_mem>>)
      %dma_wait3A_109 = arith.constant 0 : i32
      %dma_wait3A_110 = tpu.memref_slice %arg5[%arg0, %add3A_86, %dma_wait3A_109] : memref<2x10240x48xf32, #tpu.memory_space<hbm>> -> memref<1x128x48xf32, #tpu.memory_space<hbm>>
      %dma_wait3A_111 = tpu.memref_squeeze %dma_wait3A_110 : memref<1x128x48xf32, #tpu.memory_space<hbm>> -> memref<128x48xf32, #tpu.memory_space<hbm>>
      %dma_wait3A_112 = arith.constant 0 : i32
      %dma_wait3A_113 = tpu.memref_slice %arg5[%arg0, %add3A_86, %dma_wait3A_112] : memref<2x10240x48xf32, #tpu.memory_space<hbm>> -> memref<1x128x48xf32, #tpu.memory_space<hbm>>
      %dma_wait3A_114 = tpu.memref_squeeze %dma_wait3A_113 : memref<1x128x48xf32, #tpu.memory_space<hbm>> -> memref<128x48xf32, #tpu.memory_space<hbm>>
      tpu.wait_dma2 semaphore(%run_scoped3A : memref<!tpu.dma_semaphore, #tpu.memory_space<semaphore_mem>>) src(%arg7 : memref<128x48xf32, #tpu.memory_space<vmem>>) dst(%dma_wait3A_114 : memref<128x48xf32, #tpu.memory_space<hbm>>)
      tpu.yield
    }) : () -> ()
    %add3A_87 = arith.constant 128 : i32
    %add3A_88 = arith.addi %mul3A_2, %add3A_87 : i32
    "tpu.region"() ({
      %run_scoped3A = tpu.sem_alloc : memref<!tpu.dma_semaphore, #tpu.memory_space<semaphore_mem>>
      %dma_start3A_103 = arith.constant 0 : i32
      %dma_start3A_104 = tpu.memref_slice %arg13[%add3A_88, %dma_start3A_103] : memref<10240x48xf32, #tpu.memory_space<vmem_shared>> -> memref<128x48xf32, #tpu.memory_space<vmem_shared>>
      %dma_start3A_105 = arith.constant 0 : i32
      %dma_start3A_106 = tpu.memref_slice %arg13[%add3A_88, %dma_start3A_105] : memref<10240x48xf32, #tpu.memory_space<vmem_shared>> -> memref<128x48xf32, #tpu.memory_space<vmem_shared>>
      tpu.enqueue_dma source(%dma_start3A_106 : memref<128x48xf32, #tpu.memory_space<vmem_shared>>) target(%arg7 : memref<128x48xf32, #tpu.memory_space<vmem>>) target_semaphore(%run_scoped3A : memref<!tpu.dma_semaphore, #tpu.memory_space<semaphore_mem>>)
      %dma_wait3A_107 = arith.constant 0 : i32
      %dma_wait3A_108 = tpu.memref_slice %arg13[%add3A_88, %dma_wait3A_107] : memref<10240x48xf32, #tpu.memory_space<vmem_shared>> -> memref<128x48xf32, #tpu.memory_space<vmem_shared>>
      %dma_wait3A_109 = arith.constant 0 : i32
      %dma_wait3A_110 = tpu.memref_slice %arg13[%add3A_88, %dma_wait3A_109] : memref<10240x48xf32, #tpu.memory_space<vmem_shared>> -> memref<128x48xf32, #tpu.memory_space<vmem_shared>>
      tpu.wait_dma2 semaphore(%run_scoped3A : memref<!tpu.dma_semaphore, #tpu.memory_space<semaphore_mem>>) src(%dma_wait3A_110 : memref<128x48xf32, #tpu.memory_space<vmem_shared>>) dst(%arg7 : memref<128x48xf32, #tpu.memory_space<vmem>>)
      tpu.yield
    }) : () -> ()
    %add3A_89 = arith.constant 128 : i32
    %add3A_90 = arith.addi %mul3A_2, %add3A_89 : i32
    "tpu.region"() ({
      %run_scoped3A = tpu.sem_alloc : memref<!tpu.dma_semaphore, #tpu.memory_space<semaphore_mem>>
      %dma_start3A_103 = arith.constant 0 : i32
      %dma_start3A_104 = tpu.memref_slice %arg5[%arg0, %add3A_90, %dma_start3A_103] : memref<2x10240x48xf32, #tpu.memory_space<hbm>> -> memref<1x128x48xf32, #tpu.memory_space<hbm>>
      %dma_start3A_105 = tpu.memref_squeeze %dma_start3A_104 : memref<1x128x48xf32, #tpu.memory_space<hbm>> -> memref<128x48xf32, #tpu.memory_space<hbm>>
      %dma_start3A_106 = arith.constant 0 : i32
      %dma_start3A_107 = tpu.memref_slice %arg5[%arg0, %add3A_90, %dma_start3A_106] : memref<2x10240x48xf32, #tpu.memory_space<hbm>> -> memref<1x128x48xf32, #tpu.memory_space<hbm>>
      %dma_start3A_108 = tpu.memref_squeeze %dma_start3A_107 : memref<1x128x48xf32, #tpu.memory_space<hbm>> -> memref<128x48xf32, #tpu.memory_space<hbm>>
      tpu.enqueue_dma source(%arg7 : memref<128x48xf32, #tpu.memory_space<vmem>>) target(%dma_start3A_108 : memref<128x48xf32, #tpu.memory_space<hbm>>) target_semaphore(%run_scoped3A : memref<!tpu.dma_semaphore, #tpu.memory_space<semaphore_mem>>)
      %dma_wait3A_109 = arith.constant 0 : i32
      %dma_wait3A_110 = tpu.memref_slice %arg5[%arg0, %add3A_90, %dma_wait3A_109] : memref<2x10240x48xf32, #tpu.memory_space<hbm>> -> memref<1x128x48xf32, #tpu.memory_space<hbm>>
      %dma_wait3A_111 = tpu.memref_squeeze %dma_wait3A_110 : memref<1x128x48xf32, #tpu.memory_space<hbm>> -> memref<128x48xf32, #tpu.memory_space<hbm>>
      %dma_wait3A_112 = arith.constant 0 : i32
      %dma_wait3A_113 = tpu.memref_slice %arg5[%arg0, %add3A_90, %dma_wait3A_112] : memref<2x10240x48xf32, #tpu.memory_space<hbm>> -> memref<1x128x48xf32, #tpu.memory_space<hbm>>
      %dma_wait3A_114 = tpu.memref_squeeze %dma_wait3A_113 : memref<1x128x48xf32, #tpu.memory_space<hbm>> -> memref<128x48xf32, #tpu.memory_space<hbm>>
      tpu.wait_dma2 semaphore(%run_scoped3A : memref<!tpu.dma_semaphore, #tpu.memory_space<semaphore_mem>>) src(%arg7 : memref<128x48xf32, #tpu.memory_space<vmem>>) dst(%dma_wait3A_114 : memref<128x48xf32, #tpu.memory_space<hbm>>)
      tpu.yield
    }) : () -> ()
    %add3A_91 = arith.constant 256 : i32
    %add3A_92 = arith.addi %mul3A_2, %add3A_91 : i32
    "tpu.region"() ({
      %run_scoped3A = tpu.sem_alloc : memref<!tpu.dma_semaphore, #tpu.memory_space<semaphore_mem>>
      %dma_start3A_103 = arith.constant 0 : i32
      %dma_start3A_104 = tpu.memref_slice %arg13[%add3A_92, %dma_start3A_103] : memref<10240x48xf32, #tpu.memory_space<vmem_shared>> -> memref<128x48xf32, #tpu.memory_space<vmem_shared>>
      %dma_start3A_105 = arith.constant 0 : i32
      %dma_start3A_106 = tpu.memref_slice %arg13[%add3A_92, %dma_start3A_105] : memref<10240x48xf32, #tpu.memory_space<vmem_shared>> -> memref<128x48xf32, #tpu.memory_space<vmem_shared>>
      tpu.enqueue_dma source(%dma_start3A_106 : memref<128x48xf32, #tpu.memory_space<vmem_shared>>) target(%arg7 : memref<128x48xf32, #tpu.memory_space<vmem>>) target_semaphore(%run_scoped3A : memref<!tpu.dma_semaphore, #tpu.memory_space<semaphore_mem>>)
      %dma_wait3A_107 = arith.constant 0 : i32
      %dma_wait3A_108 = tpu.memref_slice %arg13[%add3A_92, %dma_wait3A_107] : memref<10240x48xf32, #tpu.memory_space<vmem_shared>> -> memref<128x48xf32, #tpu.memory_space<vmem_shared>>
      %dma_wait3A_109 = arith.constant 0 : i32
      %dma_wait3A_110 = tpu.memref_slice %arg13[%add3A_92, %dma_wait3A_109] : memref<10240x48xf32, #tpu.memory_space<vmem_shared>> -> memref<128x48xf32, #tpu.memory_space<vmem_shared>>
      tpu.wait_dma2 semaphore(%run_scoped3A : memref<!tpu.dma_semaphore, #tpu.memory_space<semaphore_mem>>) src(%dma_wait3A_110 : memref<128x48xf32, #tpu.memory_space<vmem_shared>>) dst(%arg7 : memref<128x48xf32, #tpu.memory_space<vmem>>)
      tpu.yield
    }) : () -> ()
    %add3A_93 = arith.constant 256 : i32
    %add3A_94 = arith.addi %mul3A_2, %add3A_93 : i32
    "tpu.region"() ({
      %run_scoped3A = tpu.sem_alloc : memref<!tpu.dma_semaphore, #tpu.memory_space<semaphore_mem>>
      %dma_start3A_103 = arith.constant 0 : i32
      %dma_start3A_104 = tpu.memref_slice %arg5[%arg0, %add3A_94, %dma_start3A_103] : memref<2x10240x48xf32, #tpu.memory_space<hbm>> -> memref<1x128x48xf32, #tpu.memory_space<hbm>>
      %dma_start3A_105 = tpu.memref_squeeze %dma_start3A_104 : memref<1x128x48xf32, #tpu.memory_space<hbm>> -> memref<128x48xf32, #tpu.memory_space<hbm>>
      %dma_start3A_106 = arith.constant 0 : i32
      %dma_start3A_107 = tpu.memref_slice %arg5[%arg0, %add3A_94, %dma_start3A_106] : memref<2x10240x48xf32, #tpu.memory_space<hbm>> -> memref<1x128x48xf32, #tpu.memory_space<hbm>>
      %dma_start3A_108 = tpu.memref_squeeze %dma_start3A_107 : memref<1x128x48xf32, #tpu.memory_space<hbm>> -> memref<128x48xf32, #tpu.memory_space<hbm>>
      tpu.enqueue_dma source(%arg7 : memref<128x48xf32, #tpu.memory_space<vmem>>) target(%dma_start3A_108 : memref<128x48xf32, #tpu.memory_space<hbm>>) target_semaphore(%run_scoped3A : memref<!tpu.dma_semaphore, #tpu.memory_space<semaphore_mem>>)
      %dma_wait3A_109 = arith.constant 0 : i32
      %dma_wait3A_110 = tpu.memref_slice %arg5[%arg0, %add3A_94, %dma_wait3A_109] : memref<2x10240x48xf32, #tpu.memory_space<hbm>> -> memref<1x128x48xf32, #tpu.memory_space<hbm>>
      %dma_wait3A_111 = tpu.memref_squeeze %dma_wait3A_110 : memref<1x128x48xf32, #tpu.memory_space<hbm>> -> memref<128x48xf32, #tpu.memory_space<hbm>>
      %dma_wait3A_112 = arith.constant 0 : i32
      %dma_wait3A_113 = tpu.memref_slice %arg5[%arg0, %add3A_94, %dma_wait3A_112] : memref<2x10240x48xf32, #tpu.memory_space<hbm>> -> memref<1x128x48xf32, #tpu.memory_space<hbm>>
      %dma_wait3A_114 = tpu.memref_squeeze %dma_wait3A_113 : memref<1x128x48xf32, #tpu.memory_space<hbm>> -> memref<128x48xf32, #tpu.memory_space<hbm>>
      tpu.wait_dma2 semaphore(%run_scoped3A : memref<!tpu.dma_semaphore, #tpu.memory_space<semaphore_mem>>) src(%arg7 : memref<128x48xf32, #tpu.memory_space<vmem>>) dst(%dma_wait3A_114 : memref<128x48xf32, #tpu.memory_space<hbm>>)
      tpu.yield
    }) : () -> ()
    %add3A_95 = arith.constant 384 : i32
    %add3A_96 = arith.addi %mul3A_2, %add3A_95 : i32
    "tpu.region"() ({
      %run_scoped3A = tpu.sem_alloc : memref<!tpu.dma_semaphore, #tpu.memory_space<semaphore_mem>>
      %dma_start3A_103 = arith.constant 0 : i32
      %dma_start3A_104 = tpu.memref_slice %arg13[%add3A_96, %dma_start3A_103] : memref<10240x48xf32, #tpu.memory_space<vmem_shared>> -> memref<128x48xf32, #tpu.memory_space<vmem_shared>>
      %dma_start3A_105 = arith.constant 0 : i32
      %dma_start3A_106 = tpu.memref_slice %arg13[%add3A_96, %dma_start3A_105] : memref<10240x48xf32, #tpu.memory_space<vmem_shared>> -> memref<128x48xf32, #tpu.memory_space<vmem_shared>>
      tpu.enqueue_dma source(%dma_start3A_106 : memref<128x48xf32, #tpu.memory_space<vmem_shared>>) target(%arg7 : memref<128x48xf32, #tpu.memory_space<vmem>>) target_semaphore(%run_scoped3A : memref<!tpu.dma_semaphore, #tpu.memory_space<semaphore_mem>>)
      %dma_wait3A_107 = arith.constant 0 : i32
      %dma_wait3A_108 = tpu.memref_slice %arg13[%add3A_96, %dma_wait3A_107] : memref<10240x48xf32, #tpu.memory_space<vmem_shared>> -> memref<128x48xf32, #tpu.memory_space<vmem_shared>>
      %dma_wait3A_109 = arith.constant 0 : i32
      %dma_wait3A_110 = tpu.memref_slice %arg13[%add3A_96, %dma_wait3A_109] : memref<10240x48xf32, #tpu.memory_space<vmem_shared>> -> memref<128x48xf32, #tpu.memory_space<vmem_shared>>
      tpu.wait_dma2 semaphore(%run_scoped3A : memref<!tpu.dma_semaphore, #tpu.memory_space<semaphore_mem>>) src(%dma_wait3A_110 : memref<128x48xf32, #tpu.memory_space<vmem_shared>>) dst(%arg7 : memref<128x48xf32, #tpu.memory_space<vmem>>)
      tpu.yield
    }) : () -> ()
    %add3A_97 = arith.constant 384 : i32
    %add3A_98 = arith.addi %mul3A_2, %add3A_97 : i32
    "tpu.region"() ({
      %run_scoped3A = tpu.sem_alloc : memref<!tpu.dma_semaphore, #tpu.memory_space<semaphore_mem>>
      %dma_start3A_103 = arith.constant 0 : i32
      %dma_start3A_104 = tpu.memref_slice %arg5[%arg0, %add3A_98, %dma_start3A_103] : memref<2x10240x48xf32, #tpu.memory_space<hbm>> -> memref<1x128x48xf32, #tpu.memory_space<hbm>>
      %dma_start3A_105 = tpu.memref_squeeze %dma_start3A_104 : memref<1x128x48xf32, #tpu.memory_space<hbm>> -> memref<128x48xf32, #tpu.memory_space<hbm>>
      %dma_start3A_106 = arith.constant 0 : i32
      %dma_start3A_107 = tpu.memref_slice %arg5[%arg0, %add3A_98, %dma_start3A_106] : memref<2x10240x48xf32, #tpu.memory_space<hbm>> -> memref<1x128x48xf32, #tpu.memory_space<hbm>>
      %dma_start3A_108 = tpu.memref_squeeze %dma_start3A_107 : memref<1x128x48xf32, #tpu.memory_space<hbm>> -> memref<128x48xf32, #tpu.memory_space<hbm>>
      tpu.enqueue_dma source(%arg7 : memref<128x48xf32, #tpu.memory_space<vmem>>) target(%dma_start3A_108 : memref<128x48xf32, #tpu.memory_space<hbm>>) target_semaphore(%run_scoped3A : memref<!tpu.dma_semaphore, #tpu.memory_space<semaphore_mem>>)
      %dma_wait3A_109 = arith.constant 0 : i32
      %dma_wait3A_110 = tpu.memref_slice %arg5[%arg0, %add3A_98, %dma_wait3A_109] : memref<2x10240x48xf32, #tpu.memory_space<hbm>> -> memref<1x128x48xf32, #tpu.memory_space<hbm>>
      %dma_wait3A_111 = tpu.memref_squeeze %dma_wait3A_110 : memref<1x128x48xf32, #tpu.memory_space<hbm>> -> memref<128x48xf32, #tpu.memory_space<hbm>>
      %dma_wait3A_112 = arith.constant 0 : i32
      %dma_wait3A_113 = tpu.memref_slice %arg5[%arg0, %add3A_98, %dma_wait3A_112] : memref<2x10240x48xf32, #tpu.memory_space<hbm>> -> memref<1x128x48xf32, #tpu.memory_space<hbm>>
      %dma_wait3A_114 = tpu.memref_squeeze %dma_wait3A_113 : memref<1x128x48xf32, #tpu.memory_space<hbm>> -> memref<128x48xf32, #tpu.memory_space<hbm>>
      tpu.wait_dma2 semaphore(%run_scoped3A : memref<!tpu.dma_semaphore, #tpu.memory_space<semaphore_mem>>) src(%arg7 : memref<128x48xf32, #tpu.memory_space<vmem>>) dst(%dma_wait3A_114 : memref<128x48xf32, #tpu.memory_space<hbm>>)
      tpu.yield
    }) : () -> ()
    %add3A_99 = arith.constant 512 : i32
    %add3A_100 = arith.addi %mul3A_2, %add3A_99 : i32
    "tpu.region"() ({
      %run_scoped3A = tpu.sem_alloc : memref<!tpu.dma_semaphore, #tpu.memory_space<semaphore_mem>>
      %dma_start3A_103 = arith.constant 0 : i32
      %dma_start3A_104 = tpu.memref_slice %arg13[%add3A_100, %dma_start3A_103] : memref<10240x48xf32, #tpu.memory_space<vmem_shared>> -> memref<128x48xf32, #tpu.memory_space<vmem_shared>>
      %dma_start3A_105 = arith.constant 0 : i32
      %dma_start3A_106 = tpu.memref_slice %arg13[%add3A_100, %dma_start3A_105] : memref<10240x48xf32, #tpu.memory_space<vmem_shared>> -> memref<128x48xf32, #tpu.memory_space<vmem_shared>>
      tpu.enqueue_dma source(%dma_start3A_106 : memref<128x48xf32, #tpu.memory_space<vmem_shared>>) target(%arg7 : memref<128x48xf32, #tpu.memory_space<vmem>>) target_semaphore(%run_scoped3A : memref<!tpu.dma_semaphore, #tpu.memory_space<semaphore_mem>>)
      %dma_wait3A_107 = arith.constant 0 : i32
      %dma_wait3A_108 = tpu.memref_slice %arg13[%add3A_100, %dma_wait3A_107] : memref<10240x48xf32, #tpu.memory_space<vmem_shared>> -> memref<128x48xf32, #tpu.memory_space<vmem_shared>>
      %dma_wait3A_109 = arith.constant 0 : i32
      %dma_wait3A_110 = tpu.memref_slice %arg13[%add3A_100, %dma_wait3A_109] : memref<10240x48xf32, #tpu.memory_space<vmem_shared>> -> memref<128x48xf32, #tpu.memory_space<vmem_shared>>
      tpu.wait_dma2 semaphore(%run_scoped3A : memref<!tpu.dma_semaphore, #tpu.memory_space<semaphore_mem>>) src(%dma_wait3A_110 : memref<128x48xf32, #tpu.memory_space<vmem_shared>>) dst(%arg7 : memref<128x48xf32, #tpu.memory_space<vmem>>)
      tpu.yield
    }) : () -> ()
    %add3A_101 = arith.constant 512 : i32
    %add3A_102 = arith.addi %mul3A_2, %add3A_101 : i32
    "tpu.region"() ({
      %run_scoped3A = tpu.sem_alloc : memref<!tpu.dma_semaphore, #tpu.memory_space<semaphore_mem>>
      %dma_start3A_103 = arith.constant 0 : i32
      %dma_start3A_104 = tpu.memref_slice %arg5[%arg0, %add3A_102, %dma_start3A_103] : memref<2x10240x48xf32, #tpu.memory_space<hbm>> -> memref<1x128x48xf32, #tpu.memory_space<hbm>>
      %dma_start3A_105 = tpu.memref_squeeze %dma_start3A_104 : memref<1x128x48xf32, #tpu.memory_space<hbm>> -> memref<128x48xf32, #tpu.memory_space<hbm>>
      %dma_start3A_106 = arith.constant 0 : i32
      %dma_start3A_107 = tpu.memref_slice %arg5[%arg0, %add3A_102, %dma_start3A_106] : memref<2x10240x48xf32, #tpu.memory_space<hbm>> -> memref<1x128x48xf32, #tpu.memory_space<hbm>>
      %dma_start3A_108 = tpu.memref_squeeze %dma_start3A_107 : memref<1x128x48xf32, #tpu.memory_space<hbm>> -> memref<128x48xf32, #tpu.memory_space<hbm>>
      tpu.enqueue_dma source(%arg7 : memref<128x48xf32, #tpu.memory_space<vmem>>) target(%dma_start3A_108 : memref<128x48xf32, #tpu.memory_space<hbm>>) target_semaphore(%run_scoped3A : memref<!tpu.dma_semaphore, #tpu.memory_space<semaphore_mem>>)
      %dma_wait3A_109 = arith.constant 0 : i32
      %dma_wait3A_110 = tpu.memref_slice %arg5[%arg0, %add3A_102, %dma_wait3A_109] : memref<2x10240x48xf32, #tpu.memory_space<hbm>> -> memref<1x128x48xf32, #tpu.memory_space<hbm>>
      %dma_wait3A_111 = tpu.memref_squeeze %dma_wait3A_110 : memref<1x128x48xf32, #tpu.memory_space<hbm>> -> memref<128x48xf32, #tpu.memory_space<hbm>>
      %dma_wait3A_112 = arith.constant 0 : i32
      %dma_wait3A_113 = tpu.memref_slice %arg5[%arg0, %add3A_102, %dma_wait3A_112] : memref<2x10240x48xf32, #tpu.memory_space<hbm>> -> memref<1x128x48xf32, #tpu.memory_space<hbm>>
      %dma_wait3A_114 = tpu.memref_squeeze %dma_wait3A_113 : memref<1x128x48xf32, #tpu.memory_space<hbm>> -> memref<128x48xf32, #tpu.memory_space<hbm>>
      tpu.wait_dma2 semaphore(%run_scoped3A : memref<!tpu.dma_semaphore, #tpu.memory_space<semaphore_mem>>) src(%arg7 : memref<128x48xf32, #tpu.memory_space<vmem>>) dst(%dma_wait3A_114 : memref<128x48xf32, #tpu.memory_space<hbm>>)
      tpu.yield
    }) : () -> ()
    return
  }
}

module attributes {stable_mosaic.version = 14 : i64} {
  func.func @_tc1_body(%arg0: i32, %arg1: memref<512x128xf32, #tpu.memory_space<vmem>>, %arg2: memref<128x64xf32, #tpu.memory_space<vmem>>, %arg3: memref<64x8xf32, #tpu.memory_space<vmem>>, %arg4: memref<64x8xf32, #tpu.memory_space<vmem>>, %arg5: memref<512x80xf32, #tpu.memory_space<vmem>>, %arg6: memref<512x16xf32, #tpu.memory_space<vmem>>) attributes {dimension_semantics = [#tpu.dimension_semantics<arbitrary>], iteration_bounds = array<i64: 20>, scalar_prefetch = 0 : i64, scratch_operands = 0 : i64, tpu.core_type = #tpu.core_type<tc>, window_params = [{transform_indices = @transform_0, window_bounds = array<i64: 512, 128>}, {pipeline_mode = #tpu.pipeline_mode<synchronous>, transform_indices = @transform_1, window_bounds = array<i64: 128, 64>}, {pipeline_mode = #tpu.pipeline_mode<synchronous>, transform_indices = @transform_2, window_bounds = array<i64: 64, 8>}, {pipeline_mode = #tpu.pipeline_mode<synchronous>, transform_indices = @transform_3, window_bounds = array<i64: 64, 8>}, {transform_indices = @transform_4, window_bounds = array<i64: 512, 80>}, {transform_indices = @transform_5, window_bounds = array<i64: 512, 16>}]} {
    %get3A = arith.constant 0 : index
    %get3A_0 = arith.constant 0 : index
    %get3A_1 = vector.load %arg1[%get3A, %get3A_0] : memref<512x128xf32, #tpu.memory_space<vmem>>, vector<512x128xf32>
    %get3A_2 = arith.constant 0 : index
    %get3A_3 = arith.constant 0 : index
    %get3A_4 = vector.load %arg2[%get3A_2, %get3A_3] : memref<128x64xf32, #tpu.memory_space<vmem>>, vector<128x64xf32>
    %dot_general3A = arith.constant dense<0.000000e+00> : vector<512x64xf32>
    %dot_general3A_5 = tpu.matmul %get3A_1, %get3A_4, %dot_general3A {dimension_numbers = #tpu.dot_dimension_numbers<[1], [0], [0], [1], [0, 0, 1, 1], [], []>, transpose_lhs_hint = false} : vector<512x128xf32>, vector<128x64xf32>, vector<512x64xf32> -> vector<512x64xf32>
    %get3A_6 = arith.constant 0 : index
    %get3A_7 = arith.constant 0 : index
    %get3A_8 = vector.load %arg3[%get3A_6, %get3A_7] : memref<64x8xf32, #tpu.memory_space<vmem>>, vector<64x8xf32>
    %dot_general3A_9 = arith.constant dense<0.000000e+00> : vector<512x8xf32>
    %dot_general3A_10 = tpu.matmul %dot_general3A_5, %get3A_8, %dot_general3A_9 {dimension_numbers = #tpu.dot_dimension_numbers<[1], [0], [0], [1], [0, 0, 1, 1], [], []>, transpose_lhs_hint = false} : vector<512x64xf32>, vector<64x8xf32>, vector<512x8xf32> -> vector<512x8xf32>
    %get3A_11 = arith.constant 0 : index
    %get3A_12 = arith.constant 0 : index
    %get3A_13 = vector.load %arg4[%get3A_11, %get3A_12] : memref<64x8xf32, #tpu.memory_space<vmem>>, vector<64x8xf32>
    %dot_general3A_14 = arith.constant dense<0.000000e+00> : vector<512x8xf32>
    %dot_general3A_15 = tpu.matmul %dot_general3A_5, %get3A_13, %dot_general3A_14 {dimension_numbers = #tpu.dot_dimension_numbers<[1], [0], [0], [1], [0, 0, 1, 1], [], []>, transpose_lhs_hint = false} : vector<512x64xf32>, vector<64x8xf32>, vector<512x8xf32> -> vector<512x8xf32>
    %concatenate3A = tpu.concatenate %dot_general3A_5, %dot_general3A_10, %dot_general3A_10 in 1 : vector<512x64xf32>, vector<512x8xf32>, vector<512x8xf32> -> vector<512x80xf32>
    %swap3A = arith.constant 0 : index
    %swap3A_16 = arith.constant 0 : index
    %swap3A_17 = vector.load %arg5[%swap3A, %swap3A_16] : memref<512x80xf32, #tpu.memory_space<vmem>>, vector<512x80xf32>
    tpu.vector_store %arg5[%swap3A, %swap3A_16], %concatenate3A {strides = array<i32>} : memref<512x80xf32, #tpu.memory_space<vmem>>, vector<512x80xf32>,
    %concatenate3A_18 = tpu.concatenate %dot_general3A_15, %dot_general3A_15 in 1 : vector<512x8xf32>, vector<512x8xf32> -> vector<512x16xf32>
    %swap3A_19 = arith.constant 0 : index
    %swap3A_20 = arith.constant 0 : index
    %swap3A_21 = vector.load %arg6[%swap3A_19, %swap3A_20] : memref<512x16xf32, #tpu.memory_space<vmem>>, vector<512x16xf32>
    tpu.vector_store %arg6[%swap3A_19, %swap3A_20], %concatenate3A_18 {strides = array<i32>} : memref<512x16xf32, #tpu.memory_space<vmem>>, vector<512x16xf32>,
    return
  }
  func.func @transform_0(%arg0: i32) -> (i32, i32) {
    %c0_i32 = arith.constant 0 : i32
    %c0_i32_0 = arith.constant 0 : i32
    return %arg0, %c0_i32 : i32, i32
  }
  func.func @transform_1(%arg0: i32) -> (i32, i32) {
    %c0_i32 = arith.constant 0 : i32
    %c0_i32_0 = arith.constant 0 : i32
    %c0_i32_1 = arith.constant 0 : i32
    return %c0_i32, %c0_i32_0 : i32, i32
  }
  func.func @transform_2(%arg0: i32) -> (i32, i32) {
    %c0_i32 = arith.constant 0 : i32
    %c0_i32_0 = arith.constant 0 : i32
    %c0_i32_1 = arith.constant 0 : i32
    return %c0_i32, %c0_i32_0 : i32, i32
  }
  func.func @transform_3(%arg0: i32) -> (i32, i32) {
    %c0_i32 = arith.constant 0 : i32
    %c0_i32_0 = arith.constant 0 : i32
    %c0_i32_1 = arith.constant 0 : i32
    return %c0_i32, %c0_i32_0 : i32, i32
  }
  func.func @transform_4(%arg0: i32) -> (i32, i32) {
    %c0_i32 = arith.constant 0 : i32
    %c0_i32_0 = arith.constant 0 : i32
    return %arg0, %c0_i32 : i32, i32
  }
  func.func @transform_5(%arg0: i32) -> (i32, i32) {
    %c0_i32 = arith.constant 0 : i32
    %c0_i32_0 = arith.constant 0 : i32
    return %arg0, %c0_i32 : i32, i32
  }
}

module attributes {stable_mosaic.version = 14 : i64} {
  func.func @_tc2_body(%arg0: i32, %arg1: memref<2x512x80xf32, #tpu.memory_space<vmem>>, %arg2: memref<1x64xf32, #tpu.memory_space<vmem>>, %arg3: memref<64x40xf32, #tpu.memory_space<vmem>>, %arg4: memref<40x8xf32, #tpu.memory_space<vmem>>, %arg5: memref<40x16xf32, #tpu.memory_space<vmem>>, %arg6: memref<8x64xf32, #tpu.memory_space<vmem>>, %arg7: memref<512x48xf32, #tpu.memory_space<vmem>>, %arg8: memref<512x16xf32, #tpu.memory_space<vmem>>) attributes {dimension_semantics = [#tpu.dimension_semantics<arbitrary>], iteration_bounds = array<i64: 20>, scalar_prefetch = 0 : i64, scratch_operands = 0 : i64, tpu.core_type = #tpu.core_type<tc>, window_params = [{transform_indices = @transform_0, window_bounds = array<i64: 2, 512, 80>}, {pipeline_mode = #tpu.pipeline_mode<synchronous>, transform_indices = @transform_1, window_bounds = array<i64: 1, 64>}, {pipeline_mode = #tpu.pipeline_mode<synchronous>, transform_indices = @transform_2, window_bounds = array<i64: 64, 40>}, {pipeline_mode = #tpu.pipeline_mode<synchronous>, transform_indices = @transform_3, window_bounds = array<i64: 40, 8>}, {pipeline_mode = #tpu.pipeline_mode<synchronous>, transform_indices = @transform_4, window_bounds = array<i64: 40, 16>}, {pipeline_mode = #tpu.pipeline_mode<synchronous>, transform_indices = @transform_5, window_bounds = array<i64: 8, 64>}, {transform_indices = @transform_6, window_bounds = array<i64: 512, 48>}, {transform_indices = @transform_7, window_bounds = array<i64: 512, 16>}]} {
    %get3A = arith.constant 0 : index
    %get3A_0 = arith.constant 0 : index
    %get3A_1 = arith.constant 0 : index
    %get3A_2 = vector.load %arg1[%get3A, %get3A_0, %get3A_1] : memref<2x512x80xf32, #tpu.memory_space<vmem>>, vector<1x512x80xf32>
    %get3A_3 = vector.shape_cast %get3A_2 : vector<1x512x80xf32> to vector<512x80xf32>
    %get3A_4 = arith.constant 1 : index
    %get3A_5 = arith.constant 0 : index
    %get3A_6 = arith.constant 0 : index
    %get3A_7 = vector.load %arg1[%get3A_4, %get3A_5, %get3A_6] : memref<2x512x80xf32, #tpu.memory_space<vmem>>, vector<1x512x80xf32>
    %get3A_8 = vector.shape_cast %get3A_7 : vector<1x512x80xf32> to vector<512x80xf32>
    %add3A = arith.addf %get3A_3, %get3A_8 : vector<512x80xf32>
    %slice3A = vector.extract_strided_slice %add3A {offsets = [0, 64], sizes = [512, 8], strides = [1, 1]} : vector<512x80xf32> to vector<512x8xf32>
    %get3A_9 = arith.constant 0 : index
    %get3A_10 = arith.constant 0 : index
    %get3A_11 = vector.load %arg6[%get3A_9, %get3A_10] : memref<8x64xf32, #tpu.memory_space<vmem>>, vector<8x64xf32>
    %dot_general3A = arith.constant dense<0.000000e+00> : vector<512x64xf32>
    %dot_general3A_12 = tpu.matmul %slice3A, %get3A_11, %dot_general3A {dimension_numbers = #tpu.dot_dimension_numbers<[1], [0], [0], [1], [0, 0, 1, 1], [], []>, transpose_lhs_hint = false} : vector<512x8xf32>, vector<8x64xf32>, vector<512x64xf32> -> vector<512x64xf32>
    %slice3A_13 = vector.extract_strided_slice %add3A {offsets = [0, 0], sizes = [512, 64], strides = [1, 1]} : vector<512x80xf32> to vector<512x64xf32>
    %add3A_14 = arith.constant 1.000000e-16 : f32
    %add3A_15 = vector.broadcast %add3A_14 : f32 to vector<512x64xf32>
    %add3A_16 = arith.addf %dot_general3A_12, %add3A_15 : vector<512x64xf32>
    %div3A = arith.divf %slice3A_13, %add3A_16 : vector<512x64xf32>
    %get3A_17 = arith.constant 0 : index
    %get3A_18 = arith.constant 0 : index
    %get3A_19 = vector.load %arg2[%get3A_17, %get3A_18] : memref<1x64xf32, #tpu.memory_space<vmem>>, vector<1x64xf32>
    %add3A_20 = vector.broadcast %get3A_19 : vector<1x64xf32> to vector<512x64xf32>
    %add3A_21 = arith.addf %div3A, %add3A_20 : vector<512x64xf32>
    %gt3A = arith.constant 0.000000e+00 : f32
    %gt3A_22 = vector.broadcast %gt3A : f32 to vector<512x64xf32>
    %gt3A_23 = arith.cmpf ogt, %add3A_21, %gt3A_22 : vector<512x64xf32>
    %exp3A = math.exp %add3A_21 : vector<512x64xf32>
    %sub3A = arith.constant 1.000000e+00 : f32
    %sub3A_24 = vector.broadcast %sub3A : f32 to vector<512x64xf32>
    %sub3A_25 = arith.subf %exp3A, %sub3A_24 : vector<512x64xf32>
    %select_n3A = arith.select %gt3A_23, %add3A_21, %sub3A_25 : vector<512x64xi1>, vector<512x64xf32>
    %get3A_26 = arith.constant 0 : index
    %get3A_27 = arith.constant 0 : index
    %get3A_28 = vector.load %arg3[%get3A_26, %get3A_27] : memref<64x40xf32, #tpu.memory_space<vmem>>, vector<64x40xf32>
    %dot_general3A_29 = arith.constant dense<0.000000e+00> : vector<512x40xf32>
    %dot_general3A_30 = tpu.matmul %select_n3A, %get3A_28, %dot_general3A_29 {dimension_numbers = #tpu.dot_dimension_numbers<[1], [0], [0], [1], [0, 0, 1, 1], [], []>, transpose_lhs_hint = false} : vector<512x64xf32>, vector<64x40xf32>, vector<512x40xf32> -> vector<512x40xf32>
    %get3A_31 = arith.constant 0 : index
    %get3A_32 = arith.constant 0 : index
    %get3A_33 = vector.load %arg4[%get3A_31, %get3A_32] : memref<40x8xf32, #tpu.memory_space<vmem>>, vector<40x8xf32>
    %dot_general3A_34 = arith.constant dense<0.000000e+00> : vector<512x8xf32>
    %dot_general3A_35 = tpu.matmul %dot_general3A_30, %get3A_33, %dot_general3A_34 {dimension_numbers = #tpu.dot_dimension_numbers<[1], [0], [0], [1], [0, 0, 1, 1], [], []>, transpose_lhs_hint = false} : vector<512x40xf32>, vector<40x8xf32>, vector<512x8xf32> -> vector<512x8xf32>
    %get3A_36 = arith.constant 0 : index
    %get3A_37 = arith.constant 0 : index
    %get3A_38 = vector.load %arg5[%get3A_36, %get3A_37] : memref<40x16xf32, #tpu.memory_space<vmem>>, vector<40x16xf32>
    %dot_general3A_39 = arith.constant dense<0.000000e+00> : vector<512x16xf32>
    %dot_general3A_40 = tpu.matmul %dot_general3A_30, %get3A_38, %dot_general3A_39 {dimension_numbers = #tpu.dot_dimension_numbers<[1], [0], [0], [1], [0, 0, 1, 1], [], []>, transpose_lhs_hint = false} : vector<512x40xf32>, vector<40x16xf32>, vector<512x16xf32> -> vector<512x16xf32>
    %concatenate3A = tpu.concatenate %dot_general3A_30, %dot_general3A_35 in 1 : vector<512x40xf32>, vector<512x8xf32> -> vector<512x48xf32>
    %swap3A = arith.constant 0 : index
    %swap3A_41 = arith.constant 0 : index
    %swap3A_42 = vector.load %arg7[%swap3A, %swap3A_41] : memref<512x48xf32, #tpu.memory_space<vmem>>, vector<512x48xf32>
    tpu.vector_store %arg7[%swap3A, %swap3A_41], %concatenate3A {strides = array<i32>} : memref<512x48xf32, #tpu.memory_space<vmem>>, vector<512x48xf32>,
    %swap3A_43 = arith.constant 0 : index
    %swap3A_44 = arith.constant 0 : index
    %swap3A_45 = vector.load %arg8[%swap3A_43, %swap3A_44] : memref<512x16xf32, #tpu.memory_space<vmem>>, vector<512x16xf32>
    tpu.vector_store %arg8[%swap3A_43, %swap3A_44], %dot_general3A_40 {strides = array<i32>} : memref<512x16xf32, #tpu.memory_space<vmem>>, vector<512x16xf32>,
    return
  }
  func.func @transform_0(%arg0: i32) -> (i32, i32, i32) {
    %c0_i32 = arith.constant 0 : i32
    %c0_i32_0 = arith.constant 0 : i32
    %c0_i32_1 = arith.constant 0 : i32
    return %c0_i32, %arg0, %c0_i32_0 : i32, i32, i32
  }
  func.func @transform_1(%arg0: i32) -> (i32, i32) {
    %c0_i32 = arith.constant 0 : i32
    %c0_i32_0 = arith.constant 0 : i32
    %c0_i32_1 = arith.constant 0 : i32
    return %c0_i32, %c0_i32_0 : i32, i32
  }
  func.func @transform_2(%arg0: i32) -> (i32, i32) {
    %c0_i32 = arith.constant 0 : i32
    %c0_i32_0 = arith.constant 0 : i32
    %c0_i32_1 = arith.constant 0 : i32
    return %c0_i32, %c0_i32_0 : i32, i32
  }
  func.func @transform_3(%arg0: i32) -> (i32, i32) {
    %c0_i32 = arith.constant 0 : i32
    %c0_i32_0 = arith.constant 0 : i32
    %c0_i32_1 = arith.constant 0 : i32
    return %c0_i32, %c0_i32_0 : i32, i32
  }
  func.func @transform_4(%arg0: i32) -> (i32, i32) {
    %c0_i32 = arith.constant 0 : i32
    %c0_i32_0 = arith.constant 0 : i32
    %c0_i32_1 = arith.constant 0 : i32
    return %c0_i32, %c0_i32_0 : i32, i32
  }
  func.func @transform_5(%arg0: i32) -> (i32, i32) {
    %c0_i32 = arith.constant 0 : i32
    %c0_i32_0 = arith.constant 0 : i32
    %c0_i32_1 = arith.constant 0 : i32
    return %c0_i32, %c0_i32_0 : i32, i32
  }
  func.func @transform_6(%arg0: i32) -> (i32, i32) {
    %c0_i32 = arith.constant 0 : i32
    %c0_i32_0 = arith.constant 0 : i32
    return %arg0, %c0_i32 : i32, i32
  }
  func.func @transform_7(%arg0: i32) -> (i32, i32) {
    %c0_i32 = arith.constant 0 : i32
    %c0_i32_0 = arith.constant 0 : i32
    return %arg0, %c0_i32 : i32, i32
  }
}

module attributes {stable_mosaic.version = 14 : i64} {
  func.func @_tc3_body(%arg0: i32, %arg1: memref<2x400x48xf32, #tpu.memory_space<vmem>>, %arg2: memref<1x40xf32, #tpu.memory_space<vmem>>, %arg3: memref<8x40xf32, #tpu.memory_space<vmem>>, %arg4: memref<400x40xf32, #tpu.memory_space<vmem>>) attributes {dimension_semantics = [#tpu.dimension_semantics<arbitrary>], iteration_bounds = array<i64: 25>, scalar_prefetch = 0 : i64, scratch_operands = 0 : i64, tpu.core_type = #tpu.core_type<tc>, window_params = [{transform_indices = @transform_0, window_bounds = array<i64: 2, 400, 48>}, {pipeline_mode = #tpu.pipeline_mode<synchronous>, transform_indices = @transform_1, window_bounds = array<i64: 1, 40>}, {pipeline_mode = #tpu.pipeline_mode<synchronous>, transform_indices = @transform_2, window_bounds = array<i64: 8, 40>}, {transform_indices = @transform_3, window_bounds = array<i64: 400, 40>}]} {
    %get3A = arith.constant 0 : index
    %get3A_0 = arith.constant 0 : index
    %get3A_1 = arith.constant 0 : index
    %get3A_2 = vector.load %arg1[%get3A, %get3A_0, %get3A_1] : memref<2x400x48xf32, #tpu.memory_space<vmem>>, vector<1x400x48xf32>
    %get3A_3 = vector.shape_cast %get3A_2 : vector<1x400x48xf32> to vector<400x48xf32>
    %get3A_4 = arith.constant 1 : index
    %get3A_5 = arith.constant 0 : index
    %get3A_6 = arith.constant 0 : index
    %get3A_7 = vector.load %arg1[%get3A_4, %get3A_5, %get3A_6] : memref<2x400x48xf32, #tpu.memory_space<vmem>>, vector<1x400x48xf32>
    %get3A_8 = vector.shape_cast %get3A_7 : vector<1x400x48xf32> to vector<400x48xf32>
    %add3A = arith.addf %get3A_3, %get3A_8 : vector<400x48xf32>
    %slice3A = vector.extract_strided_slice %add3A {offsets = [0, 40], sizes = [400, 8], strides = [1, 1]} : vector<400x48xf32> to vector<400x8xf32>
    %get3A_9 = arith.constant 0 : index
    %get3A_10 = arith.constant 0 : index
    %get3A_11 = vector.load %arg3[%get3A_9, %get3A_10] : memref<8x40xf32, #tpu.memory_space<vmem>>, vector<8x40xf32>
    %dot_general3A = arith.constant dense<0.000000e+00> : vector<400x40xf32>
    %dot_general3A_12 = tpu.matmul %slice3A, %get3A_11, %dot_general3A {dimension_numbers = #tpu.dot_dimension_numbers<[1], [0], [0], [1], [0, 0, 1, 1], [], []>, transpose_lhs_hint = false} : vector<400x8xf32>, vector<8x40xf32>, vector<400x40xf32> -> vector<400x40xf32>
    %slice3A_13 = vector.extract_strided_slice %add3A {offsets = [0, 0], sizes = [400, 40], strides = [1, 1]} : vector<400x48xf32> to vector<400x40xf32>
    %add3A_14 = arith.constant 1.000000e-16 : f32
    %add3A_15 = vector.broadcast %add3A_14 : f32 to vector<400x40xf32>
    %add3A_16 = arith.addf %dot_general3A_12, %add3A_15 : vector<400x40xf32>
    %div3A = arith.divf %slice3A_13, %add3A_16 : vector<400x40xf32>
    %get3A_17 = arith.constant 0 : index
    %get3A_18 = arith.constant 0 : index
    %get3A_19 = vector.load %arg2[%get3A_17, %get3A_18] : memref<1x40xf32, #tpu.memory_space<vmem>>, vector<1x40xf32>
    %add3A_20 = vector.broadcast %get3A_19 : vector<1x40xf32> to vector<400x40xf32>
    %add3A_21 = arith.addf %div3A, %add3A_20 : vector<400x40xf32>
    %add3A_22 = arith.constant 9.99999997E-7 : f32
    %add3A_23 = vector.broadcast %add3A_22 : f32 to vector<400x40xf32>
    %add3A_24 = arith.addf %add3A_21, %add3A_23 : vector<400x40xf32>
    %swap3A = arith.constant 0 : index
    %swap3A_25 = arith.constant 0 : index
    %swap3A_26 = vector.load %arg4[%swap3A, %swap3A_25] : memref<400x40xf32, #tpu.memory_space<vmem>>, vector<400x40xf32>
    tpu.vector_store %arg4[%swap3A, %swap3A_25], %add3A_24 {strides = array<i32>} : memref<400x40xf32, #tpu.memory_space<vmem>>, vector<400x40xf32>,
    return
  }
  func.func @transform_0(%arg0: i32) -> (i32, i32, i32) {
    %c0_i32 = arith.constant 0 : i32
    %c0_i32_0 = arith.constant 0 : i32
    %c0_i32_1 = arith.constant 0 : i32
    return %c0_i32, %arg0, %c0_i32_0 : i32, i32, i32
  }
  func.func @transform_1(%arg0: i32) -> (i32, i32) {
    %c0_i32 = arith.constant 0 : i32
    %c0_i32_0 = arith.constant 0 : i32
    %c0_i32_1 = arith.constant 0 : i32
    return %c0_i32, %c0_i32_0 : i32, i32
  }
  func.func @transform_2(%arg0: i32) -> (i32, i32) {
    %c0_i32 = arith.constant 0 : i32
    %c0_i32_0 = arith.constant 0 : i32
    %c0_i32_1 = arith.constant 0 : i32
    return %c0_i32, %c0_i32_0 : i32, i32
  }
  func.func @transform_3(%arg0: i32) -> (i32, i32) {
    %c0_i32 = arith.constant 0 : i32
    %c0_i32_0 = arith.constant 0 : i32
    return %arg0, %c0_i32 : i32, i32
  }
}

</mosaic_0001>

<sc_bundles>
// kernel: kernel.10.cloned.1.call-start
scs
__scs_entry_jumppad:
0x0: {  	(pc) =	sbr.rel $0x88, $3  }
0x1: {  	(tag) =	ssettag $0x0;
	lr =	simm.s32 $0x1  }
0x2: {  	[smem:$0x3F97] =	sst lr;
	_ =	strace $0xD0000000  }
0x3: {  	_ = 	snop  }
0x4: {  	_ = 	snop  }
0x5: {  	_ = 	snop  }
0x6: {  	_ = 	snop  }
0x7: {  	_ = 	snop  }
__scs_overlays_trampoline_lowered:
0x8: {  	[smem:$0x3FA6] =	sst s0  }
0x9: {  	[smem:$0x3FA7] =	sst s1  }
0xa: {  	[smem:$0x3FA8] =	sst s2  }
0xb: {  	[smem:$0x3FA9] =	sst s3  }
0xc: {  	[smem:$0x3FAA] =	sst s4  }
0xd: {  	[smem:$0x3FAB] =	sst s5  }
0xe: {  	[smem:$0x3FAC] =	sst s6  }
0xf: {  	[smem:$0x3FAD] =	sst s7  }
0x10: {  	[smem:$0x3FAE] =	sst s8  }
0x11: {  	[smem:$0x3FAF] =	sst s9;
	s0 =	simm.s32 @!p0 $0x0  }
0x12: {  	s1 =	sld [smem:$0x3F95];
	s0 =	simm.s32 @p0 $0x1  }
0x13: {  	[smem:$0x3FB0] =	sst s0;
	s0 =	simm.s32 @!p1 $0x0  }
0x14: {  	s2 =	sld [smem:$0x3F94];
	s0 =	simm.s32 @p1 $0x1  }
0x15: {  	[smem:$0x3FB1] =	sst s0;
	s0 =	simm.s32 @!p2 $0x0  }
0x16: {  	s3 =	sld [smem:$0x3FDB];
	s0 =	simm.s32 @p2 $0x1  }
0x17: {  	s4 =	simm.s32 $0x1BF5;
	[smem:$0x3FB3] =	sst s0  }
0x18: {  	s0 =	sld [smem:$0x3F96];
	_ =	swait.ge [sflag:s4], $0x0  }
0x19: {  	s7 =	sld [smem:$0x3F97]  }
0x1a: {  	s8 =	sadd.s32 $0xFFFFE003, lr  }
0x1b: {  	s9 =	sadd.s32 $0xFFFFFEF7, lr;
	s5 =	simm.s32 $0xFFFFFFFF;
	p2 =	slt.u32 s8, $0xFFFFF086  }
0x1c: {  	p1 =	slt.u32 s9, $0xF7A;
	s5 =	simm.s32 @!p2 $0x0  }
0x1d: {  	s5 =	simm.s32 @p1 $0x1;
	p0 =	seq.s32 s7, s2  }
0x1e: {  	s7 =	smul.u32 @!p0 $0xF7A, s2;
	p2 =	seq.s32 @!p0 s5, $0x0  }
0x1f: {  	s9 =	smul.u32 $0xF7A, s1;
	s8 =	simm.s32 @!p0 $0x1BF5;
	p2 =	por !p2, p0  }
0x20: {  	[sflag:s8] =	ssyncset.s32 @!p0 $0xFFFFF086;
	s6 =	sadd.s32 @!p0 s3, s7;
	s7 =	simm.s32 @!p0 $0x108  }
0x21: {  	s3 =	sadd.s32 s3, s9;
	s6 =	sadd.s32 @!p0 $0x88, s6;
	s7 =	simm.s32 @p2 $0x1082  }
0x22: {  	[simem:s7], [sflag:s8] =	dma.local @!p0 [hbm:s6], $0xF7A  }
0x23: {  	s9 =	sor.u32 $0xD0000000, s2;
	s6 =	simm.s32 $0x108;
	_ =	swait.ge @!p0 [sflag:s8], $0x0  }
0x24: {  	s3 =	sadd.s32 $0x88, s3;
	s6 =	simm.s32 @!p1 $0x1082;
	[sflag:s4] =	ssyncset.s32 $0xFFFFF086  }
0x25: {  	[simem:s6], [sflag:s4] =	dma.local [hbm:s3], $0xF7A  }
0x26: {  	[smem:$0x3F97] =	sst s1;
	(tag) =	ssettag s2;
	_ =	strace s9  }
0x27: {  	s1 =	sld [smem:$0x3FA7]  }
0x28: {  	s2 =	sld [smem:$0x3FA8]  }
0x29: {  	s4 =	sld [smem:$0x3FAA]  }
0x2a: {  	p0 =	seq.s32 s5, $0x0;
	s5 =	sld [smem:$0x3FAB]  }
0x2b: {  	s6 =	sld [smem:$0x3FAC]  }
0x2c: {  	s7 =	sld [smem:$0x3FAD]  }
0x2d: {  	s3 =	simm.s32 $0x108;
	s8 =	sld [smem:$0x3FAE]  }
0x2e: {  	s3 =	simm.s32 @!p0 $0x1082;
	s9 =	sld [smem:$0x3FAF]  }
0x2f: {  	lr =	sadd.s32 s0, s3;
	s0 =	sld [smem:$0x3FA6]  }
0x30: {  	s3 =	sld [smem:$0x3FA9]  }
0x31: {  	[smem:$0x3FB2] =	sst s10  }
0x32: {  	s10 =	sld [smem:$0x3FB0];
	_ =	sdelay $0x3  }
0x33: {  	p0 =	seq.s32 s10, $0x1;
	s10 =	sld [smem:$0x3FB2];
	_ =	sdelay $0x3  }
0x34: {  	[smem:$0x3FB2] =	sst s10  }
0x35: {  	s10 =	sld [smem:$0x3FB1];
	_ =	sdelay $0x3  }
0x36: {  	p1 =	seq.s32 s10, $0x1;
	s10 =	sld [smem:$0x3FB2];
	_ =	sdelay $0x3  }
0x37: {  	[smem:$0x3FB2] =	sst s10  }
0x38: {  	s10 =	sld [smem:$0x3FB3]  }
0x39: {  	_ = 	snop;
	(pc) =	sbr.ind lr, $3  }
0x3a: {  	_ = 	snop  }
0x3b: {  	_ = 	snop  }
0x3c: {  	p2 =	seq.s32 s10, $0x1;
	s10 =	sld [smem:$0x3FB2]  }
0x3d: {  	_ =	shalt  }
0x3e: {  	_ =	shalt  }
0x3f: {  	_ =	shalt  }
0x40: {  	_ =	shalt  }
0x41: {  	_ =	shalt  }
0x42: {  	_ =	shalt  }
0x43: {  	_ =	shalt  }
0x44: {  	_ =	shalt  }
0x45: {  	_ =	shalt  }
0x46: {  	_ =	shalt  }
0x47: {  	_ =	shalt  }
0x48: {  	_ =	shalt  }
0x49: {  	_ =	shalt  }
0x4a: {  	_ =	shalt  }
0x4b: {  	_ =	shalt  }
0x4c: {  	_ =	shalt  }
0x4d: {  	_ =	shalt  }
0x4e: {  	_ =	shalt  }
0x4f: {  	_ =	shalt  }
0x50: {  	_ =	shalt  }
0x51: {  	_ =	shalt  }
0x52: {  	_ =	shalt  }
0x53: {  	_ =	shalt  }
0x54: {  	_ =	shalt  }
0x55: {  	_ =	shalt  }
0x56: {  	_ =	shalt  }
0x57: {  	_ =	shalt  }
0x58: {  	_ =	shalt  }
0x59: {  	_ =	shalt  }
0x5a: {  	_ =	shalt  }
0x5b: {  	_ =	shalt  }
0x5c: {  	_ =	shalt  }
0x5d: {  	_ =	shalt  }
0x5e: {  	_ =	shalt  }
0x5f: {  	_ =	shalt  }
0x60: {  	_ =	shalt  }
0x61: {  	_ =	shalt  }
0x62: {  	_ =	shalt  }
0x63: {  	_ =	shalt  }
0x64: {  	_ =	shalt  }
0x65: {  	_ =	shalt  }
0x66: {  	_ =	shalt  }
0x67: {  	_ =	shalt  }
0x68: {  	_ =	shalt  }
0x69: {  	_ =	shalt  }
0x6a: {  	_ =	shalt  }
0x6b: {  	_ =	shalt  }
0x6c: {  	_ =	shalt  }
0x6d: {  	_ =	shalt  }
0x6e: {  	_ =	shalt  }
0x6f: {  	_ =	shalt  }
0x70: {  	_ =	shalt  }
0x71: {  	_ =	shalt  }
0x72: {  	_ =	shalt  }
0x73: {  	_ =	shalt  }
0x74: {  	_ =	shalt  }
0x75: {  	_ =	shalt  }
0x76: {  	_ =	shalt  }
0x77: {  	_ =	shalt  }
0x78: {  	_ =	shalt  }
0x79: {  	_ =	shalt  }
0x7a: {  	_ =	shalt  }
0x7b: {  	_ =	shalt  }
0x7c: {  	_ =	shalt  }
0x7d: {  	_ =	shalt  }
0x7e: {  	_ =	shalt  }
0x7f: {  	_ =	shalt  }
0x80: {  	_ =	shalt  }
0x81: {  	_ =	shalt  }
0x82: {  	_ =	shalt  }
0x83: {  	_ =	shalt  }
0x84: {  	_ =	shalt  }
0x85: {  	_ =	shalt  }
0x86: {  	_ =	shalt  }
0x87: {  	_ =	shalt  }
.Lfunc_end0:
.L_simem_size_0:
called_computation.1_lowered:
.L_overlay_start_0:
0x88: {  	s2 =	sld [smem:$0x3FD9]  }
0x89: {  	s3 =	sld [smem:$0x3FFE];
	_ =	sdelay $0x1  }
0x8a: {  	s1 =	srdreg.scid  }
0x8b: {  	s0 =	sand.u32 $0x1, s1  }
0x8c: {  	s17 =	sshll.u32 s0, $0xA;
	s2 =	sadd.s32 s3, s2  }
0x8d: {  	s2 =	sadd.s32 s2, s17  }
0x8e: {  	[smem:$0x3FBE] =	sst s2  }
0x8f: {  	_ = 	snop  }
0x90: {  	s2 =	sld [smem:$0x3FD0];
	(tm) =	ssettm $0x1  }
0x91: {  	s18 =	sld [smem:$0x3FFB];
	_ =	sdelay $0x3  }
0x92: {  	_ =	strace s18  }
0x93: {  	s3 =	sld [smem:$0x3FFC];
	_ =	sdelay $0x3  }
0x94: {  	_ =	strace s3  }
0x95: {  	s3 =	sld [smem:$0x3FFD];
	_ =	sdelay $0x3  }
0x96: {  	_ =	strace s3  }
0x97: {  	_ =	strace $0x8FFFFFFF  }
0x98: {  	s19 =	sld [smem:$0x3FDB];
	_ =	sdelay $0x1  }
0x99: {  	s4 =	simm.s32 $_scs_section_size  }
0x9a: {  	s5 =	simm.s32 $_size__tile_overlayer_lowered;
	s6 =	simm.s32 $_tile_overlayer_lowered  }
0x9b: {  	s22 =	simm.s32 $0x1BFF;
	s21 =	sshll.u32 s6, $0x1;
	s3 =	sadd.s32 s4, s19  }
0x9c: {  	s7 =	simm.s32 $0x0;
	s20 =	sshll.u32 s5, $0x1;
	s5 =	sadd.s32 s21, s3  }
0x9d: {  	[timem:s7], [sflag:s22] =	dma.local [hbm:s5], s20  }
0x9e: {  	_ =	swait.ge [sflag:s22], s20  }
0x9f: {  	s4 =	ssub.s32 $0x0, s20;
	[sflag:s22] =	ssyncset.done $0x0  }
0xa0: {  	[sflag:s22] =	ssyncadd.s32 s4;
	_ =	sdelay $0x1  }
0xa1: {  	s23 =	simm.s32 $0x1B8B  }
0xa2: {  	_ =	swait.ge [sflag:s23], $0x1  }
0xa3: {  	[sflag:s23] =	ssyncset.done $0x0  }
0xa4: {  	s25 =	simm.s32 $0x1B8E;
	s24 =	sld [smem:$0x3FFE];
	[sflag:s23] =	ssyncadd.s32 $0xFFFFFFFF  }
0xa5: {  	s26 =	simm.s32 $execute0_lowered;
	[smem:$0x3FD2] =	sst s25  }
0xa6: {  	s5 =	sshll.u32 s26, $0x1;
	_ =	strace $0x80000049;
	[dreg:$0x1] =	wrdreg $0xFFFFFFFF  }
0xa7: {  	s28 =	simm.s32 $_size_execute0_lowered;
	s3 =	sadd.s32 s3, s5;
	[dreg:$0x0] =	wrdreg $0x0  }
0xa8: {  	s5 =	sshll.u32 s28, $0x1;
	[dreg:$0x2] =	wrdreg s3  }
0xa9: {  	[dreg:$0x3] =	wrdreg s5  }
0xaa: {  	[dreg:$0x4] =	wrdreg $0xC0  }
0xab: {  	_ =	task [dreg:s7], $0x5FFFF  }
0xac: {  	[dreg:$0x1] =	wrdreg $0xFFFFFFFF  }
0xad: {  	[dreg:$0x0] =	wrdreg $0x60  }
0xae: {  	[dreg:$0x2] =	wrdreg s24  }
0xaf: {  	[dreg:$0x3] =	wrdreg s2  }
0xb0: {  	[dreg:$0x4] =	wrdreg $0xC0000  }
0xb1: {  	[dreg:$0x5] =	wrdreg $0x9  }
0xb2: {  	_ =	task.clear_ibuf [dreg:s7], $0x6FFFF;
	_ =	strace $0x90000049  }
0xb3: {  	s29 =	simm.s32 $0x9;
	_ =	strace $0x8000004B  }
0xb4: {  	_ =	swait.ge [sflag:s29], $0x1  }
0xb5: {  	[sflag:s29] =	ssyncadd.s32 $0xFFFFFFFF  }
0xb6: {  	_ =	strace $0x9000004B  }
0xb7: {  	_ =	sfence  }
0xb8: {  	s30 =	sld [smem:$0x0];
	_ =	sdelay $0x2  }
0xb9: {  	s31 =	sshll.u32 s1, $0xD;
	s1 =	sshrl.u32 s1, $0x2  }
0xba: {  	s3 =	sand.u32 $0x4000, s31;
	s1 =	sadd.s32 s1, s30  }
0xbb: {  	s0 =	sor.u32 s3, s0;
	s1 =	sshll.u32 s1, $0x11  }
0xbc: {  	s0 =	sor.u32 s1, s0  }
0xbd: {  	s0 =	sadd.s32 $0x8F2B, s0  }
0xbe: {  	[sflag:s0] =	ssyncadd.remote.s32 $0x1  }
0xbf: {  	_ =	sfence.sel $0xFFFF  }
0xc0: {  	[dreg:$0x0] =	wrdreg $0xFFFFFFFF;
	(pc) =	sbr.abs _section_cstart, $3  }
0xc1: {  	[dreg:$0x1] =	wrdreg $0xFFFFFFFF  }
0xc2: {  	_ =	task.clear_ibuf [dreg:s7], $0x2FFFF;
	_ =	strace $0x9FFFFFFF  }
0xc3: {  	(tm) =	ssettm $0x7FFFFFFF  }
tec
execute0_lowered:
.L_overlay_start_1:
0x0: {  	(tag) =	ssettag $0x1  }
0x1: {  	s0 =	rddreg [dreg:$0x0]  }
0x2: {  	s1 =	srdreg.scid;
	s2 =	rddreg [dreg:$0x1]  }
0x3: {  	s3 =	rddreg [dreg:$0x2];
	s9 =	stileid.u32;
	s4 =	simm.s32 $0x0  }
0x4: {  	s20 =	simm.s32 $0x7;
	s21 =	simm.s32 $0x6000;
	s22 =	simm.s32 $0x80  }
0x5: {  	s28 =	simm.s32 $0x3;
	s29 =	simm.s32 $0x9000;
	s31 =	simm.s32 $0x5  }
0x6: {  	s1 =	sand.u32 $0x1, s1;
	[smem:$0x7FF] =	sst s4;
	s12 =	smul.u32 $0x7800, s9  }
0x7: {  	s5 =	sshll.u32 s1, $0x4;
	_ =	strace $0x8000004A;
	s6 =	ssub.s32 $0x2, s1  }
0x8: {  	p0 =	seq.s32 s1, $0x0;
	s1 =	smul.u32 $0x78000, s1;
	s5 =	sor.u32 s9, s5  }
0x9: {  	s8 =	sshrl.u32 s6, $0x1;
	s13 =	sadd.s32 $0x1800, s12;
	s14 =	sadd.s32 $0x3000, s12  }
0xa: {  	s15 =	sadd.s32 $0x4800, s12;
	s9 =	simm.s32 $0x60;
	s16 =	sadd.s32 $0x6000, s12  }
0xb: {  	s5 =	smul.u32 $0xC00, s5;
	s6 =	ssub.s32 s6, s8;
	s8 =	sadd.s32 s13, s3  }
0xc: {  	s10 =	sadd.s32 s14, s3;
	s11 =	sadd.s32 s15, s3;
	s9 =	simm.s32 @!p0 $0x42  }
0xd: {  	s18 =	sadd.s32 s12, s1;
	s19 =	sadd.s32 s1, s13;
	s14 =	sadd.s32 s1, s14  }
0xe: {  	s15 =	sadd.s32 s1, s15;
	s1 =	sadd.s32 s1, s16;
	s17 =	smul.u32 $0x56, s9  }
0xf: {  	s18 =	sshrl.u32 s18, $0x3;
	s25 =	sshrl.u32 s19, $0x3;
	s14 =	sshrl.u32 s14, $0x3  }
0x10: {  	s30 =	smax.u32 s6, $0x1;
	s7 =	sadd.s32 s5, s0;
	s5 =	sadd.s32 $0x2400, s0  }
0x11: {  	s0 =	sadd.s32 $0x33400, s0;
	[dreg:$0xa] =	wrdreg s30;
	s7 =	sadd.s32 $0x1B400, s7  }
0x12: {  	s15 =	sshrl.u32 s15, $0x3;
	s24 =	sadd.s32 s0, s18;
	[dreg:$0x4] =	wrdreg s7  }
0x13: {  	s13 =	sshrl.u32 s17, $0x8;
	s17 =	sadd.s32 s0, s25;
	[dreg:$0x5] =	wrdreg s24  }
0x14: {  	s1 =	sshrl.u32 s1, $0x3;
	s14 =	sadd.s32 s0, s14;
	[dreg:$0x6] =	wrdreg s17  }
0x15: {  	s26 =	sadd.s32 s0, s15;
	s0 =	sadd.s32 s0, s1;
	[dreg:$0x7] =	wrdreg s14  }
0x16: {  	s25 =	simm.s32 $0x2;
	s1 =	simm.s32 $0x0;
	[dreg:$0x8] =	wrdreg s26  }
0x17: {  	s7 =	sadd.s32 s12, s3;
	s12 =	sadd.s32 s16, s3;
	[dreg:$0x9] =	wrdreg s0  }
0x18: {  	v0 =	vimm.f32 $0.0e+00;
	v1 =	vimm.s32 $0xC;
	vm0 =	vmmov $0xff;
	s24 =	simm.s32 $0x1;
	s26 =	simm.s32 $0x7800;
	s0 =	simm.s32 $0x6  }
.LBB2_1:
0x19: {  	s6 =	rddreg [dreg:$0x4]  }
0x1a: {  	[tilespmem:s4], [sflag:$0x7] =	stream.linear.gather [hbm4b:s6+s4], $0x6000, $0x38;
	[tilespmem:$0x13800] =	vst v63  }
0x1b: {  	_ =	swait.ge [sflag:s20], $0x6000  }
0x1c: {  	[sflag:s20] =	ssyncset.done $0x0  }
0x1d: {  	s14 =	simm.s32 $0x0;
	s6 =	simm.s32 $0xC0;
	[sflag:s20] =	ssyncadd.s32 $0xFFFFA000  }
.LBB2_2:
0x1e: {  	p0 =	sne.s32 s6, $0x5F40;
	[tilespmem:s14+$0x6020] =	vst v0;
	s15 =	smov.u32 s6;
	s6 =	sadd.s32 $0xC0, s6  }
.Ltmp0:
0x1f: {  	[tilespmem:s14+$0x6000] =	vst v0;
	(pc) =	sbr.rel @p0 .LBB2_2-.Ltmp0, $2  }
0x20: {  	[tilespmem:s14+$0x6010] =	vst v0;
	_ =	sdelay $0x2  }
0x21: {  	s14 =	sshra.s32 s15, $0x2  }
0x22: {  	[tilespmem:s14+$0x6020] =	vst v0  }
0x23: {  	[tilespmem:s14+$0x6000] =	vst v0  }
0x24: {  	[tilespmem:s14+$0x6010] =	vst v0  }
0x25: {  	[spmem:s7] =	stream.linear.scatter [tilespmem:s21], [sflag:$0x7], $0x1800, $0x38;
	[tilespmem:$0x13800] =	vst v63  }
0x26: {  	_ =	swait.ge [sflag:s20], $0x1800  }
0x27: {  	[sflag:s20] =	ssyncset.done $0x0  }
0x28: {  	[sflag:s20] =	ssyncadd.s32 $0xFFFFE800  }
0x29: {  	[spmem:s8] =	stream.linear.scatter [tilespmem:s21], [sflag:$0x7], $0x1800, $0x38;
	[tilespmem:$0x13800] =	vst v63  }
0x2a: {  	_ =	swait.ge [sflag:s20], $0x1800  }
0x2b: {  	[sflag:s20] =	ssyncset.done $0x0  }
0x2c: {  	[sflag:s20] =	ssyncadd.s32 $0xFFFFE800  }
0x2d: {  	[spmem:s10] =	stream.linear.scatter [tilespmem:s21], [sflag:$0x7], $0x1800, $0x38;
	[tilespmem:$0x13800] =	vst v63  }
0x2e: {  	_ =	swait.ge [sflag:s20], $0x1800  }
0x2f: {  	[sflag:s20] =	ssyncset.done $0x0  }
0x30: {  	[sflag:s20] =	ssyncadd.s32 $0xFFFFE800  }
0x31: {  	[spmem:s11] =	stream.linear.scatter [tilespmem:s21], [sflag:$0x7], $0x1800, $0x38;
	[tilespmem:$0x13800] =	vst v63  }
0x32: {  	_ =	swait.ge [sflag:s20], $0x1800  }
0x33: {  	[sflag:s20] =	ssyncset.done $0x0  }
0x34: {  	[sflag:s20] =	ssyncadd.s32 $0xFFFFE800  }
0x35: {  	[spmem:s12] =	stream.linear.scatter [tilespmem:s21], [sflag:$0x7], $0x1800, $0x38;
	[tilespmem:$0x13800] =	vst v63  }
0x36: {  	_ =	swait.ge [sflag:s20], $0x1800  }
0x37: {  	[sflag:s20] =	ssyncset.done $0x0  }
0x38: {  	[sflag:s20] =	ssyncadd.s32 $0xFFFFE800  }
0x39: {  	s23 =	simm.s32 $0x0;
	[bflag:$0x0] =	sbarrier.arrive $0xFFFF  }
0x3a: {  	[tilespmem:s21], [sflag:$0x1] =	stream.indirect.gather [hbm4b:s5+s22], $0x30, s23, s22, $0xb8;
	[tilespmem:$0x13800] =	vst v63  }
0x3b: {  	s6 =	simm.s32 $0xA800  }
0x3c: {  	[tilespmem:s6], [sflag:$0x1] =	stream.indirect.gather [hbm4b:s2+s22], $0x10, s22, s22, $0xb8;
	[tilespmem:$0x13800] =	vst v63  }
.LBB2_4:
0x3d: {  	s6 =	smul.u32 $0x3, s23;
	_ =	sdelay $0x1  }
0x3e: {  	s14 =	sadd.s32 $0x1, s6  }
0x3f: {  	p0 =	sge.u32 s14, s9  }
0x40: {  	p1 =	seq.s32 @!p0 s23, $0x0  }
0x41: {  	p1 =	por p1, p0  }
0x42: {  	s15 =	simm.s32 @!p1 $0x5  }
0x43: {  	_ =	swait.ge @!p1 [sflag:s15], $0x1800  }
0x44: {  	[sflag:s15] =	ssyncset.done @!p1 $0x0  }
0x45: {  	[sflag:s15] =	ssyncadd.s32 @!p1 $0xFFFFE800;
	s15 =	sshll.u32 @!p0 s14, $0x8  }
0x46: {  	s16 =	simm.s32 @!p0 $0x80;
	s17 =	simm.s32 @!p0 $0x7800;
	s15 =	sand.u32 @!p0 $0x3FFFFF00, s15  }
0x47: {  	[tilespmem:s17], [sflag:$0x2] =	stream.indirect.gather @!p0 [hbm4b:s5+s16], $0x30, s15, s16, $0xb8;
	[tilespmem:$0x13800] =	vst v63  }
0x48: {  	s15 =	sor.u32 @!p0 $0x80, s15;
	s17 =	simm.s32 @!p0 $0xB000  }
0x49: {  	[tilespmem:s17], [sflag:$0x2] =	stream.indirect.gather @!p0 [hbm4b:s2+s16], $0x10, s15, s16, $0xb8;
	[tilespmem:$0x13800] =	vst v63  }
0x4a: {  	_ =	swait.ge [sflag:s24], $0x1800  }
0x4b: {  	[sflag:s24] =	ssyncset.done $0x0  }
0x4c: {  	[sflag:s24] =	ssyncadd.s32 $0xFFFFE800  }
0x4d: {  	_ =	swait.ge [sflag:s24], $0x800  }
0x4e: {  	[sflag:s24] =	ssyncset.done $0x0  }
0x4f: {  	s19 =	simm.s32 $0xA820;
	[sflag:s24] =	ssyncadd.s32 $0xFFFFF800  }
0x50: {  	s15 =	simm.s32 $0x6060;
	v5 =	vld [tilespmem:s19+$0x10]  }
0x51: {  	v15 =	vld [tilespmem:s15+$0x50]  }
0x52: {  	v2 =	vld [tilespmem:s15+$0xFFFFFFC0]  }
0x53: {  	v6 =	vld [tilespmem:s19+$0xFFFFFFF0]  }
0x54: {  	v3 =	vld [tilespmem:s15+$0xFFFFFFF0]  }
0x55: {  	v7 =	vld [tilespmem:s19+$0x0]  }
0x56: {  	v4 =	vld [tilespmem:s15+$0x20]  }
0x57: {  	v9 =	vld [tilespmem:s19+$0xFFFFFFE0];
	v8 =	vadd.f32 v15, v5  }
0x58: {  	v14 =	vld [tilespmem:s15+$0xFFFFFFB0]  }
0x59: {  	v10 =	vld [tilespmem:s15+$0xFFFFFFD0];
	v11 =	vmul.f32 $2.000000030e-01, v8  }
0x5a: {  	v18 =	vld [tilespmem:s15+$0x30];
	v12 =	vadd.f32 v3, v6  }
0x5b: {  	s30 =	simm.s32 $0xA860;
	v19 =	vld [tilespmem:s15+$0x40];
	v8 =	vmax.f32 v8, v11  }
0x5c: {  	v20 =	vld [tilespmem:s30+$0x10];
	v7 =	vadd.f32 v4, v7;
	v16 =	vmul.f32 $2.000000030e-01, v12;
	v13 =	vmul.f32 $1.442695020e+00, v8  }
0x5d: {  	s17 =	simm.s32 $0x6120;
	v21 =	vld [tilespmem:s30+$0xFFFFFFF0];
	v9 =	vadd.f32 v2, v9  }
0x5e: {  	v12 =	vmax.f32 v12, v16;
	v16 =	vld [tilespmem:s17+$0x50];
	(erf) = vpow2.f32 v13;
	v13 =	vmul.f32 $2.000000030e-01, v7  }
0x5f: {  	v22 =	vld [tilespmem:s30+$0x0];
	v17 =	vmul.f32 $2.000000030e-01, v9  }
0x60: {  	v23 =	vld [tilespmem:s30+$0xFFFFFFE0];
	v12 =	vmul.f32 $1.442695020e+00, v12;
	v7 =	vmax.f32 v7, v13  }
0x61: {  	v5 =	vld [tilespmem:s15+$0xFFFFFFA0];
	v9 =	vmax.f32 v9, v17;
	v13 =	vmul.f32 $1.442695020e+00, v7  }
0x62: {  	v6 =	vld [tilespmem:s15+$0x0];
	v9 =	vmul.f32 $1.442695020e+00, v9;
	(erf) = vpow2.f32 v12  }
0x63: {  	v11 =	vld [tilespmem:s15+$0xFFFFFFE0];
	v20 =	vadd.f32 v16, v20;
	(erf) = vpow2.f32 v13  }
0x64: {  	v17 =	vld [tilespmem:s17+$0xFFFFFFA0];
	(erf) = vpow2.f32 v9  }
0x65: {  	v25 =	vmul.f32 $2.000000030e-01, v20;
	v9 =	vld [tilespmem:s17+$0xFFFFFFF0]  }
0x66: {  	v13 =	vld [tilespmem:s17+$0x20]  }
0x67: {  	v7 =	vld [tilespmem:s17+$0xFFFFFFC0];
	v20 =	vmax.f32 v20, v25;
	v12 =	vpop (erf)  }
0x68: {  	v8 =	vld [tilespmem:s15+$0x10];
	v27 =	vmul.f32 $1.442695020e+00, v20;
	v24 =	vperm.xlane v12, v1  }
0x69: {  	v12 =	vld [tilespmem:s17+$0xFFFFFFB0]  }
0x6a: {  	(erf) = vpow2.f32 v27;
	v21 =	vadd.f32 v9, v21;
	v26 =	vmul.f32 v24, v15;
	v15 =	vld [tilespmem:s17+$0xFFFFFFD0]  }
0x6b: {  	v25 =	vpop (erf);
	v22 =	vadd.f32 v13, v22;
	v28 =	vmul.f32 v18, v24;
	v30 =	vmul.f32 v19, v24;
	v18 =	vld [tilespmem:s17+$0xFFFFFFE0]  }
0x6c: {  	v19 =	vld [tilespmem:s17+$0x0];
	v29 =	vmul.f32 $2.000000030e-01, v21;
	v20 =	vsel vm0, v26, v24;
	v24 =	vpop (erf);
	v26 =	vadd.f32 v7, v23  }
0x6d: {  	v31 =	vmul.f32 $2.000000030e-01, v22;
	v23 =	vperm.xlane v25, v1;
	[tilespmem:s15+$0x50] =	vst v20;
	v25 =	vpop (erf);
	v20 =	vld [tilespmem:s17+$0x10]  }
0x6e: {  	[tilespmem:s15+$0x30] =	vst v28;
	v29 =	vmax.f32 v21, v29;
	v21 =	vld [tilespmem:s17+$0x30];
	v27 =	vmul.f32 $2.000000030e-01, v26;
	v25 =	vperm.xlane v25, v1  }
0x6f: {  	s18 =	simm.s32 $0x4;
	s16 =	simm.s32 $0x6120;
	s19 =	simm.s32 $0xA8A0;
	[tilespmem:s15+$0x40] =	vst v30;
	v24 =	vperm.xlane v24, v1;
	v28 =	vmul.f32 $1.442695020e+00, v29;
	v29 =	vmax.f32 v22, v31;
	v22 =	vld [tilespmem:s17+$0x40]  }
.LBB2_5:
0x70: {  	v30 =	vld [tilespmem:s19+$0x10];
	v26 =	vmax.f32 v26, v27;
	v27 =	vmul.f32 $1.442695020e+00, v29;
	s17 =	sadd.s32 $0xC0, s17;
	v29 =	vmul.f32 v25, v2;
	v2 =	vmovc v7  }
0x71: {  	s18 =	sadd.s32 $0x4, s18;
	v31 =	vld [tilespmem:s17+$0x50];
	v26 =	vmul.f32 $1.442695020e+00, v26;
	(erf) = vpow2.f32 v28  }
0x72: {  	p0 =	slt.u32 s18, $0x7C;
	v28 =	vmul.f32 v23, v3;
	v3 =	vmovc v9;
	v7 =	vld [tilespmem:s17+$0xFFFFFFC0];
	(erf) = vpow2.f32 v27;
	v27 =	vsel vm0, v29, v25  }
0x73: {  	v29 =	vld [tilespmem:s19+$0xFFFFFFF0];
	(erf) = vpow2.f32 v26;
	[tilespmem:s15+$0xFFFFFFC0] =	vst v27;
	v26 =	vmul.f32 v24, v4;
	v4 =	vmov v13  }
0x74: {  	v27 =	vmul.f32 v5, v25;
	v25 =	vmul.f32 v14, v25;
	v13 =	vsel vm0, v28, v23;
	v5 =	vmovc v17;
	v9 =	vld [tilespmem:s17+$0xFFFFFFF0]  }
0x75: {  	v32 =	vmul.f32 v10, v23;
	v23 =	vmul.f32 v11, v23;
	v28 =	vld [tilespmem:s19+$0x0];
	[tilespmem:s15+$0xFFFFFFF0] =	vst v13;
	v17 =	vsel vm0, v26, v24  }
0x76: {  	v13 =	vld [tilespmem:s17+$0x20];
	v26 =	vadd.f32 v31, v30;
	v11 =	vpop (erf);
	v30 =	vmul.f32 v6, v24;
	v24 =	vmul.f32 v8, v24;
	[tilespmem:s15+$0x20] =	vst v17  }
0x77: {  	v10 =	vmovc v15;
	v14 =	vmovc v12;
	v6 =	vmov v19;
	v33 =	vld [tilespmem:s19+$0xFFFFFFE0];
	v34 =	vperm.xlane v11, v1;
	[tilespmem:s15+$0xFFFFFFA0] =	vst v27;
	v11 =	vmov v18  }
0x78: {  	v8 =	vmov v20;
	v17 =	vld [tilespmem:s17+$0xFFFFFFA0];
	v18 =	vmul.f32 $2.000000030e-01, v26;
	[tilespmem:s15+$0xFFFFFFB0] =	vst v25  }
0x79: {  	v12 =	vld [tilespmem:s17+$0xFFFFFFB0];
	v25 =	vadd.f32 v9, v29;
	v29 =	vmul.f32 v21, v34;
	v19 =	vmul.f32 v34, v16;
	[tilespmem:s15+$0xFFFFFFD0] =	vst v32  }
0x7a: {  	v32 =	vmul.f32 v22, v34;
	v16 =	vmov v31;
	v15 =	vld [tilespmem:s17+$0xFFFFFFD0];
	v20 =	vmax.f32 v26, v18;
	v21 =	vpop (erf);
	[tilespmem:s15+$0xFFFFFFE0] =	vst v23  }
.Ltmp1:
0x7b: {  	v18 =	vld [tilespmem:s17+$0xFFFFFFE0];
	v22 =	vadd.f32 v13, v28;
	v27 =	vmul.f32 $1.442695020e+00, v20;
	v20 =	vsel vm0, v19, v34;
	v31 =	vpop (erf);
	[tilespmem:s15+$0x0] =	vst v30;
	(pc) =	sbr.rel @p0 .LBB2_5-.Ltmp1, $4  }
0x7c: {  	v28 =	vmul.f32 $2.000000030e-01, v25;
	v23 =	vperm.xlane v21, v1;
	v26 =	vadd.f32 v7, v33;
	v19 =	vld [tilespmem:s17+$0x0];
	[tilespmem:s16+$0x50] =	vst v20;
	v30 =	vpop (erf)  }
0x7d: {  	v33 =	vmul.f32 $2.000000030e-01, v22;
	v20 =	vld [tilespmem:s17+$0x10];
	(erf) = vpow2.f32 v27;
	[tilespmem:s15+$0x10] =	vst v24;
	s15 =	smov.u32 s16;
	s16 =	smov.u32 s17  }
0x7e: {  	v24 =	vmax.f32 v25, v28;
	v25 =	vperm.xlane v30, v1;
	v27 =	vmul.f32 $2.000000030e-01, v26;
	v21 =	vld [tilespmem:s17+$0x30];
	[tilespmem:s15+$0x30] =	vst v29  }
0x7f: {  	s19 =	sadd.s32 $0x40, s19;
	v28 =	vmul.f32 $1.442695020e+00, v24;
	v24 =	vperm.xlane v31, v1;
	v29 =	vmax.f32 v22, v33;
	v22 =	vld [tilespmem:s17+$0x40];
	[tilespmem:s15+$0x40] =	vst v32  }
0x80: {  	v26 =	vmax.f32 v26, v27;
	v27 =	vmul.f32 $1.442695020e+00, v29  }
0x81: {  	v26 =	vmul.f32 $1.442695020e+00, v26;
	(erf) = vpow2.f32 v28  }
0x82: {  	v2 =	vmul.f32 v25, v2;
	(erf) = vpow2.f32 v27  }
0x83: {  	v3 =	vmul.f32 v23, v3;
	(erf) = vpow2.f32 v26  }
0x84: {  	v4 =	vmul.f32 v24, v4;
	v2 =	vsel vm0, v2, v25  }
0x85: {  	[tilespmem:s15+$0xFFFFFFC0] =	vst v2;
	v2 =	vsel vm0, v3, v23  }
0x86: {  	v3 =	vmul.f32 v5, v25;
	[tilespmem:s15+$0xFFFFFFF0] =	vst v2;
	v2 =	vsel vm0, v4, v24;
	v4 =	vmul.f32 v14, v25  }
0x87: {  	[tilespmem:s15+$0x20] =	vst v2;
	v2 =	vmul.f32 v10, v23  }
0x88: {  	[tilespmem:s15+$0xFFFFFFA0] =	vst v3;
	v3 =	vmul.f32 v11, v23  }
0x89: {  	v5 =	vpop (erf)  }
0x8a: {  	[tilespmem:s15+$0xFFFFFFB0] =	vst v4;
	v5 =	vperm.xlane v5, v1;
	v4 =	vpop (erf)  }
0x8b: {  	v6 =	vmul.f32 v6, v24;
	[tilespmem:s15+$0xFFFFFFD0] =	vst v2;
	v2 =	vpop (erf)  }
0x8c: {  	v8 =	vmul.f32 v8, v24;
	[tilespmem:s15+$0xFFFFFFE0] =	vst v3;
	v10 =	vmul.f32 v5, v16;
	v3 =	vpop (erf)  }
0x8d: {  	[tilespmem:s15+$0x0] =	vst v6;
	v11 =	vmul.f32 v21, v5;
	v3 =	vperm.xlane v3, v1  }
0x8e: {  	[tilespmem:s15+$0x10] =	vst v8;
	v10 =	vsel vm0, v10, v5;
	v5 =	vmul.f32 v22, v5;
	v4 =	vperm.xlane v4, v1  }
0x8f: {  	[tilespmem:s16+$0x30] =	vst v11;
	v2 =	vperm.xlane v2, v1;
	v6 =	vmul.f32 v3, v7  }
0x90: {  	[tilespmem:s16+$0x50] =	vst v10;
	v7 =	vmul.f32 v4, v9  }
0x91: {  	[tilespmem:s16+$0x40] =	vst v5;
	v5 =	vsel vm0, v6, v3;
	v6 =	vmul.f32 v2, v13  }
0x92: {  	[tilespmem:s16+$0xFFFFFFC0] =	vst v5;
	v5 =	vsel vm0, v7, v4  }
0x93: {  	v7 =	vmul.f32 v17, v3;
	[tilespmem:s16+$0xFFFFFFF0] =	vst v5;
	v5 =	vsel vm0, v6, v2  }
0x94: {  	v3 =	vmul.f32 v12, v3;
	[tilespmem:s16+$0x20] =	vst v5  }
0x95: {  	v5 =	vmul.f32 v15, v4;
	[tilespmem:s16+$0xFFFFFFA0] =	vst v7  }
0x96: {  	v4 =	vmul.f32 v18, v4;
	[tilespmem:s16+$0xFFFFFFB0] =	vst v3  }
0x97: {  	s17 =	smul.u32 $0xC00, s23;
	v3 =	vmul.f32 v19, v2;
	[tilespmem:s16+$0xFFFFFFD0] =	vst v5  }
0x98: {  	v2 =	vmul.f32 v20, v2;
	[tilespmem:s16+$0xFFFFFFE0] =	vst v4  }
0x99: {  	s15 =	sshra.s32 s17, $0x2;
	[tilespmem:s16+$0x0] =	vst v3  }
0x9a: {  	s15 =	sor.u32 $0x80, s15;
	[tilespmem:s16+$0x10] =	vst v2  }
0x9b: {  	[spmem:s3] =	stream.indirect.scatter.add.f32 [tilespmem:s21], [sflag:$0x4], $0x30, s15, s22, $0xb8;
	[tilespmem:$0x13800] =	vst v63  }
0x9c: {  	s15 =	sadd.s32 $0x2, s6  }
0x9d: {  	p0 =	sge.u32 s15, s9  }
0x9e: {  	p1 =	seq.s32 @!p0 s23, $0x0  }
0x9f: {  	p1 =	por p1, p0  }
0xa0: {  	s16 =	simm.s32 @!p1 $0x6  }
0xa1: {  	_ =	swait.ge @!p1 [sflag:s16], $0x1800  }
0xa2: {  	[sflag:s16] =	ssyncset.done @!p1 $0x0  }
0xa3: {  	[sflag:s16] =	ssyncadd.s32 @!p1 $0xFFFFE800;
	s16 =	sshll.u32 @!p0 s15, $0x8  }
0xa4: {  	s17 =	simm.s32 @!p0 $0x80;
	s18 =	simm.s32 @!p0 $0x9000;
	s16 =	sand.u32 @!p0 $0x3FFFFF00, s16  }
0xa5: {  	[tilespmem:s18], [sflag:$0x3] =	stream.indirect.gather @!p0 [hbm4b:s5+s17], $0x30, s16, s17, $0xb8;
	[tilespmem:$0x13800] =	vst v63  }
0xa6: {  	s16 =	sor.u32 @!p0 $0x80, s16;
	s18 =	simm.s32 @!p0 $0xB800  }
0xa7: {  	[tilespmem:s18], [sflag:$0x3] =	stream.indirect.gather @!p0 [hbm4b:s2+s17], $0x10, s16, s17, $0xb8;
	[tilespmem:$0x13800] =	vst v63  }
0xa8: {  	_ =	swait.ge [sflag:s25], $0x1800  }
0xa9: {  	[sflag:s25] =	ssyncset.done $0x0  }
0xaa: {  	[sflag:s25] =	ssyncadd.s32 $0xFFFFE800  }
0xab: {  	_ =	swait.ge [sflag:s25], $0x800  }
0xac: {  	[sflag:s25] =	ssyncset.done $0x0  }
0xad: {  	s18 =	simm.s32 $0xB020;
	[sflag:s25] =	ssyncadd.s32 $0xFFFFF800  }
0xae: {  	s16 =	simm.s32 $0x7860;
	v5 =	vld [tilespmem:s18+$0x10]  }
0xaf: {  	v15 =	vld [tilespmem:s16+$0x50]  }
0xb0: {  	v2 =	vld [tilespmem:s16+$0xFFFFFFC0]  }
0xb1: {  	v6 =	vld [tilespmem:s18+$0xFFFFFFF0]  }
0xb2: {  	v3 =	vld [tilespmem:s16+$0xFFFFFFF0]  }
0xb3: {  	v7 =	vld [tilespmem:s18+$0x0]  }
0xb4: {  	v4 =	vld [tilespmem:s16+$0x20]  }
0xb5: {  	v9 =	vld [tilespmem:s18+$0xFFFFFFE0];
	v8 =	vadd.f32 v15, v5  }
0xb6: {  	v14 =	vld [tilespmem:s16+$0xFFFFFFB0]  }
0xb7: {  	v10 =	vld [tilespmem:s16+$0xFFFFFFD0];
	v11 =	vmul.f32 $2.000000030e-01, v8  }
0xb8: {  	v18 =	vld [tilespmem:s16+$0x30];
	v12 =	vadd.f32 v3, v6  }
0xb9: {  	s19 =	simm.s32 $0xB060;
	v19 =	vld [tilespmem:s16+$0x40];
	v8 =	vmax.f32 v8, v11  }
0xba: {  	v20 =	vld [tilespmem:s19+$0x10];
	v7 =	vadd.f32 v4, v7;
	v16 =	vmul.f32 $2.000000030e-01, v12;
	v13 =	vmul.f32 $1.442695020e+00, v8  }
0xbb: {  	s18 =	simm.s32 $0x7920;
	v21 =	vld [tilespmem:s19+$0xFFFFFFF0];
	v9 =	vadd.f32 v2, v9  }
0xbc: {  	v12 =	vmax.f32 v12, v16;
	v16 =	vld [tilespmem:s18+$0x50];
	(erf) = vpow2.f32 v13;
	v13 =	vmul.f32 $2.000000030e-01, v7  }
0xbd: {  	v22 =	vld [tilespmem:s19+$0x0];
	v17 =	vmul.f32 $2.000000030e-01, v9  }
0xbe: {  	v23 =	vld [tilespmem:s19+$0xFFFFFFE0];
	v12 =	vmul.f32 $1.442695020e+00, v12;
	v7 =	vmax.f32 v7, v13  }
0xbf: {  	v5 =	vld [tilespmem:s16+$0xFFFFFFA0];
	v9 =	vmax.f32 v9, v17;
	v13 =	vmul.f32 $1.442695020e+00, v7  }
0xc0: {  	v6 =	vld [tilespmem:s16+$0x0];
	v9 =	vmul.f32 $1.442695020e+00, v9;
	(erf) = vpow2.f32 v12  }
0xc1: {  	v11 =	vld [tilespmem:s16+$0xFFFFFFE0];
	v20 =	vadd.f32 v16, v20;
	(erf) = vpow2.f32 v13  }
0xc2: {  	v17 =	vld [tilespmem:s18+$0xFFFFFFA0];
	(erf) = vpow2.f32 v9  }
0xc3: {  	v25 =	vmul.f32 $2.000000030e-01, v20;
	v9 =	vld [tilespmem:s18+$0xFFFFFFF0]  }
0xc4: {  	v13 =	vld [tilespmem:s18+$0x20]  }
0xc5: {  	v7 =	vld [tilespmem:s18+$0xFFFFFFC0];
	v20 =	vmax.f32 v20, v25;
	v12 =	vpop (erf)  }
0xc6: {  	v8 =	vld [tilespmem:s16+$0x10];
	v27 =	vmul.f32 $1.442695020e+00, v20;
	v24 =	vperm.xlane v12, v1  }
0xc7: {  	v12 =	vld [tilespmem:s18+$0xFFFFFFB0]  }
0xc8: {  	(erf) = vpow2.f32 v27;
	v21 =	vadd.f32 v9, v21;
	v26 =	vmul.f32 v24, v15;
	v15 =	vld [tilespmem:s18+$0xFFFFFFD0]  }
0xc9: {  	v25 =	vpop (erf);
	v22 =	vadd.f32 v13, v22;
	v28 =	vmul.f32 v18, v24;
	v30 =	vmul.f32 v19, v24;
	v18 =	vld [tilespmem:s18+$0xFFFFFFE0]  }
0xca: {  	v19 =	vld [tilespmem:s18+$0x0];
	v29 =	vmul.f32 $2.000000030e-01, v21;
	v20 =	vsel vm0, v26, v24;
	v24 =	vpop (erf);
	v26 =	vadd.f32 v7, v23  }
0xcb: {  	v31 =	vmul.f32 $2.000000030e-01, v22;
	v23 =	vperm.xlane v25, v1;
	[tilespmem:s16+$0x50] =	vst v20;
	v25 =	vpop (erf);
	v20 =	vld [tilespmem:s18+$0x10]  }
0xcc: {  	[tilespmem:s16+$0x30] =	vst v28;
	v29 =	vmax.f32 v21, v29;
	v21 =	vld [tilespmem:s18+$0x30];
	v27 =	vmul.f32 $2.000000030e-01, v26;
	v25 =	vperm.xlane v25, v1  }
0xcd: {  	s30 =	simm.s32 $0xB0A0;
	s17 =	simm.s32 $0x7920;
	s19 =	simm.s32 $0x4;
	[tilespmem:s16+$0x40] =	vst v30;
	v24 =	vperm.xlane v24, v1;
	v28 =	vmul.f32 $1.442695020e+00, v29;
	v29 =	vmax.f32 v22, v31;
	v22 =	vld [tilespmem:s18+$0x40]  }
.LBB2_7:
0xce: {  	v30 =	vld [tilespmem:s30+$0x10];
	v26 =	vmax.f32 v26, v27;
	v27 =	vmul.f32 $1.442695020e+00, v29;
	s18 =	sadd.s32 $0xC0, s18;
	v29 =	vmul.f32 v25, v2;
	v2 =	vmovc v7  }
0xcf: {  	s19 =	sadd.s32 $0x4, s19;
	v31 =	vld [tilespmem:s18+$0x50];
	v26 =	vmul.f32 $1.442695020e+00, v26;
	(erf) = vpow2.f32 v28  }
0xd0: {  	p0 =	slt.u32 s19, $0x7C;
	v28 =	vmul.f32 v23, v3;
	v3 =	vmovc v9;
	v7 =	vld [tilespmem:s18+$0xFFFFFFC0];
	(erf) = vpow2.f32 v27;
	v27 =	vsel vm0, v29, v25  }
0xd1: {  	v29 =	vld [tilespmem:s30+$0xFFFFFFF0];
	(erf) = vpow2.f32 v26;
	[tilespmem:s16+$0xFFFFFFC0] =	vst v27;
	v26 =	vmul.f32 v24, v4;
	v4 =	vmov v13  }
0xd2: {  	v27 =	vmul.f32 v5, v25;
	v25 =	vmul.f32 v14, v25;
	v13 =	vsel vm0, v28, v23;
	v5 =	vmovc v17;
	v9 =	vld [tilespmem:s18+$0xFFFFFFF0]  }
0xd3: {  	v32 =	vmul.f32 v10, v23;
	v23 =	vmul.f32 v11, v23;
	v28 =	vld [tilespmem:s30+$0x0];
	[tilespmem:s16+$0xFFFFFFF0] =	vst v13;
	v17 =	vsel vm0, v26, v24  }
0xd4: {  	v13 =	vld [tilespmem:s18+$0x20];
	v26 =	vadd.f32 v31, v30;
	v11 =	vpop (erf);
	v30 =	vmul.f32 v6, v24;
	v24 =	vmul.f32 v8, v24;
	[tilespmem:s16+$0x20] =	vst v17  }
0xd5: {  	v10 =	vmovc v15;
	v14 =	vmovc v12;
	v6 =	vmov v19;
	v33 =	vld [tilespmem:s30+$0xFFFFFFE0];
	v34 =	vperm.xlane v11, v1;
	[tilespmem:s16+$0xFFFFFFA0] =	vst v27;
	v11 =	vmov v18  }
0xd6: {  	v8 =	vmov v20;
	v17 =	vld [tilespmem:s18+$0xFFFFFFA0];
	v18 =	vmul.f32 $2.000000030e-01, v26;
	[tilespmem:s16+$0xFFFFFFB0] =	vst v25  }
0xd7: {  	v12 =	vld [tilespmem:s18+$0xFFFFFFB0];
	v25 =	vadd.f32 v9, v29;
	v29 =	vmul.f32 v21, v34;
	v19 =	vmul.f32 v34, v16;
	[tilespmem:s16+$0xFFFFFFD0] =	vst v32  }
0xd8: {  	v32 =	vmul.f32 v22, v34;
	v16 =	vmov v31;
	v15 =	vld [tilespmem:s18+$0xFFFFFFD0];
	v20 =	vmax.f32 v26, v18;
	v21 =	vpop (erf);
	[tilespmem:s16+$0xFFFFFFE0] =	vst v23  }
.Ltmp2:
0xd9: {  	v18 =	vld [tilespmem:s18+$0xFFFFFFE0];
	v22 =	vadd.f32 v13, v28;
	v27 =	vmul.f32 $1.442695020e+00, v20;
	v20 =	vsel vm0, v19, v34;
	v31 =	vpop (erf);
	[tilespmem:s16+$0x0] =	vst v30;
	(pc) =	sbr.rel @p0 .LBB2_7-.Ltmp2, $4  }
0xda: {  	v28 =	vmul.f32 $2.000000030e-01, v25;
	v23 =	vperm.xlane v21, v1;
	v26 =	vadd.f32 v7, v33;
	v19 =	vld [tilespmem:s18+$0x0];
	[tilespmem:s17+$0x50] =	vst v20;
	v30 =	vpop (erf)  }
0xdb: {  	v33 =	vmul.f32 $2.000000030e-01, v22;
	v20 =	vld [tilespmem:s18+$0x10];
	(erf) = vpow2.f32 v27;
	[tilespmem:s16+$0x10] =	vst v24;
	s16 =	smov.u32 s17;
	s17 =	smov.u32 s18  }
0xdc: {  	v24 =	vmax.f32 v25, v28;
	v25 =	vperm.xlane v30, v1;
	v27 =	vmul.f32 $2.000000030e-01, v26;
	v21 =	vld [tilespmem:s18+$0x30];
	[tilespmem:s16+$0x30] =	vst v29  }
0xdd: {  	s30 =	sadd.s32 $0x40, s30;
	v28 =	vmul.f32 $1.442695020e+00, v24;
	v24 =	vperm.xlane v31, v1;
	v29 =	vmax.f32 v22, v33;
	v22 =	vld [tilespmem:s18+$0x40];
	[tilespmem:s16+$0x40] =	vst v32  }
0xde: {  	v26 =	vmax.f32 v26, v27;
	v27 =	vmul.f32 $1.442695020e+00, v29  }
0xdf: {  	v26 =	vmul.f32 $1.442695020e+00, v26;
	(erf) = vpow2.f32 v28  }
0xe0: {  	v2 =	vmul.f32 v25, v2;
	(erf) = vpow2.f32 v27  }
0xe1: {  	v3 =	vmul.f32 v23, v3;
	(erf) = vpow2.f32 v26  }
0xe2: {  	v4 =	vmul.f32 v24, v4;
	v2 =	vsel vm0, v2, v25  }
0xe3: {  	[tilespmem:s16+$0xFFFFFFC0] =	vst v2;
	v2 =	vsel vm0, v3, v23  }
0xe4: {  	v3 =	vmul.f32 v5, v25;
	[tilespmem:s16+$0xFFFFFFF0] =	vst v2;
	v2 =	vsel vm0, v4, v24;
	v4 =	vmul.f32 v14, v25  }
0xe5: {  	[tilespmem:s16+$0x20] =	vst v2;
	v2 =	vmul.f32 v10, v23  }
0xe6: {  	[tilespmem:s16+$0xFFFFFFA0] =	vst v3;
	v3 =	vmul.f32 v11, v23  }
0xe7: {  	v5 =	vpop (erf)  }
0xe8: {  	[tilespmem:s16+$0xFFFFFFB0] =	vst v4;
	v5 =	vperm.xlane v5, v1;
	v4 =	vpop (erf)  }
0xe9: {  	v6 =	vmul.f32 v6, v24;
	[tilespmem:s16+$0xFFFFFFD0] =	vst v2;
	v2 =	vpop (erf)  }
0xea: {  	v8 =	vmul.f32 v8, v24;
	[tilespmem:s16+$0xFFFFFFE0] =	vst v3;
	v10 =	vmul.f32 v5, v16;
	v3 =	vpop (erf)  }
0xeb: {  	[tilespmem:s16+$0x0] =	vst v6;
	v11 =	vmul.f32 v21, v5;
	v3 =	vperm.xlane v3, v1  }
0xec: {  	[tilespmem:s16+$0x10] =	vst v8;
	v10 =	vsel vm0, v10, v5;
	v5 =	vmul.f32 v22, v5;
	v4 =	vperm.xlane v4, v1  }
0xed: {  	[tilespmem:s17+$0x30] =	vst v11;
	v2 =	vperm.xlane v2, v1;
	v6 =	vmul.f32 v3, v7  }
0xee: {  	[tilespmem:s17+$0x50] =	vst v10;
	v7 =	vmul.f32 v4, v9  }
0xef: {  	[tilespmem:s17+$0x40] =	vst v5;
	v5 =	vsel vm0, v6, v3;
	v6 =	vmul.f32 v2, v13  }
0xf0: {  	[tilespmem:s17+$0xFFFFFFC0] =	vst v5;
	v5 =	vsel vm0, v7, v4  }
0xf1: {  	v7 =	vmul.f32 v17, v3;
	[tilespmem:s17+$0xFFFFFFF0] =	vst v5;
	v5 =	vsel vm0, v6, v2  }
0xf2: {  	v3 =	vmul.f32 v12, v3;
	[tilespmem:s17+$0x20] =	vst v5  }
0xf3: {  	v5 =	vmul.f32 v15, v4;
	[tilespmem:s17+$0xFFFFFFA0] =	vst v7  }
0xf4: {  	v4 =	vmul.f32 v18, v4;
	[tilespmem:s17+$0xFFFFFFB0] =	vst v3  }
0xf5: {  	v3 =	vmul.f32 v19, v2;
	[tilespmem:s17+$0xFFFFFFD0] =	vst v5  }
0xf6: {  	s14 =	sshll.u32 s14, $0xA;
	v2 =	vmul.f32 v20, v2;
	[tilespmem:s17+$0xFFFFFFE0] =	vst v4  }
0xf7: {  	s6 =	sadd.s32 $0x3, s6;
	s14 =	sshra.s32 s14, $0x2;
	[tilespmem:s17+$0x0] =	vst v3  }
0xf8: {  	p0 =	sge.u32 s6, s9;
	s14 =	sor.u32 $0x80, s14;
	[tilespmem:s17+$0x10] =	vst v2  }
0xf9: {  	[spmem:s3] =	stream.indirect.scatter.add.f32 [tilespmem:s26], [sflag:$0x5], $0x30, s14, s22, $0xb8;
	[tilespmem:$0x13800] =	vst v63  }
0xfa: {  	s14 =	simm.s32 @!p0 $0x4  }
0xfb: {  	s6 =	sshll.u32 @!p0 s6, $0x8;
	_ =	swait.ge @!p0 [sflag:s14], $0x1800  }
0xfc: {  	s6 =	sand.u32 @!p0 $0x3FFFFF00, s6;
	[sflag:s14] =	ssyncset.done @!p0 $0x0  }
0xfd: {  	s16 =	simm.s32 @!p0 $0x6000;
	[sflag:s14] =	ssyncadd.s32 @!p0 $0xFFFFE800;
	s14 =	simm.s32 @!p0 $0x80  }
0xfe: {  	[tilespmem:s16], [sflag:$0x1] =	stream.indirect.gather @!p0 [hbm4b:s5+s14], $0x30, s6, s14, $0xb8;
	[tilespmem:$0x13800] =	vst v63  }
0xff: {  	s6 =	sor.u32 @!p0 $0x80, s6;
	s16 =	simm.s32 @!p0 $0xA800  }
0x100: {  	[tilespmem:s16], [sflag:$0x1] =	stream.indirect.gather @!p0 [hbm4b:s2+s14], $0x10, s6, s14, $0xb8;
	[tilespmem:$0x13800] =	vst v63  }
0x101: {  	_ =	swait.ge [sflag:s28], $0x1800  }
0x102: {  	[sflag:s28] =	ssyncset.done $0x0  }
0x103: {  	[sflag:s28] =	ssyncadd.s32 $0xFFFFE800  }
0x104: {  	_ =	swait.ge [sflag:s28], $0x800  }
0x105: {  	[sflag:s28] =	ssyncset.done $0x0  }
0x106: {  	s19 =	simm.s32 $0xB820;
	[sflag:s28] =	ssyncadd.s32 $0xFFFFF800  }
0x107: {  	s6 =	simm.s32 $0x9060;
	v5 =	vld [tilespmem:s19+$0x10]  }
0x108: {  	v15 =	vld [tilespmem:s6+$0x50]  }
0x109: {  	v2 =	vld [tilespmem:s6+$0xFFFFFFC0]  }
0x10a: {  	v6 =	vld [tilespmem:s19+$0xFFFFFFF0]  }
0x10b: {  	v3 =	vld [tilespmem:s6+$0xFFFFFFF0]  }
0x10c: {  	v7 =	vld [tilespmem:s19+$0x0]  }
0x10d: {  	v4 =	vld [tilespmem:s6+$0x20]  }
0x10e: {  	v9 =	vld [tilespmem:s19+$0xFFFFFFE0];
	v8 =	vadd.f32 v15, v5  }
0x10f: {  	v14 =	vld [tilespmem:s6+$0xFFFFFFB0]  }
0x110: {  	v10 =	vld [tilespmem:s6+$0xFFFFFFD0];
	v11 =	vmul.f32 $2.000000030e-01, v8  }
0x111: {  	v18 =	vld [tilespmem:s6+$0x30];
	v12 =	vadd.f32 v3, v6  }
0x112: {  	s30 =	simm.s32 $0xB860;
	v19 =	vld [tilespmem:s6+$0x40];
	v8 =	vmax.f32 v8, v11  }
0x113: {  	v20 =	vld [tilespmem:s30+$0x10];
	v7 =	vadd.f32 v4, v7;
	v16 =	vmul.f32 $2.000000030e-01, v12;
	v13 =	vmul.f32 $1.442695020e+00, v8  }
0x114: {  	s16 =	simm.s32 $0x9120;
	v21 =	vld [tilespmem:s30+$0xFFFFFFF0];
	v9 =	vadd.f32 v2, v9  }
0x115: {  	v12 =	vmax.f32 v12, v16;
	v16 =	vld [tilespmem:s16+$0x50];
	(erf) = vpow2.f32 v13;
	v13 =	vmul.f32 $2.000000030e-01, v7  }
0x116: {  	v22 =	vld [tilespmem:s30+$0x0];
	v17 =	vmul.f32 $2.000000030e-01, v9  }
0x117: {  	v23 =	vld [tilespmem:s30+$0xFFFFFFE0];
	v12 =	vmul.f32 $1.442695020e+00, v12;
	v7 =	vmax.f32 v7, v13  }
0x118: {  	v5 =	vld [tilespmem:s6+$0xFFFFFFA0];
	v9 =	vmax.f32 v9, v17;
	v13 =	vmul.f32 $1.442695020e+00, v7  }
0x119: {  	v6 =	vld [tilespmem:s6+$0x0];
	v9 =	vmul.f32 $1.442695020e+00, v9;
	(erf) = vpow2.f32 v12  }
0x11a: {  	v11 =	vld [tilespmem:s6+$0xFFFFFFE0];
	v20 =	vadd.f32 v16, v20;
	(erf) = vpow2.f32 v13  }
0x11b: {  	v17 =	vld [tilespmem:s16+$0xFFFFFFA0];
	(erf) = vpow2.f32 v9  }
0x11c: {  	v25 =	vmul.f32 $2.000000030e-01, v20;
	v9 =	vld [tilespmem:s16+$0xFFFFFFF0]  }
0x11d: {  	v13 =	vld [tilespmem:s16+$0x20]  }
0x11e: {  	v7 =	vld [tilespmem:s16+$0xFFFFFFC0];
	v20 =	vmax.f32 v20, v25;
	v12 =	vpop (erf)  }
0x11f: {  	v8 =	vld [tilespmem:s6+$0x10];
	v27 =	vmul.f32 $1.442695020e+00, v20;
	v24 =	vperm.xlane v12, v1  }
0x120: {  	v12 =	vld [tilespmem:s16+$0xFFFFFFB0]  }
0x121: {  	(erf) = vpow2.f32 v27;
	v21 =	vadd.f32 v9, v21;
	v26 =	vmul.f32 v24, v15;
	v15 =	vld [tilespmem:s16+$0xFFFFFFD0]  }
0x122: {  	v25 =	vpop (erf);
	v22 =	vadd.f32 v13, v22;
	v28 =	vmul.f32 v18, v24;
	v30 =	vmul.f32 v19, v24;
	v18 =	vld [tilespmem:s16+$0xFFFFFFE0]  }
0x123: {  	v19 =	vld [tilespmem:s16+$0x0];
	v29 =	vmul.f32 $2.000000030e-01, v21;
	v20 =	vsel vm0, v26, v24;
	v24 =	vpop (erf);
	v26 =	vadd.f32 v7, v23  }
0x124: {  	v31 =	vmul.f32 $2.000000030e-01, v22;
	v23 =	vperm.xlane v25, v1;
	[tilespmem:s6+$0x50] =	vst v20;
	v25 =	vpop (erf);
	v20 =	vld [tilespmem:s16+$0x10]  }
0x125: {  	[tilespmem:s6+$0x30] =	vst v28;
	v29 =	vmax.f32 v21, v29;
	v21 =	vld [tilespmem:s16+$0x30];
	v27 =	vmul.f32 $2.000000030e-01, v26;
	v25 =	vperm.xlane v25, v1  }
0x126: {  	s18 =	simm.s32 $0xB8A0;
	s17 =	simm.s32 $0x4;
	s14 =	simm.s32 $0x9120;
	[tilespmem:s6+$0x40] =	vst v30;
	v24 =	vperm.xlane v24, v1;
	v28 =	vmul.f32 $1.442695020e+00, v29;
	v29 =	vmax.f32 v22, v31;
	v22 =	vld [tilespmem:s16+$0x40]  }
.LBB2_9:
0x127: {  	v30 =	vld [tilespmem:s18+$0x10];
	v26 =	vmax.f32 v26, v27;
	v27 =	vmul.f32 $1.442695020e+00, v29;
	s16 =	sadd.s32 $0xC0, s16;
	v29 =	vmul.f32 v25, v2;
	v2 =	vmovc v7  }
0x128: {  	s17 =	sadd.s32 $0x4, s17;
	v31 =	vld [tilespmem:s16+$0x50];
	v26 =	vmul.f32 $1.442695020e+00, v26;
	(erf) = vpow2.f32 v28  }
0x129: {  	p0 =	slt.u32 s17, $0x7C;
	v28 =	vmul.f32 v23, v3;
	v3 =	vmovc v9;
	v7 =	vld [tilespmem:s16+$0xFFFFFFC0];
	(erf) = vpow2.f32 v27;
	v27 =	vsel vm0, v29, v25  }
0x12a: {  	v29 =	vld [tilespmem:s18+$0xFFFFFFF0];
	(erf) = vpow2.f32 v26;
	[tilespmem:s6+$0xFFFFFFC0] =	vst v27;
	v26 =	vmul.f32 v24, v4;
	v4 =	vmov v13  }
0x12b: {  	v27 =	vmul.f32 v5, v25;
	v25 =	vmul.f32 v14, v25;
	v13 =	vsel vm0, v28, v23;
	v5 =	vmovc v17;
	v9 =	vld [tilespmem:s16+$0xFFFFFFF0]  }
0x12c: {  	v32 =	vmul.f32 v10, v23;
	v23 =	vmul.f32 v11, v23;
	v28 =	vld [tilespmem:s18+$0x0];
	[tilespmem:s6+$0xFFFFFFF0] =	vst v13;
	v17 =	vsel vm0, v26, v24  }
0x12d: {  	v13 =	vld [tilespmem:s16+$0x20];
	v26 =	vadd.f32 v31, v30;
	v11 =	vpop (erf);
	v30 =	vmul.f32 v6, v24;
	v24 =	vmul.f32 v8, v24;
	[tilespmem:s6+$0x20] =	vst v17  }
0x12e: {  	v10 =	vmovc v15;
	v14 =	vmovc v12;
	v6 =	vmov v19;
	v33 =	vld [tilespmem:s18+$0xFFFFFFE0];
	v34 =	vperm.xlane v11, v1;
	[tilespmem:s6+$0xFFFFFFA0] =	vst v27;
	v11 =	vmov v18  }
0x12f: {  	v8 =	vmov v20;
	v17 =	vld [tilespmem:s16+$0xFFFFFFA0];
	v18 =	vmul.f32 $2.000000030e-01, v26;
	[tilespmem:s6+$0xFFFFFFB0] =	vst v25  }
0x130: {  	v12 =	vld [tilespmem:s16+$0xFFFFFFB0];
	v25 =	vadd.f32 v9, v29;
	v29 =	vmul.f32 v21, v34;
	v19 =	vmul.f32 v34, v16;
	[tilespmem:s6+$0xFFFFFFD0] =	vst v32  }
0x131: {  	v32 =	vmul.f32 v22, v34;
	v16 =	vmov v31;
	v15 =	vld [tilespmem:s16+$0xFFFFFFD0];
	v20 =	vmax.f32 v26, v18;
	v21 =	vpop (erf);
	[tilespmem:s6+$0xFFFFFFE0] =	vst v23  }
.Ltmp3:
0x132: {  	v18 =	vld [tilespmem:s16+$0xFFFFFFE0];
	v22 =	vadd.f32 v13, v28;
	v27 =	vmul.f32 $1.442695020e+00, v20;
	v20 =	vsel vm0, v19, v34;
	v31 =	vpop (erf);
	[tilespmem:s6+$0x0] =	vst v30;
	(pc) =	sbr.rel @p0 .LBB2_9-.Ltmp3, $4  }
0x133: {  	v28 =	vmul.f32 $2.000000030e-01, v25;
	v23 =	vperm.xlane v21, v1;
	v26 =	vadd.f32 v7, v33;
	v19 =	vld [tilespmem:s16+$0x0];
	[tilespmem:s14+$0x50] =	vst v20;
	v30 =	vpop (erf)  }
0x134: {  	v33 =	vmul.f32 $2.000000030e-01, v22;
	v20 =	vld [tilespmem:s16+$0x10];
	(erf) = vpow2.f32 v27;
	[tilespmem:s6+$0x10] =	vst v24;
	s6 =	smov.u32 s14;
	s14 =	smov.u32 s16  }
0x135: {  	v24 =	vmax.f32 v25, v28;
	v25 =	vperm.xlane v30, v1;
	v27 =	vmul.f32 $2.000000030e-01, v26;
	v21 =	vld [tilespmem:s16+$0x30];
	[tilespmem:s6+$0x30] =	vst v29  }
0x136: {  	s18 =	sadd.s32 $0x40, s18;
	v28 =	vmul.f32 $1.442695020e+00, v24;
	v24 =	vperm.xlane v31, v1;
	v29 =	vmax.f32 v22, v33;
	v22 =	vld [tilespmem:s16+$0x40];
	[tilespmem:s6+$0x40] =	vst v32  }
0x137: {  	v50 =	vmul.f32 $1.442695020e+00, v29;
	v2 =	vmul.f32 v25, v2  }
0x138: {  	v26 =	vmax.f32 v26, v27;
	v51 =	vmul.f32 v14, v25;
	(erf) = vpow2.f32 v28  }
0x139: {  	v26 =	vmul.f32 $1.442695020e+00, v26;
	(erf) = vpow2.f32 v50  }
0x13a: {  	v3 =	vmul.f32 v23, v3;
	v6 =	vmul.f32 v6, v24;
	v2 =	vsel vm0, v2, v25;
	[tilespmem:s6+$0xFFFFFFB0] =	vst v51  }
0x13b: {  	v4 =	vmul.f32 v24, v4;
	(erf) = vpow2.f32 v26;
	[tilespmem:s6+$0xFFFFFFC0] =	vst v2  }
0x13c: {  	v2 =	vsel vm0, v3, v23;
	[tilespmem:s6+$0x0] =	vst v6  }
0x13d: {  	v8 =	vmul.f32 v8, v24;
	[tilespmem:s6+$0xFFFFFFF0] =	vst v2;
	v2 =	vsel vm0, v4, v24  }
0x13e: {  	v3 =	vmul.f32 v5, v25;
	[tilespmem:s6+$0x20] =	vst v2;
	v2 =	vmul.f32 v10, v23;
	v52 =	vpop (erf)  }
0x13f: {  	[tilespmem:s6+$0x10] =	vst v8;
	v5 =	vperm.xlane v52, v1  }
0x140: {  	[tilespmem:s6+$0xFFFFFFA0] =	vst v3;
	v3 =	vmul.f32 v11, v23  }
0x141: {  	[tilespmem:s6+$0xFFFFFFD0] =	vst v2;
	v54 =	vmul.f32 v5, v16;
	v55 =	vmul.f32 v21, v5;
	v53 =	vpop (erf)  }
0x142: {  	[tilespmem:s6+$0xFFFFFFE0] =	vst v3;
	v2 =	vpop (erf);
	v4 =	vperm.xlane v53, v1  }
0x143: {  	v10 =	vsel vm0, v54, v5;
	v5 =	vmul.f32 v22, v5;
	[tilespmem:s14+$0x30] =	vst v55;
	v2 =	vperm.xlane v2, v1  }
0x144: {  	v3 =	vpop (erf);
	[tilespmem:s14+$0x50] =	vst v10;
	v57 =	vmul.f32 v4, v9;
	v63 =	vmul.f32 v15, v4  }
0x145: {  	v3 =	vperm.xlane v3, v1;
	[tilespmem:s14+$0x40] =	vst v5;
	v59 =	vmul.f32 v2, v13  }
0x146: {  	v60 =	vsel vm0, v57, v4;
	[tilespmem:s14+$0xFFFFFFD0] =	vst v63  }
0x147: {  	v56 =	vmul.f32 v3, v7;
	v61 =	vmul.f32 v17, v3;
	[tilespmem:s14+$0xFFFFFFF0] =	vst v60;
	v62 =	vsel vm0, v59, v2  }
0x148: {  	v4 =	vmul.f32 v18, v4;
	[tilespmem:s14+$0x20] =	vst v62  }
0x149: {  	s23 =	sadd.s32 $0x1, s23;
	v58 =	vsel vm0, v56, v3;
	v3 =	vmul.f32 v12, v3;
	[tilespmem:s14+$0xFFFFFFA0] =	vst v61  }
0x14a: {  	p0 =	sne.s32 s23, s13;
	[tilespmem:s14+$0xFFFFFFE0] =	vst v4  }
.Ltmp4:
0x14b: {  	[tilespmem:s14+$0xFFFFFFB0] =	vst v3;
	v3 =	vmul.f32 v19, v2;
	(pc) =	sbr.rel @p0 .LBB2_4-.Ltmp4, $4  }
0x14c: {  	s30 =	sshll.u32 s15, $0xA;
	[tilespmem:s14+$0xFFFFFFC0] =	vst v58;
	v2 =	vmul.f32 v20, v2  }
0x14d: {  	s6 =	sshra.s32 s30, $0x2;
	[tilespmem:s14+$0x0] =	vst v3  }
0x14e: {  	s6 =	sor.u32 $0x80, s6;
	[tilespmem:s14+$0x10] =	vst v2  }
0x14f: {  	[spmem:s3] =	stream.indirect.scatter.add.f32 [tilespmem:s29], [sflag:$0x6], $0x30, s6, s22, $0xb8;
	[tilespmem:$0x13800] =	vst v63  }
0x150: {  	s6 =	simm.s32 $0x4  }
0x151: {  	_ =	swait.ge [sflag:s6], $0x1800  }
0x152: {  	[sflag:s6] =	ssyncset.done $0x0  }
0x153: {  	[sflag:s6] =	ssyncadd.s32 $0xFFFFE800  }
0x154: {  	_ =	swait.ge [sflag:s31], $0x1800  }
0x155: {  	[sflag:s31] =	ssyncset.done $0x0  }
0x156: {  	[sflag:s31] =	ssyncadd.s32 $0xFFFFE800  }
0x157: {  	_ =	swait.ge [sflag:s0], $0x1800  }
0x158: {  	[sflag:s0] =	ssyncset.done $0x0  }
0x159: {  	[sflag:s0] =	ssyncadd.s32 $0xFFFFE800  }
0x15a: {  	[bflag:$0x0] =	sbarrier.arrive $0xFFFF  }
0x15b: {  	[tilespmem:s21], [sflag:$0x7] =	stream.linear.gather [spmem:s7], $0x1800, $0x38;
	[tilespmem:$0x13800] =	vst v63  }
0x15c: {  	_ =	swait.ge [sflag:s20], $0x1800  }
0x15d: {  	[sflag:s20] =	ssyncset.done $0x0  }
0x15e: {  	s16 =	rddreg [dreg:$0x5];
	[sflag:s20] =	ssyncadd.s32 $0xFFFFE800  }
0x15f: {  	[hbm4b:s16+s4] =	stream.linear.scatter [tilespmem:s21], [sflag:$0x7], $0x1800, $0x38;
	[tilespmem:$0x13800] =	vst v63  }
0x160: {  	_ =	swait.ge [sflag:s20], $0x1800  }
0x161: {  	[sflag:s20] =	ssyncset.done $0x0  }
0x162: {  	[sflag:s20] =	ssyncadd.s32 $0xFFFFE800  }
0x163: {  	[tilespmem:s21], [sflag:$0x7] =	stream.linear.gather [spmem:s8], $0x1800, $0x38;
	[tilespmem:$0x13800] =	vst v63  }
0x164: {  	_ =	swait.ge [sflag:s20], $0x1800  }
0x165: {  	[sflag:s20] =	ssyncset.done $0x0  }
0x166: {  	s17 =	rddreg [dreg:$0x6];
	[sflag:s20] =	ssyncadd.s32 $0xFFFFE800  }
0x167: {  	[hbm4b:s17+s4] =	stream.linear.scatter [tilespmem:s21], [sflag:$0x7], $0x1800, $0x38;
	[tilespmem:$0x13800] =	vst v63  }
0x168: {  	_ =	swait.ge [sflag:s20], $0x1800  }
0x169: {  	[sflag:s20] =	ssyncset.done $0x0  }
0x16a: {  	[sflag:s20] =	ssyncadd.s32 $0xFFFFE800  }
0x16b: {  	[tilespmem:s21], [sflag:$0x7] =	stream.linear.gather [spmem:s10], $0x1800, $0x38;
	[tilespmem:$0x13800] =	vst v63  }
0x16c: {  	_ =	swait.ge [sflag:s20], $0x1800  }
0x16d: {  	[sflag:s20] =	ssyncset.done $0x0  }
0x16e: {  	s18 =	rddreg [dreg:$0x7];
	[sflag:s20] =	ssyncadd.s32 $0xFFFFE800  }
0x16f: {  	[hbm4b:s18+s4] =	stream.linear.scatter [tilespmem:s21], [sflag:$0x7], $0x1800, $0x38;
	[tilespmem:$0x13800] =	vst v63  }
0x170: {  	_ =	swait.ge [sflag:s20], $0x1800  }
0x171: {  	[sflag:s20] =	ssyncset.done $0x0  }
0x172: {  	[sflag:s20] =	ssyncadd.s32 $0xFFFFE800  }
0x173: {  	[tilespmem:s21], [sflag:$0x7] =	stream.linear.gather [spmem:s11], $0x1800, $0x38;
	[tilespmem:$0x13800] =	vst v63  }
0x174: {  	_ =	swait.ge [sflag:s20], $0x1800  }
0x175: {  	[sflag:s20] =	ssyncset.done $0x0  }
0x176: {  	s19 =	rddreg [dreg:$0x8];
	[sflag:s20] =	ssyncadd.s32 $0xFFFFE800  }
0x177: {  	[hbm4b:s19+s4] =	stream.linear.scatter [tilespmem:s21], [sflag:$0x7], $0x1800, $0x38;
	[tilespmem:$0x13800] =	vst v63  }
0x178: {  	_ =	swait.ge [sflag:s20], $0x1800  }
0x179: {  	[sflag:s20] =	ssyncset.done $0x0  }
0x17a: {  	[sflag:s20] =	ssyncadd.s32 $0xFFFFE800  }
0x17b: {  	[tilespmem:s21], [sflag:$0x7] =	stream.linear.gather [spmem:s12], $0x1800, $0x38;
	[tilespmem:$0x13800] =	vst v63  }
0x17c: {  	_ =	swait.ge [sflag:s20], $0x1800  }
0x17d: {  	[sflag:s20] =	ssyncset.done $0x0  }
0x17e: {  	s23 =	rddreg [dreg:$0x9];
	[sflag:s20] =	ssyncadd.s32 $0xFFFFE800  }
0x17f: {  	[hbm4b:s23+s4] =	stream.linear.scatter [tilespmem:s21], [sflag:$0x7], $0x1800, $0x38;
	[tilespmem:$0x13800] =	vst v63  }
0x180: {  	_ =	swait.ge [sflag:s20], $0x1800  }
0x181: {  	s1 =	sadd.s32 $0x1, s1;
	s30 =	rddreg [dreg:$0xa]  }
0x182: {  	p0 =	sne.s32 s1, s30  }
.Ltmp5:
0x183: {  	_ = 	snop;
	(pc) =	sbr.rel @p0 .LBB2_1-.Ltmp5, $3  }
0x184: {  	_ =	sdelay $0x1  }
0x185: {  	[sflag:s20] =	ssyncset.done $0x0  }
0x186: {  	[sflag:s20] =	ssyncadd.s32 $0xFFFFE800  }
0x187: {  	_ =	sfence.sel $0x180000  }
0x188: {  	[bflag:$0x0] =	sbarrier.arrive $0xFFFF  }
0x189: {  	_ =	strace $0x9000004A  }
0x18a: {  	s0 =	stileid.u32;
	[bflag:$0x2] =	sbarrier.arrive $0xFFFF  }
0x18b: {  	p0 =	sne.s32 s0, $0x0;
	s0 =	rddreg [dreg:$0x3]  }
0x18c: {  	s0 =	sadd.s32 @!p0 $0x100000, s0  }
0x18d: {  	[sflag:s0] =	ssyncadd.tile.s32 @!p0 $0x1;
	_ =	shalt  }
.Lfunc_end2:
_tile_overlayer_lowered:
.L_overlay_start_2:
0x18e: {  	(tag) =	ssettag $0x2  }
0x18f: {  	s0 =	rddreg [dreg:$0x0];
	s2 =	stileid.u32  }
0x190: {  	s1 =	rddreg [dreg:$0x1];
	p0 =	sne.s32 s2, $0x0  }
0x191: {  	s3 =	rddreg [dreg:$0x2];
	[bflag:$0x3] =	sbarrier.arrive $0xFFFF;
	s2 =	simm.s32 @!p0 $0x1C07  }
0x192: {  	[timem:s3], [sflag:s2] =	dma.local @!p0 [hbm:s0], s1  }
0x193: {  	s0 =	simm.s32 @!p0 $0x7  }
0x194: {  	_ =	swait.ge @!p0 [sflag:s0], s1  }
0x195: {  	s1 =	ssub.s32 @!p0 $0x0, s1;
	[sflag:s0] =	ssyncset.done @!p0 $0x0  }
0x196: {  	[sflag:s0] =	ssyncadd.s32 @!p0 s1  }
0x197: {  	[bflag:$0x3] =	sbarrier.arrive $0xFFFF  }
0x198: {  	_ =	shalt  }

// kernel: kernel.7.cloned.1.call-start
scs
__scs_entry_jumppad:
0x0: {  	(pc) =	sbr.rel $0x88, $3  }
0x1: {  	(tag) =	ssettag $0x0;
	lr =	simm.s32 $0x1  }
0x2: {  	[smem:$0x3F97] =	sst lr;
	_ =	strace $0xD0000000  }
0x3: {  	_ = 	snop  }
0x4: {  	_ = 	snop  }
0x5: {  	_ = 	snop  }
0x6: {  	_ = 	snop  }
0x7: {  	_ = 	snop  }
__scs_overlays_trampoline_lowered:
0x8: {  	[smem:$0x3FA6] =	sst s0  }
0x9: {  	[smem:$0x3FA7] =	sst s1  }
0xa: {  	[smem:$0x3FA8] =	sst s2  }
0xb: {  	[smem:$0x3FA9] =	sst s3  }
0xc: {  	[smem:$0x3FAA] =	sst s4  }
0xd: {  	[smem:$0x3FAB] =	sst s5  }
0xe: {  	[smem:$0x3FAC] =	sst s6  }
0xf: {  	[smem:$0x3FAD] =	sst s7  }
0x10: {  	[smem:$0x3FAE] =	sst s8  }
0x11: {  	[smem:$0x3FAF] =	sst s9;
	s0 =	simm.s32 @!p0 $0x0  }
0x12: {  	s1 =	sld [smem:$0x3F95];
	s0 =	simm.s32 @p0 $0x1  }
0x13: {  	[smem:$0x3FB0] =	sst s0;
	s0 =	simm.s32 @!p1 $0x0  }
0x14: {  	s2 =	sld [smem:$0x3F94];
	s0 =	simm.s32 @p1 $0x1  }
0x15: {  	[smem:$0x3FB1] =	sst s0;
	s0 =	simm.s32 @!p2 $0x0  }
0x16: {  	s3 =	sld [smem:$0x3FDB];
	s0 =	simm.s32 @p2 $0x1  }
0x17: {  	s4 =	simm.s32 $0x1BF5;
	[smem:$0x3FB3] =	sst s0  }
0x18: {  	s0 =	sld [smem:$0x3F96];
	_ =	swait.ge [sflag:s4], $0x0  }
0x19: {  	s7 =	sld [smem:$0x3F97]  }
0x1a: {  	s8 =	sadd.s32 $0xFFFFE003, lr  }
0x1b: {  	s9 =	sadd.s32 $0xFFFFFEF7, lr;
	s5 =	simm.s32 $0xFFFFFFFF;
	p2 =	slt.u32 s8, $0xFFFFF086  }
0x1c: {  	p1 =	slt.u32 s9, $0xF7A;
	s5 =	simm.s32 @!p2 $0x0  }
0x1d: {  	s5 =	simm.s32 @p1 $0x1;
	p0 =	seq.s32 s7, s2  }
0x1e: {  	s7 =	smul.u32 @!p0 $0xF7A, s2;
	p2 =	seq.s32 @!p0 s5, $0x0  }
0x1f: {  	s9 =	smul.u32 $0xF7A, s1;
	s8 =	simm.s32 @!p0 $0x1BF5;
	p2 =	por !p2, p0  }
0x20: {  	[sflag:s8] =	ssyncset.s32 @!p0 $0xFFFFF086;
	s6 =	sadd.s32 @!p0 s3, s7;
	s7 =	simm.s32 @!p0 $0x108  }
0x21: {  	s3 =	sadd.s32 s3, s9;
	s6 =	sadd.s32 @!p0 $0x88, s6;
	s7 =	simm.s32 @p2 $0x1082  }
0x22: {  	[simem:s7], [sflag:s8] =	dma.local @!p0 [hbm:s6], $0xF7A  }
0x23: {  	s9 =	sor.u32 $0xD0000000, s2;
	s6 =	simm.s32 $0x108;
	_ =	swait.ge @!p0 [sflag:s8], $0x0  }
0x24: {  	s3 =	sadd.s32 $0x88, s3;
	s6 =	simm.s32 @!p1 $0x1082;
	[sflag:s4] =	ssyncset.s32 $0xFFFFF086  }
0x25: {  	[simem:s6], [sflag:s4] =	dma.local [hbm:s3], $0xF7A  }
0x26: {  	[smem:$0x3F97] =	sst s1;
	(tag) =	ssettag s2;
	_ =	strace s9  }
0x27: {  	s1 =	sld [smem:$0x3FA7]  }
0x28: {  	s2 =	sld [smem:$0x3FA8]  }
0x29: {  	s4 =	sld [smem:$0x3FAA]  }
0x2a: {  	p0 =	seq.s32 s5, $0x0;
	s5 =	sld [smem:$0x3FAB]  }
0x2b: {  	s6 =	sld [smem:$0x3FAC]  }
0x2c: {  	s7 =	sld [smem:$0x3FAD]  }
0x2d: {  	s3 =	simm.s32 $0x108;
	s8 =	sld [smem:$0x3FAE]  }
0x2e: {  	s3 =	simm.s32 @!p0 $0x1082;
	s9 =	sld [smem:$0x3FAF]  }
0x2f: {  	lr =	sadd.s32 s0, s3;
	s0 =	sld [smem:$0x3FA6]  }
0x30: {  	s3 =	sld [smem:$0x3FA9]  }
0x31: {  	[smem:$0x3FB2] =	sst s10  }
0x32: {  	s10 =	sld [smem:$0x3FB0];
	_ =	sdelay $0x3  }
0x33: {  	p0 =	seq.s32 s10, $0x1;
	s10 =	sld [smem:$0x3FB2];
	_ =	sdelay $0x3  }
0x34: {  	[smem:$0x3FB2] =	sst s10  }
0x35: {  	s10 =	sld [smem:$0x3FB1];
	_ =	sdelay $0x3  }
0x36: {  	p1 =	seq.s32 s10, $0x1;
	s10 =	sld [smem:$0x3FB2];
	_ =	sdelay $0x3  }
0x37: {  	[smem:$0x3FB2] =	sst s10  }
0x38: {  	s10 =	sld [smem:$0x3FB3]  }
0x39: {  	_ = 	snop;
	(pc) =	sbr.ind lr, $3  }
0x3a: {  	_ = 	snop  }
0x3b: {  	_ = 	snop  }
0x3c: {  	p2 =	seq.s32 s10, $0x1;
	s10 =	sld [smem:$0x3FB2]  }
0x3d: {  	_ =	shalt  }
0x3e: {  	_ =	shalt  }
0x3f: {  	_ =	shalt  }
0x40: {  	_ =	shalt  }
0x41: {  	_ =	shalt  }
0x42: {  	_ =	shalt  }
0x43: {  	_ =	shalt  }
0x44: {  	_ =	shalt  }
0x45: {  	_ =	shalt  }
0x46: {  	_ =	shalt  }
0x47: {  	_ =	shalt  }
0x48: {  	_ =	shalt  }
0x49: {  	_ =	shalt  }
0x4a: {  	_ =	shalt  }
0x4b: {  	_ =	shalt  }
0x4c: {  	_ =	shalt  }
0x4d: {  	_ =	shalt  }
0x4e: {  	_ =	shalt  }
0x4f: {  	_ =	shalt  }
0x50: {  	_ =	shalt  }
0x51: {  	_ =	shalt  }
0x52: {  	_ =	shalt  }
0x53: {  	_ =	shalt  }
0x54: {  	_ =	shalt  }
0x55: {  	_ =	shalt  }
0x56: {  	_ =	shalt  }
0x57: {  	_ =	shalt  }
0x58: {  	_ =	shalt  }
0x59: {  	_ =	shalt  }
0x5a: {  	_ =	shalt  }
0x5b: {  	_ =	shalt  }
0x5c: {  	_ =	shalt  }
0x5d: {  	_ =	shalt  }
0x5e: {  	_ =	shalt  }
0x5f: {  	_ =	shalt  }
0x60: {  	_ =	shalt  }
0x61: {  	_ =	shalt  }
0x62: {  	_ =	shalt  }
0x63: {  	_ =	shalt  }
0x64: {  	_ =	shalt  }
0x65: {  	_ =	shalt  }
0x66: {  	_ =	shalt  }
0x67: {  	_ =	shalt  }
0x68: {  	_ =	shalt  }
0x69: {  	_ =	shalt  }
0x6a: {  	_ =	shalt  }
0x6b: {  	_ =	shalt  }
0x6c: {  	_ =	shalt  }
0x6d: {  	_ =	shalt  }
0x6e: {  	_ =	shalt  }
0x6f: {  	_ =	shalt  }
0x70: {  	_ =	shalt  }
0x71: {  	_ =	shalt  }
0x72: {  	_ =	shalt  }
0x73: {  	_ =	shalt  }
0x74: {  	_ =	shalt  }
0x75: {  	_ =	shalt  }
0x76: {  	_ =	shalt  }
0x77: {  	_ =	shalt  }
0x78: {  	_ =	shalt  }
0x79: {  	_ =	shalt  }
0x7a: {  	_ =	shalt  }
0x7b: {  	_ =	shalt  }
0x7c: {  	_ =	shalt  }
0x7d: {  	_ =	shalt  }
0x7e: {  	_ =	shalt  }
0x7f: {  	_ =	shalt  }
0x80: {  	_ =	shalt  }
0x81: {  	_ =	shalt  }
0x82: {  	_ =	shalt  }
0x83: {  	_ =	shalt  }
0x84: {  	_ =	shalt  }
0x85: {  	_ =	shalt  }
0x86: {  	_ =	shalt  }
0x87: {  	_ =	shalt  }
.Lfunc_end0:
.L_simem_size_0:
called_computation_lowered:
.L_overlay_start_0:
0x88: {  	s2 =	sld [smem:$0x3FD9]  }
0x89: {  	s3 =	sld [smem:$0x3FFE];
	_ =	sdelay $0x1  }
0x8a: {  	s1 =	srdreg.scid  }
0x8b: {  	s0 =	sand.u32 $0x1, s1  }
0x8c: {  	s17 =	sshll.u32 s0, $0xA;
	s2 =	sadd.s32 s3, s2  }
0x8d: {  	s2 =	sadd.s32 s2, s17  }
0x8e: {  	[smem:$0x3FBE] =	sst s2  }
0x8f: {  	_ = 	snop  }
0x90: {  	s2 =	sld [smem:$0x3FD0];
	(tm) =	ssettm $0x1  }
0x91: {  	s18 =	sld [smem:$0x3FFB];
	_ =	sdelay $0x3  }
0x92: {  	_ =	strace s18  }
0x93: {  	s3 =	sld [smem:$0x3FFC];
	_ =	sdelay $0x3  }
0x94: {  	_ =	strace s3  }
0x95: {  	s3 =	sld [smem:$0x3FFD];
	_ =	sdelay $0x3  }
0x96: {  	_ =	strace s3  }
0x97: {  	_ =	strace $0x8FFFFFFF  }
0x98: {  	s19 =	sld [smem:$0x3FDB];
	_ =	sdelay $0x1  }
0x99: {  	s4 =	simm.s32 $_scs_section_size  }
0x9a: {  	s5 =	simm.s32 $_size__tile_overlayer_lowered;
	s6 =	simm.s32 $_tile_overlayer_lowered  }
0x9b: {  	s22 =	simm.s32 $0x1BFF;
	s21 =	sshll.u32 s6, $0x1;
	s3 =	sadd.s32 s4, s19  }
0x9c: {  	s7 =	simm.s32 $0x0;
	s20 =	sshll.u32 s5, $0x1;
	s5 =	sadd.s32 s21, s3  }
0x9d: {  	[timem:s7], [sflag:s22] =	dma.local [hbm:s5], s20  }
0x9e: {  	_ =	swait.ge [sflag:s22], s20  }
0x9f: {  	s4 =	ssub.s32 $0x0, s20;
	[sflag:s22] =	ssyncset.done $0x0  }
0xa0: {  	[sflag:s22] =	ssyncadd.s32 s4;
	_ =	sdelay $0x1  }
0xa1: {  	s23 =	simm.s32 $0x1B8B  }
0xa2: {  	_ =	swait.ge [sflag:s23], $0x1  }
0xa3: {  	[sflag:s23] =	ssyncset.done $0x0  }
0xa4: {  	s25 =	simm.s32 $0x1B8E;
	s24 =	sld [smem:$0x3FFE];
	[sflag:s23] =	ssyncadd.s32 $0xFFFFFFFF  }
0xa5: {  	s26 =	simm.s32 $execute0_lowered;
	[smem:$0x3FD2] =	sst s25  }
0xa6: {  	s5 =	sshll.u32 s26, $0x1;
	_ =	strace $0x80000046;
	[dreg:$0x1] =	wrdreg $0xFFFFFFFF  }
0xa7: {  	s28 =	simm.s32 $_size_execute0_lowered;
	s3 =	sadd.s32 s3, s5;
	[dreg:$0x0] =	wrdreg $0x0  }
0xa8: {  	s5 =	sshll.u32 s28, $0x1;
	[dreg:$0x2] =	wrdreg s3  }
0xa9: {  	[dreg:$0x3] =	wrdreg s5  }
0xaa: {  	[dreg:$0x4] =	wrdreg $0xC0  }
0xab: {  	_ =	task [dreg:s7], $0x5FFFF  }
0xac: {  	[dreg:$0x1] =	wrdreg $0xFFFFFFFF  }
0xad: {  	[dreg:$0x0] =	wrdreg $0x60  }
0xae: {  	[dreg:$0x2] =	wrdreg s24  }
0xaf: {  	[dreg:$0x3] =	wrdreg s2  }
0xb0: {  	[dreg:$0x4] =	wrdreg $0xF0000  }
0xb1: {  	[dreg:$0x5] =	wrdreg $0x9  }
0xb2: {  	_ =	task.clear_ibuf [dreg:s7], $0x6FFFF;
	_ =	strace $0x90000046  }
0xb3: {  	s29 =	simm.s32 $0x9;
	_ =	strace $0x80000048  }
0xb4: {  	_ =	swait.ge [sflag:s29], $0x1  }
0xb5: {  	[sflag:s29] =	ssyncadd.s32 $0xFFFFFFFF  }
0xb6: {  	_ =	strace $0x90000048  }
0xb7: {  	_ =	sfence  }
0xb8: {  	s30 =	sld [smem:$0x0];
	_ =	sdelay $0x2  }
0xb9: {  	s31 =	sshll.u32 s1, $0xD;
	s1 =	sshrl.u32 s1, $0x2  }
0xba: {  	s3 =	sand.u32 $0x4000, s31;
	s1 =	sadd.s32 s1, s30  }
0xbb: {  	s0 =	sor.u32 s3, s0;
	s1 =	sshll.u32 s1, $0x11  }
0xbc: {  	s0 =	sor.u32 s1, s0  }
0xbd: {  	s0 =	sadd.s32 $0x8F2B, s0  }
0xbe: {  	[sflag:s0] =	ssyncadd.remote.s32 $0x1  }
0xbf: {  	_ =	sfence.sel $0xFFFF  }
0xc0: {  	[dreg:$0x0] =	wrdreg $0xFFFFFFFF;
	(pc) =	sbr.abs _section_cstart, $3  }
0xc1: {  	[dreg:$0x1] =	wrdreg $0xFFFFFFFF  }
0xc2: {  	_ =	task.clear_ibuf [dreg:s7], $0x2FFFF;
	_ =	strace $0x9FFFFFFF  }
0xc3: {  	(tm) =	ssettm $0x7FFFFFFF  }
tec
execute0_lowered:
.L_overlay_start_1:
0x0: {  	(tag) =	ssettag $0x1  }
0x1: {  	s0 =	rddreg [dreg:$0x0]  }
0x2: {  	s2 =	rddreg [dreg:$0x1]  }
0x3: {  	s1 =	srdreg.scid;
	s3 =	rddreg [dreg:$0x2]  }
0x4: {  	s9 =	stileid.u32;
	s4 =	simm.s32 $0x0;
	s20 =	simm.s32 $0x7  }
0x5: {  	s21 =	simm.s32 $0x6000;
	s22 =	simm.s32 $0x80;
	s28 =	simm.s32 $0x3  }
0x6: {  	s29 =	simm.s32 $0xB000;
	s30 =	simm.s32 $0x4;
	s31 =	simm.s32 $0x5  }
0x7: {  	s1 =	sand.u32 $0x1, s1;
	[smem:$0x7FF] =	sst s4;
	s12 =	smul.u32 $0xC800, s9  }
0x8: {  	s5 =	sshll.u32 s1, $0x4;
	_ =	strace $0x80000047;
	s6 =	ssub.s32 $0x2, s1  }
0x9: {  	p0 =	seq.s32 s1, $0x0;
	s1 =	smul.u32 $0xC8000, s1;
	s5 =	sor.u32 s9, s5  }
0xa: {  	s8 =	sshrl.u32 s6, $0x1;
	s13 =	sadd.s32 $0x2800, s12;
	s14 =	sadd.s32 $0x5000, s12  }
0xb: {  	s15 =	sadd.s32 $0x7800, s12;
	s9 =	simm.s32 $0x60;
	s16 =	sadd.s32 $0xA000, s12  }
0xc: {  	s5 =	smul.u32 $0xC00, s5;
	s6 =	ssub.s32 s6, s8;
	s8 =	sadd.s32 s13, s3  }
0xd: {  	s10 =	sadd.s32 s14, s3;
	s11 =	sadd.s32 s15, s3;
	s9 =	simm.s32 @!p0 $0x42  }
0xe: {  	s18 =	sadd.s32 s12, s1;
	s19 =	sadd.s32 s1, s13;
	s14 =	sadd.s32 s1, s14  }
0xf: {  	s15 =	sadd.s32 s1, s15;
	s1 =	sadd.s32 s1, s16;
	s17 =	smul.u32 $0x56, s9  }
0x10: {  	s18 =	sshrl.u32 s18, $0x3;
	s24 =	sshrl.u32 s19, $0x3;
	s14 =	sshrl.u32 s14, $0x3  }
0x11: {  	s15 =	sshrl.u32 s15, $0x3;
	s1 =	sshrl.u32 s1, $0x3;
	s26 =	smax.u32 s6, $0x1  }
0x12: {  	s7 =	sadd.s32 s5, s0;
	s5 =	sadd.s32 $0x2400, s0;
	s0 =	sadd.s32 $0x33400, s0  }
0x13: {  	[dreg:$0xa] =	wrdreg s26;
	s26 =	simm.s32 $0x8800;
	s7 =	sadd.s32 $0x1B400, s7  }
0x14: {  	s13 =	sshrl.u32 s17, $0x8;
	s23 =	sadd.s32 s0, s18;
	[dreg:$0x4] =	wrdreg s7  }
0x15: {  	s17 =	sadd.s32 s0, s24;
	s14 =	sadd.s32 s0, s14;
	[dreg:$0x5] =	wrdreg s23  }
0x16: {  	s25 =	sadd.s32 s0, s15;
	s0 =	sadd.s32 s0, s1;
	[dreg:$0x6] =	wrdreg s17  }
0x17: {  	v1 =	vlaneseq.u32;
	s24 =	simm.s32 $0x1;
	s1 =	simm.s32 $0x0;
	[dreg:$0x7] =	wrdreg s14  }
0x18: {  	v0 =	vimm.f32 $0.0e+00;
	v1 =	vshrl.u32 v1, $0x3;
	s7 =	sadd.s32 s12, s3;
	s12 =	sadd.s32 s16, s3;
	[dreg:$0x8] =	wrdreg s25  }
0x19: {  	v2 =	vor.u32 $0x2, v1;
	v3 =	vor.u32 $0x4, v1;
	v4 =	vor.u32 $0x6, v1;
	[dreg:$0x9] =	wrdreg s0;
	s25 =	simm.s32 $0x2;
	s0 =	simm.s32 $0x6  }
.LBB2_1:
0x1a: {  	s6 =	rddreg [dreg:$0x4]  }
0x1b: {  	[tilespmem:s4], [sflag:$0x7] =	stream.linear.gather [hbm4b:s6+s4], $0x6000, $0x38;
	[tilespmem:$0x1B800] =	vst v63  }
0x1c: {  	_ =	swait.ge [sflag:s20], $0x6000  }
0x1d: {  	[sflag:s20] =	ssyncset.done $0x0  }
0x1e: {  	s14 =	simm.s32 $0x140;
	s6 =	simm.s32 $0x0;
	[sflag:s20] =	ssyncadd.s32 $0xFFFFA000  }
.LBB2_2:
0x1f: {  	p0 =	sne.s32 s14, $0x9EC0;
	[tilespmem:s6+$0x6040] =	vst v0;
	s15 =	smov.u32 s14;
	s14 =	sadd.s32 $0x140, s14  }
.Ltmp0:
0x20: {  	[tilespmem:s6+$0x6030] =	vst v0;
	(pc) =	sbr.rel @p0 .LBB2_2-.Ltmp0, $4  }
0x21: {  	[tilespmem:s6+$0x6020] =	vst v0  }
0x22: {  	[tilespmem:s6+$0x6000] =	vst v0  }
0x23: {  	[tilespmem:s6+$0x6010] =	vst v0  }
0x24: {  	s6 =	sshra.s32 s15, $0x2  }
0x25: {  	[tilespmem:s6+$0x6040] =	vst v0  }
0x26: {  	[tilespmem:s6+$0x6030] =	vst v0  }
0x27: {  	[tilespmem:s6+$0x6020] =	vst v0  }
0x28: {  	[tilespmem:s6+$0x6000] =	vst v0  }
0x29: {  	[tilespmem:s6+$0x6010] =	vst v0  }
0x2a: {  	[spmem:s7] =	stream.linear.scatter [tilespmem:s21], [sflag:$0x7], $0x2800, $0x38;
	[tilespmem:$0x1B800] =	vst v63  }
0x2b: {  	_ =	swait.ge [sflag:s20], $0x2800  }
0x2c: {  	[sflag:s20] =	ssyncset.done $0x0  }
0x2d: {  	[sflag:s20] =	ssyncadd.s32 $0xFFFFD800  }
0x2e: {  	[spmem:s8] =	stream.linear.scatter [tilespmem:s21], [sflag:$0x7], $0x2800, $0x38;
	[tilespmem:$0x1B800] =	vst v63  }
0x2f: {  	_ =	swait.ge [sflag:s20], $0x2800  }
0x30: {  	[sflag:s20] =	ssyncset.done $0x0  }
0x31: {  	[sflag:s20] =	ssyncadd.s32 $0xFFFFD800  }
0x32: {  	[spmem:s10] =	stream.linear.scatter [tilespmem:s21], [sflag:$0x7], $0x2800, $0x38;
	[tilespmem:$0x1B800] =	vst v63  }
0x33: {  	_ =	swait.ge [sflag:s20], $0x2800  }
0x34: {  	[sflag:s20] =	ssyncset.done $0x0  }
0x35: {  	[sflag:s20] =	ssyncadd.s32 $0xFFFFD800  }
0x36: {  	[spmem:s11] =	stream.linear.scatter [tilespmem:s21], [sflag:$0x7], $0x2800, $0x38;
	[tilespmem:$0x1B800] =	vst v63  }
0x37: {  	_ =	swait.ge [sflag:s20], $0x2800  }
0x38: {  	[sflag:s20] =	ssyncset.done $0x0  }
0x39: {  	[sflag:s20] =	ssyncadd.s32 $0xFFFFD800  }
0x3a: {  	[spmem:s12] =	stream.linear.scatter [tilespmem:s21], [sflag:$0x7], $0x2800, $0x38;
	[tilespmem:$0x1B800] =	vst v63  }
0x3b: {  	_ =	swait.ge [sflag:s20], $0x2800  }
0x3c: {  	[sflag:s20] =	ssyncset.done $0x0  }
0x3d: {  	[sflag:s20] =	ssyncadd.s32 $0xFFFFD800  }
0x3e: {  	s23 =	simm.s32 $0x0;
	[bflag:$0x0] =	sbarrier.arrive $0xFFFF  }
0x3f: {  	[tilespmem:s21], [sflag:$0x1] =	stream.indirect.gather [hbm4b:s5+s22], $0x50, s23, s22, $0xb8;
	[tilespmem:$0x1B800] =	vst v63  }
0x40: {  	s19 =	simm.s32 $0xD800  }
0x41: {  	[tilespmem:s19], [sflag:$0x1] =	stream.indirect.gather [hbm4b:s2+s22], $0x10, s22, s22, $0xb8;
	[tilespmem:$0x1B800] =	vst v63  }
.LBB2_4:
0x42: {  	s6 =	smul.u32 $0x3, s23;
	_ =	sdelay $0x1  }
0x43: {  	s14 =	sadd.s32 $0x1, s6  }
0x44: {  	p0 =	sge.u32 s14, s9  }
0x45: {  	p1 =	seq.s32 @!p0 s23, $0x0  }
0x46: {  	p1 =	por p1, p0  }
0x47: {  	s15 =	simm.s32 @!p1 $0x5  }
0x48: {  	_ =	swait.ge @!p1 [sflag:s15], $0x2800  }
0x49: {  	[sflag:s15] =	ssyncset.done @!p1 $0x0  }
0x4a: {  	[sflag:s15] =	ssyncadd.s32 @!p1 $0xFFFFD800;
	s15 =	sshll.u32 @!p0 s14, $0x8  }
0x4b: {  	s16 =	simm.s32 @!p0 $0x80;
	s17 =	simm.s32 @!p0 $0x8800;
	s15 =	sand.u32 @!p0 $0x3FFFFF00, s15  }
0x4c: {  	[tilespmem:s17], [sflag:$0x2] =	stream.indirect.gather @!p0 [hbm4b:s5+s16], $0x50, s15, s16, $0xb8;
	[tilespmem:$0x1B800] =	vst v63  }
0x4d: {  	s15 =	sor.u32 @!p0 $0x80, s15;
	s17 =	simm.s32 @!p0 $0xE000  }
0x4e: {  	[tilespmem:s17], [sflag:$0x2] =	stream.indirect.gather @!p0 [hbm4b:s2+s16], $0x10, s15, s16, $0xb8;
	[tilespmem:$0x1B800] =	vst v63  }
0x4f: {  	_ =	swait.ge [sflag:s24], $0x2800  }
0x50: {  	[sflag:s24] =	ssyncset.done $0x0  }
0x51: {  	[sflag:s24] =	ssyncadd.s32 $0xFFFFD800  }
0x52: {  	_ =	swait.ge [sflag:s24], $0x800  }
0x53: {  	[sflag:s24] =	ssyncset.done $0x0  }
0x54: {  	s18 =	simm.s32 $0xD820;
	[sflag:s24] =	ssyncadd.s32 $0xFFFFF800  }
0x55: {  	s16 =	simm.s32 $0x60A0;
	v5 =	vld [tilespmem:s18+$0x10]  }
0x56: {  	v6 =	vld [tilespmem:s16+$0x90]  }
0x57: {  	v8 =	vld [tilespmem:s18+$0xFFFFFFF0]  }
0x58: {  	v9 =	vld [tilespmem:s16+$0xFFFFFFF0]  }
0x59: {  	v7 =	vld [tilespmem:s16+$0xFFFFFFA0]  }
0x5a: {  	v10 =	vld [tilespmem:s18+$0x0]  }
0x5b: {  	v11 =	vld [tilespmem:s16+$0x40]  }
0x5c: {  	v5 =	vadd.f32 v6, v5;
	v6 =	vld [tilespmem:s18+$0xFFFFFFE0]  }
0x5d: {  	v8 =	vadd.f32 v9, v8  }
0x5e: {  	v12 =	vld [tilespmem:s16+$0xFFFFFF60];
	v13 =	vmul.f32 $2.000000030e-01, v5  }
0x5f: {  	v14 =	vld [tilespmem:s16+$0xFFFFFF70];
	v15 =	vmul.f32 $2.000000030e-01, v8  }
0x60: {  	v16 =	vld [tilespmem:s16+$0xFFFFFFC0];
	v10 =	vadd.f32 v11, v10;
	v5 =	vmax.f32 v5, v13  }
0x61: {  	v17 =	vld [tilespmem:s16+$0xFFFFFFE0];
	v5 =	vmul.f32 $1.442695020e+00, v5;
	v6 =	vadd.f32 v7, v6;
	v7 =	vmax.f32 v8, v15  }
0x62: {  	s15 =	simm.s32 $0x61E0;
	v18 =	vld [tilespmem:s16+$0x0];
	v8 =	vmul.f32 $2.000000030e-01, v10;
	v7 =	vmul.f32 $1.442695020e+00, v7  }
0x63: {  	s19 =	simm.s32 $0xD860;
	v29 =	vld [tilespmem:s15+$0xFFFFFFA0];
	(erf) = vpow2.f32 v5;
	v5 =	vmul.f32 $2.000000030e-01, v6  }
0x64: {  	v41 =	vld [tilespmem:s19+$0xFFFFFFE0];
	v8 =	vmax.f32 v10, v8  }
0x65: {  	v10 =	vld [tilespmem:s15+$0x90];
	(erf) = vpow2.f32 v7;
	v5 =	vmax.f32 v6, v5;
	v6 =	vmul.f32 $1.442695020e+00, v8  }
0x66: {  	v7 =	vld [tilespmem:s19+$0x10];
	v5 =	vmul.f32 $1.442695020e+00, v5  }
0x67: {  	v19 =	vld [tilespmem:s16+$0x10];
	(erf) = vpow2.f32 v6  }
0x68: {  	v20 =	vld [tilespmem:s16+$0x20];
	(erf) = vpow2.f32 v5  }
0x69: {  	v21 =	vld [tilespmem:s16+$0x30]  }
0x6a: {  	v23 =	vld [tilespmem:s16+$0x50];
	v29 =	vadd.f32 v29, v41  }
0x6b: {  	v24 =	vld [tilespmem:s16+$0x60];
	v10 =	vadd.f32 v10, v7  }
0x6c: {  	v63 =	vmul.f32 $2.000000030e-01, v29;
	v5 =	vld [tilespmem:s16+$0x80];
	v6 =	vpop (erf)  }
0x6d: {  	v25 =	vld [tilespmem:s16+$0x70];
	v42 =	vmul.f32 $2.000000030e-01, v10;
	v26 =	vperm.xlane v6, v1  }
0x6e: {  	v11 =	vld [tilespmem:s16+$0xFFFFFFB0];
	v8 =	vperm.xlane v6, v4;
	v27 =	vperm.xlane v6, v2;
	v22 =	vpop (erf)  }
0x6f: {  	v31 =	vld [tilespmem:s19+$0xFFFFFFF0];
	v28 =	vperm.xlane v6, v3;
	v30 =	vperm.xlane v22, v1  }
0x70: {  	v35 =	vld [tilespmem:s15+$0xFFFFFFF0];
	v32 =	vperm.xlane v22, v2;
	v33 =	vperm.xlane v22, v3;
	v34 =	vpop (erf)  }
0x71: {  	v38 =	vld [tilespmem:s19+$0x0];
	[tilespmem:s16+$0x90] =	vst v6;
	v10 =	vmax.f32 v10, v42;
	v36 =	vperm.xlane v22, v4;
	v5 =	vmul.f32 v5, v8;
	v6 =	vpop (erf)  }
0x72: {  	v13 =	vld [tilespmem:s16+$0xFFFFFF90];
	[tilespmem:s16+$0xFFFFFFF0] =	vst v22;
	v60 =	vmul.f32 $1.442695020e+00, v10;
	v8 =	vperm.xlane v6, v1  }
0x73: {  	v15 =	vld [tilespmem:s16+$0xFFFFFFD0];
	v11 =	vmul.f32 v11, v30;
	[tilespmem:s16+$0x80] =	vst v5;
	v7 =	vperm.xlane v6, v2  }
0x74: {  	v39 =	vld [tilespmem:s15+$0x40];
	v62 =	vmul.f32 v16, v32;
	[tilespmem:s16+$0x40] =	vst v34;
	v8 =	vmul.f32 v12, v8  }
0x75: {  	v9 =	vld [tilespmem:s16+$0xFFFFFF80];
	[tilespmem:s16+$0xFFFFFFA0] =	vst v6;
	v12 =	vperm.xlane v6, v4;
	v14 =	vmul.f32 v14, v7  }
0x76: {  	v10 =	vld [tilespmem:s15+$0xFFFFFFC0];
	v17 =	vmul.f32 v17, v36;
	v37 =	vperm.xlane v34, v1;
	[tilespmem:s16+$0xFFFFFFB0] =	vst v11  }
0x77: {  	v16 =	vld [tilespmem:s15+$0xFFFFFFD0];
	v22 =	vperm.xlane v34, v2;
	v13 =	vmul.f32 v13, v12;
	[tilespmem:s16+$0xFFFFFF70] =	vst v14;
	v14 =	vadd.f32 v35, v31  }
0x78: {  	v15 =	vmul.f32 v15, v33;
	v5 =	vld [tilespmem:s15+$0xFFFFFF60];
	[tilespmem:s16+$0xFFFFFFE0] =	vst v17;
	v18 =	vmul.f32 v18, v37  }
0x79: {  	v61 =	vadd.f32 v39, v38;
	v17 =	vmul.f32 v19, v22;
	v22 =	vld [tilespmem:s15+$0x80];
	[tilespmem:s16+$0xFFFFFF90] =	vst v13;
	v13 =	vmul.f32 $2.000000030e-01, v14  }
0x7a: {  	v43 =	vperm.xlane v34, v3;
	v40 =	vperm.xlane v6, v3;
	[tilespmem:s16+$0xFFFFFFD0] =	vst v15;
	v6 =	vld [tilespmem:s15+$0xFFFFFF70]  }
0x7b: {  	(erf) = vpow2.f32 v60;
	v11 =	vmul.f32 $2.000000030e-01, v61;
	v7 =	vld [tilespmem:s15+$0xFFFFFF80];
	[tilespmem:s16+$0x0] =	vst v18;
	v13 =	vmax.f32 v14, v13  }
0x7c: {  	v34 =	vperm.xlane v34, v4;
	[tilespmem:s16+$0x10] =	vst v17;
	v17 =	vld [tilespmem:s15+$0x50];
	v15 =	vmul.f32 $1.442695020e+00, v13  }
0x7d: {  	v9 =	vmul.f32 v9, v40;
	v18 =	vmul.f32 v20, v43;
	[tilespmem:s16+$0xFFFFFF60] =	vst v8;
	v8 =	vld [tilespmem:s15+$0xFFFFFF90];
	v13 =	vmax.f32 v61, v11  }
0x7e: {  	v20 =	vmax.f32 v29, v63;
	v12 =	vld [tilespmem:s15+$0xFFFFFFB0];
	v19 =	vmul.f32 $1.442695020e+00, v13;
	(erf) = vpow2.f32 v15  }
0x7f: {  	v26 =	vmul.f32 v23, v26;
	[tilespmem:s16+$0xFFFFFF80] =	vst v9;
	v9 =	vld [tilespmem:s15+$0xFFFFFFE0];
	v20 =	vmul.f32 $1.442695020e+00, v20  }
0x80: {  	v21 =	vmul.f32 v21, v34;
	[tilespmem:s16+$0x20] =	vst v18;
	v18 =	vld [tilespmem:s15+$0x60];
	(erf) = vpow2.f32 v19  }
0x81: {  	v27 =	vmul.f32 v24, v27;
	v14 =	vld [tilespmem:s15+$0x0];
	(erf) = vpow2.f32 v20  }
0x82: {  	[tilespmem:s16+$0x50] =	vst v26;
	v11 =	vld [tilespmem:s15+$0x10]  }
0x83: {  	[tilespmem:s16+$0x60] =	vst v27;
	v13 =	vld [tilespmem:s15+$0x20]  }
0x84: {  	v23 =	vmul.f32 v25, v28;
	[tilespmem:s16+$0x30] =	vst v21;
	v21 =	vpop (erf);
	v15 =	vld [tilespmem:s15+$0x30]  }
0x85: {  	s17 =	simm.s32 $0x4;
	s18 =	simm.s32 $0xD8A0;
	[tilespmem:s16+$0xFFFFFFC0] =	vst v62;
	v24 =	vperm.xlane v21, v4;
	v19 =	vld [tilespmem:s15+$0x70];
	v20 =	vperm.xlane v21, v1  }
.LBB2_5:
0x86: {  	v25 =	vld [tilespmem:s18+$0x10];
	v26 =	vperm.xlane v21, v2;
	v27 =	vperm.xlane v21, v3;
	[tilespmem:s16+$0x70] =	vst v23;
	s16 =	smov.u32 s15;
	s15 =	sadd.s32 $0x140, s15  }
0x87: {  	s17 =	sadd.s32 $0x4, s17;
	v23 =	vld [tilespmem:s15+$0x90];
	[tilespmem:s16+$0x90] =	vst v21;
	v32 =	vmul.f32 v22, v24;
	v22 =	vpop (erf)  }
0x88: {  	p0 =	slt.u32 s17, $0x7C;
	v24 =	vld [tilespmem:s15+$0xFFFFFFA0];
	[tilespmem:s16+$0xFFFFFFF0] =	vst v22;
	v28 =	vperm.xlane v22, v1;
	v29 =	vperm.xlane v22, v2  }
0x89: {  	v31 =	vperm.xlane v22, v3;
	v22 =	vperm.xlane v22, v4;
	v30 =	vld [tilespmem:s18+$0xFFFFFFF0];
	[tilespmem:s16+$0x80] =	vst v32;
	v21 =	vpop (erf)  }
0x8a: {  	v32 =	vld [tilespmem:s15+$0xFFFFFFF0];
	[tilespmem:s16+$0x40] =	vst v21;
	v33 =	vperm.xlane v21, v1;
	v34 =	vperm.xlane v21, v2;
	v35 =	vpop (erf)  }
0x8b: {  	v36 =	vld [tilespmem:s18+$0x0];
	[tilespmem:s16+$0xFFFFFFA0] =	vst v35;
	v37 =	vperm.xlane v35, v1;
	v38 =	vperm.xlane v35, v2  }
0x8c: {  	v39 =	vld [tilespmem:s15+$0x40];
	v23 =	vadd.f32 v23, v25;
	v25 =	vperm.xlane v35, v3;
	v35 =	vperm.xlane v35, v4  }
0x8d: {  	v41 =	vperm.xlane v21, v3;
	v21 =	vperm.xlane v21, v4;
	v40 =	vld [tilespmem:s18+$0xFFFFFFE0]  }
0x8e: {  	v37 =	vmul.f32 v5, v37;
	v42 =	vmul.f32 $2.000000030e-01, v23;
	v5 =	vld [tilespmem:s15+$0xFFFFFF60]  }
0x8f: {  	v25 =	vmul.f32 v7, v25;
	v30 =	vadd.f32 v32, v30;
	v32 =	vmul.f32 v6, v38;
	v6 =	vld [tilespmem:s15+$0xFFFFFF70]  }
0x90: {  	v28 =	vmul.f32 v12, v28;
	v35 =	vmul.f32 v8, v35;
	v7 =	vld [tilespmem:s15+$0xFFFFFF80];
	v23 =	vmax.f32 v23, v42;
	[tilespmem:s16+$0xFFFFFF60] =	vst v37  }
0x91: {  	v8 =	vld [tilespmem:s15+$0xFFFFFF90];
	v37 =	vmul.f32 $2.000000030e-01, v30;
	v36 =	vadd.f32 v39, v36;
	v23 =	vmul.f32 $1.442695020e+00, v23;
	[tilespmem:s16+$0xFFFFFF70] =	vst v32  }
0x92: {  	v24 =	vadd.f32 v24, v40;
	v12 =	vld [tilespmem:s15+$0xFFFFFFB0];
	[tilespmem:s16+$0xFFFFFF80] =	vst v25;
	v25 =	vmul.f32 v10, v29;
	v29 =	vmul.f32 v16, v31  }
0x93: {  	v16 =	vmax.f32 v30, v37;
	v10 =	vld [tilespmem:s15+$0xFFFFFFC0];
	v30 =	vmul.f32 $2.000000030e-01, v36;
	(erf) = vpow2.f32 v23;
	[tilespmem:s16+$0xFFFFFF90] =	vst v35  }
0x94: {  	v23 =	vmul.f32 $2.000000030e-01, v24;
	v31 =	vmul.f32 $1.442695020e+00, v16;
	v16 =	vld [tilespmem:s15+$0xFFFFFFD0];
	[tilespmem:s16+$0xFFFFFFB0] =	vst v28  }
0x95: {  	v22 =	vmul.f32 v9, v22;
	v28 =	vmax.f32 v36, v30;
	[tilespmem:s16+$0xFFFFFFC0] =	vst v25;
	v9 =	vld [tilespmem:s15+$0xFFFFFFE0];
	v25 =	vmul.f32 v14, v33  }
0x96: {  	v23 =	vmax.f32 v24, v23;
	v24 =	vmul.f32 $1.442695020e+00, v28;
	v14 =	vld [tilespmem:s15+$0x0];
	(erf) = vpow2.f32 v31;
	[tilespmem:s16+$0xFFFFFFD0] =	vst v29  }
0x97: {  	v23 =	vmul.f32 $1.442695020e+00, v23;
	[tilespmem:s16+$0xFFFFFFE0] =	vst v22;
	v22 =	vmul.f32 v11, v34;
	v11 =	vld [tilespmem:s15+$0x10]  }
0x98: {  	(erf) = vpow2.f32 v24;
	[tilespmem:s16+$0x0] =	vst v25;
	v24 =	vmul.f32 v13, v41;
	v13 =	vld [tilespmem:s15+$0x20]  }
.Ltmp1:
0x99: {  	v28 =	vmul.f32 v15, v21;
	(erf) = vpow2.f32 v23;
	[tilespmem:s16+$0x10] =	vst v22;
	v15 =	vld [tilespmem:s15+$0x30];
	(pc) =	sbr.rel @p0 .LBB2_5-.Ltmp1, $4  }
0x9a: {  	v20 =	vmul.f32 v17, v20;
	v25 =	vmul.f32 v18, v26;
	v22 =	vld [tilespmem:s15+$0x80];
	[tilespmem:s16+$0x20] =	vst v24  }
0x9b: {  	v23 =	vmul.f32 v19, v27;
	v17 =	vld [tilespmem:s15+$0x50];
	[tilespmem:s16+$0x30] =	vst v28  }
0x9c: {  	v18 =	vld [tilespmem:s15+$0x60];
	v21 =	vpop (erf);
	[tilespmem:s16+$0x50] =	vst v20  }
0x9d: {  	s18 =	sadd.s32 $0x40, s18;
	v20 =	vperm.xlane v21, v1;
	v19 =	vld [tilespmem:s15+$0x70];
	v24 =	vperm.xlane v21, v4;
	[tilespmem:s16+$0x60] =	vst v25  }
0x9e: {  	_ =	sdelay $0x1  }
0x9f: {  	v25 =	vpop (erf)  }
0xa0: {  	[tilespmem:s16+$0x70] =	vst v23;
	v23 =	vpop (erf)  }
0xa1: {  	[tilespmem:s15+$0x90] =	vst v21;
	v22 =	vmul.f32 v22, v24;
	v24 =	vpop (erf)  }
0xa2: {  	[tilespmem:s15+$0xFFFFFFF0] =	vst v25;
	v26 =	vperm.xlane v24, v1  }
0xa3: {  	[tilespmem:s15+$0x80] =	vst v22;
	v22 =	vperm.xlane v24, v2;
	v27 =	vperm.xlane v24, v3  }
0xa4: {  	[tilespmem:s15+$0xFFFFFFA0] =	vst v24;
	v24 =	vperm.xlane v24, v4;
	v5 =	vmul.f32 v5, v26  }
0xa5: {  	[tilespmem:s15+$0x40] =	vst v23;
	v6 =	vmul.f32 v6, v22  }
0xa6: {  	v22 =	vperm.xlane v25, v1;
	v8 =	vmul.f32 v8, v24;
	[tilespmem:s15+$0xFFFFFF60] =	vst v5  }
0xa7: {  	v7 =	vmul.f32 v7, v27;
	v5 =	vperm.xlane v25, v2;
	[tilespmem:s15+$0xFFFFFF70] =	vst v6  }
0xa8: {  	v12 =	vmul.f32 v12, v22;
	[tilespmem:s15+$0xFFFFFF90] =	vst v8;
	v8 =	vperm.xlane v23, v1  }
0xa9: {  	[tilespmem:s15+$0xFFFFFF80] =	vst v7;
	v7 =	vperm.xlane v25, v4;
	v5 =	vmul.f32 v10, v5  }
0xaa: {  	v6 =	vperm.xlane v25, v3;
	[tilespmem:s15+$0xFFFFFFB0] =	vst v12;
	v8 =	vmul.f32 v14, v8  }
0xab: {  	v10 =	vperm.xlane v23, v2;
	[tilespmem:s15+$0xFFFFFFC0] =	vst v5;
	v5 =	vmul.f32 v9, v7  }
0xac: {  	v6 =	vmul.f32 v16, v6;
	v7 =	vperm.xlane v23, v3;
	[tilespmem:s15+$0x0] =	vst v8  }
0xad: {  	v8 =	vperm.xlane v21, v2;
	[tilespmem:s15+$0xFFFFFFE0] =	vst v5;
	v5 =	vmul.f32 v11, v10  }
0xae: {  	[tilespmem:s15+$0xFFFFFFD0] =	vst v6;
	v6 =	vperm.xlane v23, v4;
	v7 =	vmul.f32 v13, v7  }
0xaf: {  	v8 =	vmul.f32 v18, v8;
	[tilespmem:s15+$0x10] =	vst v5  }
0xb0: {  	v5 =	vmul.f32 v15, v6;
	v6 =	vperm.xlane v21, v3;
	[tilespmem:s15+$0x20] =	vst v7  }
0xb1: {  	s19 =	smul.u32 $0xC00, s23;
	v7 =	vmul.f32 v17, v20;
	[tilespmem:s15+$0x60] =	vst v8  }
0xb2: {  	[tilespmem:s15+$0x30] =	vst v5;
	v5 =	vmul.f32 v19, v6  }
0xb3: {  	s16 =	sshra.s32 s19, $0x2;
	[tilespmem:s15+$0x50] =	vst v7  }
0xb4: {  	s17 =	sor.u32 $0x80, s16;
	[tilespmem:s15+$0x70] =	vst v5;
	s15 =	sadd.s32 $0x2, s6  }
0xb5: {  	[spmem:s3] =	stream.indirect.scatter.add.f32 [tilespmem:s21], [sflag:$0x4], $0x50, s17, s22, $0xb8;
	[tilespmem:$0x1B800] =	vst v63  }
0xb6: {  	p0 =	sge.u32 s15, s9  }
0xb7: {  	p1 =	seq.s32 @!p0 s23, $0x0  }
0xb8: {  	p1 =	por p1, p0  }
0xb9: {  	s16 =	simm.s32 @!p1 $0x6  }
0xba: {  	_ =	swait.ge @!p1 [sflag:s16], $0x2800  }
0xbb: {  	[sflag:s16] =	ssyncset.done @!p1 $0x0  }
0xbc: {  	[sflag:s16] =	ssyncadd.s32 @!p1 $0xFFFFD800;
	s16 =	sshll.u32 @!p0 s15, $0x8  }
0xbd: {  	s17 =	simm.s32 @!p0 $0x80;
	s18 =	simm.s32 @!p0 $0xB000;
	s16 =	sand.u32 @!p0 $0x3FFFFF00, s16  }
0xbe: {  	[tilespmem:s18], [sflag:$0x3] =	stream.indirect.gather @!p0 [hbm4b:s5+s17], $0x50, s16, s17, $0xb8;
	[tilespmem:$0x1B800] =	vst v63  }
0xbf: {  	s16 =	sor.u32 @!p0 $0x80, s16;
	s18 =	simm.s32 @!p0 $0xE800  }
0xc0: {  	[tilespmem:s18], [sflag:$0x3] =	stream.indirect.gather @!p0 [hbm4b:s2+s17], $0x10, s16, s17, $0xb8;
	[tilespmem:$0x1B800] =	vst v63  }
0xc1: {  	_ =	swait.ge [sflag:s25], $0x2800  }
0xc2: {  	[sflag:s25] =	ssyncset.done $0x0  }
0xc3: {  	[sflag:s25] =	ssyncadd.s32 $0xFFFFD800  }
0xc4: {  	_ =	swait.ge [sflag:s25], $0x800  }
0xc5: {  	[sflag:s25] =	ssyncset.done $0x0  }
0xc6: {  	s18 =	simm.s32 $0xE020;
	[sflag:s25] =	ssyncadd.s32 $0xFFFFF800  }
0xc7: {  	s17 =	simm.s32 $0x88A0;
	v5 =	vld [tilespmem:s18+$0x10]  }
0xc8: {  	v6 =	vld [tilespmem:s17+$0x90]  }
0xc9: {  	v8 =	vld [tilespmem:s18+$0xFFFFFFF0]  }
0xca: {  	v9 =	vld [tilespmem:s17+$0xFFFFFFF0]  }
0xcb: {  	v7 =	vld [tilespmem:s17+$0xFFFFFFA0]  }
0xcc: {  	v10 =	vld [tilespmem:s18+$0x0]  }
0xcd: {  	v11 =	vld [tilespmem:s17+$0x40]  }
0xce: {  	v5 =	vadd.f32 v6, v5;
	v6 =	vld [tilespmem:s18+$0xFFFFFFE0]  }
0xcf: {  	v8 =	vadd.f32 v9, v8  }
0xd0: {  	v12 =	vld [tilespmem:s17+$0xFFFFFF60];
	v13 =	vmul.f32 $2.000000030e-01, v5  }
0xd1: {  	v14 =	vld [tilespmem:s17+$0xFFFFFF70];
	v15 =	vmul.f32 $2.000000030e-01, v8  }
0xd2: {  	v16 =	vld [tilespmem:s17+$0xFFFFFFC0];
	v10 =	vadd.f32 v11, v10;
	v5 =	vmax.f32 v5, v13  }
0xd3: {  	v17 =	vld [tilespmem:s17+$0xFFFFFFE0];
	v5 =	vmul.f32 $1.442695020e+00, v5;
	v6 =	vadd.f32 v7, v6;
	v7 =	vmax.f32 v8, v15  }
0xd4: {  	s16 =	simm.s32 $0x89E0;
	v18 =	vld [tilespmem:s17+$0x0];
	v8 =	vmul.f32 $2.000000030e-01, v10;
	v7 =	vmul.f32 $1.442695020e+00, v7  }
0xd5: {  	s19 =	simm.s32 $0xE060;
	v29 =	vld [tilespmem:s16+$0xFFFFFFA0];
	(erf) = vpow2.f32 v5;
	v5 =	vmul.f32 $2.000000030e-01, v6  }
0xd6: {  	v41 =	vld [tilespmem:s19+$0xFFFFFFE0];
	v8 =	vmax.f32 v10, v8  }
0xd7: {  	v10 =	vld [tilespmem:s16+$0x90];
	(erf) = vpow2.f32 v7;
	v5 =	vmax.f32 v6, v5;
	v6 =	vmul.f32 $1.442695020e+00, v8  }
0xd8: {  	v7 =	vld [tilespmem:s19+$0x10];
	v5 =	vmul.f32 $1.442695020e+00, v5  }
0xd9: {  	v19 =	vld [tilespmem:s17+$0x10];
	(erf) = vpow2.f32 v6  }
0xda: {  	v20 =	vld [tilespmem:s17+$0x20];
	(erf) = vpow2.f32 v5  }
0xdb: {  	v21 =	vld [tilespmem:s17+$0x30]  }
0xdc: {  	v23 =	vld [tilespmem:s17+$0x50];
	v29 =	vadd.f32 v29, v41  }
0xdd: {  	v24 =	vld [tilespmem:s17+$0x60];
	v10 =	vadd.f32 v10, v7  }
0xde: {  	v63 =	vmul.f32 $2.000000030e-01, v29;
	v5 =	vld [tilespmem:s17+$0x80];
	v6 =	vpop (erf)  }
0xdf: {  	v25 =	vld [tilespmem:s17+$0x70];
	v42 =	vmul.f32 $2.000000030e-01, v10;
	v26 =	vperm.xlane v6, v1  }
0xe0: {  	v11 =	vld [tilespmem:s17+$0xFFFFFFB0];
	v8 =	vperm.xlane v6, v4;
	v27 =	vperm.xlane v6, v2;
	v22 =	vpop (erf)  }
0xe1: {  	v31 =	vld [tilespmem:s19+$0xFFFFFFF0];
	v28 =	vperm.xlane v6, v3;
	v30 =	vperm.xlane v22, v1  }
0xe2: {  	v35 =	vld [tilespmem:s16+$0xFFFFFFF0];
	v32 =	vperm.xlane v22, v2;
	v33 =	vperm.xlane v22, v3;
	v34 =	vpop (erf)  }
0xe3: {  	v38 =	vld [tilespmem:s19+$0x0];
	[tilespmem:s17+$0x90] =	vst v6;
	v10 =	vmax.f32 v10, v42;
	v36 =	vperm.xlane v22, v4;
	v5 =	vmul.f32 v5, v8;
	v6 =	vpop (erf)  }
0xe4: {  	v13 =	vld [tilespmem:s17+$0xFFFFFF90];
	[tilespmem:s17+$0xFFFFFFF0] =	vst v22;
	v60 =	vmul.f32 $1.442695020e+00, v10;
	v8 =	vperm.xlane v6, v1  }
0xe5: {  	v15 =	vld [tilespmem:s17+$0xFFFFFFD0];
	v11 =	vmul.f32 v11, v30;
	[tilespmem:s17+$0x80] =	vst v5;
	v7 =	vperm.xlane v6, v2  }
0xe6: {  	v39 =	vld [tilespmem:s16+$0x40];
	v62 =	vmul.f32 v16, v32;
	[tilespmem:s17+$0x40] =	vst v34;
	v8 =	vmul.f32 v12, v8  }
0xe7: {  	v9 =	vld [tilespmem:s17+$0xFFFFFF80];
	[tilespmem:s17+$0xFFFFFFA0] =	vst v6;
	v12 =	vperm.xlane v6, v4;
	v14 =	vmul.f32 v14, v7  }
0xe8: {  	v10 =	vld [tilespmem:s16+$0xFFFFFFC0];
	v17 =	vmul.f32 v17, v36;
	v37 =	vperm.xlane v34, v1;
	[tilespmem:s17+$0xFFFFFFB0] =	vst v11  }
0xe9: {  	v16 =	vld [tilespmem:s16+$0xFFFFFFD0];
	v22 =	vperm.xlane v34, v2;
	v13 =	vmul.f32 v13, v12;
	[tilespmem:s17+$0xFFFFFF70] =	vst v14;
	v14 =	vadd.f32 v35, v31  }
0xea: {  	v15 =	vmul.f32 v15, v33;
	v5 =	vld [tilespmem:s16+$0xFFFFFF60];
	[tilespmem:s17+$0xFFFFFFE0] =	vst v17;
	v18 =	vmul.f32 v18, v37  }
0xeb: {  	v61 =	vadd.f32 v39, v38;
	v17 =	vmul.f32 v19, v22;
	v22 =	vld [tilespmem:s16+$0x80];
	[tilespmem:s17+$0xFFFFFF90] =	vst v13;
	v13 =	vmul.f32 $2.000000030e-01, v14  }
0xec: {  	v43 =	vperm.xlane v34, v3;
	v40 =	vperm.xlane v6, v3;
	[tilespmem:s17+$0xFFFFFFD0] =	vst v15;
	v6 =	vld [tilespmem:s16+$0xFFFFFF70]  }
0xed: {  	(erf) = vpow2.f32 v60;
	v11 =	vmul.f32 $2.000000030e-01, v61;
	v7 =	vld [tilespmem:s16+$0xFFFFFF80];
	[tilespmem:s17+$0x0] =	vst v18;
	v13 =	vmax.f32 v14, v13  }
0xee: {  	v34 =	vperm.xlane v34, v4;
	[tilespmem:s17+$0x10] =	vst v17;
	v17 =	vld [tilespmem:s16+$0x50];
	v15 =	vmul.f32 $1.442695020e+00, v13  }
0xef: {  	v9 =	vmul.f32 v9, v40;
	v18 =	vmul.f32 v20, v43;
	[tilespmem:s17+$0xFFFFFF60] =	vst v8;
	v8 =	vld [tilespmem:s16+$0xFFFFFF90];
	v13 =	vmax.f32 v61, v11  }
0xf0: {  	v20 =	vmax.f32 v29, v63;
	v12 =	vld [tilespmem:s16+$0xFFFFFFB0];
	v19 =	vmul.f32 $1.442695020e+00, v13;
	(erf) = vpow2.f32 v15  }
0xf1: {  	v26 =	vmul.f32 v23, v26;
	[tilespmem:s17+$0xFFFFFF80] =	vst v9;
	v9 =	vld [tilespmem:s16+$0xFFFFFFE0];
	v20 =	vmul.f32 $1.442695020e+00, v20  }
0xf2: {  	v21 =	vmul.f32 v21, v34;
	[tilespmem:s17+$0x20] =	vst v18;
	v18 =	vld [tilespmem:s16+$0x60];
	(erf) = vpow2.f32 v19  }
0xf3: {  	v27 =	vmul.f32 v24, v27;
	v14 =	vld [tilespmem:s16+$0x0];
	(erf) = vpow2.f32 v20  }
0xf4: {  	[tilespmem:s17+$0x50] =	vst v26;
	v11 =	vld [tilespmem:s16+$0x10]  }
0xf5: {  	[tilespmem:s17+$0x60] =	vst v27;
	v13 =	vld [tilespmem:s16+$0x20]  }
0xf6: {  	v23 =	vmul.f32 v25, v28;
	[tilespmem:s17+$0x30] =	vst v21;
	v21 =	vpop (erf);
	v15 =	vld [tilespmem:s16+$0x30]  }
0xf7: {  	s18 =	simm.s32 $0x4;
	s19 =	simm.s32 $0xE0A0;
	[tilespmem:s17+$0xFFFFFFC0] =	vst v62;
	v24 =	vperm.xlane v21, v4;
	v19 =	vld [tilespmem:s16+$0x70];
	v20 =	vperm.xlane v21, v1  }
.LBB2_7:
0xf8: {  	v25 =	vld [tilespmem:s19+$0x10];
	v26 =	vperm.xlane v21, v2;
	v27 =	vperm.xlane v21, v3;
	[tilespmem:s17+$0x70] =	vst v23;
	s17 =	smov.u32 s16;
	s16 =	sadd.s32 $0x140, s16  }
0xf9: {  	s18 =	sadd.s32 $0x4, s18;
	v23 =	vld [tilespmem:s16+$0x90];
	[tilespmem:s17+$0x90] =	vst v21;
	v32 =	vmul.f32 v22, v24;
	v22 =	vpop (erf)  }
0xfa: {  	p0 =	slt.u32 s18, $0x7C;
	v24 =	vld [tilespmem:s16+$0xFFFFFFA0];
	[tilespmem:s17+$0xFFFFFFF0] =	vst v22;
	v28 =	vperm.xlane v22, v1;
	v29 =	vperm.xlane v22, v2  }
0xfb: {  	v31 =	vperm.xlane v22, v3;
	v22 =	vperm.xlane v22, v4;
	v30 =	vld [tilespmem:s19+$0xFFFFFFF0];
	[tilespmem:s17+$0x80] =	vst v32;
	v21 =	vpop (erf)  }
0xfc: {  	v32 =	vld [tilespmem:s16+$0xFFFFFFF0];
	[tilespmem:s17+$0x40] =	vst v21;
	v33 =	vperm.xlane v21, v1;
	v34 =	vperm.xlane v21, v2;
	v35 =	vpop (erf)  }
0xfd: {  	v36 =	vld [tilespmem:s19+$0x0];
	[tilespmem:s17+$0xFFFFFFA0] =	vst v35;
	v37 =	vperm.xlane v35, v1;
	v38 =	vperm.xlane v35, v2  }
0xfe: {  	v39 =	vld [tilespmem:s16+$0x40];
	v23 =	vadd.f32 v23, v25;
	v25 =	vperm.xlane v35, v3;
	v35 =	vperm.xlane v35, v4  }
0xff: {  	v41 =	vperm.xlane v21, v3;
	v21 =	vperm.xlane v21, v4;
	v40 =	vld [tilespmem:s19+$0xFFFFFFE0]  }
0x100: {  	v37 =	vmul.f32 v5, v37;
	v42 =	vmul.f32 $2.000000030e-01, v23;
	v5 =	vld [tilespmem:s16+$0xFFFFFF60]  }
0x101: {  	v25 =	vmul.f32 v7, v25;
	v30 =	vadd.f32 v32, v30;
	v32 =	vmul.f32 v6, v38;
	v6 =	vld [tilespmem:s16+$0xFFFFFF70]  }
0x102: {  	v28 =	vmul.f32 v12, v28;
	v35 =	vmul.f32 v8, v35;
	v7 =	vld [tilespmem:s16+$0xFFFFFF80];
	v23 =	vmax.f32 v23, v42;
	[tilespmem:s17+$0xFFFFFF60] =	vst v37  }
0x103: {  	v8 =	vld [tilespmem:s16+$0xFFFFFF90];
	v37 =	vmul.f32 $2.000000030e-01, v30;
	v36 =	vadd.f32 v39, v36;
	v23 =	vmul.f32 $1.442695020e+00, v23;
	[tilespmem:s17+$0xFFFFFF70] =	vst v32  }
0x104: {  	v24 =	vadd.f32 v24, v40;
	v12 =	vld [tilespmem:s16+$0xFFFFFFB0];
	[tilespmem:s17+$0xFFFFFF80] =	vst v25;
	v25 =	vmul.f32 v10, v29;
	v29 =	vmul.f32 v16, v31  }
0x105: {  	v16 =	vmax.f32 v30, v37;
	v10 =	vld [tilespmem:s16+$0xFFFFFFC0];
	v30 =	vmul.f32 $2.000000030e-01, v36;
	(erf) = vpow2.f32 v23;
	[tilespmem:s17+$0xFFFFFF90] =	vst v35  }
0x106: {  	v23 =	vmul.f32 $2.000000030e-01, v24;
	v31 =	vmul.f32 $1.442695020e+00, v16;
	v16 =	vld [tilespmem:s16+$0xFFFFFFD0];
	[tilespmem:s17+$0xFFFFFFB0] =	vst v28  }
0x107: {  	v22 =	vmul.f32 v9, v22;
	v28 =	vmax.f32 v36, v30;
	[tilespmem:s17+$0xFFFFFFC0] =	vst v25;
	v9 =	vld [tilespmem:s16+$0xFFFFFFE0];
	v25 =	vmul.f32 v14, v33  }
0x108: {  	v23 =	vmax.f32 v24, v23;
	v24 =	vmul.f32 $1.442695020e+00, v28;
	v14 =	vld [tilespmem:s16+$0x0];
	(erf) = vpow2.f32 v31;
	[tilespmem:s17+$0xFFFFFFD0] =	vst v29  }
0x109: {  	v23 =	vmul.f32 $1.442695020e+00, v23;
	[tilespmem:s17+$0xFFFFFFE0] =	vst v22;
	v22 =	vmul.f32 v11, v34;
	v11 =	vld [tilespmem:s16+$0x10]  }
0x10a: {  	(erf) = vpow2.f32 v24;
	[tilespmem:s17+$0x0] =	vst v25;
	v24 =	vmul.f32 v13, v41;
	v13 =	vld [tilespmem:s16+$0x20]  }
.Ltmp2:
0x10b: {  	v28 =	vmul.f32 v15, v21;
	(erf) = vpow2.f32 v23;
	[tilespmem:s17+$0x10] =	vst v22;
	v15 =	vld [tilespmem:s16+$0x30];
	(pc) =	sbr.rel @p0 .LBB2_7-.Ltmp2, $4  }
0x10c: {  	v20 =	vmul.f32 v17, v20;
	v25 =	vmul.f32 v18, v26;
	v22 =	vld [tilespmem:s16+$0x80];
	[tilespmem:s17+$0x20] =	vst v24  }
0x10d: {  	v23 =	vmul.f32 v19, v27;
	v17 =	vld [tilespmem:s16+$0x50];
	[tilespmem:s17+$0x30] =	vst v28  }
0x10e: {  	v18 =	vld [tilespmem:s16+$0x60];
	v21 =	vpop (erf);
	[tilespmem:s17+$0x50] =	vst v20  }
0x10f: {  	s19 =	sadd.s32 $0x40, s19;
	v20 =	vperm.xlane v21, v1;
	v19 =	vld [tilespmem:s16+$0x70];
	v24 =	vperm.xlane v21, v4;
	[tilespmem:s17+$0x60] =	vst v25  }
0x110: {  	_ =	sdelay $0x1  }
0x111: {  	v25 =	vpop (erf)  }
0x112: {  	[tilespmem:s17+$0x70] =	vst v23;
	v23 =	vpop (erf)  }
0x113: {  	[tilespmem:s16+$0x90] =	vst v21;
	v22 =	vmul.f32 v22, v24;
	v24 =	vpop (erf)  }
0x114: {  	[tilespmem:s16+$0xFFFFFFF0] =	vst v25;
	v26 =	vperm.xlane v24, v1  }
0x115: {  	[tilespmem:s16+$0x80] =	vst v22;
	v22 =	vperm.xlane v24, v2;
	v27 =	vperm.xlane v24, v3  }
0x116: {  	[tilespmem:s16+$0xFFFFFFA0] =	vst v24;
	v24 =	vperm.xlane v24, v4;
	v5 =	vmul.f32 v5, v26  }
0x117: {  	[tilespmem:s16+$0x40] =	vst v23;
	v6 =	vmul.f32 v6, v22  }
0x118: {  	v22 =	vperm.xlane v25, v1;
	v8 =	vmul.f32 v8, v24;
	[tilespmem:s16+$0xFFFFFF60] =	vst v5  }
0x119: {  	v7 =	vmul.f32 v7, v27;
	v5 =	vperm.xlane v25, v2;
	[tilespmem:s16+$0xFFFFFF70] =	vst v6  }
0x11a: {  	v12 =	vmul.f32 v12, v22;
	[tilespmem:s16+$0xFFFFFF90] =	vst v8;
	v8 =	vperm.xlane v23, v1  }
0x11b: {  	[tilespmem:s16+$0xFFFFFF80] =	vst v7;
	v7 =	vperm.xlane v25, v4;
	v5 =	vmul.f32 v10, v5  }
0x11c: {  	v6 =	vperm.xlane v25, v3;
	[tilespmem:s16+$0xFFFFFFB0] =	vst v12;
	v8 =	vmul.f32 v14, v8  }
0x11d: {  	v10 =	vperm.xlane v23, v2;
	[tilespmem:s16+$0xFFFFFFC0] =	vst v5;
	v5 =	vmul.f32 v9, v7  }
0x11e: {  	v6 =	vmul.f32 v16, v6;
	v7 =	vperm.xlane v23, v3;
	[tilespmem:s16+$0x0] =	vst v8  }
0x11f: {  	v8 =	vperm.xlane v21, v2;
	[tilespmem:s16+$0xFFFFFFE0] =	vst v5;
	v5 =	vmul.f32 v11, v10  }
0x120: {  	[tilespmem:s16+$0xFFFFFFD0] =	vst v6;
	v6 =	vperm.xlane v23, v4;
	v7 =	vmul.f32 v13, v7  }
0x121: {  	v8 =	vmul.f32 v18, v8;
	[tilespmem:s16+$0x10] =	vst v5  }
0x122: {  	v5 =	vmul.f32 v15, v6;
	v6 =	vperm.xlane v21, v3;
	[tilespmem:s16+$0x20] =	vst v7  }
0x123: {  	v7 =	vmul.f32 v17, v20;
	[tilespmem:s16+$0x60] =	vst v8  }
0x124: {  	s14 =	sshll.u32 s14, $0xA;
	[tilespmem:s16+$0x30] =	vst v5;
	v5 =	vmul.f32 v19, v6  }
0x125: {  	s6 =	sadd.s32 $0x3, s6;
	s14 =	sshra.s32 s14, $0x2;
	[tilespmem:s16+$0x50] =	vst v7  }
0x126: {  	p0 =	sge.u32 s6, s9;
	s14 =	sor.u32 $0x80, s14;
	[tilespmem:s16+$0x70] =	vst v5  }
0x127: {  	[spmem:s3] =	stream.indirect.scatter.add.f32 [tilespmem:s26], [sflag:$0x5], $0x50, s14, s22, $0xb8;
	[tilespmem:$0x1B800] =	vst v63  }
0x128: {  	s14 =	simm.s32 @!p0 $0x4  }
0x129: {  	s6 =	sshll.u32 @!p0 s6, $0x8;
	_ =	swait.ge @!p0 [sflag:s14], $0x2800  }
0x12a: {  	s6 =	sand.u32 @!p0 $0x3FFFFF00, s6;
	[sflag:s14] =	ssyncset.done @!p0 $0x0  }
0x12b: {  	s16 =	simm.s32 @!p0 $0x6000;
	[sflag:s14] =	ssyncadd.s32 @!p0 $0xFFFFD800;
	s14 =	simm.s32 @!p0 $0x80  }
0x12c: {  	[tilespmem:s16], [sflag:$0x1] =	stream.indirect.gather @!p0 [hbm4b:s5+s14], $0x50, s6, s14, $0xb8;
	[tilespmem:$0x1B800] =	vst v63  }
0x12d: {  	s6 =	sor.u32 @!p0 $0x80, s6;
	s16 =	simm.s32 @!p0 $0xD800  }
0x12e: {  	[tilespmem:s16], [sflag:$0x1] =	stream.indirect.gather @!p0 [hbm4b:s2+s14], $0x10, s6, s14, $0xb8;
	[tilespmem:$0x1B800] =	vst v63  }
0x12f: {  	_ =	swait.ge [sflag:s28], $0x2800  }
0x130: {  	[sflag:s28] =	ssyncset.done $0x0  }
0x131: {  	[sflag:s28] =	ssyncadd.s32 $0xFFFFD800  }
0x132: {  	_ =	swait.ge [sflag:s28], $0x800  }
0x133: {  	[sflag:s28] =	ssyncset.done $0x0  }
0x134: {  	s18 =	simm.s32 $0xE820;
	[sflag:s28] =	ssyncadd.s32 $0xFFFFF800  }
0x135: {  	s14 =	simm.s32 $0xB0A0;
	v5 =	vld [tilespmem:s18+$0x10]  }
0x136: {  	v6 =	vld [tilespmem:s14+$0x90]  }
0x137: {  	v8 =	vld [tilespmem:s18+$0xFFFFFFF0]  }
0x138: {  	v9 =	vld [tilespmem:s14+$0xFFFFFFF0]  }
0x139: {  	v7 =	vld [tilespmem:s14+$0xFFFFFFA0]  }
0x13a: {  	v10 =	vld [tilespmem:s18+$0x0]  }
0x13b: {  	v11 =	vld [tilespmem:s14+$0x40]  }
0x13c: {  	v5 =	vadd.f32 v6, v5;
	v6 =	vld [tilespmem:s18+$0xFFFFFFE0]  }
0x13d: {  	v8 =	vadd.f32 v9, v8  }
0x13e: {  	v12 =	vld [tilespmem:s14+$0xFFFFFF60];
	v13 =	vmul.f32 $2.000000030e-01, v5  }
0x13f: {  	v14 =	vld [tilespmem:s14+$0xFFFFFF70];
	v15 =	vmul.f32 $2.000000030e-01, v8  }
0x140: {  	v16 =	vld [tilespmem:s14+$0xFFFFFFC0];
	v10 =	vadd.f32 v11, v10;
	v5 =	vmax.f32 v5, v13  }
0x141: {  	v17 =	vld [tilespmem:s14+$0xFFFFFFE0];
	v5 =	vmul.f32 $1.442695020e+00, v5;
	v6 =	vadd.f32 v7, v6;
	v7 =	vmax.f32 v8, v15  }
0x142: {  	s6 =	simm.s32 $0xB1E0;
	v18 =	vld [tilespmem:s14+$0x0];
	v8 =	vmul.f32 $2.000000030e-01, v10;
	v7 =	vmul.f32 $1.442695020e+00, v7  }
0x143: {  	s19 =	simm.s32 $0xE860;
	v29 =	vld [tilespmem:s6+$0xFFFFFFA0];
	(erf) = vpow2.f32 v5;
	v5 =	vmul.f32 $2.000000030e-01, v6  }
0x144: {  	v41 =	vld [tilespmem:s19+$0xFFFFFFE0];
	v8 =	vmax.f32 v10, v8  }
0x145: {  	v10 =	vld [tilespmem:s6+$0x90];
	(erf) = vpow2.f32 v7;
	v5 =	vmax.f32 v6, v5;
	v6 =	vmul.f32 $1.442695020e+00, v8  }
0x146: {  	v7 =	vld [tilespmem:s19+$0x10];
	v5 =	vmul.f32 $1.442695020e+00, v5  }
0x147: {  	v19 =	vld [tilespmem:s14+$0x10];
	(erf) = vpow2.f32 v6  }
0x148: {  	v20 =	vld [tilespmem:s14+$0x20];
	(erf) = vpow2.f32 v5  }
0x149: {  	v21 =	vld [tilespmem:s14+$0x30]  }
0x14a: {  	v23 =	vld [tilespmem:s14+$0x50];
	v29 =	vadd.f32 v29, v41  }
0x14b: {  	v24 =	vld [tilespmem:s14+$0x60];
	v10 =	vadd.f32 v10, v7  }
0x14c: {  	v63 =	vmul.f32 $2.000000030e-01, v29;
	v5 =	vld [tilespmem:s14+$0x80];
	v6 =	vpop (erf)  }
0x14d: {  	v25 =	vld [tilespmem:s14+$0x70];
	v42 =	vmul.f32 $2.000000030e-01, v10;
	v26 =	vperm.xlane v6, v1  }
0x14e: {  	v11 =	vld [tilespmem:s14+$0xFFFFFFB0];
	v8 =	vperm.xlane v6, v4;
	v27 =	vperm.xlane v6, v2;
	v22 =	vpop (erf)  }
0x14f: {  	v31 =	vld [tilespmem:s19+$0xFFFFFFF0];
	v28 =	vperm.xlane v6, v3;
	v30 =	vperm.xlane v22, v1  }
0x150: {  	v35 =	vld [tilespmem:s6+$0xFFFFFFF0];
	v32 =	vperm.xlane v22, v2;
	v33 =	vperm.xlane v22, v3;
	v34 =	vpop (erf)  }
0x151: {  	v38 =	vld [tilespmem:s19+$0x0];
	[tilespmem:s14+$0x90] =	vst v6;
	v10 =	vmax.f32 v10, v42;
	v36 =	vperm.xlane v22, v4;
	v5 =	vmul.f32 v5, v8;
	v6 =	vpop (erf)  }
0x152: {  	v13 =	vld [tilespmem:s14+$0xFFFFFF90];
	[tilespmem:s14+$0xFFFFFFF0] =	vst v22;
	v60 =	vmul.f32 $1.442695020e+00, v10;
	v8 =	vperm.xlane v6, v1  }
0x153: {  	v15 =	vld [tilespmem:s14+$0xFFFFFFD0];
	v11 =	vmul.f32 v11, v30;
	[tilespmem:s14+$0x80] =	vst v5;
	v7 =	vperm.xlane v6, v2  }
0x154: {  	v39 =	vld [tilespmem:s6+$0x40];
	v62 =	vmul.f32 v16, v32;
	[tilespmem:s14+$0x40] =	vst v34;
	v8 =	vmul.f32 v12, v8  }
0x155: {  	v9 =	vld [tilespmem:s14+$0xFFFFFF80];
	[tilespmem:s14+$0xFFFFFFA0] =	vst v6;
	v12 =	vperm.xlane v6, v4;
	v14 =	vmul.f32 v14, v7  }
0x156: {  	v10 =	vld [tilespmem:s6+$0xFFFFFFC0];
	v17 =	vmul.f32 v17, v36;
	v37 =	vperm.xlane v34, v1;
	[tilespmem:s14+$0xFFFFFFB0] =	vst v11  }
0x157: {  	v16 =	vld [tilespmem:s6+$0xFFFFFFD0];
	v22 =	vperm.xlane v34, v2;
	v13 =	vmul.f32 v13, v12;
	[tilespmem:s14+$0xFFFFFF70] =	vst v14;
	v14 =	vadd.f32 v35, v31  }
0x158: {  	v15 =	vmul.f32 v15, v33;
	v5 =	vld [tilespmem:s6+$0xFFFFFF60];
	[tilespmem:s14+$0xFFFFFFE0] =	vst v17;
	v18 =	vmul.f32 v18, v37  }
0x159: {  	v61 =	vadd.f32 v39, v38;
	v17 =	vmul.f32 v19, v22;
	v22 =	vld [tilespmem:s6+$0x80];
	[tilespmem:s14+$0xFFFFFF90] =	vst v13;
	v13 =	vmul.f32 $2.000000030e-01, v14  }
0x15a: {  	v43 =	vperm.xlane v34, v3;
	v40 =	vperm.xlane v6, v3;
	[tilespmem:s14+$0xFFFFFFD0] =	vst v15;
	v6 =	vld [tilespmem:s6+$0xFFFFFF70]  }
0x15b: {  	(erf) = vpow2.f32 v60;
	v11 =	vmul.f32 $2.000000030e-01, v61;
	v7 =	vld [tilespmem:s6+$0xFFFFFF80];
	[tilespmem:s14+$0x0] =	vst v18;
	v13 =	vmax.f32 v14, v13  }
0x15c: {  	v34 =	vperm.xlane v34, v4;
	[tilespmem:s14+$0x10] =	vst v17;
	v17 =	vld [tilespmem:s6+$0x50];
	v15 =	vmul.f32 $1.442695020e+00, v13  }
0x15d: {  	v9 =	vmul.f32 v9, v40;
	v18 =	vmul.f32 v20, v43;
	[tilespmem:s14+$0xFFFFFF60] =	vst v8;
	v8 =	vld [tilespmem:s6+$0xFFFFFF90];
	v13 =	vmax.f32 v61, v11  }
0x15e: {  	v20 =	vmax.f32 v29, v63;
	v12 =	vld [tilespmem:s6+$0xFFFFFFB0];
	v19 =	vmul.f32 $1.442695020e+00, v13;
	(erf) = vpow2.f32 v15  }
0x15f: {  	v26 =	vmul.f32 v23, v26;
	[tilespmem:s14+$0xFFFFFF80] =	vst v9;
	v9 =	vld [tilespmem:s6+$0xFFFFFFE0];
	v20 =	vmul.f32 $1.442695020e+00, v20  }
0x160: {  	v21 =	vmul.f32 v21, v34;
	[tilespmem:s14+$0x20] =	vst v18;
	v18 =	vld [tilespmem:s6+$0x60];
	(erf) = vpow2.f32 v19  }
0x161: {  	v27 =	vmul.f32 v24, v27;
	v14 =	vld [tilespmem:s6+$0x0];
	(erf) = vpow2.f32 v20  }
0x162: {  	[tilespmem:s14+$0x50] =	vst v26;
	v11 =	vld [tilespmem:s6+$0x10]  }
0x163: {  	[tilespmem:s14+$0x60] =	vst v27;
	v13 =	vld [tilespmem:s6+$0x20]  }
0x164: {  	v23 =	vmul.f32 v25, v28;
	[tilespmem:s14+$0x30] =	vst v21;
	v21 =	vpop (erf);
	v15 =	vld [tilespmem:s6+$0x30]  }
0x165: {  	s17 =	simm.s32 $0xE8A0;
	s16 =	simm.s32 $0x4;
	[tilespmem:s14+$0xFFFFFFC0] =	vst v62;
	v24 =	vperm.xlane v21, v4;
	v19 =	vld [tilespmem:s6+$0x70];
	v20 =	vperm.xlane v21, v1  }
.LBB2_9:
0x166: {  	v25 =	vld [tilespmem:s17+$0x10];
	v26 =	vperm.xlane v21, v2;
	v27 =	vperm.xlane v21, v3;
	[tilespmem:s14+$0x70] =	vst v23;
	s14 =	smov.u32 s6;
	s6 =	sadd.s32 $0x140, s6  }
0x167: {  	s16 =	sadd.s32 $0x4, s16;
	v23 =	vld [tilespmem:s6+$0x90];
	[tilespmem:s14+$0x90] =	vst v21;
	v32 =	vmul.f32 v22, v24;
	v22 =	vpop (erf)  }
0x168: {  	p0 =	slt.u32 s16, $0x7C;
	v24 =	vld [tilespmem:s6+$0xFFFFFFA0];
	[tilespmem:s14+$0xFFFFFFF0] =	vst v22;
	v28 =	vperm.xlane v22, v1;
	v29 =	vperm.xlane v22, v2  }
0x169: {  	v31 =	vperm.xlane v22, v3;
	v22 =	vperm.xlane v22, v4;
	v30 =	vld [tilespmem:s17+$0xFFFFFFF0];
	[tilespmem:s14+$0x80] =	vst v32;
	v21 =	vpop (erf)  }
0x16a: {  	v32 =	vld [tilespmem:s6+$0xFFFFFFF0];
	[tilespmem:s14+$0x40] =	vst v21;
	v33 =	vperm.xlane v21, v1;
	v34 =	vperm.xlane v21, v2;
	v35 =	vpop (erf)  }
0x16b: {  	v36 =	vld [tilespmem:s17+$0x0];
	[tilespmem:s14+$0xFFFFFFA0] =	vst v35;
	v37 =	vperm.xlane v35, v1;
	v38 =	vperm.xlane v35, v2  }
0x16c: {  	v39 =	vld [tilespmem:s6+$0x40];
	v23 =	vadd.f32 v23, v25;
	v25 =	vperm.xlane v35, v3;
	v35 =	vperm.xlane v35, v4  }
0x16d: {  	v41 =	vperm.xlane v21, v3;
	v21 =	vperm.xlane v21, v4;
	v40 =	vld [tilespmem:s17+$0xFFFFFFE0]  }
0x16e: {  	v37 =	vmul.f32 v5, v37;
	v42 =	vmul.f32 $2.000000030e-01, v23;
	v5 =	vld [tilespmem:s6+$0xFFFFFF60]  }
0x16f: {  	v25 =	vmul.f32 v7, v25;
	v30 =	vadd.f32 v32, v30;
	v32 =	vmul.f32 v6, v38;
	v6 =	vld [tilespmem:s6+$0xFFFFFF70]  }
0x170: {  	v28 =	vmul.f32 v12, v28;
	v35 =	vmul.f32 v8, v35;
	v7 =	vld [tilespmem:s6+$0xFFFFFF80];
	v23 =	vmax.f32 v23, v42;
	[tilespmem:s14+$0xFFFFFF60] =	vst v37  }
0x171: {  	v8 =	vld [tilespmem:s6+$0xFFFFFF90];
	v37 =	vmul.f32 $2.000000030e-01, v30;
	v36 =	vadd.f32 v39, v36;
	v23 =	vmul.f32 $1.442695020e+00, v23;
	[tilespmem:s14+$0xFFFFFF70] =	vst v32  }
0x172: {  	v24 =	vadd.f32 v24, v40;
	v12 =	vld [tilespmem:s6+$0xFFFFFFB0];
	[tilespmem:s14+$0xFFFFFF80] =	vst v25;
	v25 =	vmul.f32 v10, v29;
	v29 =	vmul.f32 v16, v31  }
0x173: {  	v16 =	vmax.f32 v30, v37;
	v10 =	vld [tilespmem:s6+$0xFFFFFFC0];
	v30 =	vmul.f32 $2.000000030e-01, v36;
	(erf) = vpow2.f32 v23;
	[tilespmem:s14+$0xFFFFFF90] =	vst v35  }
0x174: {  	v23 =	vmul.f32 $2.000000030e-01, v24;
	v31 =	vmul.f32 $1.442695020e+00, v16;
	v16 =	vld [tilespmem:s6+$0xFFFFFFD0];
	[tilespmem:s14+$0xFFFFFFB0] =	vst v28  }
0x175: {  	v22 =	vmul.f32 v9, v22;
	v28 =	vmax.f32 v36, v30;
	[tilespmem:s14+$0xFFFFFFC0] =	vst v25;
	v9 =	vld [tilespmem:s6+$0xFFFFFFE0];
	v25 =	vmul.f32 v14, v33  }
0x176: {  	v23 =	vmax.f32 v24, v23;
	v24 =	vmul.f32 $1.442695020e+00, v28;
	v14 =	vld [tilespmem:s6+$0x0];
	(erf) = vpow2.f32 v31;
	[tilespmem:s14+$0xFFFFFFD0] =	vst v29  }
0x177: {  	v23 =	vmul.f32 $1.442695020e+00, v23;
	[tilespmem:s14+$0xFFFFFFE0] =	vst v22;
	v22 =	vmul.f32 v11, v34;
	v11 =	vld [tilespmem:s6+$0x10]  }
0x178: {  	(erf) = vpow2.f32 v24;
	[tilespmem:s14+$0x0] =	vst v25;
	v24 =	vmul.f32 v13, v41;
	v13 =	vld [tilespmem:s6+$0x20]  }
.Ltmp3:
0x179: {  	v28 =	vmul.f32 v15, v21;
	(erf) = vpow2.f32 v23;
	[tilespmem:s14+$0x10] =	vst v22;
	v15 =	vld [tilespmem:s6+$0x30];
	(pc) =	sbr.rel @p0 .LBB2_9-.Ltmp3, $4  }
0x17a: {  	v20 =	vmul.f32 v17, v20;
	v25 =	vmul.f32 v18, v26;
	v22 =	vld [tilespmem:s6+$0x80];
	[tilespmem:s14+$0x20] =	vst v24  }
0x17b: {  	v23 =	vmul.f32 v19, v27;
	v17 =	vld [tilespmem:s6+$0x50];
	[tilespmem:s14+$0x30] =	vst v28  }
0x17c: {  	v18 =	vld [tilespmem:s6+$0x60];
	v21 =	vpop (erf);
	[tilespmem:s14+$0x50] =	vst v20  }
0x17d: {  	s17 =	sadd.s32 $0x40, s17;
	v20 =	vperm.xlane v21, v1;
	v19 =	vld [tilespmem:s6+$0x70];
	v24 =	vperm.xlane v21, v4;
	[tilespmem:s14+$0x60] =	vst v25  }
0x17e: {  	_ =	sdelay $0x1  }
0x17f: {  	[tilespmem:s14+$0x70] =	vst v23;
	v25 =	vpop (erf)  }
0x180: {  	[tilespmem:s6+$0x90] =	vst v21;
	v22 =	vmul.f32 v22, v24;
	v57 =	vpop (erf)  }
0x181: {  	[tilespmem:s6+$0xFFFFFFF0] =	vst v25;
	v60 =	vperm.xlane v25, v1;
	v58 =	vpop (erf)  }
0x182: {  	[tilespmem:s6+$0x80] =	vst v22;
	v26 =	vperm.xlane v58, v1  }
0x183: {  	[tilespmem:s6+$0x40] =	vst v57;
	v12 =	vmul.f32 v12, v60;
	v59 =	vperm.xlane v58, v2  }
0x184: {  	[tilespmem:s6+$0xFFFFFFA0] =	vst v58;
	v24 =	vperm.xlane v58, v4;
	v5 =	vmul.f32 v5, v26  }
0x185: {  	v27 =	vperm.xlane v58, v3;
	[tilespmem:s6+$0xFFFFFFB0] =	vst v12;
	v6 =	vmul.f32 v6, v59  }
0x186: {  	v61 =	vperm.xlane v57, v1;
	v8 =	vmul.f32 v8, v24;
	[tilespmem:s6+$0xFFFFFF60] =	vst v5  }
0x187: {  	v7 =	vmul.f32 v7, v27;
	v5 =	vperm.xlane v25, v2;
	[tilespmem:s6+$0xFFFFFF70] =	vst v6  }
0x188: {  	v6 =	vperm.xlane v25, v3;
	[tilespmem:s6+$0xFFFFFF90] =	vst v8;
	v8 =	vmul.f32 v14, v61  }
0x189: {  	[tilespmem:s6+$0xFFFFFF80] =	vst v7;
	v7 =	vperm.xlane v25, v4;
	v5 =	vmul.f32 v10, v5  }
0x18a: {  	v63 =	vperm.xlane v21, v2;
	v6 =	vmul.f32 v16, v6;
	[tilespmem:s6+$0x0] =	vst v8  }
0x18b: {  	v62 =	vperm.xlane v57, v2;
	[tilespmem:s6+$0xFFFFFFC0] =	vst v5;
	v5 =	vmul.f32 v9, v7  }
0x18c: {  	v8 =	vmul.f32 v18, v63;
	v7 =	vperm.xlane v57, v3;
	[tilespmem:s6+$0xFFFFFFD0] =	vst v6  }
0x18d: {  	v6 =	vperm.xlane v57, v4;
	[tilespmem:s6+$0xFFFFFFE0] =	vst v5;
	v5 =	vmul.f32 v11, v62  }
0x18e: {  	s23 =	sadd.s32 $0x1, s23;
	[tilespmem:s6+$0x60] =	vst v8;
	v7 =	vmul.f32 v13, v7  }
0x18f: {  	p0 =	sne.s32 s23, s13;
	[tilespmem:s6+$0x10] =	vst v5;
	v5 =	vmul.f32 v15, v6;
	v6 =	vperm.xlane v21, v3  }
.Ltmp4:
0x190: {  	[tilespmem:s6+$0x20] =	vst v7;
	v7 =	vmul.f32 v17, v20;
	(pc) =	sbr.rel @p0 .LBB2_4-.Ltmp4, $4  }
0x191: {  	s18 =	sshll.u32 s15, $0xA;
	[tilespmem:s6+$0x30] =	vst v5;
	v5 =	vmul.f32 v19, v6  }
0x192: {  	s14 =	sshra.s32 s18, $0x2;
	[tilespmem:s6+$0x50] =	vst v7  }
0x193: {  	s19 =	sor.u32 $0x80, s14;
	[tilespmem:s6+$0x70] =	vst v5  }
0x194: {  	[spmem:s3] =	stream.indirect.scatter.add.f32 [tilespmem:s29], [sflag:$0x6], $0x50, s19, s22, $0xb8;
	[tilespmem:$0x1B800] =	vst v63  }
0x195: {  	_ =	swait.ge [sflag:s30], $0x2800  }
0x196: {  	[sflag:s30] =	ssyncset.done $0x0  }
0x197: {  	[sflag:s30] =	ssyncadd.s32 $0xFFFFD800  }
0x198: {  	_ =	swait.ge [sflag:s31], $0x2800  }
0x199: {  	[sflag:s31] =	ssyncset.done $0x0  }
0x19a: {  	[sflag:s31] =	ssyncadd.s32 $0xFFFFD800  }
0x19b: {  	_ =	swait.ge [sflag:s0], $0x2800  }
0x19c: {  	[sflag:s0] =	ssyncset.done $0x0  }
0x19d: {  	[sflag:s0] =	ssyncadd.s32 $0xFFFFD800  }
0x19e: {  	[bflag:$0x0] =	sbarrier.arrive $0xFFFF  }
0x19f: {  	[tilespmem:s21], [sflag:$0x7] =	stream.linear.gather [spmem:s7], $0x2800, $0x38;
	[tilespmem:$0x1B800] =	vst v63  }
0x1a0: {  	_ =	swait.ge [sflag:s20], $0x2800  }
0x1a1: {  	[sflag:s20] =	ssyncset.done $0x0  }
0x1a2: {  	s6 =	rddreg [dreg:$0x5];
	[sflag:s20] =	ssyncadd.s32 $0xFFFFD800  }
0x1a3: {  	[hbm4b:s6+s4] =	stream.linear.scatter [tilespmem:s21], [sflag:$0x7], $0x2800, $0x38;
	[tilespmem:$0x1B800] =	vst v63  }
0x1a4: {  	_ =	swait.ge [sflag:s20], $0x2800  }
0x1a5: {  	[sflag:s20] =	ssyncset.done $0x0  }
0x1a6: {  	[sflag:s20] =	ssyncadd.s32 $0xFFFFD800  }
0x1a7: {  	[tilespmem:s21], [sflag:$0x7] =	stream.linear.gather [spmem:s8], $0x2800, $0x38;
	[tilespmem:$0x1B800] =	vst v63  }
0x1a8: {  	_ =	swait.ge [sflag:s20], $0x2800  }
0x1a9: {  	[sflag:s20] =	ssyncset.done $0x0  }
0x1aa: {  	s16 =	rddreg [dreg:$0x6];
	[sflag:s20] =	ssyncadd.s32 $0xFFFFD800  }
0x1ab: {  	[hbm4b:s16+s4] =	stream.linear.scatter [tilespmem:s21], [sflag:$0x7], $0x2800, $0x38;
	[tilespmem:$0x1B800] =	vst v63  }
0x1ac: {  	_ =	swait.ge [sflag:s20], $0x2800  }
0x1ad: {  	[sflag:s20] =	ssyncset.done $0x0  }
0x1ae: {  	[sflag:s20] =	ssyncadd.s32 $0xFFFFD800  }
0x1af: {  	[tilespmem:s21], [sflag:$0x7] =	stream.linear.gather [spmem:s10], $0x2800, $0x38;
	[tilespmem:$0x1B800] =	vst v63  }
0x1b0: {  	_ =	swait.ge [sflag:s20], $0x2800  }
0x1b1: {  	[sflag:s20] =	ssyncset.done $0x0  }
0x1b2: {  	s17 =	rddreg [dreg:$0x7];
	[sflag:s20] =	ssyncadd.s32 $0xFFFFD800  }
0x1b3: {  	[hbm4b:s17+s4] =	stream.linear.scatter [tilespmem:s21], [sflag:$0x7], $0x2800, $0x38;
	[tilespmem:$0x1B800] =	vst v63  }
0x1b4: {  	_ =	swait.ge [sflag:s20], $0x2800  }
0x1b5: {  	[sflag:s20] =	ssyncset.done $0x0  }
0x1b6: {  	[sflag:s20] =	ssyncadd.s32 $0xFFFFD800  }
0x1b7: {  	[tilespmem:s21], [sflag:$0x7] =	stream.linear.gather [spmem:s11], $0x2800, $0x38;
	[tilespmem:$0x1B800] =	vst v63  }
0x1b8: {  	_ =	swait.ge [sflag:s20], $0x2800  }
0x1b9: {  	[sflag:s20] =	ssyncset.done $0x0  }
0x1ba: {  	s18 =	rddreg [dreg:$0x8];
	[sflag:s20] =	ssyncadd.s32 $0xFFFFD800  }
0x1bb: {  	[hbm4b:s18+s4] =	stream.linear.scatter [tilespmem:s21], [sflag:$0x7], $0x2800, $0x38;
	[tilespmem:$0x1B800] =	vst v63  }
0x1bc: {  	_ =	swait.ge [sflag:s20], $0x2800  }
0x1bd: {  	[sflag:s20] =	ssyncset.done $0x0  }
0x1be: {  	[sflag:s20] =	ssyncadd.s32 $0xFFFFD800  }
0x1bf: {  	[tilespmem:s21], [sflag:$0x7] =	stream.linear.gather [spmem:s12], $0x2800, $0x38;
	[tilespmem:$0x1B800] =	vst v63  }
0x1c0: {  	_ =	swait.ge [sflag:s20], $0x2800  }
0x1c1: {  	[sflag:s20] =	ssyncset.done $0x0  }
0x1c2: {  	s19 =	rddreg [dreg:$0x9];
	[sflag:s20] =	ssyncadd.s32 $0xFFFFD800  }
0x1c3: {  	[hbm4b:s19+s4] =	stream.linear.scatter [tilespmem:s21], [sflag:$0x7], $0x2800, $0x38;
	[tilespmem:$0x1B800] =	vst v63  }
0x1c4: {  	_ =	swait.ge [sflag:s20], $0x2800  }
0x1c5: {  	s1 =	sadd.s32 $0x1, s1;
	s23 =	rddreg [dreg:$0xa]  }
0x1c6: {  	p0 =	sne.s32 s1, s23  }
.Ltmp5:
0x1c7: {  	_ = 	snop;
	(pc) =	sbr.rel @p0 .LBB2_1-.Ltmp5, $3  }
0x1c8: {  	_ =	sdelay $0x1  }
0x1c9: {  	[sflag:s20] =	ssyncset.done $0x0  }
0x1ca: {  	[sflag:s20] =	ssyncadd.s32 $0xFFFFD800  }
0x1cb: {  	_ =	sfence.sel $0x180000  }
0x1cc: {  	[bflag:$0x0] =	sbarrier.arrive $0xFFFF  }
0x1cd: {  	_ =	strace $0x90000047  }
0x1ce: {  	s0 =	stileid.u32;
	[bflag:$0x2] =	sbarrier.arrive $0xFFFF  }
0x1cf: {  	p0 =	sne.s32 s0, $0x0;
	s0 =	rddreg [dreg:$0x3]  }
0x1d0: {  	s0 =	sadd.s32 @!p0 $0x100000, s0  }
0x1d1: {  	[sflag:s0] =	ssyncadd.tile.s32 @!p0 $0x1;
	_ =	shalt  }
.Lfunc_end2:
_tile_overlayer_lowered:
.L_overlay_start_2:
0x1d2: {  	(tag) =	ssettag $0x2  }
0x1d3: {  	s0 =	rddreg [dreg:$0x0];
	s2 =	stileid.u32  }
0x1d4: {  	s1 =	rddreg [dreg:$0x1];
	p0 =	sne.s32 s2, $0x0  }
0x1d5: {  	s3 =	rddreg [dreg:$0x2];
	[bflag:$0x3] =	sbarrier.arrive $0xFFFF;
	s2 =	simm.s32 @!p0 $0x1C07  }
0x1d6: {  	[timem:s3], [sflag:s2] =	dma.local @!p0 [hbm:s0], s1  }
0x1d7: {  	s0 =	simm.s32 @!p0 $0x7  }
0x1d8: {  	_ =	swait.ge @!p0 [sflag:s0], s1  }
0x1d9: {  	s1 =	ssub.s32 @!p0 $0x0, s1;
	[sflag:s0] =	ssyncset.done @!p0 $0x0  }
0x1da: {  	[sflag:s0] =	ssyncadd.s32 @!p0 s1  }
0x1db: {  	[bflag:$0x3] =	sbarrier.arrive $0xFFFF  }
0x1dc: {  	_ =	shalt  }

</sc_bundles>
